<compile_context>
chip_gen: v7x
topology: tpu7x:2x2x1
jax: 0.10.2.dev20260603
libtpu: 0.0.44.dev20260713+nightly
codegen_flags: <defaults>
</compile_context>

<pallas_src>
import functools

import jax
import jax.numpy as jnp
from jax import lax
from jax.experimental import pallas as pl
from jax.experimental.pallas import tpu as pltpu
from jax.experimental.pallas import tpu_sc as plsc

N = 16384
Q = 1024
NSUB = 16
CHUNK = N // NSUB
VECS = CHUNK // 16
STRIPE = CHUNK // 16
QPW = Q // NSUB
NBLK = Q // QPW
ABLK = 3 * QPW
CBLK = 4 * QPW
SMOOTH = 0.1
LN2 = 0.6931471805599453


def _vlog(x):
    xi = lax.bitcast_convert_type(x, jnp.int32)
    e = lax.shift_right_arithmetic(xi, 23) - 127
    m = lax.bitcast_convert_type(
        (xi & 0x007FFFFF) | 0x3F800000, jnp.float32)
    big = m >= 1.4142135623730951
    m = jnp.where(big, m * 0.5, m)
    e = jnp.where(big, e + 1, e)
    f = m - 1.0
    s = f / (2.0 + f)
    w = s * s
    p = w * (0.6666666666666735 + w * (0.3999999999940942
         + w * (0.2857142874366239 + w * 0.22222198432149784)))
    return e.astype(jnp.float32) * LN2 + (2.0 * s + s * p)


def _body(scores_h, labels_h, ids_h, out_h,
          ids_buf, sc_buf, lb_buf,
          tab, btab, dv, ctab,
          part, allpart, outv, sem,
          sh_tabs, sh_comb, sh_part):
    cid = lax.axis_index("c")
    ws = lax.axis_index("s")
    active = cid == 0
    base = ws * CHUNK
    lane = lax.iota(jnp.int32, 16)
    zeros = jnp.zeros((16,), jnp.float32)

    def phase_a():
        c1 = pltpu.async_copy(ids_h.at[pl.ds(base, CHUNK)], ids_buf, sem)
        c2 = pltpu.async_copy(scores_h.at[pl.ds(base, CHUNK)], sc_buf, sem)
        c3 = pltpu.async_copy(labels_h.at[pl.ds(base, CHUNK)], lb_buf, sem)

        def zero_tab(z, _):
            tab[pl.ds(z * 16, 16)] = zeros
            return 0
        lax.fori_loop(0, NBLK * ABLK // 16, zero_tab, 0)
        c1.wait()
        c2.wait()
        c3.wait()

        def step(i, carry):
            prev, ste, sse, cnt = carry
            idxv = lane * STRIPE + i
            idv = plsc.load_gather(ids_buf, [idxv])
            tev = jnp.exp(plsc.load_gather(lb_buf, [idxv]))
            sev = jnp.exp(plsc.load_gather(sc_buf, [idxv]))
            changed = idv != prev
            fl = changed & (prev >= 0.0)
            pidx = jnp.maximum(prev, 0.0).astype(jnp.int32)
            poff = pidx + lax.shift_left(
                lax.shift_right_logical(pidx, 6), 7)
            plsc.addupdate_scatter(tab, [poff], cnt, mask=fl)
            plsc.addupdate_scatter(tab, [poff + QPW], ste, mask=fl)
            plsc.addupdate_scatter(tab, [poff + 2 * QPW], sse, mask=fl)
            ste = jnp.where(changed, tev, ste + tev)
            sse = jnp.where(changed, sev, sse + sev)
            cnt = jnp.where(changed, 1.0, cnt + 1.0)
            return idv, ste, sse, cnt

        prev, ste, sse, cnt = lax.fori_loop(
            0, STRIPE, step,
            (jnp.full((16,), -1.0, jnp.float32), zeros, zeros, zeros))
        pidx = prev.astype(jnp.int32)
        poff = pidx + lax.shift_left(lax.shift_right_logical(pidx, 6), 7)
        for t in range(16):
            m = lane == t
            plsc.addupdate_scatter(tab, [poff], cnt, mask=m)
            plsc.addupdate_scatter(tab, [poff + QPW], ste, mask=m)
            plsc.addupdate_scatter(tab, [poff + 2 * QPW], sse, mask=m)

        pltpu.sync_copy(tab, sh_tabs.at[pl.ds(ws * NBLK * ABLK, NBLK * ABLK)])

    pl.when(active)(phase_a)
    plsc.subcore_barrier()

    def phase_b():
        for t in range(NSUB):
            pltpu.sync_copy(
                sh_tabs.at[pl.ds(t * NBLK * ABLK + ws * ABLK, ABLK)],
                btab.at[pl.ds(t * ABLK, ABLK)])
        nv = zeros
        for j in range(QPW // 16):
            o = j * 16
            cnt = zeros
            tden = zeros
            sden = zeros
            for t in range(NSUB):
                cnt = cnt + btab[pl.ds(t * ABLK + o, 16)]
                tden = tden + btab[pl.ds(t * ABLK + QPW + o, 16)]
                sden = sden + btab[pl.ds(t * ABLK + 2 * QPW + o, 16)]
            validf = jnp.where(cnt >= 2.0, 1.0, 0.0)
            nv = nv + validf
            dv[pl.ds(o, 16)] = (1.0 - SMOOTH) / tden
            dv[pl.ds(QPW + o, 16)] = SMOOTH / jnp.maximum(cnt, 1.0)
            dv[pl.ds(2 * QPW + o, 16)] = _vlog(sden)
            dv[pl.ds(3 * QPW + o, 16)] = validf
        part[pl.ds(16, 16)] = nv
        pltpu.sync_copy(dv, sh_comb.at[pl.ds(ws * CBLK, CBLK)])

    pl.when(active)(phase_b)
    plsc.subcore_barrier()

    def phase_c():
        b0 = ids_buf[pl.ds(0, 16)][0].astype(jnp.int32) // QPW
        b1 = ids_buf[pl.ds(CHUNK - 16, 16)][15].astype(jnp.int32) // QPW
        for b in range(NBLK):
            def get_blk(b=b):
                pltpu.sync_copy(sh_comb.at[pl.ds(b * CBLK, CBLK)],
                                ctab.at[pl.ds((b - b0) * CBLK, CBLK)])
            pl.when((b0 <= b) & (b <= b1))(get_blk)

        shift = b0 * CBLK

        def vec(v, acc):
            o = v * 16
            idv = ids_buf[pl.ds(o, 16)].astype(jnp.int32)
            tev = jnp.exp(lb_buf[pl.ds(o, 16)])
            scv = sc_buf[pl.ds(o, 16)]
            coff = idv + lax.shift_right_logical(idv, 6) * 192 - shift
            r_g = plsc.load_gather(ctab, [coff])
            s_g = plsc.load_gather(ctab, [coff + QPW])
            l_g = plsc.load_gather(ctab, [coff + 2 * QPW])
            v_g = plsc.load_gather(ctab, [coff + 3 * QPW])
            target = r_g * tev + s_g
            kl = target * (_vlog(target) - scv + l_g)
            return acc + kl * v_g
        acc = lax.fori_loop(0, VECS, vec, zeros)
        part[pl.ds(0, 16)] = acc
        pltpu.sync_copy(part, sh_part.at[pl.ds(ws * 32, 32)])

    pl.when(active)(phase_c)
    plsc.subcore_barrier()

    def final():
        pltpu.sync_copy(sh_part, allpart)
        tot = zeros
        nvv = zeros
        for t in range(NSUB):
            tot = tot + allpart[pl.ds(t * 32, 16)]
            nvv = nvv + allpart[pl.ds(t * 32 + 16, 16)]
        part[pl.ds(0, 16)] = tot
        part[pl.ds(16, 16)] = nvv
        tsum = zeros
        nsum = zeros
        for t in range(16):
            ix = jnp.full((16,), t, jnp.int32)
            tsum = tsum + plsc.load_gather(part, [ix])
            nsum = nsum + plsc.load_gather(part, [ix + 16])
        outv[...] = tsum / jnp.maximum(nsum, 1.0)
        pltpu.sync_copy(outv, out_h)

    pl.when(active & (ws == 0))(final)


_mesh = plsc.VectorSubcoreMesh(core_axis_name="c", subcore_axis_name="s")

_sc_call = functools.partial(
    pl.kernel,
    out_type=jax.ShapeDtypeStruct((16,), jnp.float32),
    mesh=_mesh,
    compiler_params=pltpu.CompilerParams(needs_layout_passes=False),
    scratch_types=[
        pltpu.VMEM((CHUNK,), jnp.float32),
        pltpu.VMEM((CHUNK,), jnp.float32),
        pltpu.VMEM((CHUNK,), jnp.float32),
        pltpu.VMEM((NBLK * ABLK,), jnp.float32),
        pltpu.VMEM((NSUB * ABLK,), jnp.float32),
        pltpu.VMEM((CBLK,), jnp.float32),
        pltpu.VMEM((NBLK * CBLK,), jnp.float32),
        pltpu.VMEM((32,), jnp.float32),
        pltpu.VMEM((NSUB * 32,), jnp.float32),
        pltpu.VMEM((16,), jnp.float32),
        pltpu.SemaphoreType.DMA,
        pltpu.VMEM_SHARED((NSUB * NBLK * ABLK,), jnp.float32),
        pltpu.VMEM_SHARED((NSUB * CBLK,), jnp.float32),
        pltpu.VMEM_SHARED((NSUB * 32,), jnp.float32),
    ],
)(_body)


def kernel(scores, labels, query_ids):
    out = _sc_call(scores, labels, query_ids.astype(jnp.float32))
    return out[0]

# --- scband reference (transcript-rebuilt; emitter-appended) ---
"""Pipeline reference for scband-listwise-softmax-loss-88476326298378 (READ-ONLY COPY).

The authoritative reference and input builder live on the scoring server;
editing this copy changes nothing except your own understanding.
"""

import jax, jax.numpy as jnp
import numpy as np

NUM_QUERIES = 1024
N = 16384
TEMPERATURE = 1.0
LABEL_SMOOTHING = 0.1


def setup_inputs(seed: int = 0) -> dict:
    key = jax.random.key(seed)
    k1, k2, k3 = jax.random.split(key, 3)
    scores = jax.random.normal(k1, (N,), dtype=jnp.float32)
    labels = jax.random.uniform(k2, (N,), dtype=jnp.float32)
    query_ids = jnp.sort(jax.random.randint(k3, (N,), 0, NUM_QUERIES))
    return {"scores": scores, "labels": labels, "query_ids": query_ids}


def reference(scores, labels, query_ids):
    ids = query_ids
    ns = NUM_QUERIES
    counts = jnp.bincount(ids, length=ns)
    # target_dist = softmax(labels / T) within each query segment
    t = labels / TEMPERATURE
    tmax = jax.ops.segment_max(t, ids, num_segments=ns)
    te = jnp.exp(t - tmax[ids])
    tden = jax.ops.segment_sum(te, ids, num_segments=ns)
    target = te / tden[ids]
    # label smoothing with per-query list length n
    n_per = counts[ids].astype(jnp.float32)
    target = (1.0 - LABEL_SMOOTHING) * target + LABEL_SMOOTHING / n_per
    # log_softmax(scores) within each query segment
    smax = jax.ops.segment_max(scores, ids, num_segments=ns)
    se = jnp.exp(scores - smax[ids])
    sden = jax.ops.segment_sum(se, ids, num_segments=ns)
    log_pred = scores - smax[ids] - jnp.log(sden)[ids]
    # KLDiv(log_pred, target, reduction='sum') per query = sum target*(log target - log_pred)
    kl = target * (jnp.log(target) - log_pred)
    seg_loss = jax.ops.segment_sum(kl, ids, num_segments=ns)
    # queries with fewer than 2 docs are skipped
    valid = counts >= 2
    total = jnp.sum(jnp.where(valid, seg_loss, 0.0))
    n_valid = jnp.sum(valid.astype(jnp.int32))
    return total / jnp.maximum(n_valid, 1).astype(jnp.float32)

if __name__ == "__main__":
    import jax
    _d = setup_inputs()
    print(jax.jit(kernel)(*tuple(_d.values())))

</pallas_src>

<mosaic_0001>
#map = affine_map<(d0, d1) -> (0)>
module attributes {stable_mosaic.version = 14 : i64} {
  func.func @_body(%arg0: i32, %arg1: i32, %arg2: memref<16384xf32, #tpu.memory_space<hbm>>, %arg3: memref<16384xf32, #tpu.memory_space<hbm>>, %arg4: memref<16384xf32, #tpu.memory_space<hbm>>, %arg5: memref<16xf32, #tpu.memory_space<hbm>>, %arg6: memref<1024xf32, #tpu.memory_space<vmem>>, %arg7: memref<1024xf32, #tpu.memory_space<vmem>>, %arg8: memref<1024xf32, #tpu.memory_space<vmem>>, %arg9: memref<3072xf32, #tpu.memory_space<vmem>>, %arg10: memref<3072xf32, #tpu.memory_space<vmem>>, %arg11: memref<256xf32, #tpu.memory_space<vmem>>, %arg12: memref<4096xf32, #tpu.memory_space<vmem>>, %arg13: memref<32xf32, #tpu.memory_space<vmem>>, %arg14: memref<512xf32, #tpu.memory_space<vmem>>, %arg15: memref<16xf32, #tpu.memory_space<vmem>>, %arg16: memref<!tpu.dma_semaphore, #tpu.memory_space<semaphore_mem>>, %arg17: memref<49152xf32, #tpu.memory_space<vmem_shared>>, %arg18: memref<4096xf32, #tpu.memory_space<vmem_shared>>, %arg19: memref<512xf32, #tpu.memory_space<vmem_shared>>) attributes {dimension_semantics = [#tpu.dimension_semantics<core_parallel>, #tpu.dimension_semantics<subcore_parallel>], iteration_bounds = array<i64: 2, 16>, scalar_prefetch = 0 : i64, scratch_operands = 14 : i64, tpu.core_type = #tpu.core_type<sc_vector_subcore>, window_params = [{transform_indices = #map}, {transform_indices = #map}, {transform_indices = #map}, {transform_indices = #map}]} {
    %eq3A = arith.constant 0 : i32
    %eq3A_0 = arith.cmpi eq, %arg0, %eq3A : i32
    %mul3A = arith.constant 1024 : i32
    %mul3A_1 = arith.muli %arg1, %mul3A : i32
    %iota3A = tpu.iota {dimensions = array<i32: 0>} : vector<16xi32>
    %broadcast_in_dim3A = arith.constant 0.000000e+00 : f32
    %broadcast_in_dim3A_2 = vector.broadcast %broadcast_in_dim3A : f32 to vector<16xf32>
    %convert_element_type3A = arith.extui %eq3A_0 : i1 to i32
    %cond3A = arith.constant 0 : i32
    %cond3A_3 = arith.cmpi ne, %convert_element_type3A, %cond3A : i32
    scf.if %cond3A_3 {
      %dma_start3A = tpu.memref_slice %arg4[%mul3A_1] : memref<16384xf32, #tpu.memory_space<hbm>> -> memref<1024xf32, #tpu.memory_space<hbm>>
      %dma_start3A_17 = tpu.memref_slice %arg4[%mul3A_1] : memref<16384xf32, #tpu.memory_space<hbm>> -> memref<1024xf32, #tpu.memory_space<hbm>>
      tpu.enqueue_dma source(%dma_start3A_17 : memref<1024xf32, #tpu.memory_space<hbm>>) target(%arg6 : memref<1024xf32, #tpu.memory_space<vmem>>) target_semaphore(%arg16 : memref<!tpu.dma_semaphore, #tpu.memory_space<semaphore_mem>>)
      %dma_start3A_18 = tpu.memref_slice %arg2[%mul3A_1] : memref<16384xf32, #tpu.memory_space<hbm>> -> memref<1024xf32, #tpu.memory_space<hbm>>
      %dma_start3A_19 = tpu.memref_slice %arg2[%mul3A_1] : memref<16384xf32, #tpu.memory_space<hbm>> -> memref<1024xf32, #tpu.memory_space<hbm>>
      tpu.enqueue_dma source(%dma_start3A_19 : memref<1024xf32, #tpu.memory_space<hbm>>) target(%arg7 : memref<1024xf32, #tpu.memory_space<vmem>>) target_semaphore(%arg16 : memref<!tpu.dma_semaphore, #tpu.memory_space<semaphore_mem>>)
      %dma_start3A_20 = tpu.memref_slice %arg3[%mul3A_1] : memref<16384xf32, #tpu.memory_space<hbm>> -> memref<1024xf32, #tpu.memory_space<hbm>>
      %dma_start3A_21 = tpu.memref_slice %arg3[%mul3A_1] : memref<16384xf32, #tpu.memory_space<hbm>> -> memref<1024xf32, #tpu.memory_space<hbm>>
      tpu.enqueue_dma source(%dma_start3A_21 : memref<1024xf32, #tpu.memory_space<hbm>>) target(%arg8 : memref<1024xf32, #tpu.memory_space<vmem>>) target_semaphore(%arg16 : memref<!tpu.dma_semaphore, #tpu.memory_space<semaphore_mem>>)
      %scan3A = arith.constant 0 : i32
      %scan3A_22 = arith.constant 0 : i32
      %scan3A_23 = arith.constant 192 : i32
      %scan3A_24 = arith.addi %scan3A_22, %scan3A_23 : i32
      %scan3A_25 = arith.constant 1 : i32
      %scan3A_26 = scf.for %scan3A_194 = %scan3A_22 to %scan3A_24 step %scan3A_25 iter_args(%scan3A_195 = %scan3A) -> (i32)  : i32 {
        %mul3A_196 = arith.constant 16 : i32
        %mul3A_197 = arith.muli %scan3A_194, %mul3A_196 : i32
        %swap3A = arith.index_cast %mul3A_197 : i32 to index
        %swap3A_198 = tpu.vector_load %arg9[%swap3A] {strides = array<i32>} : memref<3072xf32, #tpu.memory_space<vmem>>, vector<16xf32>,
        tpu.vector_store %arg9[%swap3A], %broadcast_in_dim3A_2 {strides = array<i32>} : memref<3072xf32, #tpu.memory_space<vmem>>, vector<16xf32>,
        %scan3A_199 = arith.constant 0 : i32
        scf.yield %scan3A_199 : i32
      }
      %scan3A_27 = arith.constant 192 : i32
      %dma_wait3A = tpu.memref_slice %arg4[%mul3A_1] : memref<16384xf32, #tpu.memory_space<hbm>> -> memref<1024xf32, #tpu.memory_space<hbm>>
      %dma_wait3A_28 = tpu.memref_slice %arg4[%mul3A_1] : memref<16384xf32, #tpu.memory_space<hbm>> -> memref<1024xf32, #tpu.memory_space<hbm>>
      tpu.wait_dma2 semaphore(%arg16 : memref<!tpu.dma_semaphore, #tpu.memory_space<semaphore_mem>>) src(%dma_wait3A_28 : memref<1024xf32, #tpu.memory_space<hbm>>) dst(%arg6 : memref<1024xf32, #tpu.memory_space<vmem>>)
      %dma_wait3A_29 = tpu.memref_slice %arg2[%mul3A_1] : memref<16384xf32, #tpu.memory_space<hbm>> -> memref<1024xf32, #tpu.memory_space<hbm>>
      %dma_wait3A_30 = tpu.memref_slice %arg2[%mul3A_1] : memref<16384xf32, #tpu.memory_space<hbm>> -> memref<1024xf32, #tpu.memory_space<hbm>>
      tpu.wait_dma2 semaphore(%arg16 : memref<!tpu.dma_semaphore, #tpu.memory_space<semaphore_mem>>) src(%dma_wait3A_30 : memref<1024xf32, #tpu.memory_space<hbm>>) dst(%arg7 : memref<1024xf32, #tpu.memory_space<vmem>>)
      %dma_wait3A_31 = tpu.memref_slice %arg3[%mul3A_1] : memref<16384xf32, #tpu.memory_space<hbm>> -> memref<1024xf32, #tpu.memory_space<hbm>>
      %dma_wait3A_32 = tpu.memref_slice %arg3[%mul3A_1] : memref<16384xf32, #tpu.memory_space<hbm>> -> memref<1024xf32, #tpu.memory_space<hbm>>
      tpu.wait_dma2 semaphore(%arg16 : memref<!tpu.dma_semaphore, #tpu.memory_space<semaphore_mem>>) src(%dma_wait3A_32 : memref<1024xf32, #tpu.memory_space<hbm>>) dst(%arg8 : memref<1024xf32, #tpu.memory_space<vmem>>)
      %broadcast_in_dim3A_33 = arith.constant -1.000000e+00 : f32
      %broadcast_in_dim3A_34 = vector.broadcast %broadcast_in_dim3A_33 : f32 to vector<16xf32>
      %scan3A_35 = arith.constant 0 : i32
      %scan3A_36 = arith.constant 64 : i32
      %scan3A_37 = arith.addi %scan3A_35, %scan3A_36 : i32
      %scan3A_38 = arith.constant 1 : i32
      %scan3A_39:4 = scf.for %scan3A_194 = %scan3A_35 to %scan3A_37 step %scan3A_38 iter_args(%scan3A_195 = %broadcast_in_dim3A_34, %scan3A_196 = %broadcast_in_dim3A_2, %scan3A_197 = %broadcast_in_dim3A_2, %scan3A_198 = %broadcast_in_dim3A_2) -> (vector<16xf32>, vector<16xf32>, vector<16xf32>, vector<16xf32>)  : i32 {
        %mul3A_199 = arith.constant 64 : i32
        %mul3A_200 = vector.broadcast %mul3A_199 : i32 to vector<16xi32>
        %mul3A_201 = arith.muli %iota3A, %mul3A_200 : vector<16xi32>
        %add3A_202 = vector.broadcast %scan3A_194 : i32 to vector<16xi32>
        %add3A_203 = arith.addi %mul3A_201, %add3A_202 : vector<16xi32>
        %gather3A = tpu.vector_load_idx %arg6[%add3A_203] : memref<1024xf32, #tpu.memory_space<vmem>>[vector<16xi32>], vector<16xf32>,
        %gather3A_204 = tpu.vector_load_idx %arg8[%add3A_203] : memref<1024xf32, #tpu.memory_space<vmem>>[vector<16xi32>], vector<16xf32>,
        %exp3A = math.exp %gather3A_204 : vector<16xf32>
        %gather3A_205 = tpu.vector_load_idx %arg7[%add3A_203] : memref<1024xf32, #tpu.memory_space<vmem>>[vector<16xi32>], vector<16xf32>,
        %exp3A_206 = math.exp %gather3A_205 : vector<16xf32>
        %ne3A = arith.cmpf one, %gather3A, %scan3A_195 : vector<16xf32>
        %ge3A = arith.constant 0.000000e+00 : f32
        %ge3A_207 = vector.broadcast %ge3A : f32 to vector<16xf32>
        %ge3A_208 = arith.cmpf oge, %scan3A_195, %ge3A_207 : vector<16xf32>
        %and3A_209 = arith.andi %ne3A, %ge3A_208 : vector<16xi1>
        %max3A = arith.constant 0.000000e+00 : f32
        %max3A_210 = vector.broadcast %max3A : f32 to vector<16xf32>
        %max3A_211 = arith.maximumf %scan3A_195, %max3A_210 : vector<16xf32>
        %convert_element_type3A_212 = arith.fptosi %max3A_211 : vector<16xf32> to vector<16xi32>
        %shift_right_logical3A_213 = arith.constant 6 : i32
        %shift_right_logical3A_214 = vector.broadcast %shift_right_logical3A_213 : i32 to vector<16xi32>
        %shift_right_logical3A_215 = arith.shrui %convert_element_type3A_212, %shift_right_logical3A_214 : vector<16xi32>
        %shift_left3A_216 = arith.constant 7 : i32
        %shift_left3A_217 = vector.broadcast %shift_left3A_216 : i32 to vector<16xi32>
        %shift_left3A_218 = arith.shli %shift_right_logical3A_215, %shift_left3A_217 : vector<16xi32>
        %add3A_219 = arith.addi %convert_element_type3A_212, %shift_left3A_218 : vector<16xi32>
        tpu.vector_store_idx %arg9[%add3A_219], %scan3A_198 masked %and3A_209 {add = true} : memref<3072xf32, #tpu.memory_space<vmem>>[vector<16xi32>], vector<16xf32>, vector<16xi1>
        %add3A_220 = arith.constant 64 : i32
        %add3A_221 = vector.broadcast %add3A_220 : i32 to vector<16xi32>
        %add3A_222 = arith.addi %add3A_219, %add3A_221 : vector<16xi32>
        tpu.vector_store_idx %arg9[%add3A_222], %scan3A_196 masked %and3A_209 {add = true} : memref<3072xf32, #tpu.memory_space<vmem>>[vector<16xi32>], vector<16xf32>, vector<16xi1>
        %add3A_223 = arith.constant 128 : i32
        %add3A_224 = vector.broadcast %add3A_223 : i32 to vector<16xi32>
        %add3A_225 = arith.addi %add3A_219, %add3A_224 : vector<16xi32>
        tpu.vector_store_idx %arg9[%add3A_225], %scan3A_197 masked %and3A_209 {add = true} : memref<3072xf32, #tpu.memory_space<vmem>>[vector<16xi32>], vector<16xf32>, vector<16xi1>
        %add3A_226 = arith.addf %scan3A_196, %exp3A : vector<16xf32>
        %select_n3A = arith.select %ne3A, %exp3A, %add3A_226 : vector<16xi1>, vector<16xf32>
        %add3A_227 = arith.addf %scan3A_197, %exp3A_206 : vector<16xf32>
        %select_n3A_228 = arith.select %ne3A, %exp3A_206, %add3A_227 : vector<16xi1>, vector<16xf32>
        %add3A_229 = arith.constant 1.000000e+00 : f32
        %add3A_230 = vector.broadcast %add3A_229 : f32 to vector<16xf32>
        %add3A_231 = arith.addf %scan3A_198, %add3A_230 : vector<16xf32>
        %jit3A = arith.constant 1.000000e+00 : f32
        %broadcast_in_dim3A_232 = vector.broadcast %jit3A : f32 to vector<16xf32>
        %select_n3A_233 = arith.select %ne3A, %broadcast_in_dim3A_232, %add3A_231 : vector<16xi1>, vector<16xf32>
        scf.yield %gather3A, %select_n3A, %select_n3A_228, %select_n3A_233 : vector<16xf32>, vector<16xf32>, vector<16xf32>, vector<16xf32>
      }
      %scan3A_40 = arith.constant 64 : i32
      %convert_element_type3A_41 = arith.fptosi %scan3A_39#0 : vector<16xf32> to vector<16xi32>
      %shift_right_logical3A = arith.constant 6 : i32
      %shift_right_logical3A_42 = vector.broadcast %shift_right_logical3A : i32 to vector<16xi32>
      %shift_right_logical3A_43 = arith.shrui %convert_element_type3A_41, %shift_right_logical3A_42 : vector<16xi32>
      %shift_left3A = arith.constant 7 : i32
      %shift_left3A_44 = vector.broadcast %shift_left3A : i32 to vector<16xi32>
      %shift_left3A_45 = arith.shli %shift_right_logical3A_43, %shift_left3A_44 : vector<16xi32>
      %add3A = arith.addi %convert_element_type3A_41, %shift_left3A_45 : vector<16xi32>
      %eq3A_46 = arith.constant 0 : i32
      %eq3A_47 = vector.broadcast %eq3A_46 : i32 to vector<16xi32>
      %eq3A_48 = arith.cmpi eq, %iota3A, %eq3A_47 : vector<16xi32>
      tpu.vector_store_idx %arg9[%add3A], %scan3A_39#3 masked %eq3A_48 {add = true} : memref<3072xf32, #tpu.memory_space<vmem>>[vector<16xi32>], vector<16xf32>, vector<16xi1>
      %add3A_49 = arith.constant 64 : i32
      %add3A_50 = vector.broadcast %add3A_49 : i32 to vector<16xi32>
      %add3A_51 = arith.addi %add3A, %add3A_50 : vector<16xi32>
      tpu.vector_store_idx %arg9[%add3A_51], %scan3A_39#1 masked %eq3A_48 {add = true} : memref<3072xf32, #tpu.memory_space<vmem>>[vector<16xi32>], vector<16xf32>, vector<16xi1>
      %add3A_52 = arith.constant 128 : i32
      %add3A_53 = vector.broadcast %add3A_52 : i32 to vector<16xi32>
      %add3A_54 = arith.addi %add3A, %add3A_53 : vector<16xi32>
      tpu.vector_store_idx %arg9[%add3A_54], %scan3A_39#2 masked %eq3A_48 {add = true} : memref<3072xf32, #tpu.memory_space<vmem>>[vector<16xi32>], vector<16xf32>, vector<16xi1>
      %eq3A_55 = arith.constant 1 : i32
      %eq3A_56 = vector.broadcast %eq3A_55 : i32 to vector<16xi32>
      %eq3A_57 = arith.cmpi eq, %iota3A, %eq3A_56 : vector<16xi32>
      tpu.vector_store_idx %arg9[%add3A], %scan3A_39#3 masked %eq3A_57 {add = true} : memref<3072xf32, #tpu.memory_space<vmem>>[vector<16xi32>], vector<16xf32>, vector<16xi1>
      %add3A_58 = arith.constant 64 : i32
      %add3A_59 = vector.broadcast %add3A_58 : i32 to vector<16xi32>
      %add3A_60 = arith.addi %add3A, %add3A_59 : vector<16xi32>
      tpu.vector_store_idx %arg9[%add3A_60], %scan3A_39#1 masked %eq3A_57 {add = true} : memref<3072xf32, #tpu.memory_space<vmem>>[vector<16xi32>], vector<16xf32>, vector<16xi1>
      %add3A_61 = arith.constant 128 : i32
      %add3A_62 = vector.broadcast %add3A_61 : i32 to vector<16xi32>
      %add3A_63 = arith.addi %add3A, %add3A_62 : vector<16xi32>
      tpu.vector_store_idx %arg9[%add3A_63], %scan3A_39#2 masked %eq3A_57 {add = true} : memref<3072xf32, #tpu.memory_space<vmem>>[vector<16xi32>], vector<16xf32>, vector<16xi1>
      %eq3A_64 = arith.constant 2 : i32
      %eq3A_65 = vector.broadcast %eq3A_64 : i32 to vector<16xi32>
      %eq3A_66 = arith.cmpi eq, %iota3A, %eq3A_65 : vector<16xi32>
      tpu.vector_store_idx %arg9[%add3A], %scan3A_39#3 masked %eq3A_66 {add = true} : memref<3072xf32, #tpu.memory_space<vmem>>[vector<16xi32>], vector<16xf32>, vector<16xi1>
      %add3A_67 = arith.constant 64 : i32
      %add3A_68 = vector.broadcast %add3A_67 : i32 to vector<16xi32>
      %add3A_69 = arith.addi %add3A, %add3A_68 : vector<16xi32>
      tpu.vector_store_idx %arg9[%add3A_69], %scan3A_39#1 masked %eq3A_66 {add = true} : memref<3072xf32, #tpu.memory_space<vmem>>[vector<16xi32>], vector<16xf32>, vector<16xi1>
      %add3A_70 = arith.constant 128 : i32
      %add3A_71 = vector.broadcast %add3A_70 : i32 to vector<16xi32>
      %add3A_72 = arith.addi %add3A, %add3A_71 : vector<16xi32>
      tpu.vector_store_idx %arg9[%add3A_72], %scan3A_39#2 masked %eq3A_66 {add = true} : memref<3072xf32, #tpu.memory_space<vmem>>[vector<16xi32>], vector<16xf32>, vector<16xi1>
      %eq3A_73 = arith.constant 3 : i32
      %eq3A_74 = vector.broadcast %eq3A_73 : i32 to vector<16xi32>
      %eq3A_75 = arith.cmpi eq, %iota3A, %eq3A_74 : vector<16xi32>
      tpu.vector_store_idx %arg9[%add3A], %scan3A_39#3 masked %eq3A_75 {add = true} : memref<3072xf32, #tpu.memory_space<vmem>>[vector<16xi32>], vector<16xf32>, vector<16xi1>
      %add3A_76 = arith.constant 64 : i32
      %add3A_77 = vector.broadcast %add3A_76 : i32 to vector<16xi32>
      %add3A_78 = arith.addi %add3A, %add3A_77 : vector<16xi32>
      tpu.vector_store_idx %arg9[%add3A_78], %scan3A_39#1 masked %eq3A_75 {add = true} : memref<3072xf32, #tpu.memory_space<vmem>>[vector<16xi32>], vector<16xf32>, vector<16xi1>
      %add3A_79 = arith.constant 128 : i32
      %add3A_80 = vector.broadcast %add3A_79 : i32 to vector<16xi32>
      %add3A_81 = arith.addi %add3A, %add3A_80 : vector<16xi32>
      tpu.vector_store_idx %arg9[%add3A_81], %scan3A_39#2 masked %eq3A_75 {add = true} : memref<3072xf32, #tpu.memory_space<vmem>>[vector<16xi32>], vector<16xf32>, vector<16xi1>
      %eq3A_82 = arith.constant 4 : i32
      %eq3A_83 = vector.broadcast %eq3A_82 : i32 to vector<16xi32>
      %eq3A_84 = arith.cmpi eq, %iota3A, %eq3A_83 : vector<16xi32>
      tpu.vector_store_idx %arg9[%add3A], %scan3A_39#3 masked %eq3A_84 {add = true} : memref<3072xf32, #tpu.memory_space<vmem>>[vector<16xi32>], vector<16xf32>, vector<16xi1>
      %add3A_85 = arith.constant 64 : i32
      %add3A_86 = vector.broadcast %add3A_85 : i32 to vector<16xi32>
      %add3A_87 = arith.addi %add3A, %add3A_86 : vector<16xi32>
      tpu.vector_store_idx %arg9[%add3A_87], %scan3A_39#1 masked %eq3A_84 {add = true} : memref<3072xf32, #tpu.memory_space<vmem>>[vector<16xi32>], vector<16xf32>, vector<16xi1>
      %add3A_88 = arith.constant 128 : i32
      %add3A_89 = vector.broadcast %add3A_88 : i32 to vector<16xi32>
      %add3A_90 = arith.addi %add3A, %add3A_89 : vector<16xi32>
      tpu.vector_store_idx %arg9[%add3A_90], %scan3A_39#2 masked %eq3A_84 {add = true} : memref<3072xf32, #tpu.memory_space<vmem>>[vector<16xi32>], vector<16xf32>, vector<16xi1>
      %eq3A_91 = arith.constant 5 : i32
      %eq3A_92 = vector.broadcast %eq3A_91 : i32 to vector<16xi32>
      %eq3A_93 = arith.cmpi eq, %iota3A, %eq3A_92 : vector<16xi32>
      tpu.vector_store_idx %arg9[%add3A], %scan3A_39#3 masked %eq3A_93 {add = true} : memref<3072xf32, #tpu.memory_space<vmem>>[vector<16xi32>], vector<16xf32>, vector<16xi1>
      %add3A_94 = arith.constant 64 : i32
      %add3A_95 = vector.broadcast %add3A_94 : i32 to vector<16xi32>
      %add3A_96 = arith.addi %add3A, %add3A_95 : vector<16xi32>
      tpu.vector_store_idx %arg9[%add3A_96], %scan3A_39#1 masked %eq3A_93 {add = true} : memref<3072xf32, #tpu.memory_space<vmem>>[vector<16xi32>], vector<16xf32>, vector<16xi1>
      %add3A_97 = arith.constant 128 : i32
      %add3A_98 = vector.broadcast %add3A_97 : i32 to vector<16xi32>
      %add3A_99 = arith.addi %add3A, %add3A_98 : vector<16xi32>
      tpu.vector_store_idx %arg9[%add3A_99], %scan3A_39#2 masked %eq3A_93 {add = true} : memref<3072xf32, #tpu.memory_space<vmem>>[vector<16xi32>], vector<16xf32>, vector<16xi1>
      %eq3A_100 = arith.constant 6 : i32
      %eq3A_101 = vector.broadcast %eq3A_100 : i32 to vector<16xi32>
      %eq3A_102 = arith.cmpi eq, %iota3A, %eq3A_101 : vector<16xi32>
      tpu.vector_store_idx %arg9[%add3A], %scan3A_39#3 masked %eq3A_102 {add = true} : memref<3072xf32, #tpu.memory_space<vmem>>[vector<16xi32>], vector<16xf32>, vector<16xi1>
      %add3A_103 = arith.constant 64 : i32
      %add3A_104 = vector.broadcast %add3A_103 : i32 to vector<16xi32>
      %add3A_105 = arith.addi %add3A, %add3A_104 : vector<16xi32>
      tpu.vector_store_idx %arg9[%add3A_105], %scan3A_39#1 masked %eq3A_102 {add = true} : memref<3072xf32, #tpu.memory_space<vmem>>[vector<16xi32>], vector<16xf32>, vector<16xi1>
      %add3A_106 = arith.constant 128 : i32
      %add3A_107 = vector.broadcast %add3A_106 : i32 to vector<16xi32>
      %add3A_108 = arith.addi %add3A, %add3A_107 : vector<16xi32>
      tpu.vector_store_idx %arg9[%add3A_108], %scan3A_39#2 masked %eq3A_102 {add = true} : memref<3072xf32, #tpu.memory_space<vmem>>[vector<16xi32>], vector<16xf32>, vector<16xi1>
      %eq3A_109 = arith.constant 7 : i32
      %eq3A_110 = vector.broadcast %eq3A_109 : i32 to vector<16xi32>
      %eq3A_111 = arith.cmpi eq, %iota3A, %eq3A_110 : vector<16xi32>
      tpu.vector_store_idx %arg9[%add3A], %scan3A_39#3 masked %eq3A_111 {add = true} : memref<3072xf32, #tpu.memory_space<vmem>>[vector<16xi32>], vector<16xf32>, vector<16xi1>
      %add3A_112 = arith.constant 64 : i32
      %add3A_113 = vector.broadcast %add3A_112 : i32 to vector<16xi32>
      %add3A_114 = arith.addi %add3A, %add3A_113 : vector<16xi32>
      tpu.vector_store_idx %arg9[%add3A_114], %scan3A_39#1 masked %eq3A_111 {add = true} : memref<3072xf32, #tpu.memory_space<vmem>>[vector<16xi32>], vector<16xf32>, vector<16xi1>
      %add3A_115 = arith.constant 128 : i32
      %add3A_116 = vector.broadcast %add3A_115 : i32 to vector<16xi32>
      %add3A_117 = arith.addi %add3A, %add3A_116 : vector<16xi32>
      tpu.vector_store_idx %arg9[%add3A_117], %scan3A_39#2 masked %eq3A_111 {add = true} : memref<3072xf32, #tpu.memory_space<vmem>>[vector<16xi32>], vector<16xf32>, vector<16xi1>
      %eq3A_118 = arith.constant 8 : i32
      %eq3A_119 = vector.broadcast %eq3A_118 : i32 to vector<16xi32>
      %eq3A_120 = arith.cmpi eq, %iota3A, %eq3A_119 : vector<16xi32>
      tpu.vector_store_idx %arg9[%add3A], %scan3A_39#3 masked %eq3A_120 {add = true} : memref<3072xf32, #tpu.memory_space<vmem>>[vector<16xi32>], vector<16xf32>, vector<16xi1>
      %add3A_121 = arith.constant 64 : i32
      %add3A_122 = vector.broadcast %add3A_121 : i32 to vector<16xi32>
      %add3A_123 = arith.addi %add3A, %add3A_122 : vector<16xi32>
      tpu.vector_store_idx %arg9[%add3A_123], %scan3A_39#1 masked %eq3A_120 {add = true} : memref<3072xf32, #tpu.memory_space<vmem>>[vector<16xi32>], vector<16xf32>, vector<16xi1>
      %add3A_124 = arith.constant 128 : i32
      %add3A_125 = vector.broadcast %add3A_124 : i32 to vector<16xi32>
      %add3A_126 = arith.addi %add3A, %add3A_125 : vector<16xi32>
      tpu.vector_store_idx %arg9[%add3A_126], %scan3A_39#2 masked %eq3A_120 {add = true} : memref<3072xf32, #tpu.memory_space<vmem>>[vector<16xi32>], vector<16xf32>, vector<16xi1>
      %eq3A_127 = arith.constant 9 : i32
      %eq3A_128 = vector.broadcast %eq3A_127 : i32 to vector<16xi32>
      %eq3A_129 = arith.cmpi eq, %iota3A, %eq3A_128 : vector<16xi32>
      tpu.vector_store_idx %arg9[%add3A], %scan3A_39#3 masked %eq3A_129 {add = true} : memref<3072xf32, #tpu.memory_space<vmem>>[vector<16xi32>], vector<16xf32>, vector<16xi1>
      %add3A_130 = arith.constant 64 : i32
      %add3A_131 = vector.broadcast %add3A_130 : i32 to vector<16xi32>
      %add3A_132 = arith.addi %add3A, %add3A_131 : vector<16xi32>
      tpu.vector_store_idx %arg9[%add3A_132], %scan3A_39#1 masked %eq3A_129 {add = true} : memref<3072xf32, #tpu.memory_space<vmem>>[vector<16xi32>], vector<16xf32>, vector<16xi1>
      %add3A_133 = arith.constant 128 : i32
      %add3A_134 = vector.broadcast %add3A_133 : i32 to vector<16xi32>
      %add3A_135 = arith.addi %add3A, %add3A_134 : vector<16xi32>
      tpu.vector_store_idx %arg9[%add3A_135], %scan3A_39#2 masked %eq3A_129 {add = true} : memref<3072xf32, #tpu.memory_space<vmem>>[vector<16xi32>], vector<16xf32>, vector<16xi1>
      %eq3A_136 = arith.constant 10 : i32
      %eq3A_137 = vector.broadcast %eq3A_136 : i32 to vector<16xi32>
      %eq3A_138 = arith.cmpi eq, %iota3A, %eq3A_137 : vector<16xi32>
      tpu.vector_store_idx %arg9[%add3A], %scan3A_39#3 masked %eq3A_138 {add = true} : memref<3072xf32, #tpu.memory_space<vmem>>[vector<16xi32>], vector<16xf32>, vector<16xi1>
      %add3A_139 = arith.constant 64 : i32
      %add3A_140 = vector.broadcast %add3A_139 : i32 to vector<16xi32>
      %add3A_141 = arith.addi %add3A, %add3A_140 : vector<16xi32>
      tpu.vector_store_idx %arg9[%add3A_141], %scan3A_39#1 masked %eq3A_138 {add = true} : memref<3072xf32, #tpu.memory_space<vmem>>[vector<16xi32>], vector<16xf32>, vector<16xi1>
      %add3A_142 = arith.constant 128 : i32
      %add3A_143 = vector.broadcast %add3A_142 : i32 to vector<16xi32>
      %add3A_144 = arith.addi %add3A, %add3A_143 : vector<16xi32>
      tpu.vector_store_idx %arg9[%add3A_144], %scan3A_39#2 masked %eq3A_138 {add = true} : memref<3072xf32, #tpu.memory_space<vmem>>[vector<16xi32>], vector<16xf32>, vector<16xi1>
      %eq3A_145 = arith.constant 11 : i32
      %eq3A_146 = vector.broadcast %eq3A_145 : i32 to vector<16xi32>
      %eq3A_147 = arith.cmpi eq, %iota3A, %eq3A_146 : vector<16xi32>
      tpu.vector_store_idx %arg9[%add3A], %scan3A_39#3 masked %eq3A_147 {add = true} : memref<3072xf32, #tpu.memory_space<vmem>>[vector<16xi32>], vector<16xf32>, vector<16xi1>
      %add3A_148 = arith.constant 64 : i32
      %add3A_149 = vector.broadcast %add3A_148 : i32 to vector<16xi32>
      %add3A_150 = arith.addi %add3A, %add3A_149 : vector<16xi32>
      tpu.vector_store_idx %arg9[%add3A_150], %scan3A_39#1 masked %eq3A_147 {add = true} : memref<3072xf32, #tpu.memory_space<vmem>>[vector<16xi32>], vector<16xf32>, vector<16xi1>
      %add3A_151 = arith.constant 128 : i32
      %add3A_152 = vector.broadcast %add3A_151 : i32 to vector<16xi32>
      %add3A_153 = arith.addi %add3A, %add3A_152 : vector<16xi32>
      tpu.vector_store_idx %arg9[%add3A_153], %scan3A_39#2 masked %eq3A_147 {add = true} : memref<3072xf32, #tpu.memory_space<vmem>>[vector<16xi32>], vector<16xf32>, vector<16xi1>
      %eq3A_154 = arith.constant 12 : i32
      %eq3A_155 = vector.broadcast %eq3A_154 : i32 to vector<16xi32>
      %eq3A_156 = arith.cmpi eq, %iota3A, %eq3A_155 : vector<16xi32>
      tpu.vector_store_idx %arg9[%add3A], %scan3A_39#3 masked %eq3A_156 {add = true} : memref<3072xf32, #tpu.memory_space<vmem>>[vector<16xi32>], vector<16xf32>, vector<16xi1>
      %add3A_157 = arith.constant 64 : i32
      %add3A_158 = vector.broadcast %add3A_157 : i32 to vector<16xi32>
      %add3A_159 = arith.addi %add3A, %add3A_158 : vector<16xi32>
      tpu.vector_store_idx %arg9[%add3A_159], %scan3A_39#1 masked %eq3A_156 {add = true} : memref<3072xf32, #tpu.memory_space<vmem>>[vector<16xi32>], vector<16xf32>, vector<16xi1>
      %add3A_160 = arith.constant 128 : i32
      %add3A_161 = vector.broadcast %add3A_160 : i32 to vector<16xi32>
      %add3A_162 = arith.addi %add3A, %add3A_161 : vector<16xi32>
      tpu.vector_store_idx %arg9[%add3A_162], %scan3A_39#2 masked %eq3A_156 {add = true} : memref<3072xf32, #tpu.memory_space<vmem>>[vector<16xi32>], vector<16xf32>, vector<16xi1>
      %eq3A_163 = arith.constant 13 : i32
      %eq3A_164 = vector.broadcast %eq3A_163 : i32 to vector<16xi32>
      %eq3A_165 = arith.cmpi eq, %iota3A, %eq3A_164 : vector<16xi32>
      tpu.vector_store_idx %arg9[%add3A], %scan3A_39#3 masked %eq3A_165 {add = true} : memref<3072xf32, #tpu.memory_space<vmem>>[vector<16xi32>], vector<16xf32>, vector<16xi1>
      %add3A_166 = arith.constant 64 : i32
      %add3A_167 = vector.broadcast %add3A_166 : i32 to vector<16xi32>
      %add3A_168 = arith.addi %add3A, %add3A_167 : vector<16xi32>
      tpu.vector_store_idx %arg9[%add3A_168], %scan3A_39#1 masked %eq3A_165 {add = true} : memref<3072xf32, #tpu.memory_space<vmem>>[vector<16xi32>], vector<16xf32>, vector<16xi1>
      %add3A_169 = arith.constant 128 : i32
      %add3A_170 = vector.broadcast %add3A_169 : i32 to vector<16xi32>
      %add3A_171 = arith.addi %add3A, %add3A_170 : vector<16xi32>
      tpu.vector_store_idx %arg9[%add3A_171], %scan3A_39#2 masked %eq3A_165 {add = true} : memref<3072xf32, #tpu.memory_space<vmem>>[vector<16xi32>], vector<16xf32>, vector<16xi1>
      %eq3A_172 = arith.constant 14 : i32
      %eq3A_173 = vector.broadcast %eq3A_172 : i32 to vector<16xi32>
      %eq3A_174 = arith.cmpi eq, %iota3A, %eq3A_173 : vector<16xi32>
      tpu.vector_store_idx %arg9[%add3A], %scan3A_39#3 masked %eq3A_174 {add = true} : memref<3072xf32, #tpu.memory_space<vmem>>[vector<16xi32>], vector<16xf32>, vector<16xi1>
      %add3A_175 = arith.constant 64 : i32
      %add3A_176 = vector.broadcast %add3A_175 : i32 to vector<16xi32>
      %add3A_177 = arith.addi %add3A, %add3A_176 : vector<16xi32>
      tpu.vector_store_idx %arg9[%add3A_177], %scan3A_39#1 masked %eq3A_174 {add = true} : memref<3072xf32, #tpu.memory_space<vmem>>[vector<16xi32>], vector<16xf32>, vector<16xi1>
      %add3A_178 = arith.constant 128 : i32
      %add3A_179 = vector.broadcast %add3A_178 : i32 to vector<16xi32>
      %add3A_180 = arith.addi %add3A, %add3A_179 : vector<16xi32>
      tpu.vector_store_idx %arg9[%add3A_180], %scan3A_39#2 masked %eq3A_174 {add = true} : memref<3072xf32, #tpu.memory_space<vmem>>[vector<16xi32>], vector<16xf32>, vector<16xi1>
      %eq3A_181 = arith.constant 15 : i32
      %eq3A_182 = vector.broadcast %eq3A_181 : i32 to vector<16xi32>
      %eq3A_183 = arith.cmpi eq, %iota3A, %eq3A_182 : vector<16xi32>
      tpu.vector_store_idx %arg9[%add3A], %scan3A_39#3 masked %eq3A_183 {add = true} : memref<3072xf32, #tpu.memory_space<vmem>>[vector<16xi32>], vector<16xf32>, vector<16xi1>
      %add3A_184 = arith.constant 64 : i32
      %add3A_185 = vector.broadcast %add3A_184 : i32 to vector<16xi32>
      %add3A_186 = arith.addi %add3A, %add3A_185 : vector<16xi32>
      tpu.vector_store_idx %arg9[%add3A_186], %scan3A_39#1 masked %eq3A_183 {add = true} : memref<3072xf32, #tpu.memory_space<vmem>>[vector<16xi32>], vector<16xf32>, vector<16xi1>
      %add3A_187 = arith.constant 128 : i32
      %add3A_188 = vector.broadcast %add3A_187 : i32 to vector<16xi32>
      %add3A_189 = arith.addi %add3A, %add3A_188 : vector<16xi32>
      tpu.vector_store_idx %arg9[%add3A_189], %scan3A_39#2 masked %eq3A_183 {add = true} : memref<3072xf32, #tpu.memory_space<vmem>>[vector<16xi32>], vector<16xf32>, vector<16xi1>
      %mul3A_190 = arith.constant 16 : i32
      %mul3A_191 = arith.muli %arg1, %mul3A_190 : i32
      %mul3A_192 = arith.constant 192 : i32
      %mul3A_193 = arith.muli %mul3A_191, %mul3A_192 : i32
      "tpu.region"() ({
        %run_scoped3A = tpu.sem_alloc : memref<!tpu.dma_semaphore, #tpu.memory_space<semaphore_mem>>
        %dma_start3A_194 = tpu.memref_slice %arg17[%mul3A_193] : memref<49152xf32, #tpu.memory_space<vmem_shared>> -> memref<3072xf32, #tpu.memory_space<vmem_shared>>
        %dma_start3A_195 = tpu.memref_slice %arg17[%mul3A_193] : memref<49152xf32, #tpu.memory_space<vmem_shared>> -> memref<3072xf32, #tpu.memory_space<vmem_shared>>
        tpu.enqueue_dma source(%arg9 : memref<3072xf32, #tpu.memory_space<vmem>>) target(%dma_start3A_195 : memref<3072xf32, #tpu.memory_space<vmem_shared>>) target_semaphore(%run_scoped3A : memref<!tpu.dma_semaphore, #tpu.memory_space<semaphore_mem>>)
        %dma_wait3A_196 = tpu.memref_slice %arg17[%mul3A_193] : memref<49152xf32, #tpu.memory_space<vmem_shared>> -> memref<3072xf32, #tpu.memory_space<vmem_shared>>
        %dma_wait3A_197 = tpu.memref_slice %arg17[%mul3A_193] : memref<49152xf32, #tpu.memory_space<vmem_shared>> -> memref<3072xf32, #tpu.memory_space<vmem_shared>>
        tpu.wait_dma2 semaphore(%run_scoped3A : memref<!tpu.dma_semaphore, #tpu.memory_space<semaphore_mem>>) src(%arg9 : memref<3072xf32, #tpu.memory_space<vmem>>) dst(%dma_wait3A_197 : memref<3072xf32, #tpu.memory_space<vmem_shared>>)
        tpu.yield
      }) : () -> ()
    } else {
    }
    %barrier3A = arith.constant 0 : index
    tpu.barrier barrier_id(%barrier3A)
    %convert_element_type3A_4 = arith.extui %eq3A_0 : i1 to i32
    %cond3A_5 = arith.constant 0 : i32
    %cond3A_6 = arith.cmpi ne, %convert_element_type3A_4, %cond3A_5 : i32
    scf.if %cond3A_6 {
      %mul3A_17 = arith.constant 192 : i32
      %mul3A_18 = arith.muli %arg1, %mul3A_17 : i32
      %add3A = arith.constant 0 : i32
      %add3A_19 = arith.addi %add3A, %mul3A_18 : i32
      "tpu.region"() ({
        %run_scoped3A = tpu.sem_alloc : memref<!tpu.dma_semaphore, #tpu.memory_space<semaphore_mem>>
        %dma_start3A = arith.constant 0 : i32
        %dma_start3A_985 = tpu.memref_slice %arg10[%dma_start3A] : memref<3072xf32, #tpu.memory_space<vmem>> -> memref<192xf32, #tpu.memory_space<vmem>>
        %dma_start3A_986 = tpu.memref_slice %arg17[%add3A_19] : memref<49152xf32, #tpu.memory_space<vmem_shared>> -> memref<192xf32, #tpu.memory_space<vmem_shared>>
        %dma_start3A_987 = arith.constant 0 : i32
        %dma_start3A_988 = tpu.memref_slice %arg10[%dma_start3A_987] : memref<3072xf32, #tpu.memory_space<vmem>> -> memref<192xf32, #tpu.memory_space<vmem>>
        %dma_start3A_989 = tpu.memref_slice %arg17[%add3A_19] : memref<49152xf32, #tpu.memory_space<vmem_shared>> -> memref<192xf32, #tpu.memory_space<vmem_shared>>
        tpu.enqueue_dma source(%dma_start3A_989 : memref<192xf32, #tpu.memory_space<vmem_shared>>) target(%dma_start3A_988 : memref<192xf32, #tpu.memory_space<vmem>>) target_semaphore(%run_scoped3A : memref<!tpu.dma_semaphore, #tpu.memory_space<semaphore_mem>>)
        %dma_wait3A = arith.constant 0 : i32
        %dma_wait3A_990 = tpu.memref_slice %arg10[%dma_wait3A] : memref<3072xf32, #tpu.memory_space<vmem>> -> memref<192xf32, #tpu.memory_space<vmem>>
        %dma_wait3A_991 = tpu.memref_slice %arg17[%add3A_19] : memref<49152xf32, #tpu.memory_space<vmem_shared>> -> memref<192xf32, #tpu.memory_space<vmem_shared>>
        %dma_wait3A_992 = arith.constant 0 : i32
        %dma_wait3A_993 = tpu.memref_slice %arg10[%dma_wait3A_992] : memref<3072xf32, #tpu.memory_space<vmem>> -> memref<192xf32, #tpu.memory_space<vmem>>
        %dma_wait3A_994 = tpu.memref_slice %arg17[%add3A_19] : memref<49152xf32, #tpu.memory_space<vmem_shared>> -> memref<192xf32, #tpu.memory_space<vmem_shared>>
        tpu.wait_dma2 semaphore(%run_scoped3A : memref<!tpu.dma_semaphore, #tpu.memory_space<semaphore_mem>>) src(%dma_wait3A_994 : memref<192xf32, #tpu.memory_space<vmem_shared>>) dst(%dma_wait3A_993 : memref<192xf32, #tpu.memory_space<vmem>>)
        tpu.yield
      }) : () -> ()
      %mul3A_20 = arith.constant 192 : i32
      %mul3A_21 = arith.muli %arg1, %mul3A_20 : i32
      %add3A_22 = arith.constant 3072 : i32
      %add3A_23 = arith.addi %add3A_22, %mul3A_21 : i32
      "tpu.region"() ({
        %run_scoped3A = tpu.sem_alloc : memref<!tpu.dma_semaphore, #tpu.memory_space<semaphore_mem>>
        %dma_start3A = arith.constant 192 : i32
        %dma_start3A_985 = tpu.memref_slice %arg10[%dma_start3A] : memref<3072xf32, #tpu.memory_space<vmem>> -> memref<192xf32, #tpu.memory_space<vmem>>
        %dma_start3A_986 = tpu.memref_slice %arg17[%add3A_23] : memref<49152xf32, #tpu.memory_space<vmem_shared>> -> memref<192xf32, #tpu.memory_space<vmem_shared>>
        %dma_start3A_987 = arith.constant 192 : i32
        %dma_start3A_988 = tpu.memref_slice %arg10[%dma_start3A_987] : memref<3072xf32, #tpu.memory_space<vmem>> -> memref<192xf32, #tpu.memory_space<vmem>>
        %dma_start3A_989 = tpu.memref_slice %arg17[%add3A_23] : memref<49152xf32, #tpu.memory_space<vmem_shared>> -> memref<192xf32, #tpu.memory_space<vmem_shared>>
        tpu.enqueue_dma source(%dma_start3A_989 : memref<192xf32, #tpu.memory_space<vmem_shared>>) target(%dma_start3A_988 : memref<192xf32, #tpu.memory_space<vmem>>) target_semaphore(%run_scoped3A : memref<!tpu.dma_semaphore, #tpu.memory_space<semaphore_mem>>)
        %dma_wait3A = arith.constant 192 : i32
        %dma_wait3A_990 = tpu.memref_slice %arg10[%dma_wait3A] : memref<3072xf32, #tpu.memory_space<vmem>> -> memref<192xf32, #tpu.memory_space<vmem>>
        %dma_wait3A_991 = tpu.memref_slice %arg17[%add3A_23] : memref<49152xf32, #tpu.memory_space<vmem_shared>> -> memref<192xf32, #tpu.memory_space<vmem_shared>>
        %dma_wait3A_992 = arith.constant 192 : i32
        %dma_wait3A_993 = tpu.memref_slice %arg10[%dma_wait3A_992] : memref<3072xf32, #tpu.memory_space<vmem>> -> memref<192xf32, #tpu.memory_space<vmem>>
        %dma_wait3A_994 = tpu.memref_slice %arg17[%add3A_23] : memref<49152xf32, #tpu.memory_space<vmem_shared>> -> memref<192xf32, #tpu.memory_space<vmem_shared>>
        tpu.wait_dma2 semaphore(%run_scoped3A : memref<!tpu.dma_semaphore, #tpu.memory_space<semaphore_mem>>) src(%dma_wait3A_994 : memref<192xf32, #tpu.memory_space<vmem_shared>>) dst(%dma_wait3A_993 : memref<192xf32, #tpu.memory_space<vmem>>)
        tpu.yield
      }) : () -> ()
      %mul3A_24 = arith.constant 192 : i32
      %mul3A_25 = arith.muli %arg1, %mul3A_24 : i32
      %add3A_26 = arith.constant 6144 : i32
      %add3A_27 = arith.addi %add3A_26, %mul3A_25 : i32
      "tpu.region"() ({
        %run_scoped3A = tpu.sem_alloc : memref<!tpu.dma_semaphore, #tpu.memory_space<semaphore_mem>>
        %dma_start3A = arith.constant 384 : i32
        %dma_start3A_985 = tpu.memref_slice %arg10[%dma_start3A] : memref<3072xf32, #tpu.memory_space<vmem>> -> memref<192xf32, #tpu.memory_space<vmem>>
        %dma_start3A_986 = tpu.memref_slice %arg17[%add3A_27] : memref<49152xf32, #tpu.memory_space<vmem_shared>> -> memref<192xf32, #tpu.memory_space<vmem_shared>>
        %dma_start3A_987 = arith.constant 384 : i32
        %dma_start3A_988 = tpu.memref_slice %arg10[%dma_start3A_987] : memref<3072xf32, #tpu.memory_space<vmem>> -> memref<192xf32, #tpu.memory_space<vmem>>
        %dma_start3A_989 = tpu.memref_slice %arg17[%add3A_27] : memref<49152xf32, #tpu.memory_space<vmem_shared>> -> memref<192xf32, #tpu.memory_space<vmem_shared>>
        tpu.enqueue_dma source(%dma_start3A_989 : memref<192xf32, #tpu.memory_space<vmem_shared>>) target(%dma_start3A_988 : memref<192xf32, #tpu.memory_space<vmem>>) target_semaphore(%run_scoped3A : memref<!tpu.dma_semaphore, #tpu.memory_space<semaphore_mem>>)
        %dma_wait3A = arith.constant 384 : i32
        %dma_wait3A_990 = tpu.memref_slice %arg10[%dma_wait3A] : memref<3072xf32, #tpu.memory_space<vmem>> -> memref<192xf32, #tpu.memory_space<vmem>>
        %dma_wait3A_991 = tpu.memref_slice %arg17[%add3A_27] : memref<49152xf32, #tpu.memory_space<vmem_shared>> -> memref<192xf32, #tpu.memory_space<vmem_shared>>
        %dma_wait3A_992 = arith.constant 384 : i32
        %dma_wait3A_993 = tpu.memref_slice %arg10[%dma_wait3A_992] : memref<3072xf32, #tpu.memory_space<vmem>> -> memref<192xf32, #tpu.memory_space<vmem>>
        %dma_wait3A_994 = tpu.memref_slice %arg17[%add3A_27] : memref<49152xf32, #tpu.memory_space<vmem_shared>> -> memref<192xf32, #tpu.memory_space<vmem_shared>>
        tpu.wait_dma2 semaphore(%run_scoped3A : memref<!tpu.dma_semaphore, #tpu.memory_space<semaphore_mem>>) src(%dma_wait3A_994 : memref<192xf32, #tpu.memory_space<vmem_shared>>) dst(%dma_wait3A_993 : memref<192xf32, #tpu.memory_space<vmem>>)
        tpu.yield
      }) : () -> ()
      %mul3A_28 = arith.constant 192 : i32
      %mul3A_29 = arith.muli %arg1, %mul3A_28 : i32
      %add3A_30 = arith.constant 9216 : i32
      %add3A_31 = arith.addi %add3A_30, %mul3A_29 : i32
      "tpu.region"() ({
        %run_scoped3A = tpu.sem_alloc : memref<!tpu.dma_semaphore, #tpu.memory_space<semaphore_mem>>
        %dma_start3A = arith.constant 576 : i32
        %dma_start3A_985 = tpu.memref_slice %arg10[%dma_start3A] : memref<3072xf32, #tpu.memory_space<vmem>> -> memref<192xf32, #tpu.memory_space<vmem>>
        %dma_start3A_986 = tpu.memref_slice %arg17[%add3A_31] : memref<49152xf32, #tpu.memory_space<vmem_shared>> -> memref<192xf32, #tpu.memory_space<vmem_shared>>
        %dma_start3A_987 = arith.constant 576 : i32
        %dma_start3A_988 = tpu.memref_slice %arg10[%dma_start3A_987] : memref<3072xf32, #tpu.memory_space<vmem>> -> memref<192xf32, #tpu.memory_space<vmem>>
        %dma_start3A_989 = tpu.memref_slice %arg17[%add3A_31] : memref<49152xf32, #tpu.memory_space<vmem_shared>> -> memref<192xf32, #tpu.memory_space<vmem_shared>>
        tpu.enqueue_dma source(%dma_start3A_989 : memref<192xf32, #tpu.memory_space<vmem_shared>>) target(%dma_start3A_988 : memref<192xf32, #tpu.memory_space<vmem>>) target_semaphore(%run_scoped3A : memref<!tpu.dma_semaphore, #tpu.memory_space<semaphore_mem>>)
        %dma_wait3A = arith.constant 576 : i32
        %dma_wait3A_990 = tpu.memref_slice %arg10[%dma_wait3A] : memref<3072xf32, #tpu.memory_space<vmem>> -> memref<192xf32, #tpu.memory_space<vmem>>
        %dma_wait3A_991 = tpu.memref_slice %arg17[%add3A_31] : memref<49152xf32, #tpu.memory_space<vmem_shared>> -> memref<192xf32, #tpu.memory_space<vmem_shared>>
        %dma_wait3A_992 = arith.constant 576 : i32
        %dma_wait3A_993 = tpu.memref_slice %arg10[%dma_wait3A_992] : memref<3072xf32, #tpu.memory_space<vmem>> -> memref<192xf32, #tpu.memory_space<vmem>>
        %dma_wait3A_994 = tpu.memref_slice %arg17[%add3A_31] : memref<49152xf32, #tpu.memory_space<vmem_shared>> -> memref<192xf32, #tpu.memory_space<vmem_shared>>
        tpu.wait_dma2 semaphore(%run_scoped3A : memref<!tpu.dma_semaphore, #tpu.memory_space<semaphore_mem>>) src(%dma_wait3A_994 : memref<192xf32, #tpu.memory_space<vmem_shared>>) dst(%dma_wait3A_993 : memref<192xf32, #tpu.memory_space<vmem>>)
        tpu.yield
      }) : () -> ()
      %mul3A_32 = arith.constant 192 : i32
      %mul3A_33 = arith.muli %arg1, %mul3A_32 : i32
      %add3A_34 = arith.constant 12288 : i32
      %add3A_35 = arith.addi %add3A_34, %mul3A_33 : i32
      "tpu.region"() ({
        %run_scoped3A = tpu.sem_alloc : memref<!tpu.dma_semaphore, #tpu.memory_space<semaphore_mem>>
        %dma_start3A = arith.constant 768 : i32
        %dma_start3A_985 = tpu.memref_slice %arg10[%dma_start3A] : memref<3072xf32, #tpu.memory_space<vmem>> -> memref<192xf32, #tpu.memory_space<vmem>>
        %dma_start3A_986 = tpu.memref_slice %arg17[%add3A_35] : memref<49152xf32, #tpu.memory_space<vmem_shared>> -> memref<192xf32, #tpu.memory_space<vmem_shared>>
        %dma_start3A_987 = arith.constant 768 : i32
        %dma_start3A_988 = tpu.memref_slice %arg10[%dma_start3A_987] : memref<3072xf32, #tpu.memory_space<vmem>> -> memref<192xf32, #tpu.memory_space<vmem>>
        %dma_start3A_989 = tpu.memref_slice %arg17[%add3A_35] : memref<49152xf32, #tpu.memory_space<vmem_shared>> -> memref<192xf32, #tpu.memory_space<vmem_shared>>
        tpu.enqueue_dma source(%dma_start3A_989 : memref<192xf32, #tpu.memory_space<vmem_shared>>) target(%dma_start3A_988 : memref<192xf32, #tpu.memory_space<vmem>>) target_semaphore(%run_scoped3A : memref<!tpu.dma_semaphore, #tpu.memory_space<semaphore_mem>>)
        %dma_wait3A = arith.constant 768 : i32
        %dma_wait3A_990 = tpu.memref_slice %arg10[%dma_wait3A] : memref<3072xf32, #tpu.memory_space<vmem>> -> memref<192xf32, #tpu.memory_space<vmem>>
        %dma_wait3A_991 = tpu.memref_slice %arg17[%add3A_35] : memref<49152xf32, #tpu.memory_space<vmem_shared>> -> memref<192xf32, #tpu.memory_space<vmem_shared>>
        %dma_wait3A_992 = arith.constant 768 : i32
        %dma_wait3A_993 = tpu.memref_slice %arg10[%dma_wait3A_992] : memref<3072xf32, #tpu.memory_space<vmem>> -> memref<192xf32, #tpu.memory_space<vmem>>
        %dma_wait3A_994 = tpu.memref_slice %arg17[%add3A_35] : memref<49152xf32, #tpu.memory_space<vmem_shared>> -> memref<192xf32, #tpu.memory_space<vmem_shared>>
        tpu.wait_dma2 semaphore(%run_scoped3A : memref<!tpu.dma_semaphore, #tpu.memory_space<semaphore_mem>>) src(%dma_wait3A_994 : memref<192xf32, #tpu.memory_space<vmem_shared>>) dst(%dma_wait3A_993 : memref<192xf32, #tpu.memory_space<vmem>>)
        tpu.yield
      }) : () -> ()
      %mul3A_36 = arith.constant 192 : i32
      %mul3A_37 = arith.muli %arg1, %mul3A_36 : i32
      %add3A_38 = arith.constant 15360 : i32
      %add3A_39 = arith.addi %add3A_38, %mul3A_37 : i32
      "tpu.region"() ({
        %run_scoped3A = tpu.sem_alloc : memref<!tpu.dma_semaphore, #tpu.memory_space<semaphore_mem>>
        %dma_start3A = arith.constant 960 : i32
        %dma_start3A_985 = tpu.memref_slice %arg10[%dma_start3A] : memref<3072xf32, #tpu.memory_space<vmem>> -> memref<192xf32, #tpu.memory_space<vmem>>
        %dma_start3A_986 = tpu.memref_slice %arg17[%add3A_39] : memref<49152xf32, #tpu.memory_space<vmem_shared>> -> memref<192xf32, #tpu.memory_space<vmem_shared>>
        %dma_start3A_987 = arith.constant 960 : i32
        %dma_start3A_988 = tpu.memref_slice %arg10[%dma_start3A_987] : memref<3072xf32, #tpu.memory_space<vmem>> -> memref<192xf32, #tpu.memory_space<vmem>>
        %dma_start3A_989 = tpu.memref_slice %arg17[%add3A_39] : memref<49152xf32, #tpu.memory_space<vmem_shared>> -> memref<192xf32, #tpu.memory_space<vmem_shared>>
        tpu.enqueue_dma source(%dma_start3A_989 : memref<192xf32, #tpu.memory_space<vmem_shared>>) target(%dma_start3A_988 : memref<192xf32, #tpu.memory_space<vmem>>) target_semaphore(%run_scoped3A : memref<!tpu.dma_semaphore, #tpu.memory_space<semaphore_mem>>)
        %dma_wait3A = arith.constant 960 : i32
        %dma_wait3A_990 = tpu.memref_slice %arg10[%dma_wait3A] : memref<3072xf32, #tpu.memory_space<vmem>> -> memref<192xf32, #tpu.memory_space<vmem>>
        %dma_wait3A_991 = tpu.memref_slice %arg17[%add3A_39] : memref<49152xf32, #tpu.memory_space<vmem_shared>> -> memref<192xf32, #tpu.memory_space<vmem_shared>>
        %dma_wait3A_992 = arith.constant 960 : i32
        %dma_wait3A_993 = tpu.memref_slice %arg10[%dma_wait3A_992] : memref<3072xf32, #tpu.memory_space<vmem>> -> memref<192xf32, #tpu.memory_space<vmem>>
        %dma_wait3A_994 = tpu.memref_slice %arg17[%add3A_39] : memref<49152xf32, #tpu.memory_space<vmem_shared>> -> memref<192xf32, #tpu.memory_space<vmem_shared>>
        tpu.wait_dma2 semaphore(%run_scoped3A : memref<!tpu.dma_semaphore, #tpu.memory_space<semaphore_mem>>) src(%dma_wait3A_994 : memref<192xf32, #tpu.memory_space<vmem_shared>>) dst(%dma_wait3A_993 : memref<192xf32, #tpu.memory_space<vmem>>)
        tpu.yield
      }) : () -> ()
      %mul3A_40 = arith.constant 192 : i32
      %mul3A_41 = arith.muli %arg1, %mul3A_40 : i32
      %add3A_42 = arith.constant 18432 : i32
      %add3A_43 = arith.addi %add3A_42, %mul3A_41 : i32
      "tpu.region"() ({
        %run_scoped3A = tpu.sem_alloc : memref<!tpu.dma_semaphore, #tpu.memory_space<semaphore_mem>>
        %dma_start3A = arith.constant 1152 : i32
        %dma_start3A_985 = tpu.memref_slice %arg10[%dma_start3A] : memref<3072xf32, #tpu.memory_space<vmem>> -> memref<192xf32, #tpu.memory_space<vmem>>
        %dma_start3A_986 = tpu.memref_slice %arg17[%add3A_43] : memref<49152xf32, #tpu.memory_space<vmem_shared>> -> memref<192xf32, #tpu.memory_space<vmem_shared>>
        %dma_start3A_987 = arith.constant 1152 : i32
        %dma_start3A_988 = tpu.memref_slice %arg10[%dma_start3A_987] : memref<3072xf32, #tpu.memory_space<vmem>> -> memref<192xf32, #tpu.memory_space<vmem>>
        %dma_start3A_989 = tpu.memref_slice %arg17[%add3A_43] : memref<49152xf32, #tpu.memory_space<vmem_shared>> -> memref<192xf32, #tpu.memory_space<vmem_shared>>
        tpu.enqueue_dma source(%dma_start3A_989 : memref<192xf32, #tpu.memory_space<vmem_shared>>) target(%dma_start3A_988 : memref<192xf32, #tpu.memory_space<vmem>>) target_semaphore(%run_scoped3A : memref<!tpu.dma_semaphore, #tpu.memory_space<semaphore_mem>>)
        %dma_wait3A = arith.constant 1152 : i32
        %dma_wait3A_990 = tpu.memref_slice %arg10[%dma_wait3A] : memref<3072xf32, #tpu.memory_space<vmem>> -> memref<192xf32, #tpu.memory_space<vmem>>
        %dma_wait3A_991 = tpu.memref_slice %arg17[%add3A_43] : memref<49152xf32, #tpu.memory_space<vmem_shared>> -> memref<192xf32, #tpu.memory_space<vmem_shared>>
        %dma_wait3A_992 = arith.constant 1152 : i32
        %dma_wait3A_993 = tpu.memref_slice %arg10[%dma_wait3A_992] : memref<3072xf32, #tpu.memory_space<vmem>> -> memref<192xf32, #tpu.memory_space<vmem>>
        %dma_wait3A_994 = tpu.memref_slice %arg17[%add3A_43] : memref<49152xf32, #tpu.memory_space<vmem_shared>> -> memref<192xf32, #tpu.memory_space<vmem_shared>>
        tpu.wait_dma2 semaphore(%run_scoped3A : memref<!tpu.dma_semaphore, #tpu.memory_space<semaphore_mem>>) src(%dma_wait3A_994 : memref<192xf32, #tpu.memory_space<vmem_shared>>) dst(%dma_wait3A_993 : memref<192xf32, #tpu.memory_space<vmem>>)
        tpu.yield
      }) : () -> ()
      %mul3A_44 = arith.constant 192 : i32
      %mul3A_45 = arith.muli %arg1, %mul3A_44 : i32
      %add3A_46 = arith.constant 21504 : i32
      %add3A_47 = arith.addi %add3A_46, %mul3A_45 : i32
      "tpu.region"() ({
        %run_scoped3A = tpu.sem_alloc : memref<!tpu.dma_semaphore, #tpu.memory_space<semaphore_mem>>
        %dma_start3A = arith.constant 1344 : i32
        %dma_start3A_985 = tpu.memref_slice %arg10[%dma_start3A] : memref<3072xf32, #tpu.memory_space<vmem>> -> memref<192xf32, #tpu.memory_space<vmem>>
        %dma_start3A_986 = tpu.memref_slice %arg17[%add3A_47] : memref<49152xf32, #tpu.memory_space<vmem_shared>> -> memref<192xf32, #tpu.memory_space<vmem_shared>>
        %dma_start3A_987 = arith.constant 1344 : i32
        %dma_start3A_988 = tpu.memref_slice %arg10[%dma_start3A_987] : memref<3072xf32, #tpu.memory_space<vmem>> -> memref<192xf32, #tpu.memory_space<vmem>>
        %dma_start3A_989 = tpu.memref_slice %arg17[%add3A_47] : memref<49152xf32, #tpu.memory_space<vmem_shared>> -> memref<192xf32, #tpu.memory_space<vmem_shared>>
        tpu.enqueue_dma source(%dma_start3A_989 : memref<192xf32, #tpu.memory_space<vmem_shared>>) target(%dma_start3A_988 : memref<192xf32, #tpu.memory_space<vmem>>) target_semaphore(%run_scoped3A : memref<!tpu.dma_semaphore, #tpu.memory_space<semaphore_mem>>)
        %dma_wait3A = arith.constant 1344 : i32
        %dma_wait3A_990 = tpu.memref_slice %arg10[%dma_wait3A] : memref<3072xf32, #tpu.memory_space<vmem>> -> memref<192xf32, #tpu.memory_space<vmem>>
        %dma_wait3A_991 = tpu.memref_slice %arg17[%add3A_47] : memref<49152xf32, #tpu.memory_space<vmem_shared>> -> memref<192xf32, #tpu.memory_space<vmem_shared>>
        %dma_wait3A_992 = arith.constant 1344 : i32
        %dma_wait3A_993 = tpu.memref_slice %arg10[%dma_wait3A_992] : memref<3072xf32, #tpu.memory_space<vmem>> -> memref<192xf32, #tpu.memory_space<vmem>>
        %dma_wait3A_994 = tpu.memref_slice %arg17[%add3A_47] : memref<49152xf32, #tpu.memory_space<vmem_shared>> -> memref<192xf32, #tpu.memory_space<vmem_shared>>
        tpu.wait_dma2 semaphore(%run_scoped3A : memref<!tpu.dma_semaphore, #tpu.memory_space<semaphore_mem>>) src(%dma_wait3A_994 : memref<192xf32, #tpu.memory_space<vmem_shared>>) dst(%dma_wait3A_993 : memref<192xf32, #tpu.memory_space<vmem>>)
        tpu.yield
      }) : () -> ()
      %mul3A_48 = arith.constant 192 : i32
      %mul3A_49 = arith.muli %arg1, %mul3A_48 : i32
      %add3A_50 = arith.constant 24576 : i32
      %add3A_51 = arith.addi %add3A_50, %mul3A_49 : i32
      "tpu.region"() ({
        %run_scoped3A = tpu.sem_alloc : memref<!tpu.dma_semaphore, #tpu.memory_space<semaphore_mem>>
        %dma_start3A = arith.constant 1536 : i32
        %dma_start3A_985 = tpu.memref_slice %arg10[%dma_start3A] : memref<3072xf32, #tpu.memory_space<vmem>> -> memref<192xf32, #tpu.memory_space<vmem>>
        %dma_start3A_986 = tpu.memref_slice %arg17[%add3A_51] : memref<49152xf32, #tpu.memory_space<vmem_shared>> -> memref<192xf32, #tpu.memory_space<vmem_shared>>
        %dma_start3A_987 = arith.constant 1536 : i32
        %dma_start3A_988 = tpu.memref_slice %arg10[%dma_start3A_987] : memref<3072xf32, #tpu.memory_space<vmem>> -> memref<192xf32, #tpu.memory_space<vmem>>
        %dma_start3A_989 = tpu.memref_slice %arg17[%add3A_51] : memref<49152xf32, #tpu.memory_space<vmem_shared>> -> memref<192xf32, #tpu.memory_space<vmem_shared>>
        tpu.enqueue_dma source(%dma_start3A_989 : memref<192xf32, #tpu.memory_space<vmem_shared>>) target(%dma_start3A_988 : memref<192xf32, #tpu.memory_space<vmem>>) target_semaphore(%run_scoped3A : memref<!tpu.dma_semaphore, #tpu.memory_space<semaphore_mem>>)
        %dma_wait3A = arith.constant 1536 : i32
        %dma_wait3A_990 = tpu.memref_slice %arg10[%dma_wait3A] : memref<3072xf32, #tpu.memory_space<vmem>> -> memref<192xf32, #tpu.memory_space<vmem>>
        %dma_wait3A_991 = tpu.memref_slice %arg17[%add3A_51] : memref<49152xf32, #tpu.memory_space<vmem_shared>> -> memref<192xf32, #tpu.memory_space<vmem_shared>>
        %dma_wait3A_992 = arith.constant 1536 : i32
        %dma_wait3A_993 = tpu.memref_slice %arg10[%dma_wait3A_992] : memref<3072xf32, #tpu.memory_space<vmem>> -> memref<192xf32, #tpu.memory_space<vmem>>
        %dma_wait3A_994 = tpu.memref_slice %arg17[%add3A_51] : memref<49152xf32, #tpu.memory_space<vmem_shared>> -> memref<192xf32, #tpu.memory_space<vmem_shared>>
        tpu.wait_dma2 semaphore(%run_scoped3A : memref<!tpu.dma_semaphore, #tpu.memory_space<semaphore_mem>>) src(%dma_wait3A_994 : memref<192xf32, #tpu.memory_space<vmem_shared>>) dst(%dma_wait3A_993 : memref<192xf32, #tpu.memory_space<vmem>>)
        tpu.yield
      }) : () -> ()
      %mul3A_52 = arith.constant 192 : i32
      %mul3A_53 = arith.muli %arg1, %mul3A_52 : i32
      %add3A_54 = arith.constant 27648 : i32
      %add3A_55 = arith.addi %add3A_54, %mul3A_53 : i32
      "tpu.region"() ({
        %run_scoped3A = tpu.sem_alloc : memref<!tpu.dma_semaphore, #tpu.memory_space<semaphore_mem>>
        %dma_start3A = arith.constant 1728 : i32
        %dma_start3A_985 = tpu.memref_slice %arg10[%dma_start3A] : memref<3072xf32, #tpu.memory_space<vmem>> -> memref<192xf32, #tpu.memory_space<vmem>>
        %dma_start3A_986 = tpu.memref_slice %arg17[%add3A_55] : memref<49152xf32, #tpu.memory_space<vmem_shared>> -> memref<192xf32, #tpu.memory_space<vmem_shared>>
        %dma_start3A_987 = arith.constant 1728 : i32
        %dma_start3A_988 = tpu.memref_slice %arg10[%dma_start3A_987] : memref<3072xf32, #tpu.memory_space<vmem>> -> memref<192xf32, #tpu.memory_space<vmem>>
        %dma_start3A_989 = tpu.memref_slice %arg17[%add3A_55] : memref<49152xf32, #tpu.memory_space<vmem_shared>> -> memref<192xf32, #tpu.memory_space<vmem_shared>>
        tpu.enqueue_dma source(%dma_start3A_989 : memref<192xf32, #tpu.memory_space<vmem_shared>>) target(%dma_start3A_988 : memref<192xf32, #tpu.memory_space<vmem>>) target_semaphore(%run_scoped3A : memref<!tpu.dma_semaphore, #tpu.memory_space<semaphore_mem>>)
        %dma_wait3A = arith.constant 1728 : i32
        %dma_wait3A_990 = tpu.memref_slice %arg10[%dma_wait3A] : memref<3072xf32, #tpu.memory_space<vmem>> -> memref<192xf32, #tpu.memory_space<vmem>>
        %dma_wait3A_991 = tpu.memref_slice %arg17[%add3A_55] : memref<49152xf32, #tpu.memory_space<vmem_shared>> -> memref<192xf32, #tpu.memory_space<vmem_shared>>
        %dma_wait3A_992 = arith.constant 1728 : i32
        %dma_wait3A_993 = tpu.memref_slice %arg10[%dma_wait3A_992] : memref<3072xf32, #tpu.memory_space<vmem>> -> memref<192xf32, #tpu.memory_space<vmem>>
        %dma_wait3A_994 = tpu.memref_slice %arg17[%add3A_55] : memref<49152xf32, #tpu.memory_space<vmem_shared>> -> memref<192xf32, #tpu.memory_space<vmem_shared>>
        tpu.wait_dma2 semaphore(%run_scoped3A : memref<!tpu.dma_semaphore, #tpu.memory_space<semaphore_mem>>) src(%dma_wait3A_994 : memref<192xf32, #tpu.memory_space<vmem_shared>>) dst(%dma_wait3A_993 : memref<192xf32, #tpu.memory_space<vmem>>)
        tpu.yield
      }) : () -> ()
      %mul3A_56 = arith.constant 192 : i32
      %mul3A_57 = arith.muli %arg1, %mul3A_56 : i32
      %add3A_58 = arith.constant 30720 : i32
      %add3A_59 = arith.addi %add3A_58, %mul3A_57 : i32
      "tpu.region"() ({
        %run_scoped3A = tpu.sem_alloc : memref<!tpu.dma_semaphore, #tpu.memory_space<semaphore_mem>>
        %dma_start3A = arith.constant 1920 : i32
        %dma_start3A_985 = tpu.memref_slice %arg10[%dma_start3A] : memref<3072xf32, #tpu.memory_space<vmem>> -> memref<192xf32, #tpu.memory_space<vmem>>
        %dma_start3A_986 = tpu.memref_slice %arg17[%add3A_59] : memref<49152xf32, #tpu.memory_space<vmem_shared>> -> memref<192xf32, #tpu.memory_space<vmem_shared>>
        %dma_start3A_987 = arith.constant 1920 : i32
        %dma_start3A_988 = tpu.memref_slice %arg10[%dma_start3A_987] : memref<3072xf32, #tpu.memory_space<vmem>> -> memref<192xf32, #tpu.memory_space<vmem>>
        %dma_start3A_989 = tpu.memref_slice %arg17[%add3A_59] : memref<49152xf32, #tpu.memory_space<vmem_shared>> -> memref<192xf32, #tpu.memory_space<vmem_shared>>
        tpu.enqueue_dma source(%dma_start3A_989 : memref<192xf32, #tpu.memory_space<vmem_shared>>) target(%dma_start3A_988 : memref<192xf32, #tpu.memory_space<vmem>>) target_semaphore(%run_scoped3A : memref<!tpu.dma_semaphore, #tpu.memory_space<semaphore_mem>>)
        %dma_wait3A = arith.constant 1920 : i32
        %dma_wait3A_990 = tpu.memref_slice %arg10[%dma_wait3A] : memref<3072xf32, #tpu.memory_space<vmem>> -> memref<192xf32, #tpu.memory_space<vmem>>
        %dma_wait3A_991 = tpu.memref_slice %arg17[%add3A_59] : memref<49152xf32, #tpu.memory_space<vmem_shared>> -> memref<192xf32, #tpu.memory_space<vmem_shared>>
        %dma_wait3A_992 = arith.constant 1920 : i32
        %dma_wait3A_993 = tpu.memref_slice %arg10[%dma_wait3A_992] : memref<3072xf32, #tpu.memory_space<vmem>> -> memref<192xf32, #tpu.memory_space<vmem>>
        %dma_wait3A_994 = tpu.memref_slice %arg17[%add3A_59] : memref<49152xf32, #tpu.memory_space<vmem_shared>> -> memref<192xf32, #tpu.memory_space<vmem_shared>>
        tpu.wait_dma2 semaphore(%run_scoped3A : memref<!tpu.dma_semaphore, #tpu.memory_space<semaphore_mem>>) src(%dma_wait3A_994 : memref<192xf32, #tpu.memory_space<vmem_shared>>) dst(%dma_wait3A_993 : memref<192xf32, #tpu.memory_space<vmem>>)
        tpu.yield
      }) : () -> ()
      %mul3A_60 = arith.constant 192 : i32
      %mul3A_61 = arith.muli %arg1, %mul3A_60 : i32
      %add3A_62 = arith.constant 33792 : i32
      %add3A_63 = arith.addi %add3A_62, %mul3A_61 : i32
      "tpu.region"() ({
        %run_scoped3A = tpu.sem_alloc : memref<!tpu.dma_semaphore, #tpu.memory_space<semaphore_mem>>
        %dma_start3A = arith.constant 2112 : i32
        %dma_start3A_985 = tpu.memref_slice %arg10[%dma_start3A] : memref<3072xf32, #tpu.memory_space<vmem>> -> memref<192xf32, #tpu.memory_space<vmem>>
        %dma_start3A_986 = tpu.memref_slice %arg17[%add3A_63] : memref<49152xf32, #tpu.memory_space<vmem_shared>> -> memref<192xf32, #tpu.memory_space<vmem_shared>>
        %dma_start3A_987 = arith.constant 2112 : i32
        %dma_start3A_988 = tpu.memref_slice %arg10[%dma_start3A_987] : memref<3072xf32, #tpu.memory_space<vmem>> -> memref<192xf32, #tpu.memory_space<vmem>>
        %dma_start3A_989 = tpu.memref_slice %arg17[%add3A_63] : memref<49152xf32, #tpu.memory_space<vmem_shared>> -> memref<192xf32, #tpu.memory_space<vmem_shared>>
        tpu.enqueue_dma source(%dma_start3A_989 : memref<192xf32, #tpu.memory_space<vmem_shared>>) target(%dma_start3A_988 : memref<192xf32, #tpu.memory_space<vmem>>) target_semaphore(%run_scoped3A : memref<!tpu.dma_semaphore, #tpu.memory_space<semaphore_mem>>)
        %dma_wait3A = arith.constant 2112 : i32
        %dma_wait3A_990 = tpu.memref_slice %arg10[%dma_wait3A] : memref<3072xf32, #tpu.memory_space<vmem>> -> memref<192xf32, #tpu.memory_space<vmem>>
        %dma_wait3A_991 = tpu.memref_slice %arg17[%add3A_63] : memref<49152xf32, #tpu.memory_space<vmem_shared>> -> memref<192xf32, #tpu.memory_space<vmem_shared>>
        %dma_wait3A_992 = arith.constant 2112 : i32
        %dma_wait3A_993 = tpu.memref_slice %arg10[%dma_wait3A_992] : memref<3072xf32, #tpu.memory_space<vmem>> -> memref<192xf32, #tpu.memory_space<vmem>>
        %dma_wait3A_994 = tpu.memref_slice %arg17[%add3A_63] : memref<49152xf32, #tpu.memory_space<vmem_shared>> -> memref<192xf32, #tpu.memory_space<vmem_shared>>
        tpu.wait_dma2 semaphore(%run_scoped3A : memref<!tpu.dma_semaphore, #tpu.memory_space<semaphore_mem>>) src(%dma_wait3A_994 : memref<192xf32, #tpu.memory_space<vmem_shared>>) dst(%dma_wait3A_993 : memref<192xf32, #tpu.memory_space<vmem>>)
        tpu.yield
      }) : () -> ()
      %mul3A_64 = arith.constant 192 : i32
      %mul3A_65 = arith.muli %arg1, %mul3A_64 : i32
      %add3A_66 = arith.constant 36864 : i32
      %add3A_67 = arith.addi %add3A_66, %mul3A_65 : i32
      "tpu.region"() ({
        %run_scoped3A = tpu.sem_alloc : memref<!tpu.dma_semaphore, #tpu.memory_space<semaphore_mem>>
        %dma_start3A = arith.constant 2304 : i32
        %dma_start3A_985 = tpu.memref_slice %arg10[%dma_start3A] : memref<3072xf32, #tpu.memory_space<vmem>> -> memref<192xf32, #tpu.memory_space<vmem>>
        %dma_start3A_986 = tpu.memref_slice %arg17[%add3A_67] : memref<49152xf32, #tpu.memory_space<vmem_shared>> -> memref<192xf32, #tpu.memory_space<vmem_shared>>
        %dma_start3A_987 = arith.constant 2304 : i32
        %dma_start3A_988 = tpu.memref_slice %arg10[%dma_start3A_987] : memref<3072xf32, #tpu.memory_space<vmem>> -> memref<192xf32, #tpu.memory_space<vmem>>
        %dma_start3A_989 = tpu.memref_slice %arg17[%add3A_67] : memref<49152xf32, #tpu.memory_space<vmem_shared>> -> memref<192xf32, #tpu.memory_space<vmem_shared>>
        tpu.enqueue_dma source(%dma_start3A_989 : memref<192xf32, #tpu.memory_space<vmem_shared>>) target(%dma_start3A_988 : memref<192xf32, #tpu.memory_space<vmem>>) target_semaphore(%run_scoped3A : memref<!tpu.dma_semaphore, #tpu.memory_space<semaphore_mem>>)
        %dma_wait3A = arith.constant 2304 : i32
        %dma_wait3A_990 = tpu.memref_slice %arg10[%dma_wait3A] : memref<3072xf32, #tpu.memory_space<vmem>> -> memref<192xf32, #tpu.memory_space<vmem>>
        %dma_wait3A_991 = tpu.memref_slice %arg17[%add3A_67] : memref<49152xf32, #tpu.memory_space<vmem_shared>> -> memref<192xf32, #tpu.memory_space<vmem_shared>>
        %dma_wait3A_992 = arith.constant 2304 : i32
        %dma_wait3A_993 = tpu.memref_slice %arg10[%dma_wait3A_992] : memref<3072xf32, #tpu.memory_space<vmem>> -> memref<192xf32, #tpu.memory_space<vmem>>
        %dma_wait3A_994 = tpu.memref_slice %arg17[%add3A_67] : memref<49152xf32, #tpu.memory_space<vmem_shared>> -> memref<192xf32, #tpu.memory_space<vmem_shared>>
        tpu.wait_dma2 semaphore(%run_scoped3A : memref<!tpu.dma_semaphore, #tpu.memory_space<semaphore_mem>>) src(%dma_wait3A_994 : memref<192xf32, #tpu.memory_space<vmem_shared>>) dst(%dma_wait3A_993 : memref<192xf32, #tpu.memory_space<vmem>>)
        tpu.yield
      }) : () -> ()
      %mul3A_68 = arith.constant 192 : i32
      %mul3A_69 = arith.muli %arg1, %mul3A_68 : i32
      %add3A_70 = arith.constant 39936 : i32
      %add3A_71 = arith.addi %add3A_70, %mul3A_69 : i32
      "tpu.region"() ({
        %run_scoped3A = tpu.sem_alloc : memref<!tpu.dma_semaphore, #tpu.memory_space<semaphore_mem>>
        %dma_start3A = arith.constant 2496 : i32
        %dma_start3A_985 = tpu.memref_slice %arg10[%dma_start3A] : memref<3072xf32, #tpu.memory_space<vmem>> -> memref<192xf32, #tpu.memory_space<vmem>>
        %dma_start3A_986 = tpu.memref_slice %arg17[%add3A_71] : memref<49152xf32, #tpu.memory_space<vmem_shared>> -> memref<192xf32, #tpu.memory_space<vmem_shared>>
        %dma_start3A_987 = arith.constant 2496 : i32
        %dma_start3A_988 = tpu.memref_slice %arg10[%dma_start3A_987] : memref<3072xf32, #tpu.memory_space<vmem>> -> memref<192xf32, #tpu.memory_space<vmem>>
        %dma_start3A_989 = tpu.memref_slice %arg17[%add3A_71] : memref<49152xf32, #tpu.memory_space<vmem_shared>> -> memref<192xf32, #tpu.memory_space<vmem_shared>>
        tpu.enqueue_dma source(%dma_start3A_989 : memref<192xf32, #tpu.memory_space<vmem_shared>>) target(%dma_start3A_988 : memref<192xf32, #tpu.memory_space<vmem>>) target_semaphore(%run_scoped3A : memref<!tpu.dma_semaphore, #tpu.memory_space<semaphore_mem>>)
        %dma_wait3A = arith.constant 2496 : i32
        %dma_wait3A_990 = tpu.memref_slice %arg10[%dma_wait3A] : memref<3072xf32, #tpu.memory_space<vmem>> -> memref<192xf32, #tpu.memory_space<vmem>>
        %dma_wait3A_991 = tpu.memref_slice %arg17[%add3A_71] : memref<49152xf32, #tpu.memory_space<vmem_shared>> -> memref<192xf32, #tpu.memory_space<vmem_shared>>
        %dma_wait3A_992 = arith.constant 2496 : i32
        %dma_wait3A_993 = tpu.memref_slice %arg10[%dma_wait3A_992] : memref<3072xf32, #tpu.memory_space<vmem>> -> memref<192xf32, #tpu.memory_space<vmem>>
        %dma_wait3A_994 = tpu.memref_slice %arg17[%add3A_71] : memref<49152xf32, #tpu.memory_space<vmem_shared>> -> memref<192xf32, #tpu.memory_space<vmem_shared>>
        tpu.wait_dma2 semaphore(%run_scoped3A : memref<!tpu.dma_semaphore, #tpu.memory_space<semaphore_mem>>) src(%dma_wait3A_994 : memref<192xf32, #tpu.memory_space<vmem_shared>>) dst(%dma_wait3A_993 : memref<192xf32, #tpu.memory_space<vmem>>)
        tpu.yield
      }) : () -> ()
      %mul3A_72 = arith.constant 192 : i32
      %mul3A_73 = arith.muli %arg1, %mul3A_72 : i32
      %add3A_74 = arith.constant 43008 : i32
      %add3A_75 = arith.addi %add3A_74, %mul3A_73 : i32
      "tpu.region"() ({
        %run_scoped3A = tpu.sem_alloc : memref<!tpu.dma_semaphore, #tpu.memory_space<semaphore_mem>>
        %dma_start3A = arith.constant 2688 : i32
        %dma_start3A_985 = tpu.memref_slice %arg10[%dma_start3A] : memref<3072xf32, #tpu.memory_space<vmem>> -> memref<192xf32, #tpu.memory_space<vmem>>
        %dma_start3A_986 = tpu.memref_slice %arg17[%add3A_75] : memref<49152xf32, #tpu.memory_space<vmem_shared>> -> memref<192xf32, #tpu.memory_space<vmem_shared>>
        %dma_start3A_987 = arith.constant 2688 : i32
        %dma_start3A_988 = tpu.memref_slice %arg10[%dma_start3A_987] : memref<3072xf32, #tpu.memory_space<vmem>> -> memref<192xf32, #tpu.memory_space<vmem>>
        %dma_start3A_989 = tpu.memref_slice %arg17[%add3A_75] : memref<49152xf32, #tpu.memory_space<vmem_shared>> -> memref<192xf32, #tpu.memory_space<vmem_shared>>
        tpu.enqueue_dma source(%dma_start3A_989 : memref<192xf32, #tpu.memory_space<vmem_shared>>) target(%dma_start3A_988 : memref<192xf32, #tpu.memory_space<vmem>>) target_semaphore(%run_scoped3A : memref<!tpu.dma_semaphore, #tpu.memory_space<semaphore_mem>>)
        %dma_wait3A = arith.constant 2688 : i32
        %dma_wait3A_990 = tpu.memref_slice %arg10[%dma_wait3A] : memref<3072xf32, #tpu.memory_space<vmem>> -> memref<192xf32, #tpu.memory_space<vmem>>
        %dma_wait3A_991 = tpu.memref_slice %arg17[%add3A_75] : memref<49152xf32, #tpu.memory_space<vmem_shared>> -> memref<192xf32, #tpu.memory_space<vmem_shared>>
        %dma_wait3A_992 = arith.constant 2688 : i32
        %dma_wait3A_993 = tpu.memref_slice %arg10[%dma_wait3A_992] : memref<3072xf32, #tpu.memory_space<vmem>> -> memref<192xf32, #tpu.memory_space<vmem>>
        %dma_wait3A_994 = tpu.memref_slice %arg17[%add3A_75] : memref<49152xf32, #tpu.memory_space<vmem_shared>> -> memref<192xf32, #tpu.memory_space<vmem_shared>>
        tpu.wait_dma2 semaphore(%run_scoped3A : memref<!tpu.dma_semaphore, #tpu.memory_space<semaphore_mem>>) src(%dma_wait3A_994 : memref<192xf32, #tpu.memory_space<vmem_shared>>) dst(%dma_wait3A_993 : memref<192xf32, #tpu.memory_space<vmem>>)
        tpu.yield
      }) : () -> ()
      %mul3A_76 = arith.constant 192 : i32
      %mul3A_77 = arith.muli %arg1, %mul3A_76 : i32
      %add3A_78 = arith.constant 46080 : i32
      %add3A_79 = arith.addi %add3A_78, %mul3A_77 : i32
      "tpu.region"() ({
        %run_scoped3A = tpu.sem_alloc : memref<!tpu.dma_semaphore, #tpu.memory_space<semaphore_mem>>
        %dma_start3A = arith.constant 2880 : i32
        %dma_start3A_985 = tpu.memref_slice %arg10[%dma_start3A] : memref<3072xf32, #tpu.memory_space<vmem>> -> memref<192xf32, #tpu.memory_space<vmem>>
        %dma_start3A_986 = tpu.memref_slice %arg17[%add3A_79] : memref<49152xf32, #tpu.memory_space<vmem_shared>> -> memref<192xf32, #tpu.memory_space<vmem_shared>>
        %dma_start3A_987 = arith.constant 2880 : i32
        %dma_start3A_988 = tpu.memref_slice %arg10[%dma_start3A_987] : memref<3072xf32, #tpu.memory_space<vmem>> -> memref<192xf32, #tpu.memory_space<vmem>>
        %dma_start3A_989 = tpu.memref_slice %arg17[%add3A_79] : memref<49152xf32, #tpu.memory_space<vmem_shared>> -> memref<192xf32, #tpu.memory_space<vmem_shared>>
        tpu.enqueue_dma source(%dma_start3A_989 : memref<192xf32, #tpu.memory_space<vmem_shared>>) target(%dma_start3A_988 : memref<192xf32, #tpu.memory_space<vmem>>) target_semaphore(%run_scoped3A : memref<!tpu.dma_semaphore, #tpu.memory_space<semaphore_mem>>)
        %dma_wait3A = arith.constant 2880 : i32
        %dma_wait3A_990 = tpu.memref_slice %arg10[%dma_wait3A] : memref<3072xf32, #tpu.memory_space<vmem>> -> memref<192xf32, #tpu.memory_space<vmem>>
        %dma_wait3A_991 = tpu.memref_slice %arg17[%add3A_79] : memref<49152xf32, #tpu.memory_space<vmem_shared>> -> memref<192xf32, #tpu.memory_space<vmem_shared>>
        %dma_wait3A_992 = arith.constant 2880 : i32
        %dma_wait3A_993 = tpu.memref_slice %arg10[%dma_wait3A_992] : memref<3072xf32, #tpu.memory_space<vmem>> -> memref<192xf32, #tpu.memory_space<vmem>>
        %dma_wait3A_994 = tpu.memref_slice %arg17[%add3A_79] : memref<49152xf32, #tpu.memory_space<vmem_shared>> -> memref<192xf32, #tpu.memory_space<vmem_shared>>
        tpu.wait_dma2 semaphore(%run_scoped3A : memref<!tpu.dma_semaphore, #tpu.memory_space<semaphore_mem>>) src(%dma_wait3A_994 : memref<192xf32, #tpu.memory_space<vmem_shared>>) dst(%dma_wait3A_993 : memref<192xf32, #tpu.memory_space<vmem>>)
        tpu.yield
      }) : () -> ()
      %get3A = arith.constant 0 : index
      %get3A_80 = tpu.vector_load %arg10[%get3A] {strides = array<i32>} : memref<3072xf32, #tpu.memory_space<vmem>>, vector<16xf32>,
      %add3A_81 = arith.addf %broadcast_in_dim3A_2, %get3A_80 : vector<16xf32>
      %get3A_82 = arith.constant 64 : index
      %get3A_83 = tpu.vector_load %arg10[%get3A_82] {strides = array<i32>} : memref<3072xf32, #tpu.memory_space<vmem>>, vector<16xf32>,
      %add3A_84 = arith.addf %broadcast_in_dim3A_2, %get3A_83 : vector<16xf32>
      %get3A_85 = arith.constant 128 : index
      %get3A_86 = tpu.vector_load %arg10[%get3A_85] {strides = array<i32>} : memref<3072xf32, #tpu.memory_space<vmem>>, vector<16xf32>,
      %add3A_87 = arith.addf %broadcast_in_dim3A_2, %get3A_86 : vector<16xf32>
      %get3A_88 = arith.constant 192 : index
      %get3A_89 = tpu.vector_load %arg10[%get3A_88] {strides = array<i32>} : memref<3072xf32, #tpu.memory_space<vmem>>, vector<16xf32>,
      %add3A_90 = arith.addf %add3A_81, %get3A_89 : vector<16xf32>
      %get3A_91 = arith.constant 256 : index
      %get3A_92 = tpu.vector_load %arg10[%get3A_91] {strides = array<i32>} : memref<3072xf32, #tpu.memory_space<vmem>>, vector<16xf32>,
      %add3A_93 = arith.addf %add3A_84, %get3A_92 : vector<16xf32>
      %get3A_94 = arith.constant 320 : index
      %get3A_95 = tpu.vector_load %arg10[%get3A_94] {strides = array<i32>} : memref<3072xf32, #tpu.memory_space<vmem>>, vector<16xf32>,
      %add3A_96 = arith.addf %add3A_87, %get3A_95 : vector<16xf32>
      %get3A_97 = arith.constant 384 : index
      %get3A_98 = tpu.vector_load %arg10[%get3A_97] {strides = array<i32>} : memref<3072xf32, #tpu.memory_space<vmem>>, vector<16xf32>,
      %add3A_99 = arith.addf %add3A_90, %get3A_98 : vector<16xf32>
      %get3A_100 = arith.constant 448 : index
      %get3A_101 = tpu.vector_load %arg10[%get3A_100] {strides = array<i32>} : memref<3072xf32, #tpu.memory_space<vmem>>, vector<16xf32>,
      %add3A_102 = arith.addf %add3A_93, %get3A_101 : vector<16xf32>
      %get3A_103 = arith.constant 512 : index
      %get3A_104 = tpu.vector_load %arg10[%get3A_103] {strides = array<i32>} : memref<3072xf32, #tpu.memory_space<vmem>>, vector<16xf32>,
      %add3A_105 = arith.addf %add3A_96, %get3A_104 : vector<16xf32>
      %get3A_106 = arith.constant 576 : index
      %get3A_107 = tpu.vector_load %arg10[%get3A_106] {strides = array<i32>} : memref<3072xf32, #tpu.memory_space<vmem>>, vector<16xf32>,
      %add3A_108 = arith.addf %add3A_99, %get3A_107 : vector<16xf32>
      %get3A_109 = arith.constant 640 : index
      %get3A_110 = tpu.vector_load %arg10[%get3A_109] {strides = array<i32>} : memref<3072xf32, #tpu.memory_space<vmem>>, vector<16xf32>,
      %add3A_111 = arith.addf %add3A_102, %get3A_110 : vector<16xf32>
      %get3A_112 = arith.constant 704 : index
      %get3A_113 = tpu.vector_load %arg10[%get3A_112] {strides = array<i32>} : memref<3072xf32, #tpu.memory_space<vmem>>, vector<16xf32>,
      %add3A_114 = arith.addf %add3A_105, %get3A_113 : vector<16xf32>
      %get3A_115 = arith.constant 768 : index
      %get3A_116 = tpu.vector_load %arg10[%get3A_115] {strides = array<i32>} : memref<3072xf32, #tpu.memory_space<vmem>>, vector<16xf32>,
      %add3A_117 = arith.addf %add3A_108, %get3A_116 : vector<16xf32>
      %get3A_118 = arith.constant 832 : index
      %get3A_119 = tpu.vector_load %arg10[%get3A_118] {strides = array<i32>} : memref<3072xf32, #tpu.memory_space<vmem>>, vector<16xf32>,
      %add3A_120 = arith.addf %add3A_111, %get3A_119 : vector<16xf32>
      %get3A_121 = arith.constant 896 : index
      %get3A_122 = tpu.vector_load %arg10[%get3A_121] {strides = array<i32>} : memref<3072xf32, #tpu.memory_space<vmem>>, vector<16xf32>,
      %add3A_123 = arith.addf %add3A_114, %get3A_122 : vector<16xf32>
      %get3A_124 = arith.constant 960 : index
      %get3A_125 = tpu.vector_load %arg10[%get3A_124] {strides = array<i32>} : memref<3072xf32, #tpu.memory_space<vmem>>, vector<16xf32>,
      %add3A_126 = arith.addf %add3A_117, %get3A_125 : vector<16xf32>
      %get3A_127 = arith.constant 1024 : index
      %get3A_128 = tpu.vector_load %arg10[%get3A_127] {strides = array<i32>} : memref<3072xf32, #tpu.memory_space<vmem>>, vector<16xf32>,
      %add3A_129 = arith.addf %add3A_120, %get3A_128 : vector<16xf32>
      %get3A_130 = arith.constant 1088 : index
      %get3A_131 = tpu.vector_load %arg10[%get3A_130] {strides = array<i32>} : memref<3072xf32, #tpu.memory_space<vmem>>, vector<16xf32>,
      %add3A_132 = arith.addf %add3A_123, %get3A_131 : vector<16xf32>
      %get3A_133 = arith.constant 1152 : index
      %get3A_134 = tpu.vector_load %arg10[%get3A_133] {strides = array<i32>} : memref<3072xf32, #tpu.memory_space<vmem>>, vector<16xf32>,
      %add3A_135 = arith.addf %add3A_126, %get3A_134 : vector<16xf32>
      %get3A_136 = arith.constant 1216 : index
      %get3A_137 = tpu.vector_load %arg10[%get3A_136] {strides = array<i32>} : memref<3072xf32, #tpu.memory_space<vmem>>, vector<16xf32>,
      %add3A_138 = arith.addf %add3A_129, %get3A_137 : vector<16xf32>
      %get3A_139 = arith.constant 1280 : index
      %get3A_140 = tpu.vector_load %arg10[%get3A_139] {strides = array<i32>} : memref<3072xf32, #tpu.memory_space<vmem>>, vector<16xf32>,
      %add3A_141 = arith.addf %add3A_132, %get3A_140 : vector<16xf32>
      %get3A_142 = arith.constant 1344 : index
      %get3A_143 = tpu.vector_load %arg10[%get3A_142] {strides = array<i32>} : memref<3072xf32, #tpu.memory_space<vmem>>, vector<16xf32>,
      %add3A_144 = arith.addf %add3A_135, %get3A_143 : vector<16xf32>
      %get3A_145 = arith.constant 1408 : index
      %get3A_146 = tpu.vector_load %arg10[%get3A_145] {strides = array<i32>} : memref<3072xf32, #tpu.memory_space<vmem>>, vector<16xf32>,
      %add3A_147 = arith.addf %add3A_138, %get3A_146 : vector<16xf32>
      %get3A_148 = arith.constant 1472 : index
      %get3A_149 = tpu.vector_load %arg10[%get3A_148] {strides = array<i32>} : memref<3072xf32, #tpu.memory_space<vmem>>, vector<16xf32>,
      %add3A_150 = arith.addf %add3A_141, %get3A_149 : vector<16xf32>
      %get3A_151 = arith.constant 1536 : index
      %get3A_152 = tpu.vector_load %arg10[%get3A_151] {strides = array<i32>} : memref<3072xf32, #tpu.memory_space<vmem>>, vector<16xf32>,
      %add3A_153 = arith.addf %add3A_144, %get3A_152 : vector<16xf32>
      %get3A_154 = arith.constant 1600 : index
      %get3A_155 = tpu.vector_load %arg10[%get3A_154] {strides = array<i32>} : memref<3072xf32, #tpu.memory_space<vmem>>, vector<16xf32>,
      %add3A_156 = arith.addf %add3A_147, %get3A_155 : vector<16xf32>
      %get3A_157 = arith.constant 1664 : index
      %get3A_158 = tpu.vector_load %arg10[%get3A_157] {strides = array<i32>} : memref<3072xf32, #tpu.memory_space<vmem>>, vector<16xf32>,
      %add3A_159 = arith.addf %add3A_150, %get3A_158 : vector<16xf32>
      %get3A_160 = arith.constant 1728 : index
      %get3A_161 = tpu.vector_load %arg10[%get3A_160] {strides = array<i32>} : memref<3072xf32, #tpu.memory_space<vmem>>, vector<16xf32>,
      %add3A_162 = arith.addf %add3A_153, %get3A_161 : vector<16xf32>
      %get3A_163 = arith.constant 1792 : index
      %get3A_164 = tpu.vector_load %arg10[%get3A_163] {strides = array<i32>} : memref<3072xf32, #tpu.memory_space<vmem>>, vector<16xf32>,
      %add3A_165 = arith.addf %add3A_156, %get3A_164 : vector<16xf32>
      %get3A_166 = arith.constant 1856 : index
      %get3A_167 = tpu.vector_load %arg10[%get3A_166] {strides = array<i32>} : memref<3072xf32, #tpu.memory_space<vmem>>, vector<16xf32>,
      %add3A_168 = arith.addf %add3A_159, %get3A_167 : vector<16xf32>
      %get3A_169 = arith.constant 1920 : index
      %get3A_170 = tpu.vector_load %arg10[%get3A_169] {strides = array<i32>} : memref<3072xf32, #tpu.memory_space<vmem>>, vector<16xf32>,
      %add3A_171 = arith.addf %add3A_162, %get3A_170 : vector<16xf32>
      %get3A_172 = arith.constant 1984 : index
      %get3A_173 = tpu.vector_load %arg10[%get3A_172] {strides = array<i32>} : memref<3072xf32, #tpu.memory_space<vmem>>, vector<16xf32>,
      %add3A_174 = arith.addf %add3A_165, %get3A_173 : vector<16xf32>
      %get3A_175 = arith.constant 2048 : index
      %get3A_176 = tpu.vector_load %arg10[%get3A_175] {strides = array<i32>} : memref<3072xf32, #tpu.memory_space<vmem>>, vector<16xf32>,
      %add3A_177 = arith.addf %add3A_168, %get3A_176 : vector<16xf32>
      %get3A_178 = arith.constant 2112 : index
      %get3A_179 = tpu.vector_load %arg10[%get3A_178] {strides = array<i32>} : memref<3072xf32, #tpu.memory_space<vmem>>, vector<16xf32>,
      %add3A_180 = arith.addf %add3A_171, %get3A_179 : vector<16xf32>
      %get3A_181 = arith.constant 2176 : index
      %get3A_182 = tpu.vector_load %arg10[%get3A_181] {strides = array<i32>} : memref<3072xf32, #tpu.memory_space<vmem>>, vector<16xf32>,
      %add3A_183 = arith.addf %add3A_174, %get3A_182 : vector<16xf32>
      %get3A_184 = arith.constant 2240 : index
      %get3A_185 = tpu.vector_load %arg10[%get3A_184] {strides = array<i32>} : memref<3072xf32, #tpu.memory_space<vmem>>, vector<16xf32>,
      %add3A_186 = arith.addf %add3A_177, %get3A_185 : vector<16xf32>
      %get3A_187 = arith.constant 2304 : index
      %get3A_188 = tpu.vector_load %arg10[%get3A_187] {strides = array<i32>} : memref<3072xf32, #tpu.memory_space<vmem>>, vector<16xf32>,
      %add3A_189 = arith.addf %add3A_180, %get3A_188 : vector<16xf32>
      %get3A_190 = arith.constant 2368 : index
      %get3A_191 = tpu.vector_load %arg10[%get3A_190] {strides = array<i32>} : memref<3072xf32, #tpu.memory_space<vmem>>, vector<16xf32>,
      %add3A_192 = arith.addf %add3A_183, %get3A_191 : vector<16xf32>
      %get3A_193 = arith.constant 2432 : index
      %get3A_194 = tpu.vector_load %arg10[%get3A_193] {strides = array<i32>} : memref<3072xf32, #tpu.memory_space<vmem>>, vector<16xf32>,
      %add3A_195 = arith.addf %add3A_186, %get3A_194 : vector<16xf32>
      %get3A_196 = arith.constant 2496 : index
      %get3A_197 = tpu.vector_load %arg10[%get3A_196] {strides = array<i32>} : memref<3072xf32, #tpu.memory_space<vmem>>, vector<16xf32>,
      %add3A_198 = arith.addf %add3A_189, %get3A_197 : vector<16xf32>
      %get3A_199 = arith.constant 2560 : index
      %get3A_200 = tpu.vector_load %arg10[%get3A_199] {strides = array<i32>} : memref<3072xf32, #tpu.memory_space<vmem>>, vector<16xf32>,
      %add3A_201 = arith.addf %add3A_192, %get3A_200 : vector<16xf32>
      %get3A_202 = arith.constant 2624 : index
      %get3A_203 = tpu.vector_load %arg10[%get3A_202] {strides = array<i32>} : memref<3072xf32, #tpu.memory_space<vmem>>, vector<16xf32>,
      %add3A_204 = arith.addf %add3A_195, %get3A_203 : vector<16xf32>
      %get3A_205 = arith.constant 2688 : index
      %get3A_206 = tpu.vector_load %arg10[%get3A_205] {strides = array<i32>} : memref<3072xf32, #tpu.memory_space<vmem>>, vector<16xf32>,
      %add3A_207 = arith.addf %add3A_198, %get3A_206 : vector<16xf32>
      %get3A_208 = arith.constant 2752 : index
      %get3A_209 = tpu.vector_load %arg10[%get3A_208] {strides = array<i32>} : memref<3072xf32, #tpu.memory_space<vmem>>, vector<16xf32>,
      %add3A_210 = arith.addf %add3A_201, %get3A_209 : vector<16xf32>
      %get3A_211 = arith.constant 2816 : index
      %get3A_212 = tpu.vector_load %arg10[%get3A_211] {strides = array<i32>} : memref<3072xf32, #tpu.memory_space<vmem>>, vector<16xf32>,
      %add3A_213 = arith.addf %add3A_204, %get3A_212 : vector<16xf32>
      %get3A_214 = arith.constant 2880 : index
      %get3A_215 = tpu.vector_load %arg10[%get3A_214] {strides = array<i32>} : memref<3072xf32, #tpu.memory_space<vmem>>, vector<16xf32>,
      %add3A_216 = arith.addf %add3A_207, %get3A_215 : vector<16xf32>
      %get3A_217 = arith.constant 2944 : index
      %get3A_218 = tpu.vector_load %arg10[%get3A_217] {strides = array<i32>} : memref<3072xf32, #tpu.memory_space<vmem>>, vector<16xf32>,
      %add3A_219 = arith.addf %add3A_210, %get3A_218 : vector<16xf32>
      %get3A_220 = arith.constant 3008 : index
      %get3A_221 = tpu.vector_load %arg10[%get3A_220] {strides = array<i32>} : memref<3072xf32, #tpu.memory_space<vmem>>, vector<16xf32>,
      %add3A_222 = arith.addf %add3A_213, %get3A_221 : vector<16xf32>
      %ge3A = arith.constant 2.000000e+00 : f32
      %ge3A_223 = vector.broadcast %ge3A : f32 to vector<16xf32>
      %ge3A_224 = arith.cmpf oge, %add3A_216, %ge3A_223 : vector<16xf32>
      %jit3A = arith.constant 1.000000e+00 : f32
      %jit3A_225 = arith.constant 0.000000e+00 : f32
      %broadcast_in_dim3A_226 = vector.broadcast %jit3A : f32 to vector<16xf32>
      %broadcast_in_dim3A_227 = vector.broadcast %jit3A_225 : f32 to vector<16xf32>
      %select_n3A = arith.select %ge3A_224, %broadcast_in_dim3A_226, %broadcast_in_dim3A_227 : vector<16xi1>, vector<16xf32>
      %add3A_228 = arith.addf %broadcast_in_dim3A_2, %select_n3A : vector<16xf32>
      %div3A = arith.constant 0.899999976 : f32
      %div3A_229 = vector.broadcast %div3A : f32 to vector<16xf32>
      %div3A_230 = arith.divf %div3A_229, %add3A_219 : vector<16xf32>
      %swap3A = arith.constant 0 : index
      %swap3A_231 = tpu.vector_load %arg11[%swap3A] {strides = array<i32>} : memref<256xf32, #tpu.memory_space<vmem>>, vector<16xf32>,
      tpu.vector_store %arg11[%swap3A], %div3A_230 {strides = array<i32>} : memref<256xf32, #tpu.memory_space<vmem>>, vector<16xf32>,
      %max3A = arith.constant 1.000000e+00 : f32
      %max3A_232 = vector.broadcast %max3A : f32 to vector<16xf32>
      %max3A_233 = arith.maximumf %add3A_216, %max3A_232 : vector<16xf32>
      %div3A_234 = arith.constant 1.000000e-01 : f32
      %div3A_235 = vector.broadcast %div3A_234 : f32 to vector<16xf32>
      %div3A_236 = arith.divf %div3A_235, %max3A_233 : vector<16xf32>
      %swap3A_237 = arith.constant 64 : index
      %swap3A_238 = tpu.vector_load %arg11[%swap3A_237] {strides = array<i32>} : memref<256xf32, #tpu.memory_space<vmem>>, vector<16xf32>,
      tpu.vector_store %arg11[%swap3A_237], %div3A_236 {strides = array<i32>} : memref<256xf32, #tpu.memory_space<vmem>>, vector<16xf32>,
      %bitcast_convert_type3A = tpu.bitcast %add3A_222 : vector<16xf32> -> vector<16xi32>
      %shift_right_arithmetic3A = arith.constant 23 : i32
      %shift_right_arithmetic3A_239 = vector.broadcast %shift_right_arithmetic3A : i32 to vector<16xi32>
      %shift_right_arithmetic3A_240 = arith.shrsi %bitcast_convert_type3A, %shift_right_arithmetic3A_239 : vector<16xi32>
      %sub3A = arith.constant 127 : i32
      %sub3A_241 = vector.broadcast %sub3A : i32 to vector<16xi32>
      %sub3A_242 = arith.subi %shift_right_arithmetic3A_240, %sub3A_241 : vector<16xi32>
      %and3A_243 = arith.constant 8388607 : i32
      %and3A_244 = vector.broadcast %and3A_243 : i32 to vector<16xi32>
      %and3A_245 = arith.andi %bitcast_convert_type3A, %and3A_244 : vector<16xi32>
      %or3A = arith.constant 1065353216 : i32
      %or3A_246 = vector.broadcast %or3A : i32 to vector<16xi32>
      %or3A_247 = arith.ori %and3A_245, %or3A_246 : vector<16xi32>
      %bitcast_convert_type3A_248 = tpu.bitcast %or3A_247 : vector<16xi32> -> vector<16xf32>
      %ge3A_249 = arith.constant 1.41421354 : f32
      %ge3A_250 = vector.broadcast %ge3A_249 : f32 to vector<16xf32>
      %ge3A_251 = arith.cmpf oge, %bitcast_convert_type3A_248, %ge3A_250 : vector<16xf32>
      %mul3A_252 = arith.constant 5.000000e-01 : f32
      %mul3A_253 = vector.broadcast %mul3A_252 : f32 to vector<16xf32>
      %mul3A_254 = arith.mulf %bitcast_convert_type3A_248, %mul3A_253 : vector<16xf32>
      %select_n3A_255 = arith.select %ge3A_251, %mul3A_254, %bitcast_convert_type3A_248 : vector<16xi1>, vector<16xf32>
      %add3A_256 = arith.constant 1 : i32
      %add3A_257 = vector.broadcast %add3A_256 : i32 to vector<16xi32>
      %add3A_258 = arith.addi %sub3A_242, %add3A_257 : vector<16xi32>
      %select_n3A_259 = arith.select %ge3A_251, %add3A_258, %sub3A_242 : vector<16xi1>, vector<16xi32>
      %sub3A_260 = arith.constant 1.000000e+00 : f32
      %sub3A_261 = vector.broadcast %sub3A_260 : f32 to vector<16xf32>
      %sub3A_262 = arith.subf %select_n3A_255, %sub3A_261 : vector<16xf32>
      %add3A_263 = arith.constant 2.000000e+00 : f32
      %add3A_264 = vector.broadcast %add3A_263 : f32 to vector<16xf32>
      %add3A_265 = arith.addf %add3A_264, %sub3A_262 : vector<16xf32>
      %div3A_266 = arith.divf %sub3A_262, %add3A_265 : vector<16xf32>
      %mul3A_267 = arith.mulf %div3A_266, %div3A_266 : vector<16xf32>
      %mul3A_268 = arith.constant 0.222221985 : f32
      %mul3A_269 = vector.broadcast %mul3A_268 : f32 to vector<16xf32>
      %mul3A_270 = arith.mulf %mul3A_267, %mul3A_269 : vector<16xf32>
      %add3A_271 = arith.constant 0.285714298 : f32
      %add3A_272 = vector.broadcast %add3A_271 : f32 to vector<16xf32>
      %add3A_273 = arith.addf %add3A_272, %mul3A_270 : vector<16xf32>
      %mul3A_274 = arith.mulf %mul3A_267, %add3A_273 : vector<16xf32>
      %add3A_275 = arith.constant 4.000000e-01 : f32
      %add3A_276 = vector.broadcast %add3A_275 : f32 to vector<16xf32>
      %add3A_277 = arith.addf %add3A_276, %mul3A_274 : vector<16xf32>
      %mul3A_278 = arith.mulf %mul3A_267, %add3A_277 : vector<16xf32>
      %add3A_279 = arith.constant 0.666666686 : f32
      %add3A_280 = vector.broadcast %add3A_279 : f32 to vector<16xf32>
      %add3A_281 = arith.addf %add3A_280, %mul3A_278 : vector<16xf32>
      %mul3A_282 = arith.mulf %mul3A_267, %add3A_281 : vector<16xf32>
      %convert_element_type3A_283 = arith.sitofp %select_n3A_259 : vector<16xi32> to vector<16xf32>
      %mul3A_284 = arith.constant 0.693147182 : f32
      %mul3A_285 = vector.broadcast %mul3A_284 : f32 to vector<16xf32>
      %mul3A_286 = arith.mulf %convert_element_type3A_283, %mul3A_285 : vector<16xf32>
      %mul3A_287 = arith.constant 2.000000e+00 : f32
      %mul3A_288 = vector.broadcast %mul3A_287 : f32 to vector<16xf32>
      %mul3A_289 = arith.mulf %mul3A_288, %div3A_266 : vector<16xf32>
      %mul3A_290 = arith.mulf %div3A_266, %mul3A_282 : vector<16xf32>
      %add3A_291 = arith.addf %mul3A_289, %mul3A_290 : vector<16xf32>
      %add3A_292 = arith.addf %mul3A_286, %add3A_291 : vector<16xf32>
      %swap3A_293 = arith.constant 128 : index
      %swap3A_294 = tpu.vector_load %arg11[%swap3A_293] {strides = array<i32>} : memref<256xf32, #tpu.memory_space<vmem>>, vector<16xf32>,
      tpu.vector_store %arg11[%swap3A_293], %add3A_292 {strides = array<i32>} : memref<256xf32, #tpu.memory_space<vmem>>, vector<16xf32>,
      %swap3A_295 = arith.constant 192 : index
      %swap3A_296 = tpu.vector_load %arg11[%swap3A_295] {strides = array<i32>} : memref<256xf32, #tpu.memory_space<vmem>>, vector<16xf32>,
      tpu.vector_store %arg11[%swap3A_295], %select_n3A {strides = array<i32>} : memref<256xf32, #tpu.memory_space<vmem>>, vector<16xf32>,
      %get3A_297 = arith.constant 16 : index
      %get3A_298 = tpu.vector_load %arg10[%get3A_297] {strides = array<i32>} : memref<3072xf32, #tpu.memory_space<vmem>>, vector<16xf32>,
      %add3A_299 = arith.addf %broadcast_in_dim3A_2, %get3A_298 : vector<16xf32>
      %get3A_300 = arith.constant 80 : index
      %get3A_301 = tpu.vector_load %arg10[%get3A_300] {strides = array<i32>} : memref<3072xf32, #tpu.memory_space<vmem>>, vector<16xf32>,
      %add3A_302 = arith.addf %broadcast_in_dim3A_2, %get3A_301 : vector<16xf32>
      %get3A_303 = arith.constant 144 : index
      %get3A_304 = tpu.vector_load %arg10[%get3A_303] {strides = array<i32>} : memref<3072xf32, #tpu.memory_space<vmem>>, vector<16xf32>,
      %add3A_305 = arith.addf %broadcast_in_dim3A_2, %get3A_304 : vector<16xf32>
      %get3A_306 = arith.constant 208 : index
      %get3A_307 = tpu.vector_load %arg10[%get3A_306] {strides = array<i32>} : memref<3072xf32, #tpu.memory_space<vmem>>, vector<16xf32>,
      %add3A_308 = arith.addf %add3A_299, %get3A_307 : vector<16xf32>
      %get3A_309 = arith.constant 272 : index
      %get3A_310 = tpu.vector_load %arg10[%get3A_309] {strides = array<i32>} : memref<3072xf32, #tpu.memory_space<vmem>>, vector<16xf32>,
      %add3A_311 = arith.addf %add3A_302, %get3A_310 : vector<16xf32>
      %get3A_312 = arith.constant 336 : index
      %get3A_313 = tpu.vector_load %arg10[%get3A_312] {strides = array<i32>} : memref<3072xf32, #tpu.memory_space<vmem>>, vector<16xf32>,
      %add3A_314 = arith.addf %add3A_305, %get3A_313 : vector<16xf32>
      %get3A_315 = arith.constant 400 : index
      %get3A_316 = tpu.vector_load %arg10[%get3A_315] {strides = array<i32>} : memref<3072xf32, #tpu.memory_space<vmem>>, vector<16xf32>,
      %add3A_317 = arith.addf %add3A_308, %get3A_316 : vector<16xf32>
      %get3A_318 = arith.constant 464 : index
      %get3A_319 = tpu.vector_load %arg10[%get3A_318] {strides = array<i32>} : memref<3072xf32, #tpu.memory_space<vmem>>, vector<16xf32>,
      %add3A_320 = arith.addf %add3A_311, %get3A_319 : vector<16xf32>
      %get3A_321 = arith.constant 528 : index
      %get3A_322 = tpu.vector_load %arg10[%get3A_321] {strides = array<i32>} : memref<3072xf32, #tpu.memory_space<vmem>>, vector<16xf32>,
      %add3A_323 = arith.addf %add3A_314, %get3A_322 : vector<16xf32>
      %get3A_324 = arith.constant 592 : index
      %get3A_325 = tpu.vector_load %arg10[%get3A_324] {strides = array<i32>} : memref<3072xf32, #tpu.memory_space<vmem>>, vector<16xf32>,
      %add3A_326 = arith.addf %add3A_317, %get3A_325 : vector<16xf32>
      %get3A_327 = arith.constant 656 : index
      %get3A_328 = tpu.vector_load %arg10[%get3A_327] {strides = array<i32>} : memref<3072xf32, #tpu.memory_space<vmem>>, vector<16xf32>,
      %add3A_329 = arith.addf %add3A_320, %get3A_328 : vector<16xf32>
      %get3A_330 = arith.constant 720 : index
      %get3A_331 = tpu.vector_load %arg10[%get3A_330] {strides = array<i32>} : memref<3072xf32, #tpu.memory_space<vmem>>, vector<16xf32>,
      %add3A_332 = arith.addf %add3A_323, %get3A_331 : vector<16xf32>
      %get3A_333 = arith.constant 784 : index
      %get3A_334 = tpu.vector_load %arg10[%get3A_333] {strides = array<i32>} : memref<3072xf32, #tpu.memory_space<vmem>>, vector<16xf32>,
      %add3A_335 = arith.addf %add3A_326, %get3A_334 : vector<16xf32>
      %get3A_336 = arith.constant 848 : index
      %get3A_337 = tpu.vector_load %arg10[%get3A_336] {strides = array<i32>} : memref<3072xf32, #tpu.memory_space<vmem>>, vector<16xf32>,
      %add3A_338 = arith.addf %add3A_329, %get3A_337 : vector<16xf32>
      %get3A_339 = arith.constant 912 : index
      %get3A_340 = tpu.vector_load %arg10[%get3A_339] {strides = array<i32>} : memref<3072xf32, #tpu.memory_space<vmem>>, vector<16xf32>,
      %add3A_341 = arith.addf %add3A_332, %get3A_340 : vector<16xf32>
      %get3A_342 = arith.constant 976 : index
      %get3A_343 = tpu.vector_load %arg10[%get3A_342] {strides = array<i32>} : memref<3072xf32, #tpu.memory_space<vmem>>, vector<16xf32>,
      %add3A_344 = arith.addf %add3A_335, %get3A_343 : vector<16xf32>
      %get3A_345 = arith.constant 1040 : index
      %get3A_346 = tpu.vector_load %arg10[%get3A_345] {strides = array<i32>} : memref<3072xf32, #tpu.memory_space<vmem>>, vector<16xf32>,
      %add3A_347 = arith.addf %add3A_338, %get3A_346 : vector<16xf32>
      %get3A_348 = arith.constant 1104 : index
      %get3A_349 = tpu.vector_load %arg10[%get3A_348] {strides = array<i32>} : memref<3072xf32, #tpu.memory_space<vmem>>, vector<16xf32>,
      %add3A_350 = arith.addf %add3A_341, %get3A_349 : vector<16xf32>
      %get3A_351 = arith.constant 1168 : index
      %get3A_352 = tpu.vector_load %arg10[%get3A_351] {strides = array<i32>} : memref<3072xf32, #tpu.memory_space<vmem>>, vector<16xf32>,
      %add3A_353 = arith.addf %add3A_344, %get3A_352 : vector<16xf32>
      %get3A_354 = arith.constant 1232 : index
      %get3A_355 = tpu.vector_load %arg10[%get3A_354] {strides = array<i32>} : memref<3072xf32, #tpu.memory_space<vmem>>, vector<16xf32>,
      %add3A_356 = arith.addf %add3A_347, %get3A_355 : vector<16xf32>
      %get3A_357 = arith.constant 1296 : index
      %get3A_358 = tpu.vector_load %arg10[%get3A_357] {strides = array<i32>} : memref<3072xf32, #tpu.memory_space<vmem>>, vector<16xf32>,
      %add3A_359 = arith.addf %add3A_350, %get3A_358 : vector<16xf32>
      %get3A_360 = arith.constant 1360 : index
      %get3A_361 = tpu.vector_load %arg10[%get3A_360] {strides = array<i32>} : memref<3072xf32, #tpu.memory_space<vmem>>, vector<16xf32>,
      %add3A_362 = arith.addf %add3A_353, %get3A_361 : vector<16xf32>
      %get3A_363 = arith.constant 1424 : index
      %get3A_364 = tpu.vector_load %arg10[%get3A_363] {strides = array<i32>} : memref<3072xf32, #tpu.memory_space<vmem>>, vector<16xf32>,
      %add3A_365 = arith.addf %add3A_356, %get3A_364 : vector<16xf32>
      %get3A_366 = arith.constant 1488 : index
      %get3A_367 = tpu.vector_load %arg10[%get3A_366] {strides = array<i32>} : memref<3072xf32, #tpu.memory_space<vmem>>, vector<16xf32>,
      %add3A_368 = arith.addf %add3A_359, %get3A_367 : vector<16xf32>
      %get3A_369 = arith.constant 1552 : index
      %get3A_370 = tpu.vector_load %arg10[%get3A_369] {strides = array<i32>} : memref<3072xf32, #tpu.memory_space<vmem>>, vector<16xf32>,
      %add3A_371 = arith.addf %add3A_362, %get3A_370 : vector<16xf32>
      %get3A_372 = arith.constant 1616 : index
      %get3A_373 = tpu.vector_load %arg10[%get3A_372] {strides = array<i32>} : memref<3072xf32, #tpu.memory_space<vmem>>, vector<16xf32>,
      %add3A_374 = arith.addf %add3A_365, %get3A_373 : vector<16xf32>
      %get3A_375 = arith.constant 1680 : index
      %get3A_376 = tpu.vector_load %arg10[%get3A_375] {strides = array<i32>} : memref<3072xf32, #tpu.memory_space<vmem>>, vector<16xf32>,
      %add3A_377 = arith.addf %add3A_368, %get3A_376 : vector<16xf32>
      %get3A_378 = arith.constant 1744 : index
      %get3A_379 = tpu.vector_load %arg10[%get3A_378] {strides = array<i32>} : memref<3072xf32, #tpu.memory_space<vmem>>, vector<16xf32>,
      %add3A_380 = arith.addf %add3A_371, %get3A_379 : vector<16xf32>
      %get3A_381 = arith.constant 1808 : index
      %get3A_382 = tpu.vector_load %arg10[%get3A_381] {strides = array<i32>} : memref<3072xf32, #tpu.memory_space<vmem>>, vector<16xf32>,
      %add3A_383 = arith.addf %add3A_374, %get3A_382 : vector<16xf32>
      %get3A_384 = arith.constant 1872 : index
      %get3A_385 = tpu.vector_load %arg10[%get3A_384] {strides = array<i32>} : memref<3072xf32, #tpu.memory_space<vmem>>, vector<16xf32>,
      %add3A_386 = arith.addf %add3A_377, %get3A_385 : vector<16xf32>
      %get3A_387 = arith.constant 1936 : index
      %get3A_388 = tpu.vector_load %arg10[%get3A_387] {strides = array<i32>} : memref<3072xf32, #tpu.memory_space<vmem>>, vector<16xf32>,
      %add3A_389 = arith.addf %add3A_380, %get3A_388 : vector<16xf32>
      %get3A_390 = arith.constant 2000 : index
      %get3A_391 = tpu.vector_load %arg10[%get3A_390] {strides = array<i32>} : memref<3072xf32, #tpu.memory_space<vmem>>, vector<16xf32>,
      %add3A_392 = arith.addf %add3A_383, %get3A_391 : vector<16xf32>
      %get3A_393 = arith.constant 2064 : index
      %get3A_394 = tpu.vector_load %arg10[%get3A_393] {strides = array<i32>} : memref<3072xf32, #tpu.memory_space<vmem>>, vector<16xf32>,
      %add3A_395 = arith.addf %add3A_386, %get3A_394 : vector<16xf32>
      %get3A_396 = arith.constant 2128 : index
      %get3A_397 = tpu.vector_load %arg10[%get3A_396] {strides = array<i32>} : memref<3072xf32, #tpu.memory_space<vmem>>, vector<16xf32>,
      %add3A_398 = arith.addf %add3A_389, %get3A_397 : vector<16xf32>
      %get3A_399 = arith.constant 2192 : index
      %get3A_400 = tpu.vector_load %arg10[%get3A_399] {strides = array<i32>} : memref<3072xf32, #tpu.memory_space<vmem>>, vector<16xf32>,
      %add3A_401 = arith.addf %add3A_392, %get3A_400 : vector<16xf32>
      %get3A_402 = arith.constant 2256 : index
      %get3A_403 = tpu.vector_load %arg10[%get3A_402] {strides = array<i32>} : memref<3072xf32, #tpu.memory_space<vmem>>, vector<16xf32>,
      %add3A_404 = arith.addf %add3A_395, %get3A_403 : vector<16xf32>
      %get3A_405 = arith.constant 2320 : index
      %get3A_406 = tpu.vector_load %arg10[%get3A_405] {strides = array<i32>} : memref<3072xf32, #tpu.memory_space<vmem>>, vector<16xf32>,
      %add3A_407 = arith.addf %add3A_398, %get3A_406 : vector<16xf32>
      %get3A_408 = arith.constant 2384 : index
      %get3A_409 = tpu.vector_load %arg10[%get3A_408] {strides = array<i32>} : memref<3072xf32, #tpu.memory_space<vmem>>, vector<16xf32>,
      %add3A_410 = arith.addf %add3A_401, %get3A_409 : vector<16xf32>
      %get3A_411 = arith.constant 2448 : index
      %get3A_412 = tpu.vector_load %arg10[%get3A_411] {strides = array<i32>} : memref<3072xf32, #tpu.memory_space<vmem>>, vector<16xf32>,
      %add3A_413 = arith.addf %add3A_404, %get3A_412 : vector<16xf32>
      %get3A_414 = arith.constant 2512 : index
      %get3A_415 = tpu.vector_load %arg10[%get3A_414] {strides = array<i32>} : memref<3072xf32, #tpu.memory_space<vmem>>, vector<16xf32>,
      %add3A_416 = arith.addf %add3A_407, %get3A_415 : vector<16xf32>
      %get3A_417 = arith.constant 2576 : index
      %get3A_418 = tpu.vector_load %arg10[%get3A_417] {strides = array<i32>} : memref<3072xf32, #tpu.memory_space<vmem>>, vector<16xf32>,
      %add3A_419 = arith.addf %add3A_410, %get3A_418 : vector<16xf32>
      %get3A_420 = arith.constant 2640 : index
      %get3A_421 = tpu.vector_load %arg10[%get3A_420] {strides = array<i32>} : memref<3072xf32, #tpu.memory_space<vmem>>, vector<16xf32>,
      %add3A_422 = arith.addf %add3A_413, %get3A_421 : vector<16xf32>
      %get3A_423 = arith.constant 2704 : index
      %get3A_424 = tpu.vector_load %arg10[%get3A_423] {strides = array<i32>} : memref<3072xf32, #tpu.memory_space<vmem>>, vector<16xf32>,
      %add3A_425 = arith.addf %add3A_416, %get3A_424 : vector<16xf32>
      %get3A_426 = arith.constant 2768 : index
      %get3A_427 = tpu.vector_load %arg10[%get3A_426] {strides = array<i32>} : memref<3072xf32, #tpu.memory_space<vmem>>, vector<16xf32>,
      %add3A_428 = arith.addf %add3A_419, %get3A_427 : vector<16xf32>
      %get3A_429 = arith.constant 2832 : index
      %get3A_430 = tpu.vector_load %arg10[%get3A_429] {strides = array<i32>} : memref<3072xf32, #tpu.memory_space<vmem>>, vector<16xf32>,
      %add3A_431 = arith.addf %add3A_422, %get3A_430 : vector<16xf32>
      %get3A_432 = arith.constant 2896 : index
      %get3A_433 = tpu.vector_load %arg10[%get3A_432] {strides = array<i32>} : memref<3072xf32, #tpu.memory_space<vmem>>, vector<16xf32>,
      %add3A_434 = arith.addf %add3A_425, %get3A_433 : vector<16xf32>
      %get3A_435 = arith.constant 2960 : index
      %get3A_436 = tpu.vector_load %arg10[%get3A_435] {strides = array<i32>} : memref<3072xf32, #tpu.memory_space<vmem>>, vector<16xf32>,
      %add3A_437 = arith.addf %add3A_428, %get3A_436 : vector<16xf32>
      %get3A_438 = arith.constant 3024 : index
      %get3A_439 = tpu.vector_load %arg10[%get3A_438] {strides = array<i32>} : memref<3072xf32, #tpu.memory_space<vmem>>, vector<16xf32>,
      %add3A_440 = arith.addf %add3A_431, %get3A_439 : vector<16xf32>
      %ge3A_441 = arith.constant 2.000000e+00 : f32
      %ge3A_442 = vector.broadcast %ge3A_441 : f32 to vector<16xf32>
      %ge3A_443 = arith.cmpf oge, %add3A_434, %ge3A_442 : vector<16xf32>
      %jit3A_444 = arith.constant 1.000000e+00 : f32
      %jit3A_445 = arith.constant 0.000000e+00 : f32
      %broadcast_in_dim3A_446 = vector.broadcast %jit3A_444 : f32 to vector<16xf32>
      %broadcast_in_dim3A_447 = vector.broadcast %jit3A_445 : f32 to vector<16xf32>
      %select_n3A_448 = arith.select %ge3A_443, %broadcast_in_dim3A_446, %broadcast_in_dim3A_447 : vector<16xi1>, vector<16xf32>
      %add3A_449 = arith.addf %add3A_228, %select_n3A_448 : vector<16xf32>
      %div3A_450 = arith.constant 0.899999976 : f32
      %div3A_451 = vector.broadcast %div3A_450 : f32 to vector<16xf32>
      %div3A_452 = arith.divf %div3A_451, %add3A_437 : vector<16xf32>
      %swap3A_453 = arith.constant 16 : index
      %swap3A_454 = tpu.vector_load %arg11[%swap3A_453] {strides = array<i32>} : memref<256xf32, #tpu.memory_space<vmem>>, vector<16xf32>,
      tpu.vector_store %arg11[%swap3A_453], %div3A_452 {strides = array<i32>} : memref<256xf32, #tpu.memory_space<vmem>>, vector<16xf32>,
      %max3A_455 = arith.constant 1.000000e+00 : f32
      %max3A_456 = vector.broadcast %max3A_455 : f32 to vector<16xf32>
      %max3A_457 = arith.maximumf %add3A_434, %max3A_456 : vector<16xf32>
      %div3A_458 = arith.constant 1.000000e-01 : f32
      %div3A_459 = vector.broadcast %div3A_458 : f32 to vector<16xf32>
      %div3A_460 = arith.divf %div3A_459, %max3A_457 : vector<16xf32>
      %swap3A_461 = arith.constant 80 : index
      %swap3A_462 = tpu.vector_load %arg11[%swap3A_461] {strides = array<i32>} : memref<256xf32, #tpu.memory_space<vmem>>, vector<16xf32>,
      tpu.vector_store %arg11[%swap3A_461], %div3A_460 {strides = array<i32>} : memref<256xf32, #tpu.memory_space<vmem>>, vector<16xf32>,
      %bitcast_convert_type3A_463 = tpu.bitcast %add3A_440 : vector<16xf32> -> vector<16xi32>
      %shift_right_arithmetic3A_464 = arith.constant 23 : i32
      %shift_right_arithmetic3A_465 = vector.broadcast %shift_right_arithmetic3A_464 : i32 to vector<16xi32>
      %shift_right_arithmetic3A_466 = arith.shrsi %bitcast_convert_type3A_463, %shift_right_arithmetic3A_465 : vector<16xi32>
      %sub3A_467 = arith.constant 127 : i32
      %sub3A_468 = vector.broadcast %sub3A_467 : i32 to vector<16xi32>
      %sub3A_469 = arith.subi %shift_right_arithmetic3A_466, %sub3A_468 : vector<16xi32>
      %and3A_470 = arith.constant 8388607 : i32
      %and3A_471 = vector.broadcast %and3A_470 : i32 to vector<16xi32>
      %and3A_472 = arith.andi %bitcast_convert_type3A_463, %and3A_471 : vector<16xi32>
      %or3A_473 = arith.constant 1065353216 : i32
      %or3A_474 = vector.broadcast %or3A_473 : i32 to vector<16xi32>
      %or3A_475 = arith.ori %and3A_472, %or3A_474 : vector<16xi32>
      %bitcast_convert_type3A_476 = tpu.bitcast %or3A_475 : vector<16xi32> -> vector<16xf32>
      %ge3A_477 = arith.constant 1.41421354 : f32
      %ge3A_478 = vector.broadcast %ge3A_477 : f32 to vector<16xf32>
      %ge3A_479 = arith.cmpf oge, %bitcast_convert_type3A_476, %ge3A_478 : vector<16xf32>
      %mul3A_480 = arith.constant 5.000000e-01 : f32
      %mul3A_481 = vector.broadcast %mul3A_480 : f32 to vector<16xf32>
      %mul3A_482 = arith.mulf %bitcast_convert_type3A_476, %mul3A_481 : vector<16xf32>
      %select_n3A_483 = arith.select %ge3A_479, %mul3A_482, %bitcast_convert_type3A_476 : vector<16xi1>, vector<16xf32>
      %add3A_484 = arith.constant 1 : i32
      %add3A_485 = vector.broadcast %add3A_484 : i32 to vector<16xi32>
      %add3A_486 = arith.addi %sub3A_469, %add3A_485 : vector<16xi32>
      %select_n3A_487 = arith.select %ge3A_479, %add3A_486, %sub3A_469 : vector<16xi1>, vector<16xi32>
      %sub3A_488 = arith.constant 1.000000e+00 : f32
      %sub3A_489 = vector.broadcast %sub3A_488 : f32 to vector<16xf32>
      %sub3A_490 = arith.subf %select_n3A_483, %sub3A_489 : vector<16xf32>
      %add3A_491 = arith.constant 2.000000e+00 : f32
      %add3A_492 = vector.broadcast %add3A_491 : f32 to vector<16xf32>
      %add3A_493 = arith.addf %add3A_492, %sub3A_490 : vector<16xf32>
      %div3A_494 = arith.divf %sub3A_490, %add3A_493 : vector<16xf32>
      %mul3A_495 = arith.mulf %div3A_494, %div3A_494 : vector<16xf32>
      %mul3A_496 = arith.constant 0.222221985 : f32
      %mul3A_497 = vector.broadcast %mul3A_496 : f32 to vector<16xf32>
      %mul3A_498 = arith.mulf %mul3A_495, %mul3A_497 : vector<16xf32>
      %add3A_499 = arith.constant 0.285714298 : f32
      %add3A_500 = vector.broadcast %add3A_499 : f32 to vector<16xf32>
      %add3A_501 = arith.addf %add3A_500, %mul3A_498 : vector<16xf32>
      %mul3A_502 = arith.mulf %mul3A_495, %add3A_501 : vector<16xf32>
      %add3A_503 = arith.constant 4.000000e-01 : f32
      %add3A_504 = vector.broadcast %add3A_503 : f32 to vector<16xf32>
      %add3A_505 = arith.addf %add3A_504, %mul3A_502 : vector<16xf32>
      %mul3A_506 = arith.mulf %mul3A_495, %add3A_505 : vector<16xf32>
      %add3A_507 = arith.constant 0.666666686 : f32
      %add3A_508 = vector.broadcast %add3A_507 : f32 to vector<16xf32>
      %add3A_509 = arith.addf %add3A_508, %mul3A_506 : vector<16xf32>
      %mul3A_510 = arith.mulf %mul3A_495, %add3A_509 : vector<16xf32>
      %convert_element_type3A_511 = arith.sitofp %select_n3A_487 : vector<16xi32> to vector<16xf32>
      %mul3A_512 = arith.constant 0.693147182 : f32
      %mul3A_513 = vector.broadcast %mul3A_512 : f32 to vector<16xf32>
      %mul3A_514 = arith.mulf %convert_element_type3A_511, %mul3A_513 : vector<16xf32>
      %mul3A_515 = arith.constant 2.000000e+00 : f32
      %mul3A_516 = vector.broadcast %mul3A_515 : f32 to vector<16xf32>
      %mul3A_517 = arith.mulf %mul3A_516, %div3A_494 : vector<16xf32>
      %mul3A_518 = arith.mulf %div3A_494, %mul3A_510 : vector<16xf32>
      %add3A_519 = arith.addf %mul3A_517, %mul3A_518 : vector<16xf32>
      %add3A_520 = arith.addf %mul3A_514, %add3A_519 : vector<16xf32>
      %swap3A_521 = arith.constant 144 : index
      %swap3A_522 = tpu.vector_load %arg11[%swap3A_521] {strides = array<i32>} : memref<256xf32, #tpu.memory_space<vmem>>, vector<16xf32>,
      tpu.vector_store %arg11[%swap3A_521], %add3A_520 {strides = array<i32>} : memref<256xf32, #tpu.memory_space<vmem>>, vector<16xf32>,
      %swap3A_523 = arith.constant 208 : index
      %swap3A_524 = tpu.vector_load %arg11[%swap3A_523] {strides = array<i32>} : memref<256xf32, #tpu.memory_space<vmem>>, vector<16xf32>,
      tpu.vector_store %arg11[%swap3A_523], %select_n3A_448 {strides = array<i32>} : memref<256xf32, #tpu.memory_space<vmem>>, vector<16xf32>,
      %get3A_525 = arith.constant 32 : index
      %get3A_526 = tpu.vector_load %arg10[%get3A_525] {strides = array<i32>} : memref<3072xf32, #tpu.memory_space<vmem>>, vector<16xf32>,
      %add3A_527 = arith.addf %broadcast_in_dim3A_2, %get3A_526 : vector<16xf32>
      %get3A_528 = arith.constant 96 : index
      %get3A_529 = tpu.vector_load %arg10[%get3A_528] {strides = array<i32>} : memref<3072xf32, #tpu.memory_space<vmem>>, vector<16xf32>,
      %add3A_530 = arith.addf %broadcast_in_dim3A_2, %get3A_529 : vector<16xf32>
      %get3A_531 = arith.constant 160 : index
      %get3A_532 = tpu.vector_load %arg10[%get3A_531] {strides = array<i32>} : memref<3072xf32, #tpu.memory_space<vmem>>, vector<16xf32>,
      %add3A_533 = arith.addf %broadcast_in_dim3A_2, %get3A_532 : vector<16xf32>
      %get3A_534 = arith.constant 224 : index
      %get3A_535 = tpu.vector_load %arg10[%get3A_534] {strides = array<i32>} : memref<3072xf32, #tpu.memory_space<vmem>>, vector<16xf32>,
      %add3A_536 = arith.addf %add3A_527, %get3A_535 : vector<16xf32>
      %get3A_537 = arith.constant 288 : index
      %get3A_538 = tpu.vector_load %arg10[%get3A_537] {strides = array<i32>} : memref<3072xf32, #tpu.memory_space<vmem>>, vector<16xf32>,
      %add3A_539 = arith.addf %add3A_530, %get3A_538 : vector<16xf32>
      %get3A_540 = arith.constant 352 : index
      %get3A_541 = tpu.vector_load %arg10[%get3A_540] {strides = array<i32>} : memref<3072xf32, #tpu.memory_space<vmem>>, vector<16xf32>,
      %add3A_542 = arith.addf %add3A_533, %get3A_541 : vector<16xf32>
      %get3A_543 = arith.constant 416 : index
      %get3A_544 = tpu.vector_load %arg10[%get3A_543] {strides = array<i32>} : memref<3072xf32, #tpu.memory_space<vmem>>, vector<16xf32>,
      %add3A_545 = arith.addf %add3A_536, %get3A_544 : vector<16xf32>
      %get3A_546 = arith.constant 480 : index
      %get3A_547 = tpu.vector_load %arg10[%get3A_546] {strides = array<i32>} : memref<3072xf32, #tpu.memory_space<vmem>>, vector<16xf32>,
      %add3A_548 = arith.addf %add3A_539, %get3A_547 : vector<16xf32>
      %get3A_549 = arith.constant 544 : index
      %get3A_550 = tpu.vector_load %arg10[%get3A_549] {strides = array<i32>} : memref<3072xf32, #tpu.memory_space<vmem>>, vector<16xf32>,
      %add3A_551 = arith.addf %add3A_542, %get3A_550 : vector<16xf32>
      %get3A_552 = arith.constant 608 : index
      %get3A_553 = tpu.vector_load %arg10[%get3A_552] {strides = array<i32>} : memref<3072xf32, #tpu.memory_space<vmem>>, vector<16xf32>,
      %add3A_554 = arith.addf %add3A_545, %get3A_553 : vector<16xf32>
      %get3A_555 = arith.constant 672 : index
      %get3A_556 = tpu.vector_load %arg10[%get3A_555] {strides = array<i32>} : memref<3072xf32, #tpu.memory_space<vmem>>, vector<16xf32>,
      %add3A_557 = arith.addf %add3A_548, %get3A_556 : vector<16xf32>
      %get3A_558 = arith.constant 736 : index
      %get3A_559 = tpu.vector_load %arg10[%get3A_558] {strides = array<i32>} : memref<3072xf32, #tpu.memory_space<vmem>>, vector<16xf32>,
      %add3A_560 = arith.addf %add3A_551, %get3A_559 : vector<16xf32>
      %get3A_561 = arith.constant 800 : index
      %get3A_562 = tpu.vector_load %arg10[%get3A_561] {strides = array<i32>} : memref<3072xf32, #tpu.memory_space<vmem>>, vector<16xf32>,
      %add3A_563 = arith.addf %add3A_554, %get3A_562 : vector<16xf32>
      %get3A_564 = arith.constant 864 : index
      %get3A_565 = tpu.vector_load %arg10[%get3A_564] {strides = array<i32>} : memref<3072xf32, #tpu.memory_space<vmem>>, vector<16xf32>,
      %add3A_566 = arith.addf %add3A_557, %get3A_565 : vector<16xf32>
      %get3A_567 = arith.constant 928 : index
      %get3A_568 = tpu.vector_load %arg10[%get3A_567] {strides = array<i32>} : memref<3072xf32, #tpu.memory_space<vmem>>, vector<16xf32>,
      %add3A_569 = arith.addf %add3A_560, %get3A_568 : vector<16xf32>
      %get3A_570 = arith.constant 992 : index
      %get3A_571 = tpu.vector_load %arg10[%get3A_570] {strides = array<i32>} : memref<3072xf32, #tpu.memory_space<vmem>>, vector<16xf32>,
      %add3A_572 = arith.addf %add3A_563, %get3A_571 : vector<16xf32>
      %get3A_573 = arith.constant 1056 : index
      %get3A_574 = tpu.vector_load %arg10[%get3A_573] {strides = array<i32>} : memref<3072xf32, #tpu.memory_space<vmem>>, vector<16xf32>,
      %add3A_575 = arith.addf %add3A_566, %get3A_574 : vector<16xf32>
      %get3A_576 = arith.constant 1120 : index
      %get3A_577 = tpu.vector_load %arg10[%get3A_576] {strides = array<i32>} : memref<3072xf32, #tpu.memory_space<vmem>>, vector<16xf32>,
      %add3A_578 = arith.addf %add3A_569, %get3A_577 : vector<16xf32>
      %get3A_579 = arith.constant 1184 : index
      %get3A_580 = tpu.vector_load %arg10[%get3A_579] {strides = array<i32>} : memref<3072xf32, #tpu.memory_space<vmem>>, vector<16xf32>,
      %add3A_581 = arith.addf %add3A_572, %get3A_580 : vector<16xf32>
      %get3A_582 = arith.constant 1248 : index
      %get3A_583 = tpu.vector_load %arg10[%get3A_582] {strides = array<i32>} : memref<3072xf32, #tpu.memory_space<vmem>>, vector<16xf32>,
      %add3A_584 = arith.addf %add3A_575, %get3A_583 : vector<16xf32>
      %get3A_585 = arith.constant 1312 : index
      %get3A_586 = tpu.vector_load %arg10[%get3A_585] {strides = array<i32>} : memref<3072xf32, #tpu.memory_space<vmem>>, vector<16xf32>,
      %add3A_587 = arith.addf %add3A_578, %get3A_586 : vector<16xf32>
      %get3A_588 = arith.constant 1376 : index
      %get3A_589 = tpu.vector_load %arg10[%get3A_588] {strides = array<i32>} : memref<3072xf32, #tpu.memory_space<vmem>>, vector<16xf32>,
      %add3A_590 = arith.addf %add3A_581, %get3A_589 : vector<16xf32>
      %get3A_591 = arith.constant 1440 : index
      %get3A_592 = tpu.vector_load %arg10[%get3A_591] {strides = array<i32>} : memref<3072xf32, #tpu.memory_space<vmem>>, vector<16xf32>,
      %add3A_593 = arith.addf %add3A_584, %get3A_592 : vector<16xf32>
      %get3A_594 = arith.constant 1504 : index
      %get3A_595 = tpu.vector_load %arg10[%get3A_594] {strides = array<i32>} : memref<3072xf32, #tpu.memory_space<vmem>>, vector<16xf32>,
      %add3A_596 = arith.addf %add3A_587, %get3A_595 : vector<16xf32>
      %get3A_597 = arith.constant 1568 : index
      %get3A_598 = tpu.vector_load %arg10[%get3A_597] {strides = array<i32>} : memref<3072xf32, #tpu.memory_space<vmem>>, vector<16xf32>,
      %add3A_599 = arith.addf %add3A_590, %get3A_598 : vector<16xf32>
      %get3A_600 = arith.constant 1632 : index
      %get3A_601 = tpu.vector_load %arg10[%get3A_600] {strides = array<i32>} : memref<3072xf32, #tpu.memory_space<vmem>>, vector<16xf32>,
      %add3A_602 = arith.addf %add3A_593, %get3A_601 : vector<16xf32>
      %get3A_603 = arith.constant 1696 : index
      %get3A_604 = tpu.vector_load %arg10[%get3A_603] {strides = array<i32>} : memref<3072xf32, #tpu.memory_space<vmem>>, vector<16xf32>,
      %add3A_605 = arith.addf %add3A_596, %get3A_604 : vector<16xf32>
      %get3A_606 = arith.constant 1760 : index
      %get3A_607 = tpu.vector_load %arg10[%get3A_606] {strides = array<i32>} : memref<3072xf32, #tpu.memory_space<vmem>>, vector<16xf32>,
      %add3A_608 = arith.addf %add3A_599, %get3A_607 : vector<16xf32>
      %get3A_609 = arith.constant 1824 : index
      %get3A_610 = tpu.vector_load %arg10[%get3A_609] {strides = array<i32>} : memref<3072xf32, #tpu.memory_space<vmem>>, vector<16xf32>,
      %add3A_611 = arith.addf %add3A_602, %get3A_610 : vector<16xf32>
      %get3A_612 = arith.constant 1888 : index
      %get3A_613 = tpu.vector_load %arg10[%get3A_612] {strides = array<i32>} : memref<3072xf32, #tpu.memory_space<vmem>>, vector<16xf32>,
      %add3A_614 = arith.addf %add3A_605, %get3A_613 : vector<16xf32>
      %get3A_615 = arith.constant 1952 : index
      %get3A_616 = tpu.vector_load %arg10[%get3A_615] {strides = array<i32>} : memref<3072xf32, #tpu.memory_space<vmem>>, vector<16xf32>,
      %add3A_617 = arith.addf %add3A_608, %get3A_616 : vector<16xf32>
      %get3A_618 = arith.constant 2016 : index
      %get3A_619 = tpu.vector_load %arg10[%get3A_618] {strides = array<i32>} : memref<3072xf32, #tpu.memory_space<vmem>>, vector<16xf32>,
      %add3A_620 = arith.addf %add3A_611, %get3A_619 : vector<16xf32>
      %get3A_621 = arith.constant 2080 : index
      %get3A_622 = tpu.vector_load %arg10[%get3A_621] {strides = array<i32>} : memref<3072xf32, #tpu.memory_space<vmem>>, vector<16xf32>,
      %add3A_623 = arith.addf %add3A_614, %get3A_622 : vector<16xf32>
      %get3A_624 = arith.constant 2144 : index
      %get3A_625 = tpu.vector_load %arg10[%get3A_624] {strides = array<i32>} : memref<3072xf32, #tpu.memory_space<vmem>>, vector<16xf32>,
      %add3A_626 = arith.addf %add3A_617, %get3A_625 : vector<16xf32>
      %get3A_627 = arith.constant 2208 : index
      %get3A_628 = tpu.vector_load %arg10[%get3A_627] {strides = array<i32>} : memref<3072xf32, #tpu.memory_space<vmem>>, vector<16xf32>,
      %add3A_629 = arith.addf %add3A_620, %get3A_628 : vector<16xf32>
      %get3A_630 = arith.constant 2272 : index
      %get3A_631 = tpu.vector_load %arg10[%get3A_630] {strides = array<i32>} : memref<3072xf32, #tpu.memory_space<vmem>>, vector<16xf32>,
      %add3A_632 = arith.addf %add3A_623, %get3A_631 : vector<16xf32>
      %get3A_633 = arith.constant 2336 : index
      %get3A_634 = tpu.vector_load %arg10[%get3A_633] {strides = array<i32>} : memref<3072xf32, #tpu.memory_space<vmem>>, vector<16xf32>,
      %add3A_635 = arith.addf %add3A_626, %get3A_634 : vector<16xf32>
      %get3A_636 = arith.constant 2400 : index
      %get3A_637 = tpu.vector_load %arg10[%get3A_636] {strides = array<i32>} : memref<3072xf32, #tpu.memory_space<vmem>>, vector<16xf32>,
      %add3A_638 = arith.addf %add3A_629, %get3A_637 : vector<16xf32>
      %get3A_639 = arith.constant 2464 : index
      %get3A_640 = tpu.vector_load %arg10[%get3A_639] {strides = array<i32>} : memref<3072xf32, #tpu.memory_space<vmem>>, vector<16xf32>,
      %add3A_641 = arith.addf %add3A_632, %get3A_640 : vector<16xf32>
      %get3A_642 = arith.constant 2528 : index
      %get3A_643 = tpu.vector_load %arg10[%get3A_642] {strides = array<i32>} : memref<3072xf32, #tpu.memory_space<vmem>>, vector<16xf32>,
      %add3A_644 = arith.addf %add3A_635, %get3A_643 : vector<16xf32>
      %get3A_645 = arith.constant 2592 : index
      %get3A_646 = tpu.vector_load %arg10[%get3A_645] {strides = array<i32>} : memref<3072xf32, #tpu.memory_space<vmem>>, vector<16xf32>,
      %add3A_647 = arith.addf %add3A_638, %get3A_646 : vector<16xf32>
      %get3A_648 = arith.constant 2656 : index
      %get3A_649 = tpu.vector_load %arg10[%get3A_648] {strides = array<i32>} : memref<3072xf32, #tpu.memory_space<vmem>>, vector<16xf32>,
      %add3A_650 = arith.addf %add3A_641, %get3A_649 : vector<16xf32>
      %get3A_651 = arith.constant 2720 : index
      %get3A_652 = tpu.vector_load %arg10[%get3A_651] {strides = array<i32>} : memref<3072xf32, #tpu.memory_space<vmem>>, vector<16xf32>,
      %add3A_653 = arith.addf %add3A_644, %get3A_652 : vector<16xf32>
      %get3A_654 = arith.constant 2784 : index
      %get3A_655 = tpu.vector_load %arg10[%get3A_654] {strides = array<i32>} : memref<3072xf32, #tpu.memory_space<vmem>>, vector<16xf32>,
      %add3A_656 = arith.addf %add3A_647, %get3A_655 : vector<16xf32>
      %get3A_657 = arith.constant 2848 : index
      %get3A_658 = tpu.vector_load %arg10[%get3A_657] {strides = array<i32>} : memref<3072xf32, #tpu.memory_space<vmem>>, vector<16xf32>,
      %add3A_659 = arith.addf %add3A_650, %get3A_658 : vector<16xf32>
      %get3A_660 = arith.constant 2912 : index
      %get3A_661 = tpu.vector_load %arg10[%get3A_660] {strides = array<i32>} : memref<3072xf32, #tpu.memory_space<vmem>>, vector<16xf32>,
      %add3A_662 = arith.addf %add3A_653, %get3A_661 : vector<16xf32>
      %get3A_663 = arith.constant 2976 : index
      %get3A_664 = tpu.vector_load %arg10[%get3A_663] {strides = array<i32>} : memref<3072xf32, #tpu.memory_space<vmem>>, vector<16xf32>,
      %add3A_665 = arith.addf %add3A_656, %get3A_664 : vector<16xf32>
      %get3A_666 = arith.constant 3040 : index
      %get3A_667 = tpu.vector_load %arg10[%get3A_666] {strides = array<i32>} : memref<3072xf32, #tpu.memory_space<vmem>>, vector<16xf32>,
      %add3A_668 = arith.addf %add3A_659, %get3A_667 : vector<16xf32>
      %ge3A_669 = arith.constant 2.000000e+00 : f32
      %ge3A_670 = vector.broadcast %ge3A_669 : f32 to vector<16xf32>
      %ge3A_671 = arith.cmpf oge, %add3A_662, %ge3A_670 : vector<16xf32>
      %jit3A_672 = arith.constant 1.000000e+00 : f32
      %jit3A_673 = arith.constant 0.000000e+00 : f32
      %broadcast_in_dim3A_674 = vector.broadcast %jit3A_672 : f32 to vector<16xf32>
      %broadcast_in_dim3A_675 = vector.broadcast %jit3A_673 : f32 to vector<16xf32>
      %select_n3A_676 = arith.select %ge3A_671, %broadcast_in_dim3A_674, %broadcast_in_dim3A_675 : vector<16xi1>, vector<16xf32>
      %add3A_677 = arith.addf %add3A_449, %select_n3A_676 : vector<16xf32>
      %div3A_678 = arith.constant 0.899999976 : f32
      %div3A_679 = vector.broadcast %div3A_678 : f32 to vector<16xf32>
      %div3A_680 = arith.divf %div3A_679, %add3A_665 : vector<16xf32>
      %swap3A_681 = arith.constant 32 : index
      %swap3A_682 = tpu.vector_load %arg11[%swap3A_681] {strides = array<i32>} : memref<256xf32, #tpu.memory_space<vmem>>, vector<16xf32>,
      tpu.vector_store %arg11[%swap3A_681], %div3A_680 {strides = array<i32>} : memref<256xf32, #tpu.memory_space<vmem>>, vector<16xf32>,
      %max3A_683 = arith.constant 1.000000e+00 : f32
      %max3A_684 = vector.broadcast %max3A_683 : f32 to vector<16xf32>
      %max3A_685 = arith.maximumf %add3A_662, %max3A_684 : vector<16xf32>
      %div3A_686 = arith.constant 1.000000e-01 : f32
      %div3A_687 = vector.broadcast %div3A_686 : f32 to vector<16xf32>
      %div3A_688 = arith.divf %div3A_687, %max3A_685 : vector<16xf32>
      %swap3A_689 = arith.constant 96 : index
      %swap3A_690 = tpu.vector_load %arg11[%swap3A_689] {strides = array<i32>} : memref<256xf32, #tpu.memory_space<vmem>>, vector<16xf32>,
      tpu.vector_store %arg11[%swap3A_689], %div3A_688 {strides = array<i32>} : memref<256xf32, #tpu.memory_space<vmem>>, vector<16xf32>,
      %bitcast_convert_type3A_691 = tpu.bitcast %add3A_668 : vector<16xf32> -> vector<16xi32>
      %shift_right_arithmetic3A_692 = arith.constant 23 : i32
      %shift_right_arithmetic3A_693 = vector.broadcast %shift_right_arithmetic3A_692 : i32 to vector<16xi32>
      %shift_right_arithmetic3A_694 = arith.shrsi %bitcast_convert_type3A_691, %shift_right_arithmetic3A_693 : vector<16xi32>
      %sub3A_695 = arith.constant 127 : i32
      %sub3A_696 = vector.broadcast %sub3A_695 : i32 to vector<16xi32>
      %sub3A_697 = arith.subi %shift_right_arithmetic3A_694, %sub3A_696 : vector<16xi32>
      %and3A_698 = arith.constant 8388607 : i32
      %and3A_699 = vector.broadcast %and3A_698 : i32 to vector<16xi32>
      %and3A_700 = arith.andi %bitcast_convert_type3A_691, %and3A_699 : vector<16xi32>
      %or3A_701 = arith.constant 1065353216 : i32
      %or3A_702 = vector.broadcast %or3A_701 : i32 to vector<16xi32>
      %or3A_703 = arith.ori %and3A_700, %or3A_702 : vector<16xi32>
      %bitcast_convert_type3A_704 = tpu.bitcast %or3A_703 : vector<16xi32> -> vector<16xf32>
      %ge3A_705 = arith.constant 1.41421354 : f32
      %ge3A_706 = vector.broadcast %ge3A_705 : f32 to vector<16xf32>
      %ge3A_707 = arith.cmpf oge, %bitcast_convert_type3A_704, %ge3A_706 : vector<16xf32>
      %mul3A_708 = arith.constant 5.000000e-01 : f32
      %mul3A_709 = vector.broadcast %mul3A_708 : f32 to vector<16xf32>
      %mul3A_710 = arith.mulf %bitcast_convert_type3A_704, %mul3A_709 : vector<16xf32>
      %select_n3A_711 = arith.select %ge3A_707, %mul3A_710, %bitcast_convert_type3A_704 : vector<16xi1>, vector<16xf32>
      %add3A_712 = arith.constant 1 : i32
      %add3A_713 = vector.broadcast %add3A_712 : i32 to vector<16xi32>
      %add3A_714 = arith.addi %sub3A_697, %add3A_713 : vector<16xi32>
      %select_n3A_715 = arith.select %ge3A_707, %add3A_714, %sub3A_697 : vector<16xi1>, vector<16xi32>
      %sub3A_716 = arith.constant 1.000000e+00 : f32
      %sub3A_717 = vector.broadcast %sub3A_716 : f32 to vector<16xf32>
      %sub3A_718 = arith.subf %select_n3A_711, %sub3A_717 : vector<16xf32>
      %add3A_719 = arith.constant 2.000000e+00 : f32
      %add3A_720 = vector.broadcast %add3A_719 : f32 to vector<16xf32>
      %add3A_721 = arith.addf %add3A_720, %sub3A_718 : vector<16xf32>
      %div3A_722 = arith.divf %sub3A_718, %add3A_721 : vector<16xf32>
      %mul3A_723 = arith.mulf %div3A_722, %div3A_722 : vector<16xf32>
      %mul3A_724 = arith.constant 0.222221985 : f32
      %mul3A_725 = vector.broadcast %mul3A_724 : f32 to vector<16xf32>
      %mul3A_726 = arith.mulf %mul3A_723, %mul3A_725 : vector<16xf32>
      %add3A_727 = arith.constant 0.285714298 : f32
      %add3A_728 = vector.broadcast %add3A_727 : f32 to vector<16xf32>
      %add3A_729 = arith.addf %add3A_728, %mul3A_726 : vector<16xf32>
      %mul3A_730 = arith.mulf %mul3A_723, %add3A_729 : vector<16xf32>
      %add3A_731 = arith.constant 4.000000e-01 : f32
      %add3A_732 = vector.broadcast %add3A_731 : f32 to vector<16xf32>
      %add3A_733 = arith.addf %add3A_732, %mul3A_730 : vector<16xf32>
      %mul3A_734 = arith.mulf %mul3A_723, %add3A_733 : vector<16xf32>
      %add3A_735 = arith.constant 0.666666686 : f32
      %add3A_736 = vector.broadcast %add3A_735 : f32 to vector<16xf32>
      %add3A_737 = arith.addf %add3A_736, %mul3A_734 : vector<16xf32>
      %mul3A_738 = arith.mulf %mul3A_723, %add3A_737 : vector<16xf32>
      %convert_element_type3A_739 = arith.sitofp %select_n3A_715 : vector<16xi32> to vector<16xf32>
      %mul3A_740 = arith.constant 0.693147182 : f32
      %mul3A_741 = vector.broadcast %mul3A_740 : f32 to vector<16xf32>
      %mul3A_742 = arith.mulf %convert_element_type3A_739, %mul3A_741 : vector<16xf32>
      %mul3A_743 = arith.constant 2.000000e+00 : f32
      %mul3A_744 = vector.broadcast %mul3A_743 : f32 to vector<16xf32>
      %mul3A_745 = arith.mulf %mul3A_744, %div3A_722 : vector<16xf32>
      %mul3A_746 = arith.mulf %div3A_722, %mul3A_738 : vector<16xf32>
      %add3A_747 = arith.addf %mul3A_745, %mul3A_746 : vector<16xf32>
      %add3A_748 = arith.addf %mul3A_742, %add3A_747 : vector<16xf32>
      %swap3A_749 = arith.constant 160 : index
      %swap3A_750 = tpu.vector_load %arg11[%swap3A_749] {strides = array<i32>} : memref<256xf32, #tpu.memory_space<vmem>>, vector<16xf32>,
      tpu.vector_store %arg11[%swap3A_749], %add3A_748 {strides = array<i32>} : memref<256xf32, #tpu.memory_space<vmem>>, vector<16xf32>,
      %swap3A_751 = arith.constant 224 : index
      %swap3A_752 = tpu.vector_load %arg11[%swap3A_751] {strides = array<i32>} : memref<256xf32, #tpu.memory_space<vmem>>, vector<16xf32>,
      tpu.vector_store %arg11[%swap3A_751], %select_n3A_676 {strides = array<i32>} : memref<256xf32, #tpu.memory_space<vmem>>, vector<16xf32>,
      %get3A_753 = arith.constant 48 : index
      %get3A_754 = tpu.vector_load %arg10[%get3A_753] {strides = array<i32>} : memref<3072xf32, #tpu.memory_space<vmem>>, vector<16xf32>,
      %add3A_755 = arith.addf %broadcast_in_dim3A_2, %get3A_754 : vector<16xf32>
      %get3A_756 = arith.constant 112 : index
      %get3A_757 = tpu.vector_load %arg10[%get3A_756] {strides = array<i32>} : memref<3072xf32, #tpu.memory_space<vmem>>, vector<16xf32>,
      %add3A_758 = arith.addf %broadcast_in_dim3A_2, %get3A_757 : vector<16xf32>
      %get3A_759 = arith.constant 176 : index
      %get3A_760 = tpu.vector_load %arg10[%get3A_759] {strides = array<i32>} : memref<3072xf32, #tpu.memory_space<vmem>>, vector<16xf32>,
      %add3A_761 = arith.addf %broadcast_in_dim3A_2, %get3A_760 : vector<16xf32>
      %get3A_762 = arith.constant 240 : index
      %get3A_763 = tpu.vector_load %arg10[%get3A_762] {strides = array<i32>} : memref<3072xf32, #tpu.memory_space<vmem>>, vector<16xf32>,
      %add3A_764 = arith.addf %add3A_755, %get3A_763 : vector<16xf32>
      %get3A_765 = arith.constant 304 : index
      %get3A_766 = tpu.vector_load %arg10[%get3A_765] {strides = array<i32>} : memref<3072xf32, #tpu.memory_space<vmem>>, vector<16xf32>,
      %add3A_767 = arith.addf %add3A_758, %get3A_766 : vector<16xf32>
      %get3A_768 = arith.constant 368 : index
      %get3A_769 = tpu.vector_load %arg10[%get3A_768] {strides = array<i32>} : memref<3072xf32, #tpu.memory_space<vmem>>, vector<16xf32>,
      %add3A_770 = arith.addf %add3A_761, %get3A_769 : vector<16xf32>
      %get3A_771 = arith.constant 432 : index
      %get3A_772 = tpu.vector_load %arg10[%get3A_771] {strides = array<i32>} : memref<3072xf32, #tpu.memory_space<vmem>>, vector<16xf32>,
      %add3A_773 = arith.addf %add3A_764, %get3A_772 : vector<16xf32>
      %get3A_774 = arith.constant 496 : index
      %get3A_775 = tpu.vector_load %arg10[%get3A_774] {strides = array<i32>} : memref<3072xf32, #tpu.memory_space<vmem>>, vector<16xf32>,
      %add3A_776 = arith.addf %add3A_767, %get3A_775 : vector<16xf32>
      %get3A_777 = arith.constant 560 : index
      %get3A_778 = tpu.vector_load %arg10[%get3A_777] {strides = array<i32>} : memref<3072xf32, #tpu.memory_space<vmem>>, vector<16xf32>,
      %add3A_779 = arith.addf %add3A_770, %get3A_778 : vector<16xf32>
      %get3A_780 = arith.constant 624 : index
      %get3A_781 = tpu.vector_load %arg10[%get3A_780] {strides = array<i32>} : memref<3072xf32, #tpu.memory_space<vmem>>, vector<16xf32>,
      %add3A_782 = arith.addf %add3A_773, %get3A_781 : vector<16xf32>
      %get3A_783 = arith.constant 688 : index
      %get3A_784 = tpu.vector_load %arg10[%get3A_783] {strides = array<i32>} : memref<3072xf32, #tpu.memory_space<vmem>>, vector<16xf32>,
      %add3A_785 = arith.addf %add3A_776, %get3A_784 : vector<16xf32>
      %get3A_786 = arith.constant 752 : index
      %get3A_787 = tpu.vector_load %arg10[%get3A_786] {strides = array<i32>} : memref<3072xf32, #tpu.memory_space<vmem>>, vector<16xf32>,
      %add3A_788 = arith.addf %add3A_779, %get3A_787 : vector<16xf32>
      %get3A_789 = arith.constant 816 : index
      %get3A_790 = tpu.vector_load %arg10[%get3A_789] {strides = array<i32>} : memref<3072xf32, #tpu.memory_space<vmem>>, vector<16xf32>,
      %add3A_791 = arith.addf %add3A_782, %get3A_790 : vector<16xf32>
      %get3A_792 = arith.constant 880 : index
      %get3A_793 = tpu.vector_load %arg10[%get3A_792] {strides = array<i32>} : memref<3072xf32, #tpu.memory_space<vmem>>, vector<16xf32>,
      %add3A_794 = arith.addf %add3A_785, %get3A_793 : vector<16xf32>
      %get3A_795 = arith.constant 944 : index
      %get3A_796 = tpu.vector_load %arg10[%get3A_795] {strides = array<i32>} : memref<3072xf32, #tpu.memory_space<vmem>>, vector<16xf32>,
      %add3A_797 = arith.addf %add3A_788, %get3A_796 : vector<16xf32>
      %get3A_798 = arith.constant 1008 : index
      %get3A_799 = tpu.vector_load %arg10[%get3A_798] {strides = array<i32>} : memref<3072xf32, #tpu.memory_space<vmem>>, vector<16xf32>,
      %add3A_800 = arith.addf %add3A_791, %get3A_799 : vector<16xf32>
      %get3A_801 = arith.constant 1072 : index
      %get3A_802 = tpu.vector_load %arg10[%get3A_801] {strides = array<i32>} : memref<3072xf32, #tpu.memory_space<vmem>>, vector<16xf32>,
      %add3A_803 = arith.addf %add3A_794, %get3A_802 : vector<16xf32>
      %get3A_804 = arith.constant 1136 : index
      %get3A_805 = tpu.vector_load %arg10[%get3A_804] {strides = array<i32>} : memref<3072xf32, #tpu.memory_space<vmem>>, vector<16xf32>,
      %add3A_806 = arith.addf %add3A_797, %get3A_805 : vector<16xf32>
      %get3A_807 = arith.constant 1200 : index
      %get3A_808 = tpu.vector_load %arg10[%get3A_807] {strides = array<i32>} : memref<3072xf32, #tpu.memory_space<vmem>>, vector<16xf32>,
      %add3A_809 = arith.addf %add3A_800, %get3A_808 : vector<16xf32>
      %get3A_810 = arith.constant 1264 : index
      %get3A_811 = tpu.vector_load %arg10[%get3A_810] {strides = array<i32>} : memref<3072xf32, #tpu.memory_space<vmem>>, vector<16xf32>,
      %add3A_812 = arith.addf %add3A_803, %get3A_811 : vector<16xf32>
      %get3A_813 = arith.constant 1328 : index
      %get3A_814 = tpu.vector_load %arg10[%get3A_813] {strides = array<i32>} : memref<3072xf32, #tpu.memory_space<vmem>>, vector<16xf32>,
      %add3A_815 = arith.addf %add3A_806, %get3A_814 : vector<16xf32>
      %get3A_816 = arith.constant 1392 : index
      %get3A_817 = tpu.vector_load %arg10[%get3A_816] {strides = array<i32>} : memref<3072xf32, #tpu.memory_space<vmem>>, vector<16xf32>,
      %add3A_818 = arith.addf %add3A_809, %get3A_817 : vector<16xf32>
      %get3A_819 = arith.constant 1456 : index
      %get3A_820 = tpu.vector_load %arg10[%get3A_819] {strides = array<i32>} : memref<3072xf32, #tpu.memory_space<vmem>>, vector<16xf32>,
      %add3A_821 = arith.addf %add3A_812, %get3A_820 : vector<16xf32>
      %get3A_822 = arith.constant 1520 : index
      %get3A_823 = tpu.vector_load %arg10[%get3A_822] {strides = array<i32>} : memref<3072xf32, #tpu.memory_space<vmem>>, vector<16xf32>,
      %add3A_824 = arith.addf %add3A_815, %get3A_823 : vector<16xf32>
      %get3A_825 = arith.constant 1584 : index
      %get3A_826 = tpu.vector_load %arg10[%get3A_825] {strides = array<i32>} : memref<3072xf32, #tpu.memory_space<vmem>>, vector<16xf32>,
      %add3A_827 = arith.addf %add3A_818, %get3A_826 : vector<16xf32>
      %get3A_828 = arith.constant 1648 : index
      %get3A_829 = tpu.vector_load %arg10[%get3A_828] {strides = array<i32>} : memref<3072xf32, #tpu.memory_space<vmem>>, vector<16xf32>,
      %add3A_830 = arith.addf %add3A_821, %get3A_829 : vector<16xf32>
      %get3A_831 = arith.constant 1712 : index
      %get3A_832 = tpu.vector_load %arg10[%get3A_831] {strides = array<i32>} : memref<3072xf32, #tpu.memory_space<vmem>>, vector<16xf32>,
      %add3A_833 = arith.addf %add3A_824, %get3A_832 : vector<16xf32>
      %get3A_834 = arith.constant 1776 : index
      %get3A_835 = tpu.vector_load %arg10[%get3A_834] {strides = array<i32>} : memref<3072xf32, #tpu.memory_space<vmem>>, vector<16xf32>,
      %add3A_836 = arith.addf %add3A_827, %get3A_835 : vector<16xf32>
      %get3A_837 = arith.constant 1840 : index
      %get3A_838 = tpu.vector_load %arg10[%get3A_837] {strides = array<i32>} : memref<3072xf32, #tpu.memory_space<vmem>>, vector<16xf32>,
      %add3A_839 = arith.addf %add3A_830, %get3A_838 : vector<16xf32>
      %get3A_840 = arith.constant 1904 : index
      %get3A_841 = tpu.vector_load %arg10[%get3A_840] {strides = array<i32>} : memref<3072xf32, #tpu.memory_space<vmem>>, vector<16xf32>,
      %add3A_842 = arith.addf %add3A_833, %get3A_841 : vector<16xf32>
      %get3A_843 = arith.constant 1968 : index
      %get3A_844 = tpu.vector_load %arg10[%get3A_843] {strides = array<i32>} : memref<3072xf32, #tpu.memory_space<vmem>>, vector<16xf32>,
      %add3A_845 = arith.addf %add3A_836, %get3A_844 : vector<16xf32>
      %get3A_846 = arith.constant 2032 : index
      %get3A_847 = tpu.vector_load %arg10[%get3A_846] {strides = array<i32>} : memref<3072xf32, #tpu.memory_space<vmem>>, vector<16xf32>,
      %add3A_848 = arith.addf %add3A_839, %get3A_847 : vector<16xf32>
      %get3A_849 = arith.constant 2096 : index
      %get3A_850 = tpu.vector_load %arg10[%get3A_849] {strides = array<i32>} : memref<3072xf32, #tpu.memory_space<vmem>>, vector<16xf32>,
      %add3A_851 = arith.addf %add3A_842, %get3A_850 : vector<16xf32>
      %get3A_852 = arith.constant 2160 : index
      %get3A_853 = tpu.vector_load %arg10[%get3A_852] {strides = array<i32>} : memref<3072xf32, #tpu.memory_space<vmem>>, vector<16xf32>,
      %add3A_854 = arith.addf %add3A_845, %get3A_853 : vector<16xf32>
      %get3A_855 = arith.constant 2224 : index
      %get3A_856 = tpu.vector_load %arg10[%get3A_855] {strides = array<i32>} : memref<3072xf32, #tpu.memory_space<vmem>>, vector<16xf32>,
      %add3A_857 = arith.addf %add3A_848, %get3A_856 : vector<16xf32>
      %get3A_858 = arith.constant 2288 : index
      %get3A_859 = tpu.vector_load %arg10[%get3A_858] {strides = array<i32>} : memref<3072xf32, #tpu.memory_space<vmem>>, vector<16xf32>,
      %add3A_860 = arith.addf %add3A_851, %get3A_859 : vector<16xf32>
      %get3A_861 = arith.constant 2352 : index
      %get3A_862 = tpu.vector_load %arg10[%get3A_861] {strides = array<i32>} : memref<3072xf32, #tpu.memory_space<vmem>>, vector<16xf32>,
      %add3A_863 = arith.addf %add3A_854, %get3A_862 : vector<16xf32>
      %get3A_864 = arith.constant 2416 : index
      %get3A_865 = tpu.vector_load %arg10[%get3A_864] {strides = array<i32>} : memref<3072xf32, #tpu.memory_space<vmem>>, vector<16xf32>,
      %add3A_866 = arith.addf %add3A_857, %get3A_865 : vector<16xf32>
      %get3A_867 = arith.constant 2480 : index
      %get3A_868 = tpu.vector_load %arg10[%get3A_867] {strides = array<i32>} : memref<3072xf32, #tpu.memory_space<vmem>>, vector<16xf32>,
      %add3A_869 = arith.addf %add3A_860, %get3A_868 : vector<16xf32>
      %get3A_870 = arith.constant 2544 : index
      %get3A_871 = tpu.vector_load %arg10[%get3A_870] {strides = array<i32>} : memref<3072xf32, #tpu.memory_space<vmem>>, vector<16xf32>,
      %add3A_872 = arith.addf %add3A_863, %get3A_871 : vector<16xf32>
      %get3A_873 = arith.constant 2608 : index
      %get3A_874 = tpu.vector_load %arg10[%get3A_873] {strides = array<i32>} : memref<3072xf32, #tpu.memory_space<vmem>>, vector<16xf32>,
      %add3A_875 = arith.addf %add3A_866, %get3A_874 : vector<16xf32>
      %get3A_876 = arith.constant 2672 : index
      %get3A_877 = tpu.vector_load %arg10[%get3A_876] {strides = array<i32>} : memref<3072xf32, #tpu.memory_space<vmem>>, vector<16xf32>,
      %add3A_878 = arith.addf %add3A_869, %get3A_877 : vector<16xf32>
      %get3A_879 = arith.constant 2736 : index
      %get3A_880 = tpu.vector_load %arg10[%get3A_879] {strides = array<i32>} : memref<3072xf32, #tpu.memory_space<vmem>>, vector<16xf32>,
      %add3A_881 = arith.addf %add3A_872, %get3A_880 : vector<16xf32>
      %get3A_882 = arith.constant 2800 : index
      %get3A_883 = tpu.vector_load %arg10[%get3A_882] {strides = array<i32>} : memref<3072xf32, #tpu.memory_space<vmem>>, vector<16xf32>,
      %add3A_884 = arith.addf %add3A_875, %get3A_883 : vector<16xf32>
      %get3A_885 = arith.constant 2864 : index
      %get3A_886 = tpu.vector_load %arg10[%get3A_885] {strides = array<i32>} : memref<3072xf32, #tpu.memory_space<vmem>>, vector<16xf32>,
      %add3A_887 = arith.addf %add3A_878, %get3A_886 : vector<16xf32>
      %get3A_888 = arith.constant 2928 : index
      %get3A_889 = tpu.vector_load %arg10[%get3A_888] {strides = array<i32>} : memref<3072xf32, #tpu.memory_space<vmem>>, vector<16xf32>,
      %add3A_890 = arith.addf %add3A_881, %get3A_889 : vector<16xf32>
      %get3A_891 = arith.constant 2992 : index
      %get3A_892 = tpu.vector_load %arg10[%get3A_891] {strides = array<i32>} : memref<3072xf32, #tpu.memory_space<vmem>>, vector<16xf32>,
      %add3A_893 = arith.addf %add3A_884, %get3A_892 : vector<16xf32>
      %get3A_894 = arith.constant 3056 : index
      %get3A_895 = tpu.vector_load %arg10[%get3A_894] {strides = array<i32>} : memref<3072xf32, #tpu.memory_space<vmem>>, vector<16xf32>,
      %add3A_896 = arith.addf %add3A_887, %get3A_895 : vector<16xf32>
      %ge3A_897 = arith.constant 2.000000e+00 : f32
      %ge3A_898 = vector.broadcast %ge3A_897 : f32 to vector<16xf32>
      %ge3A_899 = arith.cmpf oge, %add3A_890, %ge3A_898 : vector<16xf32>
      %jit3A_900 = arith.constant 1.000000e+00 : f32
      %jit3A_901 = arith.constant 0.000000e+00 : f32
      %broadcast_in_dim3A_902 = vector.broadcast %jit3A_900 : f32 to vector<16xf32>
      %broadcast_in_dim3A_903 = vector.broadcast %jit3A_901 : f32 to vector<16xf32>
      %select_n3A_904 = arith.select %ge3A_899, %broadcast_in_dim3A_902, %broadcast_in_dim3A_903 : vector<16xi1>, vector<16xf32>
      %add3A_905 = arith.addf %add3A_677, %select_n3A_904 : vector<16xf32>
      %div3A_906 = arith.constant 0.899999976 : f32
      %div3A_907 = vector.broadcast %div3A_906 : f32 to vector<16xf32>
      %div3A_908 = arith.divf %div3A_907, %add3A_893 : vector<16xf32>
      %swap3A_909 = arith.constant 48 : index
      %swap3A_910 = tpu.vector_load %arg11[%swap3A_909] {strides = array<i32>} : memref<256xf32, #tpu.memory_space<vmem>>, vector<16xf32>,
      tpu.vector_store %arg11[%swap3A_909], %div3A_908 {strides = array<i32>} : memref<256xf32, #tpu.memory_space<vmem>>, vector<16xf32>,
      %max3A_911 = arith.constant 1.000000e+00 : f32
      %max3A_912 = vector.broadcast %max3A_911 : f32 to vector<16xf32>
      %max3A_913 = arith.maximumf %add3A_890, %max3A_912 : vector<16xf32>
      %div3A_914 = arith.constant 1.000000e-01 : f32
      %div3A_915 = vector.broadcast %div3A_914 : f32 to vector<16xf32>
      %div3A_916 = arith.divf %div3A_915, %max3A_913 : vector<16xf32>
      %swap3A_917 = arith.constant 112 : index
      %swap3A_918 = tpu.vector_load %arg11[%swap3A_917] {strides = array<i32>} : memref<256xf32, #tpu.memory_space<vmem>>, vector<16xf32>,
      tpu.vector_store %arg11[%swap3A_917], %div3A_916 {strides = array<i32>} : memref<256xf32, #tpu.memory_space<vmem>>, vector<16xf32>,
      %bitcast_convert_type3A_919 = tpu.bitcast %add3A_896 : vector<16xf32> -> vector<16xi32>
      %shift_right_arithmetic3A_920 = arith.constant 23 : i32
      %shift_right_arithmetic3A_921 = vector.broadcast %shift_right_arithmetic3A_920 : i32 to vector<16xi32>
      %shift_right_arithmetic3A_922 = arith.shrsi %bitcast_convert_type3A_919, %shift_right_arithmetic3A_921 : vector<16xi32>
      %sub3A_923 = arith.constant 127 : i32
      %sub3A_924 = vector.broadcast %sub3A_923 : i32 to vector<16xi32>
      %sub3A_925 = arith.subi %shift_right_arithmetic3A_922, %sub3A_924 : vector<16xi32>
      %and3A_926 = arith.constant 8388607 : i32
      %and3A_927 = vector.broadcast %and3A_926 : i32 to vector<16xi32>
      %and3A_928 = arith.andi %bitcast_convert_type3A_919, %and3A_927 : vector<16xi32>
      %or3A_929 = arith.constant 1065353216 : i32
      %or3A_930 = vector.broadcast %or3A_929 : i32 to vector<16xi32>
      %or3A_931 = arith.ori %and3A_928, %or3A_930 : vector<16xi32>
      %bitcast_convert_type3A_932 = tpu.bitcast %or3A_931 : vector<16xi32> -> vector<16xf32>
      %ge3A_933 = arith.constant 1.41421354 : f32
      %ge3A_934 = vector.broadcast %ge3A_933 : f32 to vector<16xf32>
      %ge3A_935 = arith.cmpf oge, %bitcast_convert_type3A_932, %ge3A_934 : vector<16xf32>
      %mul3A_936 = arith.constant 5.000000e-01 : f32
      %mul3A_937 = vector.broadcast %mul3A_936 : f32 to vector<16xf32>
      %mul3A_938 = arith.mulf %bitcast_convert_type3A_932, %mul3A_937 : vector<16xf32>
      %select_n3A_939 = arith.select %ge3A_935, %mul3A_938, %bitcast_convert_type3A_932 : vector<16xi1>, vector<16xf32>
      %add3A_940 = arith.constant 1 : i32
      %add3A_941 = vector.broadcast %add3A_940 : i32 to vector<16xi32>
      %add3A_942 = arith.addi %sub3A_925, %add3A_941 : vector<16xi32>
      %select_n3A_943 = arith.select %ge3A_935, %add3A_942, %sub3A_925 : vector<16xi1>, vector<16xi32>
      %sub3A_944 = arith.constant 1.000000e+00 : f32
      %sub3A_945 = vector.broadcast %sub3A_944 : f32 to vector<16xf32>
      %sub3A_946 = arith.subf %select_n3A_939, %sub3A_945 : vector<16xf32>
      %add3A_947 = arith.constant 2.000000e+00 : f32
      %add3A_948 = vector.broadcast %add3A_947 : f32 to vector<16xf32>
      %add3A_949 = arith.addf %add3A_948, %sub3A_946 : vector<16xf32>
      %div3A_950 = arith.divf %sub3A_946, %add3A_949 : vector<16xf32>
      %mul3A_951 = arith.mulf %div3A_950, %div3A_950 : vector<16xf32>
      %mul3A_952 = arith.constant 0.222221985 : f32
      %mul3A_953 = vector.broadcast %mul3A_952 : f32 to vector<16xf32>
      %mul3A_954 = arith.mulf %mul3A_951, %mul3A_953 : vector<16xf32>
      %add3A_955 = arith.constant 0.285714298 : f32
      %add3A_956 = vector.broadcast %add3A_955 : f32 to vector<16xf32>
      %add3A_957 = arith.addf %add3A_956, %mul3A_954 : vector<16xf32>
      %mul3A_958 = arith.mulf %mul3A_951, %add3A_957 : vector<16xf32>
      %add3A_959 = arith.constant 4.000000e-01 : f32
      %add3A_960 = vector.broadcast %add3A_959 : f32 to vector<16xf32>
      %add3A_961 = arith.addf %add3A_960, %mul3A_958 : vector<16xf32>
      %mul3A_962 = arith.mulf %mul3A_951, %add3A_961 : vector<16xf32>
      %add3A_963 = arith.constant 0.666666686 : f32
      %add3A_964 = vector.broadcast %add3A_963 : f32 to vector<16xf32>
      %add3A_965 = arith.addf %add3A_964, %mul3A_962 : vector<16xf32>
      %mul3A_966 = arith.mulf %mul3A_951, %add3A_965 : vector<16xf32>
      %convert_element_type3A_967 = arith.sitofp %select_n3A_943 : vector<16xi32> to vector<16xf32>
      %mul3A_968 = arith.constant 0.693147182 : f32
      %mul3A_969 = vector.broadcast %mul3A_968 : f32 to vector<16xf32>
      %mul3A_970 = arith.mulf %convert_element_type3A_967, %mul3A_969 : vector<16xf32>
      %mul3A_971 = arith.constant 2.000000e+00 : f32
      %mul3A_972 = vector.broadcast %mul3A_971 : f32 to vector<16xf32>
      %mul3A_973 = arith.mulf %mul3A_972, %div3A_950 : vector<16xf32>
      %mul3A_974 = arith.mulf %div3A_950, %mul3A_966 : vector<16xf32>
      %add3A_975 = arith.addf %mul3A_973, %mul3A_974 : vector<16xf32>
      %add3A_976 = arith.addf %mul3A_970, %add3A_975 : vector<16xf32>
      %swap3A_977 = arith.constant 176 : index
      %swap3A_978 = tpu.vector_load %arg11[%swap3A_977] {strides = array<i32>} : memref<256xf32, #tpu.memory_space<vmem>>, vector<16xf32>,
      tpu.vector_store %arg11[%swap3A_977], %add3A_976 {strides = array<i32>} : memref<256xf32, #tpu.memory_space<vmem>>, vector<16xf32>,
      %swap3A_979 = arith.constant 240 : index
      %swap3A_980 = tpu.vector_load %arg11[%swap3A_979] {strides = array<i32>} : memref<256xf32, #tpu.memory_space<vmem>>, vector<16xf32>,
      tpu.vector_store %arg11[%swap3A_979], %select_n3A_904 {strides = array<i32>} : memref<256xf32, #tpu.memory_space<vmem>>, vector<16xf32>,
      %swap3A_981 = arith.constant 16 : index
      %swap3A_982 = tpu.vector_load %arg13[%swap3A_981] {strides = array<i32>} : memref<32xf32, #tpu.memory_space<vmem>>, vector<16xf32>,
      tpu.vector_store %arg13[%swap3A_981], %add3A_905 {strides = array<i32>} : memref<32xf32, #tpu.memory_space<vmem>>, vector<16xf32>,
      %mul3A_983 = arith.constant 256 : i32
      %mul3A_984 = arith.muli %arg1, %mul3A_983 : i32
      "tpu.region"() ({
        %run_scoped3A = tpu.sem_alloc : memref<!tpu.dma_semaphore, #tpu.memory_space<semaphore_mem>>
        %dma_start3A = tpu.memref_slice %arg18[%mul3A_984] : memref<4096xf32, #tpu.memory_space<vmem_shared>> -> memref<256xf32, #tpu.memory_space<vmem_shared>>
        %dma_start3A_985 = tpu.memref_slice %arg18[%mul3A_984] : memref<4096xf32, #tpu.memory_space<vmem_shared>> -> memref<256xf32, #tpu.memory_space<vmem_shared>>
        tpu.enqueue_dma source(%arg11 : memref<256xf32, #tpu.memory_space<vmem>>) target(%dma_start3A_985 : memref<256xf32, #tpu.memory_space<vmem_shared>>) target_semaphore(%run_scoped3A : memref<!tpu.dma_semaphore, #tpu.memory_space<semaphore_mem>>)
        %dma_wait3A = tpu.memref_slice %arg18[%mul3A_984] : memref<4096xf32, #tpu.memory_space<vmem_shared>> -> memref<256xf32, #tpu.memory_space<vmem_shared>>
        %dma_wait3A_986 = tpu.memref_slice %arg18[%mul3A_984] : memref<4096xf32, #tpu.memory_space<vmem_shared>> -> memref<256xf32, #tpu.memory_space<vmem_shared>>
        tpu.wait_dma2 semaphore(%run_scoped3A : memref<!tpu.dma_semaphore, #tpu.memory_space<semaphore_mem>>) src(%arg11 : memref<256xf32, #tpu.memory_space<vmem>>) dst(%dma_wait3A_986 : memref<256xf32, #tpu.memory_space<vmem_shared>>)
        tpu.yield
      }) : () -> ()
    } else {
    }
    %barrier3A_7 = arith.constant 0 : index
    tpu.barrier barrier_id(%barrier3A_7)
    %convert_element_type3A_8 = arith.extui %eq3A_0 : i1 to i32
    %cond3A_9 = arith.constant 0 : i32
    %cond3A_10 = arith.cmpi ne, %convert_element_type3A_8, %cond3A_9 : i32
    scf.if %cond3A_10 {
      %get3A = arith.constant 0 : index
      %get3A_17 = tpu.vector_load %arg6[%get3A] {strides = array<i32>} : memref<1024xf32, #tpu.memory_space<vmem>>, vector<16xf32>,
      %slice3A = vector.extract_strided_slice %get3A_17 {offsets = [0], sizes = [1], strides = [1]} : vector<16xf32> to vector<1xf32>
      %squeeze3A = vector.extract %slice3A[0] : f32 from vector<1xf32>
      %convert_element_type3A_18 = arith.fptosi %squeeze3A : f32 to i32
      %jit3A = arith.constant 64 : i32
      %div3A = arith.divsi %convert_element_type3A_18, %jit3A : i32
      %sign3A = arith.constant 0 : i32
      %sign3A_19 = arith.cmpi sgt, %convert_element_type3A_18, %sign3A : i32
      %sign3A_20 = arith.extui %sign3A_19 : i1 to i32
      %sign3A_21 = arith.constant 0 : i32
      %sign3A_22 = arith.cmpi slt, %convert_element_type3A_18, %sign3A_21 : i32
      %sign3A_23 = arith.extui %sign3A_22 : i1 to i32
      %sign3A_24 = arith.subi %sign3A_20, %sign3A_23 : i32
      %sign3A_25 = arith.constant 0 : i32
      %sign3A_26 = arith.cmpi sgt, %jit3A, %sign3A_25 : i32
      %sign3A_27 = arith.extui %sign3A_26 : i1 to i32
      %sign3A_28 = arith.constant 0 : i32
      %sign3A_29 = arith.cmpi slt, %jit3A, %sign3A_28 : i32
      %sign3A_30 = arith.extui %sign3A_29 : i1 to i32
      %sign3A_31 = arith.subi %sign3A_27, %sign3A_30 : i32
      %ne3A = arith.cmpi ne, %sign3A_24, %sign3A_31 : i32
      %rem3A = arith.remsi %convert_element_type3A_18, %jit3A : i32
      %ne3A_32 = arith.constant 0 : i32
      %ne3A_33 = arith.cmpi ne, %rem3A, %ne3A_32 : i32
      %and3A_34 = arith.andi %ne3A, %ne3A_33 : i1
      %sub3A = arith.constant 1 : i32
      %sub3A_35 = arith.subi %div3A, %sub3A : i32
      %select_n3A = arith.select %and3A_34, %sub3A_35, %div3A : i32
      %get3A_36 = arith.constant 1008 : index
      %get3A_37 = tpu.vector_load %arg6[%get3A_36] {strides = array<i32>} : memref<1024xf32, #tpu.memory_space<vmem>>, vector<16xf32>,
      %slice3A_38 = vector.extract_strided_slice %get3A_37 {offsets = [15], sizes = [1], strides = [1]} : vector<16xf32> to vector<1xf32>
      %squeeze3A_39 = vector.extract %slice3A_38[0] : f32 from vector<1xf32>
      %convert_element_type3A_40 = arith.fptosi %squeeze3A_39 : f32 to i32
      %jit3A_41 = arith.constant 64 : i32
      %div3A_42 = arith.divsi %convert_element_type3A_40, %jit3A_41 : i32
      %sign3A_43 = arith.constant 0 : i32
      %sign3A_44 = arith.cmpi sgt, %convert_element_type3A_40, %sign3A_43 : i32
      %sign3A_45 = arith.extui %sign3A_44 : i1 to i32
      %sign3A_46 = arith.constant 0 : i32
      %sign3A_47 = arith.cmpi slt, %convert_element_type3A_40, %sign3A_46 : i32
      %sign3A_48 = arith.extui %sign3A_47 : i1 to i32
      %sign3A_49 = arith.subi %sign3A_45, %sign3A_48 : i32
      %sign3A_50 = arith.constant 0 : i32
      %sign3A_51 = arith.cmpi sgt, %jit3A_41, %sign3A_50 : i32
      %sign3A_52 = arith.extui %sign3A_51 : i1 to i32
      %sign3A_53 = arith.constant 0 : i32
      %sign3A_54 = arith.cmpi slt, %jit3A_41, %sign3A_53 : i32
      %sign3A_55 = arith.extui %sign3A_54 : i1 to i32
      %sign3A_56 = arith.subi %sign3A_52, %sign3A_55 : i32
      %ne3A_57 = arith.cmpi ne, %sign3A_49, %sign3A_56 : i32
      %rem3A_58 = arith.remsi %convert_element_type3A_40, %jit3A_41 : i32
      %ne3A_59 = arith.constant 0 : i32
      %ne3A_60 = arith.cmpi ne, %rem3A_58, %ne3A_59 : i32
      %and3A_61 = arith.andi %ne3A_57, %ne3A_60 : i1
      %sub3A_62 = arith.constant 1 : i32
      %sub3A_63 = arith.subi %div3A_42, %sub3A_62 : i32
      %select_n3A_64 = arith.select %and3A_61, %sub3A_63, %div3A_42 : i32
      %le3A = arith.constant 0 : i32
      %le3A_65 = arith.cmpi sle, %select_n3A, %le3A : i32
      %ge3A = arith.constant 0 : i32
      %ge3A_66 = arith.cmpi sge, %select_n3A_64, %ge3A : i32
      %and3A_67 = arith.andi %le3A_65, %ge3A_66 : i1
      %convert_element_type3A_68 = arith.extui %and3A_67 : i1 to i32
      %cond3A_69 = arith.constant 0 : i32
      %cond3A_70 = arith.cmpi ne, %convert_element_type3A_68, %cond3A_69 : i32
      scf.if %cond3A_70 {
        %sub3A_201 = arith.constant 0 : i32
        %sub3A_202 = arith.subi %sub3A_201, %select_n3A : i32
        %mul3A_203 = arith.constant 256 : i32
        %mul3A_204 = arith.muli %sub3A_202, %mul3A_203 : i32
        "tpu.region"() ({
          %run_scoped3A = tpu.sem_alloc : memref<!tpu.dma_semaphore, #tpu.memory_space<semaphore_mem>>
          %dma_start3A = tpu.memref_slice %arg12[%mul3A_204] : memref<4096xf32, #tpu.memory_space<vmem>> -> memref<256xf32, #tpu.memory_space<vmem>>
          %dma_start3A_205 = arith.constant 0 : i32
          %dma_start3A_206 = tpu.memref_slice %arg18[%dma_start3A_205] : memref<4096xf32, #tpu.memory_space<vmem_shared>> -> memref<256xf32, #tpu.memory_space<vmem_shared>>
          %dma_start3A_207 = tpu.memref_slice %arg12[%mul3A_204] : memref<4096xf32, #tpu.memory_space<vmem>> -> memref<256xf32, #tpu.memory_space<vmem>>
          %dma_start3A_208 = arith.constant 0 : i32
          %dma_start3A_209 = tpu.memref_slice %arg18[%dma_start3A_208] : memref<4096xf32, #tpu.memory_space<vmem_shared>> -> memref<256xf32, #tpu.memory_space<vmem_shared>>
          tpu.enqueue_dma source(%dma_start3A_209 : memref<256xf32, #tpu.memory_space<vmem_shared>>) target(%dma_start3A_207 : memref<256xf32, #tpu.memory_space<vmem>>) target_semaphore(%run_scoped3A : memref<!tpu.dma_semaphore, #tpu.memory_space<semaphore_mem>>)
          %dma_wait3A = tpu.memref_slice %arg12[%mul3A_204] : memref<4096xf32, #tpu.memory_space<vmem>> -> memref<256xf32, #tpu.memory_space<vmem>>
          %dma_wait3A_210 = arith.constant 0 : i32
          %dma_wait3A_211 = tpu.memref_slice %arg18[%dma_wait3A_210] : memref<4096xf32, #tpu.memory_space<vmem_shared>> -> memref<256xf32, #tpu.memory_space<vmem_shared>>
          %dma_wait3A_212 = tpu.memref_slice %arg12[%mul3A_204] : memref<4096xf32, #tpu.memory_space<vmem>> -> memref<256xf32, #tpu.memory_space<vmem>>
          %dma_wait3A_213 = arith.constant 0 : i32
          %dma_wait3A_214 = tpu.memref_slice %arg18[%dma_wait3A_213] : memref<4096xf32, #tpu.memory_space<vmem_shared>> -> memref<256xf32, #tpu.memory_space<vmem_shared>>
          tpu.wait_dma2 semaphore(%run_scoped3A : memref<!tpu.dma_semaphore, #tpu.memory_space<semaphore_mem>>) src(%dma_wait3A_214 : memref<256xf32, #tpu.memory_space<vmem_shared>>) dst(%dma_wait3A_212 : memref<256xf32, #tpu.memory_space<vmem>>)
          tpu.yield
        }) : () -> ()
      } else {
      }
      %le3A_71 = arith.constant 1 : i32
      %le3A_72 = arith.cmpi sle, %select_n3A, %le3A_71 : i32
      %ge3A_73 = arith.constant 1 : i32
      %ge3A_74 = arith.cmpi sge, %select_n3A_64, %ge3A_73 : i32
      %and3A_75 = arith.andi %le3A_72, %ge3A_74 : i1
      %convert_element_type3A_76 = arith.extui %and3A_75 : i1 to i32
      %cond3A_77 = arith.constant 0 : i32
      %cond3A_78 = arith.cmpi ne, %convert_element_type3A_76, %cond3A_77 : i32
      scf.if %cond3A_78 {
        %sub3A_201 = arith.constant 1 : i32
        %sub3A_202 = arith.subi %sub3A_201, %select_n3A : i32
        %mul3A_203 = arith.constant 256 : i32
        %mul3A_204 = arith.muli %sub3A_202, %mul3A_203 : i32
        "tpu.region"() ({
          %run_scoped3A = tpu.sem_alloc : memref<!tpu.dma_semaphore, #tpu.memory_space<semaphore_mem>>
          %dma_start3A = tpu.memref_slice %arg12[%mul3A_204] : memref<4096xf32, #tpu.memory_space<vmem>> -> memref<256xf32, #tpu.memory_space<vmem>>
          %dma_start3A_205 = arith.constant 256 : i32
          %dma_start3A_206 = tpu.memref_slice %arg18[%dma_start3A_205] : memref<4096xf32, #tpu.memory_space<vmem_shared>> -> memref<256xf32, #tpu.memory_space<vmem_shared>>
          %dma_start3A_207 = tpu.memref_slice %arg12[%mul3A_204] : memref<4096xf32, #tpu.memory_space<vmem>> -> memref<256xf32, #tpu.memory_space<vmem>>
          %dma_start3A_208 = arith.constant 256 : i32
          %dma_start3A_209 = tpu.memref_slice %arg18[%dma_start3A_208] : memref<4096xf32, #tpu.memory_space<vmem_shared>> -> memref<256xf32, #tpu.memory_space<vmem_shared>>
          tpu.enqueue_dma source(%dma_start3A_209 : memref<256xf32, #tpu.memory_space<vmem_shared>>) target(%dma_start3A_207 : memref<256xf32, #tpu.memory_space<vmem>>) target_semaphore(%run_scoped3A : memref<!tpu.dma_semaphore, #tpu.memory_space<semaphore_mem>>)
          %dma_wait3A = tpu.memref_slice %arg12[%mul3A_204] : memref<4096xf32, #tpu.memory_space<vmem>> -> memref<256xf32, #tpu.memory_space<vmem>>
          %dma_wait3A_210 = arith.constant 256 : i32
          %dma_wait3A_211 = tpu.memref_slice %arg18[%dma_wait3A_210] : memref<4096xf32, #tpu.memory_space<vmem_shared>> -> memref<256xf32, #tpu.memory_space<vmem_shared>>
          %dma_wait3A_212 = tpu.memref_slice %arg12[%mul3A_204] : memref<4096xf32, #tpu.memory_space<vmem>> -> memref<256xf32, #tpu.memory_space<vmem>>
          %dma_wait3A_213 = arith.constant 256 : i32
          %dma_wait3A_214 = tpu.memref_slice %arg18[%dma_wait3A_213] : memref<4096xf32, #tpu.memory_space<vmem_shared>> -> memref<256xf32, #tpu.memory_space<vmem_shared>>
          tpu.wait_dma2 semaphore(%run_scoped3A : memref<!tpu.dma_semaphore, #tpu.memory_space<semaphore_mem>>) src(%dma_wait3A_214 : memref<256xf32, #tpu.memory_space<vmem_shared>>) dst(%dma_wait3A_212 : memref<256xf32, #tpu.memory_space<vmem>>)
          tpu.yield
        }) : () -> ()
      } else {
      }
      %le3A_79 = arith.constant 2 : i32
      %le3A_80 = arith.cmpi sle, %select_n3A, %le3A_79 : i32
      %ge3A_81 = arith.constant 2 : i32
      %ge3A_82 = arith.cmpi sge, %select_n3A_64, %ge3A_81 : i32
      %and3A_83 = arith.andi %le3A_80, %ge3A_82 : i1
      %convert_element_type3A_84 = arith.extui %and3A_83 : i1 to i32
      %cond3A_85 = arith.constant 0 : i32
      %cond3A_86 = arith.cmpi ne, %convert_element_type3A_84, %cond3A_85 : i32
      scf.if %cond3A_86 {
        %sub3A_201 = arith.constant 2 : i32
        %sub3A_202 = arith.subi %sub3A_201, %select_n3A : i32
        %mul3A_203 = arith.constant 256 : i32
        %mul3A_204 = arith.muli %sub3A_202, %mul3A_203 : i32
        "tpu.region"() ({
          %run_scoped3A = tpu.sem_alloc : memref<!tpu.dma_semaphore, #tpu.memory_space<semaphore_mem>>
          %dma_start3A = tpu.memref_slice %arg12[%mul3A_204] : memref<4096xf32, #tpu.memory_space<vmem>> -> memref<256xf32, #tpu.memory_space<vmem>>
          %dma_start3A_205 = arith.constant 512 : i32
          %dma_start3A_206 = tpu.memref_slice %arg18[%dma_start3A_205] : memref<4096xf32, #tpu.memory_space<vmem_shared>> -> memref<256xf32, #tpu.memory_space<vmem_shared>>
          %dma_start3A_207 = tpu.memref_slice %arg12[%mul3A_204] : memref<4096xf32, #tpu.memory_space<vmem>> -> memref<256xf32, #tpu.memory_space<vmem>>
          %dma_start3A_208 = arith.constant 512 : i32
          %dma_start3A_209 = tpu.memref_slice %arg18[%dma_start3A_208] : memref<4096xf32, #tpu.memory_space<vmem_shared>> -> memref<256xf32, #tpu.memory_space<vmem_shared>>
          tpu.enqueue_dma source(%dma_start3A_209 : memref<256xf32, #tpu.memory_space<vmem_shared>>) target(%dma_start3A_207 : memref<256xf32, #tpu.memory_space<vmem>>) target_semaphore(%run_scoped3A : memref<!tpu.dma_semaphore, #tpu.memory_space<semaphore_mem>>)
          %dma_wait3A = tpu.memref_slice %arg12[%mul3A_204] : memref<4096xf32, #tpu.memory_space<vmem>> -> memref<256xf32, #tpu.memory_space<vmem>>
          %dma_wait3A_210 = arith.constant 512 : i32
          %dma_wait3A_211 = tpu.memref_slice %arg18[%dma_wait3A_210] : memref<4096xf32, #tpu.memory_space<vmem_shared>> -> memref<256xf32, #tpu.memory_space<vmem_shared>>
          %dma_wait3A_212 = tpu.memref_slice %arg12[%mul3A_204] : memref<4096xf32, #tpu.memory_space<vmem>> -> memref<256xf32, #tpu.memory_space<vmem>>
          %dma_wait3A_213 = arith.constant 512 : i32
          %dma_wait3A_214 = tpu.memref_slice %arg18[%dma_wait3A_213] : memref<4096xf32, #tpu.memory_space<vmem_shared>> -> memref<256xf32, #tpu.memory_space<vmem_shared>>
          tpu.wait_dma2 semaphore(%run_scoped3A : memref<!tpu.dma_semaphore, #tpu.memory_space<semaphore_mem>>) src(%dma_wait3A_214 : memref<256xf32, #tpu.memory_space<vmem_shared>>) dst(%dma_wait3A_212 : memref<256xf32, #tpu.memory_space<vmem>>)
          tpu.yield
        }) : () -> ()
      } else {
      }
      %le3A_87 = arith.constant 3 : i32
      %le3A_88 = arith.cmpi sle, %select_n3A, %le3A_87 : i32
      %ge3A_89 = arith.constant 3 : i32
      %ge3A_90 = arith.cmpi sge, %select_n3A_64, %ge3A_89 : i32
      %and3A_91 = arith.andi %le3A_88, %ge3A_90 : i1
      %convert_element_type3A_92 = arith.extui %and3A_91 : i1 to i32
      %cond3A_93 = arith.constant 0 : i32
      %cond3A_94 = arith.cmpi ne, %convert_element_type3A_92, %cond3A_93 : i32
      scf.if %cond3A_94 {
        %sub3A_201 = arith.constant 3 : i32
        %sub3A_202 = arith.subi %sub3A_201, %select_n3A : i32
        %mul3A_203 = arith.constant 256 : i32
        %mul3A_204 = arith.muli %sub3A_202, %mul3A_203 : i32
        "tpu.region"() ({
          %run_scoped3A = tpu.sem_alloc : memref<!tpu.dma_semaphore, #tpu.memory_space<semaphore_mem>>
          %dma_start3A = tpu.memref_slice %arg12[%mul3A_204] : memref<4096xf32, #tpu.memory_space<vmem>> -> memref<256xf32, #tpu.memory_space<vmem>>
          %dma_start3A_205 = arith.constant 768 : i32
          %dma_start3A_206 = tpu.memref_slice %arg18[%dma_start3A_205] : memref<4096xf32, #tpu.memory_space<vmem_shared>> -> memref<256xf32, #tpu.memory_space<vmem_shared>>
          %dma_start3A_207 = tpu.memref_slice %arg12[%mul3A_204] : memref<4096xf32, #tpu.memory_space<vmem>> -> memref<256xf32, #tpu.memory_space<vmem>>
          %dma_start3A_208 = arith.constant 768 : i32
          %dma_start3A_209 = tpu.memref_slice %arg18[%dma_start3A_208] : memref<4096xf32, #tpu.memory_space<vmem_shared>> -> memref<256xf32, #tpu.memory_space<vmem_shared>>
          tpu.enqueue_dma source(%dma_start3A_209 : memref<256xf32, #tpu.memory_space<vmem_shared>>) target(%dma_start3A_207 : memref<256xf32, #tpu.memory_space<vmem>>) target_semaphore(%run_scoped3A : memref<!tpu.dma_semaphore, #tpu.memory_space<semaphore_mem>>)
          %dma_wait3A = tpu.memref_slice %arg12[%mul3A_204] : memref<4096xf32, #tpu.memory_space<vmem>> -> memref<256xf32, #tpu.memory_space<vmem>>
          %dma_wait3A_210 = arith.constant 768 : i32
          %dma_wait3A_211 = tpu.memref_slice %arg18[%dma_wait3A_210] : memref<4096xf32, #tpu.memory_space<vmem_shared>> -> memref<256xf32, #tpu.memory_space<vmem_shared>>
          %dma_wait3A_212 = tpu.memref_slice %arg12[%mul3A_204] : memref<4096xf32, #tpu.memory_space<vmem>> -> memref<256xf32, #tpu.memory_space<vmem>>
          %dma_wait3A_213 = arith.constant 768 : i32
          %dma_wait3A_214 = tpu.memref_slice %arg18[%dma_wait3A_213] : memref<4096xf32, #tpu.memory_space<vmem_shared>> -> memref<256xf32, #tpu.memory_space<vmem_shared>>
          tpu.wait_dma2 semaphore(%run_scoped3A : memref<!tpu.dma_semaphore, #tpu.memory_space<semaphore_mem>>) src(%dma_wait3A_214 : memref<256xf32, #tpu.memory_space<vmem_shared>>) dst(%dma_wait3A_212 : memref<256xf32, #tpu.memory_space<vmem>>)
          tpu.yield
        }) : () -> ()
      } else {
      }
      %le3A_95 = arith.constant 4 : i32
      %le3A_96 = arith.cmpi sle, %select_n3A, %le3A_95 : i32
      %ge3A_97 = arith.constant 4 : i32
      %ge3A_98 = arith.cmpi sge, %select_n3A_64, %ge3A_97 : i32
      %and3A_99 = arith.andi %le3A_96, %ge3A_98 : i1
      %convert_element_type3A_100 = arith.extui %and3A_99 : i1 to i32
      %cond3A_101 = arith.constant 0 : i32
      %cond3A_102 = arith.cmpi ne, %convert_element_type3A_100, %cond3A_101 : i32
      scf.if %cond3A_102 {
        %sub3A_201 = arith.constant 4 : i32
        %sub3A_202 = arith.subi %sub3A_201, %select_n3A : i32
        %mul3A_203 = arith.constant 256 : i32
        %mul3A_204 = arith.muli %sub3A_202, %mul3A_203 : i32
        "tpu.region"() ({
          %run_scoped3A = tpu.sem_alloc : memref<!tpu.dma_semaphore, #tpu.memory_space<semaphore_mem>>
          %dma_start3A = tpu.memref_slice %arg12[%mul3A_204] : memref<4096xf32, #tpu.memory_space<vmem>> -> memref<256xf32, #tpu.memory_space<vmem>>
          %dma_start3A_205 = arith.constant 1024 : i32
          %dma_start3A_206 = tpu.memref_slice %arg18[%dma_start3A_205] : memref<4096xf32, #tpu.memory_space<vmem_shared>> -> memref<256xf32, #tpu.memory_space<vmem_shared>>
          %dma_start3A_207 = tpu.memref_slice %arg12[%mul3A_204] : memref<4096xf32, #tpu.memory_space<vmem>> -> memref<256xf32, #tpu.memory_space<vmem>>
          %dma_start3A_208 = arith.constant 1024 : i32
          %dma_start3A_209 = tpu.memref_slice %arg18[%dma_start3A_208] : memref<4096xf32, #tpu.memory_space<vmem_shared>> -> memref<256xf32, #tpu.memory_space<vmem_shared>>
          tpu.enqueue_dma source(%dma_start3A_209 : memref<256xf32, #tpu.memory_space<vmem_shared>>) target(%dma_start3A_207 : memref<256xf32, #tpu.memory_space<vmem>>) target_semaphore(%run_scoped3A : memref<!tpu.dma_semaphore, #tpu.memory_space<semaphore_mem>>)
          %dma_wait3A = tpu.memref_slice %arg12[%mul3A_204] : memref<4096xf32, #tpu.memory_space<vmem>> -> memref<256xf32, #tpu.memory_space<vmem>>
          %dma_wait3A_210 = arith.constant 1024 : i32
          %dma_wait3A_211 = tpu.memref_slice %arg18[%dma_wait3A_210] : memref<4096xf32, #tpu.memory_space<vmem_shared>> -> memref<256xf32, #tpu.memory_space<vmem_shared>>
          %dma_wait3A_212 = tpu.memref_slice %arg12[%mul3A_204] : memref<4096xf32, #tpu.memory_space<vmem>> -> memref<256xf32, #tpu.memory_space<vmem>>
          %dma_wait3A_213 = arith.constant 1024 : i32
          %dma_wait3A_214 = tpu.memref_slice %arg18[%dma_wait3A_213] : memref<4096xf32, #tpu.memory_space<vmem_shared>> -> memref<256xf32, #tpu.memory_space<vmem_shared>>
          tpu.wait_dma2 semaphore(%run_scoped3A : memref<!tpu.dma_semaphore, #tpu.memory_space<semaphore_mem>>) src(%dma_wait3A_214 : memref<256xf32, #tpu.memory_space<vmem_shared>>) dst(%dma_wait3A_212 : memref<256xf32, #tpu.memory_space<vmem>>)
          tpu.yield
        }) : () -> ()
      } else {
      }
      %le3A_103 = arith.constant 5 : i32
      %le3A_104 = arith.cmpi sle, %select_n3A, %le3A_103 : i32
      %ge3A_105 = arith.constant 5 : i32
      %ge3A_106 = arith.cmpi sge, %select_n3A_64, %ge3A_105 : i32
      %and3A_107 = arith.andi %le3A_104, %ge3A_106 : i1
      %convert_element_type3A_108 = arith.extui %and3A_107 : i1 to i32
      %cond3A_109 = arith.constant 0 : i32
      %cond3A_110 = arith.cmpi ne, %convert_element_type3A_108, %cond3A_109 : i32
      scf.if %cond3A_110 {
        %sub3A_201 = arith.constant 5 : i32
        %sub3A_202 = arith.subi %sub3A_201, %select_n3A : i32
        %mul3A_203 = arith.constant 256 : i32
        %mul3A_204 = arith.muli %sub3A_202, %mul3A_203 : i32
        "tpu.region"() ({
          %run_scoped3A = tpu.sem_alloc : memref<!tpu.dma_semaphore, #tpu.memory_space<semaphore_mem>>
          %dma_start3A = tpu.memref_slice %arg12[%mul3A_204] : memref<4096xf32, #tpu.memory_space<vmem>> -> memref<256xf32, #tpu.memory_space<vmem>>
          %dma_start3A_205 = arith.constant 1280 : i32
          %dma_start3A_206 = tpu.memref_slice %arg18[%dma_start3A_205] : memref<4096xf32, #tpu.memory_space<vmem_shared>> -> memref<256xf32, #tpu.memory_space<vmem_shared>>
          %dma_start3A_207 = tpu.memref_slice %arg12[%mul3A_204] : memref<4096xf32, #tpu.memory_space<vmem>> -> memref<256xf32, #tpu.memory_space<vmem>>
          %dma_start3A_208 = arith.constant 1280 : i32
          %dma_start3A_209 = tpu.memref_slice %arg18[%dma_start3A_208] : memref<4096xf32, #tpu.memory_space<vmem_shared>> -> memref<256xf32, #tpu.memory_space<vmem_shared>>
          tpu.enqueue_dma source(%dma_start3A_209 : memref<256xf32, #tpu.memory_space<vmem_shared>>) target(%dma_start3A_207 : memref<256xf32, #tpu.memory_space<vmem>>) target_semaphore(%run_scoped3A : memref<!tpu.dma_semaphore, #tpu.memory_space<semaphore_mem>>)
          %dma_wait3A = tpu.memref_slice %arg12[%mul3A_204] : memref<4096xf32, #tpu.memory_space<vmem>> -> memref<256xf32, #tpu.memory_space<vmem>>
          %dma_wait3A_210 = arith.constant 1280 : i32
          %dma_wait3A_211 = tpu.memref_slice %arg18[%dma_wait3A_210] : memref<4096xf32, #tpu.memory_space<vmem_shared>> -> memref<256xf32, #tpu.memory_space<vmem_shared>>
          %dma_wait3A_212 = tpu.memref_slice %arg12[%mul3A_204] : memref<4096xf32, #tpu.memory_space<vmem>> -> memref<256xf32, #tpu.memory_space<vmem>>
          %dma_wait3A_213 = arith.constant 1280 : i32
          %dma_wait3A_214 = tpu.memref_slice %arg18[%dma_wait3A_213] : memref<4096xf32, #tpu.memory_space<vmem_shared>> -> memref<256xf32, #tpu.memory_space<vmem_shared>>
          tpu.wait_dma2 semaphore(%run_scoped3A : memref<!tpu.dma_semaphore, #tpu.memory_space<semaphore_mem>>) src(%dma_wait3A_214 : memref<256xf32, #tpu.memory_space<vmem_shared>>) dst(%dma_wait3A_212 : memref<256xf32, #tpu.memory_space<vmem>>)
          tpu.yield
        }) : () -> ()
      } else {
      }
      %le3A_111 = arith.constant 6 : i32
      %le3A_112 = arith.cmpi sle, %select_n3A, %le3A_111 : i32
      %ge3A_113 = arith.constant 6 : i32
      %ge3A_114 = arith.cmpi sge, %select_n3A_64, %ge3A_113 : i32
      %and3A_115 = arith.andi %le3A_112, %ge3A_114 : i1
      %convert_element_type3A_116 = arith.extui %and3A_115 : i1 to i32
      %cond3A_117 = arith.constant 0 : i32
      %cond3A_118 = arith.cmpi ne, %convert_element_type3A_116, %cond3A_117 : i32
      scf.if %cond3A_118 {
        %sub3A_201 = arith.constant 6 : i32
        %sub3A_202 = arith.subi %sub3A_201, %select_n3A : i32
        %mul3A_203 = arith.constant 256 : i32
        %mul3A_204 = arith.muli %sub3A_202, %mul3A_203 : i32
        "tpu.region"() ({
          %run_scoped3A = tpu.sem_alloc : memref<!tpu.dma_semaphore, #tpu.memory_space<semaphore_mem>>
          %dma_start3A = tpu.memref_slice %arg12[%mul3A_204] : memref<4096xf32, #tpu.memory_space<vmem>> -> memref<256xf32, #tpu.memory_space<vmem>>
          %dma_start3A_205 = arith.constant 1536 : i32
          %dma_start3A_206 = tpu.memref_slice %arg18[%dma_start3A_205] : memref<4096xf32, #tpu.memory_space<vmem_shared>> -> memref<256xf32, #tpu.memory_space<vmem_shared>>
          %dma_start3A_207 = tpu.memref_slice %arg12[%mul3A_204] : memref<4096xf32, #tpu.memory_space<vmem>> -> memref<256xf32, #tpu.memory_space<vmem>>
          %dma_start3A_208 = arith.constant 1536 : i32
          %dma_start3A_209 = tpu.memref_slice %arg18[%dma_start3A_208] : memref<4096xf32, #tpu.memory_space<vmem_shared>> -> memref<256xf32, #tpu.memory_space<vmem_shared>>
          tpu.enqueue_dma source(%dma_start3A_209 : memref<256xf32, #tpu.memory_space<vmem_shared>>) target(%dma_start3A_207 : memref<256xf32, #tpu.memory_space<vmem>>) target_semaphore(%run_scoped3A : memref<!tpu.dma_semaphore, #tpu.memory_space<semaphore_mem>>)
          %dma_wait3A = tpu.memref_slice %arg12[%mul3A_204] : memref<4096xf32, #tpu.memory_space<vmem>> -> memref<256xf32, #tpu.memory_space<vmem>>
          %dma_wait3A_210 = arith.constant 1536 : i32
          %dma_wait3A_211 = tpu.memref_slice %arg18[%dma_wait3A_210] : memref<4096xf32, #tpu.memory_space<vmem_shared>> -> memref<256xf32, #tpu.memory_space<vmem_shared>>
          %dma_wait3A_212 = tpu.memref_slice %arg12[%mul3A_204] : memref<4096xf32, #tpu.memory_space<vmem>> -> memref<256xf32, #tpu.memory_space<vmem>>
          %dma_wait3A_213 = arith.constant 1536 : i32
          %dma_wait3A_214 = tpu.memref_slice %arg18[%dma_wait3A_213] : memref<4096xf32, #tpu.memory_space<vmem_shared>> -> memref<256xf32, #tpu.memory_space<vmem_shared>>
          tpu.wait_dma2 semaphore(%run_scoped3A : memref<!tpu.dma_semaphore, #tpu.memory_space<semaphore_mem>>) src(%dma_wait3A_214 : memref<256xf32, #tpu.memory_space<vmem_shared>>) dst(%dma_wait3A_212 : memref<256xf32, #tpu.memory_space<vmem>>)
          tpu.yield
        }) : () -> ()
      } else {
      }
      %le3A_119 = arith.constant 7 : i32
      %le3A_120 = arith.cmpi sle, %select_n3A, %le3A_119 : i32
      %ge3A_121 = arith.constant 7 : i32
      %ge3A_122 = arith.cmpi sge, %select_n3A_64, %ge3A_121 : i32
      %and3A_123 = arith.andi %le3A_120, %ge3A_122 : i1
      %convert_element_type3A_124 = arith.extui %and3A_123 : i1 to i32
      %cond3A_125 = arith.constant 0 : i32
      %cond3A_126 = arith.cmpi ne, %convert_element_type3A_124, %cond3A_125 : i32
      scf.if %cond3A_126 {
        %sub3A_201 = arith.constant 7 : i32
        %sub3A_202 = arith.subi %sub3A_201, %select_n3A : i32
        %mul3A_203 = arith.constant 256 : i32
        %mul3A_204 = arith.muli %sub3A_202, %mul3A_203 : i32
        "tpu.region"() ({
          %run_scoped3A = tpu.sem_alloc : memref<!tpu.dma_semaphore, #tpu.memory_space<semaphore_mem>>
          %dma_start3A = tpu.memref_slice %arg12[%mul3A_204] : memref<4096xf32, #tpu.memory_space<vmem>> -> memref<256xf32, #tpu.memory_space<vmem>>
          %dma_start3A_205 = arith.constant 1792 : i32
          %dma_start3A_206 = tpu.memref_slice %arg18[%dma_start3A_205] : memref<4096xf32, #tpu.memory_space<vmem_shared>> -> memref<256xf32, #tpu.memory_space<vmem_shared>>
          %dma_start3A_207 = tpu.memref_slice %arg12[%mul3A_204] : memref<4096xf32, #tpu.memory_space<vmem>> -> memref<256xf32, #tpu.memory_space<vmem>>
          %dma_start3A_208 = arith.constant 1792 : i32
          %dma_start3A_209 = tpu.memref_slice %arg18[%dma_start3A_208] : memref<4096xf32, #tpu.memory_space<vmem_shared>> -> memref<256xf32, #tpu.memory_space<vmem_shared>>
          tpu.enqueue_dma source(%dma_start3A_209 : memref<256xf32, #tpu.memory_space<vmem_shared>>) target(%dma_start3A_207 : memref<256xf32, #tpu.memory_space<vmem>>) target_semaphore(%run_scoped3A : memref<!tpu.dma_semaphore, #tpu.memory_space<semaphore_mem>>)
          %dma_wait3A = tpu.memref_slice %arg12[%mul3A_204] : memref<4096xf32, #tpu.memory_space<vmem>> -> memref<256xf32, #tpu.memory_space<vmem>>
          %dma_wait3A_210 = arith.constant 1792 : i32
          %dma_wait3A_211 = tpu.memref_slice %arg18[%dma_wait3A_210] : memref<4096xf32, #tpu.memory_space<vmem_shared>> -> memref<256xf32, #tpu.memory_space<vmem_shared>>
          %dma_wait3A_212 = tpu.memref_slice %arg12[%mul3A_204] : memref<4096xf32, #tpu.memory_space<vmem>> -> memref<256xf32, #tpu.memory_space<vmem>>
          %dma_wait3A_213 = arith.constant 1792 : i32
          %dma_wait3A_214 = tpu.memref_slice %arg18[%dma_wait3A_213] : memref<4096xf32, #tpu.memory_space<vmem_shared>> -> memref<256xf32, #tpu.memory_space<vmem_shared>>
          tpu.wait_dma2 semaphore(%run_scoped3A : memref<!tpu.dma_semaphore, #tpu.memory_space<semaphore_mem>>) src(%dma_wait3A_214 : memref<256xf32, #tpu.memory_space<vmem_shared>>) dst(%dma_wait3A_212 : memref<256xf32, #tpu.memory_space<vmem>>)
          tpu.yield
        }) : () -> ()
      } else {
      }
      %le3A_127 = arith.constant 8 : i32
      %le3A_128 = arith.cmpi sle, %select_n3A, %le3A_127 : i32
      %ge3A_129 = arith.constant 8 : i32
      %ge3A_130 = arith.cmpi sge, %select_n3A_64, %ge3A_129 : i32
      %and3A_131 = arith.andi %le3A_128, %ge3A_130 : i1
      %convert_element_type3A_132 = arith.extui %and3A_131 : i1 to i32
      %cond3A_133 = arith.constant 0 : i32
      %cond3A_134 = arith.cmpi ne, %convert_element_type3A_132, %cond3A_133 : i32
      scf.if %cond3A_134 {
        %sub3A_201 = arith.constant 8 : i32
        %sub3A_202 = arith.subi %sub3A_201, %select_n3A : i32
        %mul3A_203 = arith.constant 256 : i32
        %mul3A_204 = arith.muli %sub3A_202, %mul3A_203 : i32
        "tpu.region"() ({
          %run_scoped3A = tpu.sem_alloc : memref<!tpu.dma_semaphore, #tpu.memory_space<semaphore_mem>>
          %dma_start3A = tpu.memref_slice %arg12[%mul3A_204] : memref<4096xf32, #tpu.memory_space<vmem>> -> memref<256xf32, #tpu.memory_space<vmem>>
          %dma_start3A_205 = arith.constant 2048 : i32
          %dma_start3A_206 = tpu.memref_slice %arg18[%dma_start3A_205] : memref<4096xf32, #tpu.memory_space<vmem_shared>> -> memref<256xf32, #tpu.memory_space<vmem_shared>>
          %dma_start3A_207 = tpu.memref_slice %arg12[%mul3A_204] : memref<4096xf32, #tpu.memory_space<vmem>> -> memref<256xf32, #tpu.memory_space<vmem>>
          %dma_start3A_208 = arith.constant 2048 : i32
          %dma_start3A_209 = tpu.memref_slice %arg18[%dma_start3A_208] : memref<4096xf32, #tpu.memory_space<vmem_shared>> -> memref<256xf32, #tpu.memory_space<vmem_shared>>
          tpu.enqueue_dma source(%dma_start3A_209 : memref<256xf32, #tpu.memory_space<vmem_shared>>) target(%dma_start3A_207 : memref<256xf32, #tpu.memory_space<vmem>>) target_semaphore(%run_scoped3A : memref<!tpu.dma_semaphore, #tpu.memory_space<semaphore_mem>>)
          %dma_wait3A = tpu.memref_slice %arg12[%mul3A_204] : memref<4096xf32, #tpu.memory_space<vmem>> -> memref<256xf32, #tpu.memory_space<vmem>>
          %dma_wait3A_210 = arith.constant 2048 : i32
          %dma_wait3A_211 = tpu.memref_slice %arg18[%dma_wait3A_210] : memref<4096xf32, #tpu.memory_space<vmem_shared>> -> memref<256xf32, #tpu.memory_space<vmem_shared>>
          %dma_wait3A_212 = tpu.memref_slice %arg12[%mul3A_204] : memref<4096xf32, #tpu.memory_space<vmem>> -> memref<256xf32, #tpu.memory_space<vmem>>
          %dma_wait3A_213 = arith.constant 2048 : i32
          %dma_wait3A_214 = tpu.memref_slice %arg18[%dma_wait3A_213] : memref<4096xf32, #tpu.memory_space<vmem_shared>> -> memref<256xf32, #tpu.memory_space<vmem_shared>>
          tpu.wait_dma2 semaphore(%run_scoped3A : memref<!tpu.dma_semaphore, #tpu.memory_space<semaphore_mem>>) src(%dma_wait3A_214 : memref<256xf32, #tpu.memory_space<vmem_shared>>) dst(%dma_wait3A_212 : memref<256xf32, #tpu.memory_space<vmem>>)
          tpu.yield
        }) : () -> ()
      } else {
      }
      %le3A_135 = arith.constant 9 : i32
      %le3A_136 = arith.cmpi sle, %select_n3A, %le3A_135 : i32
      %ge3A_137 = arith.constant 9 : i32
      %ge3A_138 = arith.cmpi sge, %select_n3A_64, %ge3A_137 : i32
      %and3A_139 = arith.andi %le3A_136, %ge3A_138 : i1
      %convert_element_type3A_140 = arith.extui %and3A_139 : i1 to i32
      %cond3A_141 = arith.constant 0 : i32
      %cond3A_142 = arith.cmpi ne, %convert_element_type3A_140, %cond3A_141 : i32
      scf.if %cond3A_142 {
        %sub3A_201 = arith.constant 9 : i32
        %sub3A_202 = arith.subi %sub3A_201, %select_n3A : i32
        %mul3A_203 = arith.constant 256 : i32
        %mul3A_204 = arith.muli %sub3A_202, %mul3A_203 : i32
        "tpu.region"() ({
          %run_scoped3A = tpu.sem_alloc : memref<!tpu.dma_semaphore, #tpu.memory_space<semaphore_mem>>
          %dma_start3A = tpu.memref_slice %arg12[%mul3A_204] : memref<4096xf32, #tpu.memory_space<vmem>> -> memref<256xf32, #tpu.memory_space<vmem>>
          %dma_start3A_205 = arith.constant 2304 : i32
          %dma_start3A_206 = tpu.memref_slice %arg18[%dma_start3A_205] : memref<4096xf32, #tpu.memory_space<vmem_shared>> -> memref<256xf32, #tpu.memory_space<vmem_shared>>
          %dma_start3A_207 = tpu.memref_slice %arg12[%mul3A_204] : memref<4096xf32, #tpu.memory_space<vmem>> -> memref<256xf32, #tpu.memory_space<vmem>>
          %dma_start3A_208 = arith.constant 2304 : i32
          %dma_start3A_209 = tpu.memref_slice %arg18[%dma_start3A_208] : memref<4096xf32, #tpu.memory_space<vmem_shared>> -> memref<256xf32, #tpu.memory_space<vmem_shared>>
          tpu.enqueue_dma source(%dma_start3A_209 : memref<256xf32, #tpu.memory_space<vmem_shared>>) target(%dma_start3A_207 : memref<256xf32, #tpu.memory_space<vmem>>) target_semaphore(%run_scoped3A : memref<!tpu.dma_semaphore, #tpu.memory_space<semaphore_mem>>)
          %dma_wait3A = tpu.memref_slice %arg12[%mul3A_204] : memref<4096xf32, #tpu.memory_space<vmem>> -> memref<256xf32, #tpu.memory_space<vmem>>
          %dma_wait3A_210 = arith.constant 2304 : i32
          %dma_wait3A_211 = tpu.memref_slice %arg18[%dma_wait3A_210] : memref<4096xf32, #tpu.memory_space<vmem_shared>> -> memref<256xf32, #tpu.memory_space<vmem_shared>>
          %dma_wait3A_212 = tpu.memref_slice %arg12[%mul3A_204] : memref<4096xf32, #tpu.memory_space<vmem>> -> memref<256xf32, #tpu.memory_space<vmem>>
          %dma_wait3A_213 = arith.constant 2304 : i32
          %dma_wait3A_214 = tpu.memref_slice %arg18[%dma_wait3A_213] : memref<4096xf32, #tpu.memory_space<vmem_shared>> -> memref<256xf32, #tpu.memory_space<vmem_shared>>
          tpu.wait_dma2 semaphore(%run_scoped3A : memref<!tpu.dma_semaphore, #tpu.memory_space<semaphore_mem>>) src(%dma_wait3A_214 : memref<256xf32, #tpu.memory_space<vmem_shared>>) dst(%dma_wait3A_212 : memref<256xf32, #tpu.memory_space<vmem>>)
          tpu.yield
        }) : () -> ()
      } else {
      }
      %le3A_143 = arith.constant 10 : i32
      %le3A_144 = arith.cmpi sle, %select_n3A, %le3A_143 : i32
      %ge3A_145 = arith.constant 10 : i32
      %ge3A_146 = arith.cmpi sge, %select_n3A_64, %ge3A_145 : i32
      %and3A_147 = arith.andi %le3A_144, %ge3A_146 : i1
      %convert_element_type3A_148 = arith.extui %and3A_147 : i1 to i32
      %cond3A_149 = arith.constant 0 : i32
      %cond3A_150 = arith.cmpi ne, %convert_element_type3A_148, %cond3A_149 : i32
      scf.if %cond3A_150 {
        %sub3A_201 = arith.constant 10 : i32
        %sub3A_202 = arith.subi %sub3A_201, %select_n3A : i32
        %mul3A_203 = arith.constant 256 : i32
        %mul3A_204 = arith.muli %sub3A_202, %mul3A_203 : i32
        "tpu.region"() ({
          %run_scoped3A = tpu.sem_alloc : memref<!tpu.dma_semaphore, #tpu.memory_space<semaphore_mem>>
          %dma_start3A = tpu.memref_slice %arg12[%mul3A_204] : memref<4096xf32, #tpu.memory_space<vmem>> -> memref<256xf32, #tpu.memory_space<vmem>>
          %dma_start3A_205 = arith.constant 2560 : i32
          %dma_start3A_206 = tpu.memref_slice %arg18[%dma_start3A_205] : memref<4096xf32, #tpu.memory_space<vmem_shared>> -> memref<256xf32, #tpu.memory_space<vmem_shared>>
          %dma_start3A_207 = tpu.memref_slice %arg12[%mul3A_204] : memref<4096xf32, #tpu.memory_space<vmem>> -> memref<256xf32, #tpu.memory_space<vmem>>
          %dma_start3A_208 = arith.constant 2560 : i32
          %dma_start3A_209 = tpu.memref_slice %arg18[%dma_start3A_208] : memref<4096xf32, #tpu.memory_space<vmem_shared>> -> memref<256xf32, #tpu.memory_space<vmem_shared>>
          tpu.enqueue_dma source(%dma_start3A_209 : memref<256xf32, #tpu.memory_space<vmem_shared>>) target(%dma_start3A_207 : memref<256xf32, #tpu.memory_space<vmem>>) target_semaphore(%run_scoped3A : memref<!tpu.dma_semaphore, #tpu.memory_space<semaphore_mem>>)
          %dma_wait3A = tpu.memref_slice %arg12[%mul3A_204] : memref<4096xf32, #tpu.memory_space<vmem>> -> memref<256xf32, #tpu.memory_space<vmem>>
          %dma_wait3A_210 = arith.constant 2560 : i32
          %dma_wait3A_211 = tpu.memref_slice %arg18[%dma_wait3A_210] : memref<4096xf32, #tpu.memory_space<vmem_shared>> -> memref<256xf32, #tpu.memory_space<vmem_shared>>
          %dma_wait3A_212 = tpu.memref_slice %arg12[%mul3A_204] : memref<4096xf32, #tpu.memory_space<vmem>> -> memref<256xf32, #tpu.memory_space<vmem>>
          %dma_wait3A_213 = arith.constant 2560 : i32
          %dma_wait3A_214 = tpu.memref_slice %arg18[%dma_wait3A_213] : memref<4096xf32, #tpu.memory_space<vmem_shared>> -> memref<256xf32, #tpu.memory_space<vmem_shared>>
          tpu.wait_dma2 semaphore(%run_scoped3A : memref<!tpu.dma_semaphore, #tpu.memory_space<semaphore_mem>>) src(%dma_wait3A_214 : memref<256xf32, #tpu.memory_space<vmem_shared>>) dst(%dma_wait3A_212 : memref<256xf32, #tpu.memory_space<vmem>>)
          tpu.yield
        }) : () -> ()
      } else {
      }
      %le3A_151 = arith.constant 11 : i32
      %le3A_152 = arith.cmpi sle, %select_n3A, %le3A_151 : i32
      %ge3A_153 = arith.constant 11 : i32
      %ge3A_154 = arith.cmpi sge, %select_n3A_64, %ge3A_153 : i32
      %and3A_155 = arith.andi %le3A_152, %ge3A_154 : i1
      %convert_element_type3A_156 = arith.extui %and3A_155 : i1 to i32
      %cond3A_157 = arith.constant 0 : i32
      %cond3A_158 = arith.cmpi ne, %convert_element_type3A_156, %cond3A_157 : i32
      scf.if %cond3A_158 {
        %sub3A_201 = arith.constant 11 : i32
        %sub3A_202 = arith.subi %sub3A_201, %select_n3A : i32
        %mul3A_203 = arith.constant 256 : i32
        %mul3A_204 = arith.muli %sub3A_202, %mul3A_203 : i32
        "tpu.region"() ({
          %run_scoped3A = tpu.sem_alloc : memref<!tpu.dma_semaphore, #tpu.memory_space<semaphore_mem>>
          %dma_start3A = tpu.memref_slice %arg12[%mul3A_204] : memref<4096xf32, #tpu.memory_space<vmem>> -> memref<256xf32, #tpu.memory_space<vmem>>
          %dma_start3A_205 = arith.constant 2816 : i32
          %dma_start3A_206 = tpu.memref_slice %arg18[%dma_start3A_205] : memref<4096xf32, #tpu.memory_space<vmem_shared>> -> memref<256xf32, #tpu.memory_space<vmem_shared>>
          %dma_start3A_207 = tpu.memref_slice %arg12[%mul3A_204] : memref<4096xf32, #tpu.memory_space<vmem>> -> memref<256xf32, #tpu.memory_space<vmem>>
          %dma_start3A_208 = arith.constant 2816 : i32
          %dma_start3A_209 = tpu.memref_slice %arg18[%dma_start3A_208] : memref<4096xf32, #tpu.memory_space<vmem_shared>> -> memref<256xf32, #tpu.memory_space<vmem_shared>>
          tpu.enqueue_dma source(%dma_start3A_209 : memref<256xf32, #tpu.memory_space<vmem_shared>>) target(%dma_start3A_207 : memref<256xf32, #tpu.memory_space<vmem>>) target_semaphore(%run_scoped3A : memref<!tpu.dma_semaphore, #tpu.memory_space<semaphore_mem>>)
          %dma_wait3A = tpu.memref_slice %arg12[%mul3A_204] : memref<4096xf32, #tpu.memory_space<vmem>> -> memref<256xf32, #tpu.memory_space<vmem>>
          %dma_wait3A_210 = arith.constant 2816 : i32
          %dma_wait3A_211 = tpu.memref_slice %arg18[%dma_wait3A_210] : memref<4096xf32, #tpu.memory_space<vmem_shared>> -> memref<256xf32, #tpu.memory_space<vmem_shared>>
          %dma_wait3A_212 = tpu.memref_slice %arg12[%mul3A_204] : memref<4096xf32, #tpu.memory_space<vmem>> -> memref<256xf32, #tpu.memory_space<vmem>>
          %dma_wait3A_213 = arith.constant 2816 : i32
          %dma_wait3A_214 = tpu.memref_slice %arg18[%dma_wait3A_213] : memref<4096xf32, #tpu.memory_space<vmem_shared>> -> memref<256xf32, #tpu.memory_space<vmem_shared>>
          tpu.wait_dma2 semaphore(%run_scoped3A : memref<!tpu.dma_semaphore, #tpu.memory_space<semaphore_mem>>) src(%dma_wait3A_214 : memref<256xf32, #tpu.memory_space<vmem_shared>>) dst(%dma_wait3A_212 : memref<256xf32, #tpu.memory_space<vmem>>)
          tpu.yield
        }) : () -> ()
      } else {
      }
      %le3A_159 = arith.constant 12 : i32
      %le3A_160 = arith.cmpi sle, %select_n3A, %le3A_159 : i32
      %ge3A_161 = arith.constant 12 : i32
      %ge3A_162 = arith.cmpi sge, %select_n3A_64, %ge3A_161 : i32
      %and3A_163 = arith.andi %le3A_160, %ge3A_162 : i1
      %convert_element_type3A_164 = arith.extui %and3A_163 : i1 to i32
      %cond3A_165 = arith.constant 0 : i32
      %cond3A_166 = arith.cmpi ne, %convert_element_type3A_164, %cond3A_165 : i32
      scf.if %cond3A_166 {
        %sub3A_201 = arith.constant 12 : i32
        %sub3A_202 = arith.subi %sub3A_201, %select_n3A : i32
        %mul3A_203 = arith.constant 256 : i32
        %mul3A_204 = arith.muli %sub3A_202, %mul3A_203 : i32
        "tpu.region"() ({
          %run_scoped3A = tpu.sem_alloc : memref<!tpu.dma_semaphore, #tpu.memory_space<semaphore_mem>>
          %dma_start3A = tpu.memref_slice %arg12[%mul3A_204] : memref<4096xf32, #tpu.memory_space<vmem>> -> memref<256xf32, #tpu.memory_space<vmem>>
          %dma_start3A_205 = arith.constant 3072 : i32
          %dma_start3A_206 = tpu.memref_slice %arg18[%dma_start3A_205] : memref<4096xf32, #tpu.memory_space<vmem_shared>> -> memref<256xf32, #tpu.memory_space<vmem_shared>>
          %dma_start3A_207 = tpu.memref_slice %arg12[%mul3A_204] : memref<4096xf32, #tpu.memory_space<vmem>> -> memref<256xf32, #tpu.memory_space<vmem>>
          %dma_start3A_208 = arith.constant 3072 : i32
          %dma_start3A_209 = tpu.memref_slice %arg18[%dma_start3A_208] : memref<4096xf32, #tpu.memory_space<vmem_shared>> -> memref<256xf32, #tpu.memory_space<vmem_shared>>
          tpu.enqueue_dma source(%dma_start3A_209 : memref<256xf32, #tpu.memory_space<vmem_shared>>) target(%dma_start3A_207 : memref<256xf32, #tpu.memory_space<vmem>>) target_semaphore(%run_scoped3A : memref<!tpu.dma_semaphore, #tpu.memory_space<semaphore_mem>>)
          %dma_wait3A = tpu.memref_slice %arg12[%mul3A_204] : memref<4096xf32, #tpu.memory_space<vmem>> -> memref<256xf32, #tpu.memory_space<vmem>>
          %dma_wait3A_210 = arith.constant 3072 : i32
          %dma_wait3A_211 = tpu.memref_slice %arg18[%dma_wait3A_210] : memref<4096xf32, #tpu.memory_space<vmem_shared>> -> memref<256xf32, #tpu.memory_space<vmem_shared>>
          %dma_wait3A_212 = tpu.memref_slice %arg12[%mul3A_204] : memref<4096xf32, #tpu.memory_space<vmem>> -> memref<256xf32, #tpu.memory_space<vmem>>
          %dma_wait3A_213 = arith.constant 3072 : i32
          %dma_wait3A_214 = tpu.memref_slice %arg18[%dma_wait3A_213] : memref<4096xf32, #tpu.memory_space<vmem_shared>> -> memref<256xf32, #tpu.memory_space<vmem_shared>>
          tpu.wait_dma2 semaphore(%run_scoped3A : memref<!tpu.dma_semaphore, #tpu.memory_space<semaphore_mem>>) src(%dma_wait3A_214 : memref<256xf32, #tpu.memory_space<vmem_shared>>) dst(%dma_wait3A_212 : memref<256xf32, #tpu.memory_space<vmem>>)
          tpu.yield
        }) : () -> ()
      } else {
      }
      %le3A_167 = arith.constant 13 : i32
      %le3A_168 = arith.cmpi sle, %select_n3A, %le3A_167 : i32
      %ge3A_169 = arith.constant 13 : i32
      %ge3A_170 = arith.cmpi sge, %select_n3A_64, %ge3A_169 : i32
      %and3A_171 = arith.andi %le3A_168, %ge3A_170 : i1
      %convert_element_type3A_172 = arith.extui %and3A_171 : i1 to i32
      %cond3A_173 = arith.constant 0 : i32
      %cond3A_174 = arith.cmpi ne, %convert_element_type3A_172, %cond3A_173 : i32
      scf.if %cond3A_174 {
        %sub3A_201 = arith.constant 13 : i32
        %sub3A_202 = arith.subi %sub3A_201, %select_n3A : i32
        %mul3A_203 = arith.constant 256 : i32
        %mul3A_204 = arith.muli %sub3A_202, %mul3A_203 : i32
        "tpu.region"() ({
          %run_scoped3A = tpu.sem_alloc : memref<!tpu.dma_semaphore, #tpu.memory_space<semaphore_mem>>
          %dma_start3A = tpu.memref_slice %arg12[%mul3A_204] : memref<4096xf32, #tpu.memory_space<vmem>> -> memref<256xf32, #tpu.memory_space<vmem>>
          %dma_start3A_205 = arith.constant 3328 : i32
          %dma_start3A_206 = tpu.memref_slice %arg18[%dma_start3A_205] : memref<4096xf32, #tpu.memory_space<vmem_shared>> -> memref<256xf32, #tpu.memory_space<vmem_shared>>
          %dma_start3A_207 = tpu.memref_slice %arg12[%mul3A_204] : memref<4096xf32, #tpu.memory_space<vmem>> -> memref<256xf32, #tpu.memory_space<vmem>>
          %dma_start3A_208 = arith.constant 3328 : i32
          %dma_start3A_209 = tpu.memref_slice %arg18[%dma_start3A_208] : memref<4096xf32, #tpu.memory_space<vmem_shared>> -> memref<256xf32, #tpu.memory_space<vmem_shared>>
          tpu.enqueue_dma source(%dma_start3A_209 : memref<256xf32, #tpu.memory_space<vmem_shared>>) target(%dma_start3A_207 : memref<256xf32, #tpu.memory_space<vmem>>) target_semaphore(%run_scoped3A : memref<!tpu.dma_semaphore, #tpu.memory_space<semaphore_mem>>)
          %dma_wait3A = tpu.memref_slice %arg12[%mul3A_204] : memref<4096xf32, #tpu.memory_space<vmem>> -> memref<256xf32, #tpu.memory_space<vmem>>
          %dma_wait3A_210 = arith.constant 3328 : i32
          %dma_wait3A_211 = tpu.memref_slice %arg18[%dma_wait3A_210] : memref<4096xf32, #tpu.memory_space<vmem_shared>> -> memref<256xf32, #tpu.memory_space<vmem_shared>>
          %dma_wait3A_212 = tpu.memref_slice %arg12[%mul3A_204] : memref<4096xf32, #tpu.memory_space<vmem>> -> memref<256xf32, #tpu.memory_space<vmem>>
          %dma_wait3A_213 = arith.constant 3328 : i32
          %dma_wait3A_214 = tpu.memref_slice %arg18[%dma_wait3A_213] : memref<4096xf32, #tpu.memory_space<vmem_shared>> -> memref<256xf32, #tpu.memory_space<vmem_shared>>
          tpu.wait_dma2 semaphore(%run_scoped3A : memref<!tpu.dma_semaphore, #tpu.memory_space<semaphore_mem>>) src(%dma_wait3A_214 : memref<256xf32, #tpu.memory_space<vmem_shared>>) dst(%dma_wait3A_212 : memref<256xf32, #tpu.memory_space<vmem>>)
          tpu.yield
        }) : () -> ()
      } else {
      }
      %le3A_175 = arith.constant 14 : i32
      %le3A_176 = arith.cmpi sle, %select_n3A, %le3A_175 : i32
      %ge3A_177 = arith.constant 14 : i32
      %ge3A_178 = arith.cmpi sge, %select_n3A_64, %ge3A_177 : i32
      %and3A_179 = arith.andi %le3A_176, %ge3A_178 : i1
      %convert_element_type3A_180 = arith.extui %and3A_179 : i1 to i32
      %cond3A_181 = arith.constant 0 : i32
      %cond3A_182 = arith.cmpi ne, %convert_element_type3A_180, %cond3A_181 : i32
      scf.if %cond3A_182 {
        %sub3A_201 = arith.constant 14 : i32
        %sub3A_202 = arith.subi %sub3A_201, %select_n3A : i32
        %mul3A_203 = arith.constant 256 : i32
        %mul3A_204 = arith.muli %sub3A_202, %mul3A_203 : i32
        "tpu.region"() ({
          %run_scoped3A = tpu.sem_alloc : memref<!tpu.dma_semaphore, #tpu.memory_space<semaphore_mem>>
          %dma_start3A = tpu.memref_slice %arg12[%mul3A_204] : memref<4096xf32, #tpu.memory_space<vmem>> -> memref<256xf32, #tpu.memory_space<vmem>>
          %dma_start3A_205 = arith.constant 3584 : i32
          %dma_start3A_206 = tpu.memref_slice %arg18[%dma_start3A_205] : memref<4096xf32, #tpu.memory_space<vmem_shared>> -> memref<256xf32, #tpu.memory_space<vmem_shared>>
          %dma_start3A_207 = tpu.memref_slice %arg12[%mul3A_204] : memref<4096xf32, #tpu.memory_space<vmem>> -> memref<256xf32, #tpu.memory_space<vmem>>
          %dma_start3A_208 = arith.constant 3584 : i32
          %dma_start3A_209 = tpu.memref_slice %arg18[%dma_start3A_208] : memref<4096xf32, #tpu.memory_space<vmem_shared>> -> memref<256xf32, #tpu.memory_space<vmem_shared>>
          tpu.enqueue_dma source(%dma_start3A_209 : memref<256xf32, #tpu.memory_space<vmem_shared>>) target(%dma_start3A_207 : memref<256xf32, #tpu.memory_space<vmem>>) target_semaphore(%run_scoped3A : memref<!tpu.dma_semaphore, #tpu.memory_space<semaphore_mem>>)
          %dma_wait3A = tpu.memref_slice %arg12[%mul3A_204] : memref<4096xf32, #tpu.memory_space<vmem>> -> memref<256xf32, #tpu.memory_space<vmem>>
          %dma_wait3A_210 = arith.constant 3584 : i32
          %dma_wait3A_211 = tpu.memref_slice %arg18[%dma_wait3A_210] : memref<4096xf32, #tpu.memory_space<vmem_shared>> -> memref<256xf32, #tpu.memory_space<vmem_shared>>
          %dma_wait3A_212 = tpu.memref_slice %arg12[%mul3A_204] : memref<4096xf32, #tpu.memory_space<vmem>> -> memref<256xf32, #tpu.memory_space<vmem>>
          %dma_wait3A_213 = arith.constant 3584 : i32
          %dma_wait3A_214 = tpu.memref_slice %arg18[%dma_wait3A_213] : memref<4096xf32, #tpu.memory_space<vmem_shared>> -> memref<256xf32, #tpu.memory_space<vmem_shared>>
          tpu.wait_dma2 semaphore(%run_scoped3A : memref<!tpu.dma_semaphore, #tpu.memory_space<semaphore_mem>>) src(%dma_wait3A_214 : memref<256xf32, #tpu.memory_space<vmem_shared>>) dst(%dma_wait3A_212 : memref<256xf32, #tpu.memory_space<vmem>>)
          tpu.yield
        }) : () -> ()
      } else {
      }
      %le3A_183 = arith.constant 15 : i32
      %le3A_184 = arith.cmpi sle, %select_n3A, %le3A_183 : i32
      %ge3A_185 = arith.constant 15 : i32
      %ge3A_186 = arith.cmpi sge, %select_n3A_64, %ge3A_185 : i32
      %and3A_187 = arith.andi %le3A_184, %ge3A_186 : i1
      %convert_element_type3A_188 = arith.extui %and3A_187 : i1 to i32
      %cond3A_189 = arith.constant 0 : i32
      %cond3A_190 = arith.cmpi ne, %convert_element_type3A_188, %cond3A_189 : i32
      scf.if %cond3A_190 {
        %sub3A_201 = arith.constant 15 : i32
        %sub3A_202 = arith.subi %sub3A_201, %select_n3A : i32
        %mul3A_203 = arith.constant 256 : i32
        %mul3A_204 = arith.muli %sub3A_202, %mul3A_203 : i32
        "tpu.region"() ({
          %run_scoped3A = tpu.sem_alloc : memref<!tpu.dma_semaphore, #tpu.memory_space<semaphore_mem>>
          %dma_start3A = tpu.memref_slice %arg12[%mul3A_204] : memref<4096xf32, #tpu.memory_space<vmem>> -> memref<256xf32, #tpu.memory_space<vmem>>
          %dma_start3A_205 = arith.constant 3840 : i32
          %dma_start3A_206 = tpu.memref_slice %arg18[%dma_start3A_205] : memref<4096xf32, #tpu.memory_space<vmem_shared>> -> memref<256xf32, #tpu.memory_space<vmem_shared>>
          %dma_start3A_207 = tpu.memref_slice %arg12[%mul3A_204] : memref<4096xf32, #tpu.memory_space<vmem>> -> memref<256xf32, #tpu.memory_space<vmem>>
          %dma_start3A_208 = arith.constant 3840 : i32
          %dma_start3A_209 = tpu.memref_slice %arg18[%dma_start3A_208] : memref<4096xf32, #tpu.memory_space<vmem_shared>> -> memref<256xf32, #tpu.memory_space<vmem_shared>>
          tpu.enqueue_dma source(%dma_start3A_209 : memref<256xf32, #tpu.memory_space<vmem_shared>>) target(%dma_start3A_207 : memref<256xf32, #tpu.memory_space<vmem>>) target_semaphore(%run_scoped3A : memref<!tpu.dma_semaphore, #tpu.memory_space<semaphore_mem>>)
          %dma_wait3A = tpu.memref_slice %arg12[%mul3A_204] : memref<4096xf32, #tpu.memory_space<vmem>> -> memref<256xf32, #tpu.memory_space<vmem>>
          %dma_wait3A_210 = arith.constant 3840 : i32
          %dma_wait3A_211 = tpu.memref_slice %arg18[%dma_wait3A_210] : memref<4096xf32, #tpu.memory_space<vmem_shared>> -> memref<256xf32, #tpu.memory_space<vmem_shared>>
          %dma_wait3A_212 = tpu.memref_slice %arg12[%mul3A_204] : memref<4096xf32, #tpu.memory_space<vmem>> -> memref<256xf32, #tpu.memory_space<vmem>>
          %dma_wait3A_213 = arith.constant 3840 : i32
          %dma_wait3A_214 = tpu.memref_slice %arg18[%dma_wait3A_213] : memref<4096xf32, #tpu.memory_space<vmem_shared>> -> memref<256xf32, #tpu.memory_space<vmem_shared>>
          tpu.wait_dma2 semaphore(%run_scoped3A : memref<!tpu.dma_semaphore, #tpu.memory_space<semaphore_mem>>) src(%dma_wait3A_214 : memref<256xf32, #tpu.memory_space<vmem_shared>>) dst(%dma_wait3A_212 : memref<256xf32, #tpu.memory_space<vmem>>)
          tpu.yield
        }) : () -> ()
      } else {
      }
      %mul3A_191 = arith.constant 256 : i32
      %mul3A_192 = arith.muli %select_n3A, %mul3A_191 : i32
      %scan3A = arith.constant 0 : i32
      %scan3A_193 = arith.constant 64 : i32
      %scan3A_194 = arith.addi %scan3A, %scan3A_193 : i32
      %scan3A_195 = arith.constant 1 : i32
      %scan3A_196 = scf.for %scan3A_201 = %scan3A to %scan3A_194 step %scan3A_195 iter_args(%scan3A_202 = %broadcast_in_dim3A_2) -> (vector<16xf32>)  : i32 {
        %mul3A_203 = arith.constant 16 : i32
        %mul3A_204 = arith.muli %scan3A_201, %mul3A_203 : i32
        %get3A_205 = arith.index_cast %mul3A_204 : i32 to index
        %get3A_206 = tpu.vector_load %arg6[%get3A_205] {strides = array<i32>} : memref<1024xf32, #tpu.memory_space<vmem>>, vector<16xf32>,
        %convert_element_type3A_207 = arith.fptosi %get3A_206 : vector<16xf32> to vector<16xi32>
        %get3A_208 = arith.index_cast %mul3A_204 : i32 to index
        %get3A_209 = tpu.vector_load %arg8[%get3A_208] {strides = array<i32>} : memref<1024xf32, #tpu.memory_space<vmem>>, vector<16xf32>,
        %exp3A = math.exp %get3A_209 : vector<16xf32>
        %get3A_210 = arith.index_cast %mul3A_204 : i32 to index
        %get3A_211 = tpu.vector_load %arg7[%get3A_210] {strides = array<i32>} : memref<1024xf32, #tpu.memory_space<vmem>>, vector<16xf32>,
        %shift_right_logical3A = arith.constant 6 : i32
        %shift_right_logical3A_212 = vector.broadcast %shift_right_logical3A : i32 to vector<16xi32>
        %shift_right_logical3A_213 = arith.shrui %convert_element_type3A_207, %shift_right_logical3A_212 : vector<16xi32>
        %mul3A_214 = arith.constant 192 : i32
        %mul3A_215 = vector.broadcast %mul3A_214 : i32 to vector<16xi32>
        %mul3A_216 = arith.muli %shift_right_logical3A_213, %mul3A_215 : vector<16xi32>
        %add3A = arith.addi %convert_element_type3A_207, %mul3A_216 : vector<16xi32>
        %sub3A_217 = vector.broadcast %mul3A_192 : i32 to vector<16xi32>
        %sub3A_218 = arith.subi %add3A, %sub3A_217 : vector<16xi32>
        %gather3A = tpu.vector_load_idx %arg12[%sub3A_218] : memref<4096xf32, #tpu.memory_space<vmem>>[vector<16xi32>], vector<16xf32>,
        %add3A_219 = arith.constant 64 : i32
        %add3A_220 = vector.broadcast %add3A_219 : i32 to vector<16xi32>
        %add3A_221 = arith.addi %sub3A_218, %add3A_220 : vector<16xi32>
        %gather3A_222 = tpu.vector_load_idx %arg12[%add3A_221] : memref<4096xf32, #tpu.memory_space<vmem>>[vector<16xi32>], vector<16xf32>,
        %add3A_223 = arith.constant 128 : i32
        %add3A_224 = vector.broadcast %add3A_223 : i32 to vector<16xi32>
        %add3A_225 = arith.addi %sub3A_218, %add3A_224 : vector<16xi32>
        %gather3A_226 = tpu.vector_load_idx %arg12[%add3A_225] : memref<4096xf32, #tpu.memory_space<vmem>>[vector<16xi32>], vector<16xf32>,
        %add3A_227 = arith.constant 192 : i32
        %add3A_228 = vector.broadcast %add3A_227 : i32 to vector<16xi32>
        %add3A_229 = arith.addi %sub3A_218, %add3A_228 : vector<16xi32>
        %gather3A_230 = tpu.vector_load_idx %arg12[%add3A_229] : memref<4096xf32, #tpu.memory_space<vmem>>[vector<16xi32>], vector<16xf32>,
        %mul3A_231 = arith.mulf %gather3A, %exp3A : vector<16xf32>
        %add3A_232 = arith.addf %mul3A_231, %gather3A_222 : vector<16xf32>
        %bitcast_convert_type3A = tpu.bitcast %add3A_232 : vector<16xf32> -> vector<16xi32>
        %shift_right_arithmetic3A = arith.constant 23 : i32
        %shift_right_arithmetic3A_233 = vector.broadcast %shift_right_arithmetic3A : i32 to vector<16xi32>
        %shift_right_arithmetic3A_234 = arith.shrsi %bitcast_convert_type3A, %shift_right_arithmetic3A_233 : vector<16xi32>
        %sub3A_235 = arith.constant 127 : i32
        %sub3A_236 = vector.broadcast %sub3A_235 : i32 to vector<16xi32>
        %sub3A_237 = arith.subi %shift_right_arithmetic3A_234, %sub3A_236 : vector<16xi32>
        %and3A_238 = arith.constant 8388607 : i32
        %and3A_239 = vector.broadcast %and3A_238 : i32 to vector<16xi32>
        %and3A_240 = arith.andi %bitcast_convert_type3A, %and3A_239 : vector<16xi32>
        %or3A = arith.constant 1065353216 : i32
        %or3A_241 = vector.broadcast %or3A : i32 to vector<16xi32>
        %or3A_242 = arith.ori %and3A_240, %or3A_241 : vector<16xi32>
        %bitcast_convert_type3A_243 = tpu.bitcast %or3A_242 : vector<16xi32> -> vector<16xf32>
        %ge3A_244 = arith.constant 1.41421354 : f32
        %ge3A_245 = vector.broadcast %ge3A_244 : f32 to vector<16xf32>
        %ge3A_246 = arith.cmpf oge, %bitcast_convert_type3A_243, %ge3A_245 : vector<16xf32>
        %mul3A_247 = arith.constant 5.000000e-01 : f32
        %mul3A_248 = vector.broadcast %mul3A_247 : f32 to vector<16xf32>
        %mul3A_249 = arith.mulf %bitcast_convert_type3A_243, %mul3A_248 : vector<16xf32>
        %select_n3A_250 = arith.select %ge3A_246, %mul3A_249, %bitcast_convert_type3A_243 : vector<16xi1>, vector<16xf32>
        %add3A_251 = arith.constant 1 : i32
        %add3A_252 = vector.broadcast %add3A_251 : i32 to vector<16xi32>
        %add3A_253 = arith.addi %sub3A_237, %add3A_252 : vector<16xi32>
        %select_n3A_254 = arith.select %ge3A_246, %add3A_253, %sub3A_237 : vector<16xi1>, vector<16xi32>
        %sub3A_255 = arith.constant 1.000000e+00 : f32
        %sub3A_256 = vector.broadcast %sub3A_255 : f32 to vector<16xf32>
        %sub3A_257 = arith.subf %select_n3A_250, %sub3A_256 : vector<16xf32>
        %add3A_258 = arith.constant 2.000000e+00 : f32
        %add3A_259 = vector.broadcast %add3A_258 : f32 to vector<16xf32>
        %add3A_260 = arith.addf %add3A_259, %sub3A_257 : vector<16xf32>
        %div3A_261 = arith.divf %sub3A_257, %add3A_260 : vector<16xf32>
        %mul3A_262 = arith.mulf %div3A_261, %div3A_261 : vector<16xf32>
        %mul3A_263 = arith.constant 0.222221985 : f32
        %mul3A_264 = vector.broadcast %mul3A_263 : f32 to vector<16xf32>
        %mul3A_265 = arith.mulf %mul3A_262, %mul3A_264 : vector<16xf32>
        %add3A_266 = arith.constant 0.285714298 : f32
        %add3A_267 = vector.broadcast %add3A_266 : f32 to vector<16xf32>
        %add3A_268 = arith.addf %add3A_267, %mul3A_265 : vector<16xf32>
        %mul3A_269 = arith.mulf %mul3A_262, %add3A_268 : vector<16xf32>
        %add3A_270 = arith.constant 4.000000e-01 : f32
        %add3A_271 = vector.broadcast %add3A_270 : f32 to vector<16xf32>
        %add3A_272 = arith.addf %add3A_271, %mul3A_269 : vector<16xf32>
        %mul3A_273 = arith.mulf %mul3A_262, %add3A_272 : vector<16xf32>
        %add3A_274 = arith.constant 0.666666686 : f32
        %add3A_275 = vector.broadcast %add3A_274 : f32 to vector<16xf32>
        %add3A_276 = arith.addf %add3A_275, %mul3A_273 : vector<16xf32>
        %mul3A_277 = arith.mulf %mul3A_262, %add3A_276 : vector<16xf32>
        %convert_element_type3A_278 = arith.sitofp %select_n3A_254 : vector<16xi32> to vector<16xf32>
        %mul3A_279 = arith.constant 0.693147182 : f32
        %mul3A_280 = vector.broadcast %mul3A_279 : f32 to vector<16xf32>
        %mul3A_281 = arith.mulf %convert_element_type3A_278, %mul3A_280 : vector<16xf32>
        %mul3A_282 = arith.constant 2.000000e+00 : f32
        %mul3A_283 = vector.broadcast %mul3A_282 : f32 to vector<16xf32>
        %mul3A_284 = arith.mulf %mul3A_283, %div3A_261 : vector<16xf32>
        %mul3A_285 = arith.mulf %div3A_261, %mul3A_277 : vector<16xf32>
        %add3A_286 = arith.addf %mul3A_284, %mul3A_285 : vector<16xf32>
        %add3A_287 = arith.addf %mul3A_281, %add3A_286 : vector<16xf32>
        %sub3A_288 = arith.subf %add3A_287, %get3A_211 : vector<16xf32>
        %add3A_289 = arith.addf %sub3A_288, %gather3A_226 : vector<16xf32>
        %mul3A_290 = arith.mulf %add3A_232, %add3A_289 : vector<16xf32>
        %mul3A_291 = arith.mulf %mul3A_290, %gather3A_230 : vector<16xf32>
        %add3A_292 = arith.addf %scan3A_202, %mul3A_291 : vector<16xf32>
        scf.yield %add3A_292 : vector<16xf32>
      }
      %scan3A_197 = arith.constant 64 : i32
      %swap3A = arith.constant 0 : index
      %swap3A_198 = tpu.vector_load %arg13[%swap3A] {strides = array<i32>} : memref<32xf32, #tpu.memory_space<vmem>>, vector<16xf32>,
      tpu.vector_store %arg13[%swap3A], %scan3A_196 {strides = array<i32>} : memref<32xf32, #tpu.memory_space<vmem>>, vector<16xf32>,
      %mul3A_199 = arith.constant 32 : i32
      %mul3A_200 = arith.muli %arg1, %mul3A_199 : i32
      "tpu.region"() ({
        %run_scoped3A = tpu.sem_alloc : memref<!tpu.dma_semaphore, #tpu.memory_space<semaphore_mem>>
        %dma_start3A = tpu.memref_slice %arg19[%mul3A_200] : memref<512xf32, #tpu.memory_space<vmem_shared>> -> memref<32xf32, #tpu.memory_space<vmem_shared>>
        %dma_start3A_201 = tpu.memref_slice %arg19[%mul3A_200] : memref<512xf32, #tpu.memory_space<vmem_shared>> -> memref<32xf32, #tpu.memory_space<vmem_shared>>
        tpu.enqueue_dma source(%arg13 : memref<32xf32, #tpu.memory_space<vmem>>) target(%dma_start3A_201 : memref<32xf32, #tpu.memory_space<vmem_shared>>) target_semaphore(%run_scoped3A : memref<!tpu.dma_semaphore, #tpu.memory_space<semaphore_mem>>)
        %dma_wait3A = tpu.memref_slice %arg19[%mul3A_200] : memref<512xf32, #tpu.memory_space<vmem_shared>> -> memref<32xf32, #tpu.memory_space<vmem_shared>>
        %dma_wait3A_202 = tpu.memref_slice %arg19[%mul3A_200] : memref<512xf32, #tpu.memory_space<vmem_shared>> -> memref<32xf32, #tpu.memory_space<vmem_shared>>
        tpu.wait_dma2 semaphore(%run_scoped3A : memref<!tpu.dma_semaphore, #tpu.memory_space<semaphore_mem>>) src(%arg13 : memref<32xf32, #tpu.memory_space<vmem>>) dst(%dma_wait3A_202 : memref<32xf32, #tpu.memory_space<vmem_shared>>)
        tpu.yield
      }) : () -> ()
    } else {
    }
    %barrier3A_11 = arith.constant 0 : index
    tpu.barrier barrier_id(%barrier3A_11)
    %eq3A_12 = arith.constant 0 : i32
    %eq3A_13 = arith.cmpi eq, %arg1, %eq3A_12 : i32
    %and3A = arith.andi %eq3A_0, %eq3A_13 : i1
    %convert_element_type3A_14 = arith.extui %and3A : i1 to i32
    %cond3A_15 = arith.constant 0 : i32
    %cond3A_16 = arith.cmpi ne, %convert_element_type3A_14, %cond3A_15 : i32
    scf.if %cond3A_16 {
      "tpu.region"() ({
        %run_scoped3A = tpu.sem_alloc : memref<!tpu.dma_semaphore, #tpu.memory_space<semaphore_mem>>
        tpu.enqueue_dma source(%arg19 : memref<512xf32, #tpu.memory_space<vmem_shared>>) target(%arg14 : memref<512xf32, #tpu.memory_space<vmem>>) target_semaphore(%run_scoped3A : memref<!tpu.dma_semaphore, #tpu.memory_space<semaphore_mem>>)
        tpu.wait_dma2 semaphore(%run_scoped3A : memref<!tpu.dma_semaphore, #tpu.memory_space<semaphore_mem>>) src(%arg19 : memref<512xf32, #tpu.memory_space<vmem_shared>>) dst(%arg14 : memref<512xf32, #tpu.memory_space<vmem>>)
        tpu.yield
      }) : () -> ()
      %get3A = arith.constant 0 : index
      %get3A_17 = tpu.vector_load %arg14[%get3A] {strides = array<i32>} : memref<512xf32, #tpu.memory_space<vmem>>, vector<16xf32>,
      %add3A = arith.addf %broadcast_in_dim3A_2, %get3A_17 : vector<16xf32>
      %get3A_18 = arith.constant 16 : index
      %get3A_19 = tpu.vector_load %arg14[%get3A_18] {strides = array<i32>} : memref<512xf32, #tpu.memory_space<vmem>>, vector<16xf32>,
      %add3A_20 = arith.addf %broadcast_in_dim3A_2, %get3A_19 : vector<16xf32>
      %get3A_21 = arith.constant 32 : index
      %get3A_22 = tpu.vector_load %arg14[%get3A_21] {strides = array<i32>} : memref<512xf32, #tpu.memory_space<vmem>>, vector<16xf32>,
      %add3A_23 = arith.addf %add3A, %get3A_22 : vector<16xf32>
      %get3A_24 = arith.constant 48 : index
      %get3A_25 = tpu.vector_load %arg14[%get3A_24] {strides = array<i32>} : memref<512xf32, #tpu.memory_space<vmem>>, vector<16xf32>,
      %add3A_26 = arith.addf %add3A_20, %get3A_25 : vector<16xf32>
      %get3A_27 = arith.constant 64 : index
      %get3A_28 = tpu.vector_load %arg14[%get3A_27] {strides = array<i32>} : memref<512xf32, #tpu.memory_space<vmem>>, vector<16xf32>,
      %add3A_29 = arith.addf %add3A_23, %get3A_28 : vector<16xf32>
      %get3A_30 = arith.constant 80 : index
      %get3A_31 = tpu.vector_load %arg14[%get3A_30] {strides = array<i32>} : memref<512xf32, #tpu.memory_space<vmem>>, vector<16xf32>,
      %add3A_32 = arith.addf %add3A_26, %get3A_31 : vector<16xf32>
      %get3A_33 = arith.constant 96 : index
      %get3A_34 = tpu.vector_load %arg14[%get3A_33] {strides = array<i32>} : memref<512xf32, #tpu.memory_space<vmem>>, vector<16xf32>,
      %add3A_35 = arith.addf %add3A_29, %get3A_34 : vector<16xf32>
      %get3A_36 = arith.constant 112 : index
      %get3A_37 = tpu.vector_load %arg14[%get3A_36] {strides = array<i32>} : memref<512xf32, #tpu.memory_space<vmem>>, vector<16xf32>,
      %add3A_38 = arith.addf %add3A_32, %get3A_37 : vector<16xf32>
      %get3A_39 = arith.constant 128 : index
      %get3A_40 = tpu.vector_load %arg14[%get3A_39] {strides = array<i32>} : memref<512xf32, #tpu.memory_space<vmem>>, vector<16xf32>,
      %add3A_41 = arith.addf %add3A_35, %get3A_40 : vector<16xf32>
      %get3A_42 = arith.constant 144 : index
      %get3A_43 = tpu.vector_load %arg14[%get3A_42] {strides = array<i32>} : memref<512xf32, #tpu.memory_space<vmem>>, vector<16xf32>,
      %add3A_44 = arith.addf %add3A_38, %get3A_43 : vector<16xf32>
      %get3A_45 = arith.constant 160 : index
      %get3A_46 = tpu.vector_load %arg14[%get3A_45] {strides = array<i32>} : memref<512xf32, #tpu.memory_space<vmem>>, vector<16xf32>,
      %add3A_47 = arith.addf %add3A_41, %get3A_46 : vector<16xf32>
      %get3A_48 = arith.constant 176 : index
      %get3A_49 = tpu.vector_load %arg14[%get3A_48] {strides = array<i32>} : memref<512xf32, #tpu.memory_space<vmem>>, vector<16xf32>,
      %add3A_50 = arith.addf %add3A_44, %get3A_49 : vector<16xf32>
      %get3A_51 = arith.constant 192 : index
      %get3A_52 = tpu.vector_load %arg14[%get3A_51] {strides = array<i32>} : memref<512xf32, #tpu.memory_space<vmem>>, vector<16xf32>,
      %add3A_53 = arith.addf %add3A_47, %get3A_52 : vector<16xf32>
      %get3A_54 = arith.constant 208 : index
      %get3A_55 = tpu.vector_load %arg14[%get3A_54] {strides = array<i32>} : memref<512xf32, #tpu.memory_space<vmem>>, vector<16xf32>,
      %add3A_56 = arith.addf %add3A_50, %get3A_55 : vector<16xf32>
      %get3A_57 = arith.constant 224 : index
      %get3A_58 = tpu.vector_load %arg14[%get3A_57] {strides = array<i32>} : memref<512xf32, #tpu.memory_space<vmem>>, vector<16xf32>,
      %add3A_59 = arith.addf %add3A_53, %get3A_58 : vector<16xf32>
      %get3A_60 = arith.constant 240 : index
      %get3A_61 = tpu.vector_load %arg14[%get3A_60] {strides = array<i32>} : memref<512xf32, #tpu.memory_space<vmem>>, vector<16xf32>,
      %add3A_62 = arith.addf %add3A_56, %get3A_61 : vector<16xf32>
      %get3A_63 = arith.constant 256 : index
      %get3A_64 = tpu.vector_load %arg14[%get3A_63] {strides = array<i32>} : memref<512xf32, #tpu.memory_space<vmem>>, vector<16xf32>,
      %add3A_65 = arith.addf %add3A_59, %get3A_64 : vector<16xf32>
      %get3A_66 = arith.constant 272 : index
      %get3A_67 = tpu.vector_load %arg14[%get3A_66] {strides = array<i32>} : memref<512xf32, #tpu.memory_space<vmem>>, vector<16xf32>,
      %add3A_68 = arith.addf %add3A_62, %get3A_67 : vector<16xf32>
      %get3A_69 = arith.constant 288 : index
      %get3A_70 = tpu.vector_load %arg14[%get3A_69] {strides = array<i32>} : memref<512xf32, #tpu.memory_space<vmem>>, vector<16xf32>,
      %add3A_71 = arith.addf %add3A_65, %get3A_70 : vector<16xf32>
      %get3A_72 = arith.constant 304 : index
      %get3A_73 = tpu.vector_load %arg14[%get3A_72] {strides = array<i32>} : memref<512xf32, #tpu.memory_space<vmem>>, vector<16xf32>,
      %add3A_74 = arith.addf %add3A_68, %get3A_73 : vector<16xf32>
      %get3A_75 = arith.constant 320 : index
      %get3A_76 = tpu.vector_load %arg14[%get3A_75] {strides = array<i32>} : memref<512xf32, #tpu.memory_space<vmem>>, vector<16xf32>,
      %add3A_77 = arith.addf %add3A_71, %get3A_76 : vector<16xf32>
      %get3A_78 = arith.constant 336 : index
      %get3A_79 = tpu.vector_load %arg14[%get3A_78] {strides = array<i32>} : memref<512xf32, #tpu.memory_space<vmem>>, vector<16xf32>,
      %add3A_80 = arith.addf %add3A_74, %get3A_79 : vector<16xf32>
      %get3A_81 = arith.constant 352 : index
      %get3A_82 = tpu.vector_load %arg14[%get3A_81] {strides = array<i32>} : memref<512xf32, #tpu.memory_space<vmem>>, vector<16xf32>,
      %add3A_83 = arith.addf %add3A_77, %get3A_82 : vector<16xf32>
      %get3A_84 = arith.constant 368 : index
      %get3A_85 = tpu.vector_load %arg14[%get3A_84] {strides = array<i32>} : memref<512xf32, #tpu.memory_space<vmem>>, vector<16xf32>,
      %add3A_86 = arith.addf %add3A_80, %get3A_85 : vector<16xf32>
      %get3A_87 = arith.constant 384 : index
      %get3A_88 = tpu.vector_load %arg14[%get3A_87] {strides = array<i32>} : memref<512xf32, #tpu.memory_space<vmem>>, vector<16xf32>,
      %add3A_89 = arith.addf %add3A_83, %get3A_88 : vector<16xf32>
      %get3A_90 = arith.constant 400 : index
      %get3A_91 = tpu.vector_load %arg14[%get3A_90] {strides = array<i32>} : memref<512xf32, #tpu.memory_space<vmem>>, vector<16xf32>,
      %add3A_92 = arith.addf %add3A_86, %get3A_91 : vector<16xf32>
      %get3A_93 = arith.constant 416 : index
      %get3A_94 = tpu.vector_load %arg14[%get3A_93] {strides = array<i32>} : memref<512xf32, #tpu.memory_space<vmem>>, vector<16xf32>,
      %add3A_95 = arith.addf %add3A_89, %get3A_94 : vector<16xf32>
      %get3A_96 = arith.constant 432 : index
      %get3A_97 = tpu.vector_load %arg14[%get3A_96] {strides = array<i32>} : memref<512xf32, #tpu.memory_space<vmem>>, vector<16xf32>,
      %add3A_98 = arith.addf %add3A_92, %get3A_97 : vector<16xf32>
      %get3A_99 = arith.constant 448 : index
      %get3A_100 = tpu.vector_load %arg14[%get3A_99] {strides = array<i32>} : memref<512xf32, #tpu.memory_space<vmem>>, vector<16xf32>,
      %add3A_101 = arith.addf %add3A_95, %get3A_100 : vector<16xf32>
      %get3A_102 = arith.constant 464 : index
      %get3A_103 = tpu.vector_load %arg14[%get3A_102] {strides = array<i32>} : memref<512xf32, #tpu.memory_space<vmem>>, vector<16xf32>,
      %add3A_104 = arith.addf %add3A_98, %get3A_103 : vector<16xf32>
      %get3A_105 = arith.constant 480 : index
      %get3A_106 = tpu.vector_load %arg14[%get3A_105] {strides = array<i32>} : memref<512xf32, #tpu.memory_space<vmem>>, vector<16xf32>,
      %add3A_107 = arith.addf %add3A_101, %get3A_106 : vector<16xf32>
      %get3A_108 = arith.constant 496 : index
      %get3A_109 = tpu.vector_load %arg14[%get3A_108] {strides = array<i32>} : memref<512xf32, #tpu.memory_space<vmem>>, vector<16xf32>,
      %add3A_110 = arith.addf %add3A_104, %get3A_109 : vector<16xf32>
      %swap3A = arith.constant 0 : index
      %swap3A_111 = tpu.vector_load %arg13[%swap3A] {strides = array<i32>} : memref<32xf32, #tpu.memory_space<vmem>>, vector<16xf32>,
      tpu.vector_store %arg13[%swap3A], %add3A_107 {strides = array<i32>} : memref<32xf32, #tpu.memory_space<vmem>>, vector<16xf32>,
      %swap3A_112 = arith.constant 16 : index
      %swap3A_113 = tpu.vector_load %arg13[%swap3A_112] {strides = array<i32>} : memref<32xf32, #tpu.memory_space<vmem>>, vector<16xf32>,
      tpu.vector_store %arg13[%swap3A_112], %add3A_110 {strides = array<i32>} : memref<32xf32, #tpu.memory_space<vmem>>, vector<16xf32>,
      %broadcast_in_dim3A_114 = arith.constant 0 : i32
      %broadcast_in_dim3A_115 = vector.broadcast %broadcast_in_dim3A_114 : i32 to vector<16xi32>
      %gather3A = tpu.vector_load_idx %arg13[%broadcast_in_dim3A_115] : memref<32xf32, #tpu.memory_space<vmem>>[vector<16xi32>], vector<16xf32>,
      %add3A_116 = arith.addf %broadcast_in_dim3A_2, %gather3A : vector<16xf32>
      %add3A_117 = arith.constant 16 : i32
      %add3A_118 = vector.broadcast %add3A_117 : i32 to vector<16xi32>
      %add3A_119 = arith.addi %broadcast_in_dim3A_115, %add3A_118 : vector<16xi32>
      %gather3A_120 = tpu.vector_load_idx %arg13[%add3A_119] : memref<32xf32, #tpu.memory_space<vmem>>[vector<16xi32>], vector<16xf32>,
      %add3A_121 = arith.addf %broadcast_in_dim3A_2, %gather3A_120 : vector<16xf32>
      %broadcast_in_dim3A_122 = arith.constant 1 : i32
      %broadcast_in_dim3A_123 = vector.broadcast %broadcast_in_dim3A_122 : i32 to vector<16xi32>
      %gather3A_124 = tpu.vector_load_idx %arg13[%broadcast_in_dim3A_123] : memref<32xf32, #tpu.memory_space<vmem>>[vector<16xi32>], vector<16xf32>,
      %add3A_125 = arith.addf %add3A_116, %gather3A_124 : vector<16xf32>
      %add3A_126 = arith.constant 16 : i32
      %add3A_127 = vector.broadcast %add3A_126 : i32 to vector<16xi32>
      %add3A_128 = arith.addi %broadcast_in_dim3A_123, %add3A_127 : vector<16xi32>
      %gather3A_129 = tpu.vector_load_idx %arg13[%add3A_128] : memref<32xf32, #tpu.memory_space<vmem>>[vector<16xi32>], vector<16xf32>,
      %add3A_130 = arith.addf %add3A_121, %gather3A_129 : vector<16xf32>
      %broadcast_in_dim3A_131 = arith.constant 2 : i32
      %broadcast_in_dim3A_132 = vector.broadcast %broadcast_in_dim3A_131 : i32 to vector<16xi32>
      %gather3A_133 = tpu.vector_load_idx %arg13[%broadcast_in_dim3A_132] : memref<32xf32, #tpu.memory_space<vmem>>[vector<16xi32>], vector<16xf32>,
      %add3A_134 = arith.addf %add3A_125, %gather3A_133 : vector<16xf32>
      %add3A_135 = arith.constant 16 : i32
      %add3A_136 = vector.broadcast %add3A_135 : i32 to vector<16xi32>
      %add3A_137 = arith.addi %broadcast_in_dim3A_132, %add3A_136 : vector<16xi32>
      %gather3A_138 = tpu.vector_load_idx %arg13[%add3A_137] : memref<32xf32, #tpu.memory_space<vmem>>[vector<16xi32>], vector<16xf32>,
      %add3A_139 = arith.addf %add3A_130, %gather3A_138 : vector<16xf32>
      %broadcast_in_dim3A_140 = arith.constant 3 : i32
      %broadcast_in_dim3A_141 = vector.broadcast %broadcast_in_dim3A_140 : i32 to vector<16xi32>
      %gather3A_142 = tpu.vector_load_idx %arg13[%broadcast_in_dim3A_141] : memref<32xf32, #tpu.memory_space<vmem>>[vector<16xi32>], vector<16xf32>,
      %add3A_143 = arith.addf %add3A_134, %gather3A_142 : vector<16xf32>
      %add3A_144 = arith.constant 16 : i32
      %add3A_145 = vector.broadcast %add3A_144 : i32 to vector<16xi32>
      %add3A_146 = arith.addi %broadcast_in_dim3A_141, %add3A_145 : vector<16xi32>
      %gather3A_147 = tpu.vector_load_idx %arg13[%add3A_146] : memref<32xf32, #tpu.memory_space<vmem>>[vector<16xi32>], vector<16xf32>,
      %add3A_148 = arith.addf %add3A_139, %gather3A_147 : vector<16xf32>
      %broadcast_in_dim3A_149 = arith.constant 4 : i32
      %broadcast_in_dim3A_150 = vector.broadcast %broadcast_in_dim3A_149 : i32 to vector<16xi32>
      %gather3A_151 = tpu.vector_load_idx %arg13[%broadcast_in_dim3A_150] : memref<32xf32, #tpu.memory_space<vmem>>[vector<16xi32>], vector<16xf32>,
      %add3A_152 = arith.addf %add3A_143, %gather3A_151 : vector<16xf32>
      %add3A_153 = arith.constant 16 : i32
      %add3A_154 = vector.broadcast %add3A_153 : i32 to vector<16xi32>
      %add3A_155 = arith.addi %broadcast_in_dim3A_150, %add3A_154 : vector<16xi32>
      %gather3A_156 = tpu.vector_load_idx %arg13[%add3A_155] : memref<32xf32, #tpu.memory_space<vmem>>[vector<16xi32>], vector<16xf32>,
      %add3A_157 = arith.addf %add3A_148, %gather3A_156 : vector<16xf32>
      %broadcast_in_dim3A_158 = arith.constant 5 : i32
      %broadcast_in_dim3A_159 = vector.broadcast %broadcast_in_dim3A_158 : i32 to vector<16xi32>
      %gather3A_160 = tpu.vector_load_idx %arg13[%broadcast_in_dim3A_159] : memref<32xf32, #tpu.memory_space<vmem>>[vector<16xi32>], vector<16xf32>,
      %add3A_161 = arith.addf %add3A_152, %gather3A_160 : vector<16xf32>
      %add3A_162 = arith.constant 16 : i32
      %add3A_163 = vector.broadcast %add3A_162 : i32 to vector<16xi32>
      %add3A_164 = arith.addi %broadcast_in_dim3A_159, %add3A_163 : vector<16xi32>
      %gather3A_165 = tpu.vector_load_idx %arg13[%add3A_164] : memref<32xf32, #tpu.memory_space<vmem>>[vector<16xi32>], vector<16xf32>,
      %add3A_166 = arith.addf %add3A_157, %gather3A_165 : vector<16xf32>
      %broadcast_in_dim3A_167 = arith.constant 6 : i32
      %broadcast_in_dim3A_168 = vector.broadcast %broadcast_in_dim3A_167 : i32 to vector<16xi32>
      %gather3A_169 = tpu.vector_load_idx %arg13[%broadcast_in_dim3A_168] : memref<32xf32, #tpu.memory_space<vmem>>[vector<16xi32>], vector<16xf32>,
      %add3A_170 = arith.addf %add3A_161, %gather3A_169 : vector<16xf32>
      %add3A_171 = arith.constant 16 : i32
      %add3A_172 = vector.broadcast %add3A_171 : i32 to vector<16xi32>
      %add3A_173 = arith.addi %broadcast_in_dim3A_168, %add3A_172 : vector<16xi32>
      %gather3A_174 = tpu.vector_load_idx %arg13[%add3A_173] : memref<32xf32, #tpu.memory_space<vmem>>[vector<16xi32>], vector<16xf32>,
      %add3A_175 = arith.addf %add3A_166, %gather3A_174 : vector<16xf32>
      %broadcast_in_dim3A_176 = arith.constant 7 : i32
      %broadcast_in_dim3A_177 = vector.broadcast %broadcast_in_dim3A_176 : i32 to vector<16xi32>
      %gather3A_178 = tpu.vector_load_idx %arg13[%broadcast_in_dim3A_177] : memref<32xf32, #tpu.memory_space<vmem>>[vector<16xi32>], vector<16xf32>,
      %add3A_179 = arith.addf %add3A_170, %gather3A_178 : vector<16xf32>
      %add3A_180 = arith.constant 16 : i32
      %add3A_181 = vector.broadcast %add3A_180 : i32 to vector<16xi32>
      %add3A_182 = arith.addi %broadcast_in_dim3A_177, %add3A_181 : vector<16xi32>
      %gather3A_183 = tpu.vector_load_idx %arg13[%add3A_182] : memref<32xf32, #tpu.memory_space<vmem>>[vector<16xi32>], vector<16xf32>,
      %add3A_184 = arith.addf %add3A_175, %gather3A_183 : vector<16xf32>
      %broadcast_in_dim3A_185 = arith.constant 8 : i32
      %broadcast_in_dim3A_186 = vector.broadcast %broadcast_in_dim3A_185 : i32 to vector<16xi32>
      %gather3A_187 = tpu.vector_load_idx %arg13[%broadcast_in_dim3A_186] : memref<32xf32, #tpu.memory_space<vmem>>[vector<16xi32>], vector<16xf32>,
      %add3A_188 = arith.addf %add3A_179, %gather3A_187 : vector<16xf32>
      %add3A_189 = arith.constant 16 : i32
      %add3A_190 = vector.broadcast %add3A_189 : i32 to vector<16xi32>
      %add3A_191 = arith.addi %broadcast_in_dim3A_186, %add3A_190 : vector<16xi32>
      %gather3A_192 = tpu.vector_load_idx %arg13[%add3A_191] : memref<32xf32, #tpu.memory_space<vmem>>[vector<16xi32>], vector<16xf32>,
      %add3A_193 = arith.addf %add3A_184, %gather3A_192 : vector<16xf32>
      %broadcast_in_dim3A_194 = arith.constant 9 : i32
      %broadcast_in_dim3A_195 = vector.broadcast %broadcast_in_dim3A_194 : i32 to vector<16xi32>
      %gather3A_196 = tpu.vector_load_idx %arg13[%broadcast_in_dim3A_195] : memref<32xf32, #tpu.memory_space<vmem>>[vector<16xi32>], vector<16xf32>,
      %add3A_197 = arith.addf %add3A_188, %gather3A_196 : vector<16xf32>
      %add3A_198 = arith.constant 16 : i32
      %add3A_199 = vector.broadcast %add3A_198 : i32 to vector<16xi32>
      %add3A_200 = arith.addi %broadcast_in_dim3A_195, %add3A_199 : vector<16xi32>
      %gather3A_201 = tpu.vector_load_idx %arg13[%add3A_200] : memref<32xf32, #tpu.memory_space<vmem>>[vector<16xi32>], vector<16xf32>,
      %add3A_202 = arith.addf %add3A_193, %gather3A_201 : vector<16xf32>
      %broadcast_in_dim3A_203 = arith.constant 10 : i32
      %broadcast_in_dim3A_204 = vector.broadcast %broadcast_in_dim3A_203 : i32 to vector<16xi32>
      %gather3A_205 = tpu.vector_load_idx %arg13[%broadcast_in_dim3A_204] : memref<32xf32, #tpu.memory_space<vmem>>[vector<16xi32>], vector<16xf32>,
      %add3A_206 = arith.addf %add3A_197, %gather3A_205 : vector<16xf32>
      %add3A_207 = arith.constant 16 : i32
      %add3A_208 = vector.broadcast %add3A_207 : i32 to vector<16xi32>
      %add3A_209 = arith.addi %broadcast_in_dim3A_204, %add3A_208 : vector<16xi32>
      %gather3A_210 = tpu.vector_load_idx %arg13[%add3A_209] : memref<32xf32, #tpu.memory_space<vmem>>[vector<16xi32>], vector<16xf32>,
      %add3A_211 = arith.addf %add3A_202, %gather3A_210 : vector<16xf32>
      %broadcast_in_dim3A_212 = arith.constant 11 : i32
      %broadcast_in_dim3A_213 = vector.broadcast %broadcast_in_dim3A_212 : i32 to vector<16xi32>
      %gather3A_214 = tpu.vector_load_idx %arg13[%broadcast_in_dim3A_213] : memref<32xf32, #tpu.memory_space<vmem>>[vector<16xi32>], vector<16xf32>,
      %add3A_215 = arith.addf %add3A_206, %gather3A_214 : vector<16xf32>
      %add3A_216 = arith.constant 16 : i32
      %add3A_217 = vector.broadcast %add3A_216 : i32 to vector<16xi32>
      %add3A_218 = arith.addi %broadcast_in_dim3A_213, %add3A_217 : vector<16xi32>
      %gather3A_219 = tpu.vector_load_idx %arg13[%add3A_218] : memref<32xf32, #tpu.memory_space<vmem>>[vector<16xi32>], vector<16xf32>,
      %add3A_220 = arith.addf %add3A_211, %gather3A_219 : vector<16xf32>
      %broadcast_in_dim3A_221 = arith.constant 12 : i32
      %broadcast_in_dim3A_222 = vector.broadcast %broadcast_in_dim3A_221 : i32 to vector<16xi32>
      %gather3A_223 = tpu.vector_load_idx %arg13[%broadcast_in_dim3A_222] : memref<32xf32, #tpu.memory_space<vmem>>[vector<16xi32>], vector<16xf32>,
      %add3A_224 = arith.addf %add3A_215, %gather3A_223 : vector<16xf32>
      %add3A_225 = arith.constant 16 : i32
      %add3A_226 = vector.broadcast %add3A_225 : i32 to vector<16xi32>
      %add3A_227 = arith.addi %broadcast_in_dim3A_222, %add3A_226 : vector<16xi32>
      %gather3A_228 = tpu.vector_load_idx %arg13[%add3A_227] : memref<32xf32, #tpu.memory_space<vmem>>[vector<16xi32>], vector<16xf32>,
      %add3A_229 = arith.addf %add3A_220, %gather3A_228 : vector<16xf32>
      %broadcast_in_dim3A_230 = arith.constant 13 : i32
      %broadcast_in_dim3A_231 = vector.broadcast %broadcast_in_dim3A_230 : i32 to vector<16xi32>
      %gather3A_232 = tpu.vector_load_idx %arg13[%broadcast_in_dim3A_231] : memref<32xf32, #tpu.memory_space<vmem>>[vector<16xi32>], vector<16xf32>,
      %add3A_233 = arith.addf %add3A_224, %gather3A_232 : vector<16xf32>
      %add3A_234 = arith.constant 16 : i32
      %add3A_235 = vector.broadcast %add3A_234 : i32 to vector<16xi32>
      %add3A_236 = arith.addi %broadcast_in_dim3A_231, %add3A_235 : vector<16xi32>
      %gather3A_237 = tpu.vector_load_idx %arg13[%add3A_236] : memref<32xf32, #tpu.memory_space<vmem>>[vector<16xi32>], vector<16xf32>,
      %add3A_238 = arith.addf %add3A_229, %gather3A_237 : vector<16xf32>
      %broadcast_in_dim3A_239 = arith.constant 14 : i32
      %broadcast_in_dim3A_240 = vector.broadcast %broadcast_in_dim3A_239 : i32 to vector<16xi32>
      %gather3A_241 = tpu.vector_load_idx %arg13[%broadcast_in_dim3A_240] : memref<32xf32, #tpu.memory_space<vmem>>[vector<16xi32>], vector<16xf32>,
      %add3A_242 = arith.addf %add3A_233, %gather3A_241 : vector<16xf32>
      %add3A_243 = arith.constant 16 : i32
      %add3A_244 = vector.broadcast %add3A_243 : i32 to vector<16xi32>
      %add3A_245 = arith.addi %broadcast_in_dim3A_240, %add3A_244 : vector<16xi32>
      %gather3A_246 = tpu.vector_load_idx %arg13[%add3A_245] : memref<32xf32, #tpu.memory_space<vmem>>[vector<16xi32>], vector<16xf32>,
      %add3A_247 = arith.addf %add3A_238, %gather3A_246 : vector<16xf32>
      %broadcast_in_dim3A_248 = arith.constant 15 : i32
      %broadcast_in_dim3A_249 = vector.broadcast %broadcast_in_dim3A_248 : i32 to vector<16xi32>
      %gather3A_250 = tpu.vector_load_idx %arg13[%broadcast_in_dim3A_249] : memref<32xf32, #tpu.memory_space<vmem>>[vector<16xi32>], vector<16xf32>,
      %add3A_251 = arith.addf %add3A_242, %gather3A_250 : vector<16xf32>
      %add3A_252 = arith.constant 16 : i32
      %add3A_253 = vector.broadcast %add3A_252 : i32 to vector<16xi32>
      %add3A_254 = arith.addi %broadcast_in_dim3A_249, %add3A_253 : vector<16xi32>
      %gather3A_255 = tpu.vector_load_idx %arg13[%add3A_254] : memref<32xf32, #tpu.memory_space<vmem>>[vector<16xi32>], vector<16xf32>,
      %add3A_256 = arith.addf %add3A_247, %gather3A_255 : vector<16xf32>
      %max3A = arith.constant 1.000000e+00 : f32
      %max3A_257 = vector.broadcast %max3A : f32 to vector<16xf32>
      %max3A_258 = arith.maximumf %add3A_256, %max3A_257 : vector<16xf32>
      %div3A = arith.divf %add3A_251, %max3A_258 : vector<16xf32>
      %swap3A_259 = arith.constant 0 : index
      %swap3A_260 = tpu.vector_load %arg15[%swap3A_259] {strides = array<i32>} : memref<16xf32, #tpu.memory_space<vmem>>, vector<16xf32>,
      tpu.vector_store %arg15[%swap3A_259], %div3A {strides = array<i32>} : memref<16xf32, #tpu.memory_space<vmem>>, vector<16xf32>,
      "tpu.region"() ({
        %run_scoped3A = tpu.sem_alloc : memref<!tpu.dma_semaphore, #tpu.memory_space<semaphore_mem>>
        tpu.enqueue_dma source(%arg15 : memref<16xf32, #tpu.memory_space<vmem>>) target(%arg5 : memref<16xf32, #tpu.memory_space<hbm>>) target_semaphore(%run_scoped3A : memref<!tpu.dma_semaphore, #tpu.memory_space<semaphore_mem>>)
        tpu.wait_dma2 semaphore(%run_scoped3A : memref<!tpu.dma_semaphore, #tpu.memory_space<semaphore_mem>>) src(%arg15 : memref<16xf32, #tpu.memory_space<vmem>>) dst(%arg5 : memref<16xf32, #tpu.memory_space<hbm>>)
        tpu.yield
      }) : () -> ()
    } else {
    }
    return
  }
}

</mosaic_0001>

<sc_bundles>
// kernel: kernel.3.cloned.1.call-start
scs
__scs_entry_jumppad:
0x0: {  	(pc) =	sbr.rel $0x88, $3  }
0x1: {  	(tag) =	ssettag $0x0;
	lr =	simm.s32 $0x1  }
0x2: {  	[smem:$0x3F9E] =	sst lr;
	_ =	strace $0xD0000000  }
0x3: {  	_ = 	snop  }
0x4: {  	_ = 	snop  }
0x5: {  	_ = 	snop  }
0x6: {  	_ = 	snop  }
0x7: {  	_ = 	snop  }
__scs_overlays_trampoline_lowered:
0x8: {  	[smem:$0x3FAD] =	sst s0  }
0x9: {  	[smem:$0x3FAE] =	sst s1  }
0xa: {  	[smem:$0x3FAF] =	sst s2  }
0xb: {  	[smem:$0x3FB0] =	sst s3  }
0xc: {  	[smem:$0x3FB1] =	sst s4  }
0xd: {  	[smem:$0x3FB2] =	sst s5  }
0xe: {  	[smem:$0x3FB3] =	sst s6  }
0xf: {  	[smem:$0x3FB4] =	sst s7  }
0x10: {  	[smem:$0x3FB5] =	sst s8  }
0x11: {  	[smem:$0x3FB6] =	sst s9;
	s0 =	simm.s32 @!p0 $0x0  }
0x12: {  	s1 =	sld [smem:$0x3F9C];
	s0 =	simm.s32 @p0 $0x1  }
0x13: {  	[smem:$0x3FB7] =	sst s0;
	s0 =	simm.s32 @!p1 $0x0  }
0x14: {  	s2 =	sld [smem:$0x3F9B];
	s0 =	simm.s32 @p1 $0x1  }
0x15: {  	[smem:$0x3FB8] =	sst s0;
	s0 =	simm.s32 @!p2 $0x0  }
0x16: {  	s3 =	sld [smem:$0x3FDB];
	s0 =	simm.s32 @p2 $0x1  }
0x17: {  	s4 =	simm.s32 $0x1BF5;
	[smem:$0x3FBA] =	sst s0  }
0x18: {  	s0 =	sld [smem:$0x3F9D];
	_ =	swait.ge [sflag:s4], $0x0  }
0x19: {  	s7 =	sld [smem:$0x3F9E]  }
0x1a: {  	s8 =	sadd.s32 $0xFFFFE003, lr  }
0x1b: {  	s9 =	sadd.s32 $0xFFFFFEF7, lr;
	s5 =	simm.s32 $0xFFFFFFFF;
	p2 =	slt.u32 s8, $0xFFFFF086  }
0x1c: {  	p1 =	slt.u32 s9, $0xF7A;
	s5 =	simm.s32 @!p2 $0x0  }
0x1d: {  	s5 =	simm.s32 @p1 $0x1;
	p0 =	seq.s32 s7, s2  }
0x1e: {  	s7 =	smul.u32 @!p0 $0xF7A, s2;
	p2 =	seq.s32 @!p0 s5, $0x0  }
0x1f: {  	s9 =	smul.u32 $0xF7A, s1;
	s8 =	simm.s32 @!p0 $0x1BF5;
	p2 =	por !p2, p0  }
0x20: {  	[sflag:s8] =	ssyncset.s32 @!p0 $0xFFFFF086;
	s6 =	sadd.s32 @!p0 s3, s7;
	s7 =	simm.s32 @!p0 $0x108  }
0x21: {  	s3 =	sadd.s32 s3, s9;
	s6 =	sadd.s32 @!p0 $0x88, s6;
	s7 =	simm.s32 @p2 $0x1082  }
0x22: {  	[simem:s7], [sflag:s8] =	dma.local @!p0 [hbm:s6], $0xF7A  }
0x23: {  	s9 =	sor.u32 $0xD0000000, s2;
	s6 =	simm.s32 $0x108;
	_ =	swait.ge @!p0 [sflag:s8], $0x0  }
0x24: {  	s3 =	sadd.s32 $0x88, s3;
	s6 =	simm.s32 @!p1 $0x1082;
	[sflag:s4] =	ssyncset.s32 $0xFFFFF086  }
0x25: {  	[simem:s6], [sflag:s4] =	dma.local [hbm:s3], $0xF7A  }
0x26: {  	[smem:$0x3F9E] =	sst s1;
	(tag) =	ssettag s2;
	_ =	strace s9  }
0x27: {  	s1 =	sld [smem:$0x3FAE]  }
0x28: {  	s2 =	sld [smem:$0x3FAF]  }
0x29: {  	s4 =	sld [smem:$0x3FB1]  }
0x2a: {  	p0 =	seq.s32 s5, $0x0;
	s5 =	sld [smem:$0x3FB2]  }
0x2b: {  	s6 =	sld [smem:$0x3FB3]  }
0x2c: {  	s7 =	sld [smem:$0x3FB4]  }
0x2d: {  	s3 =	simm.s32 $0x108;
	s8 =	sld [smem:$0x3FB5]  }
0x2e: {  	s3 =	simm.s32 @!p0 $0x1082;
	s9 =	sld [smem:$0x3FB6]  }
0x2f: {  	lr =	sadd.s32 s0, s3;
	s0 =	sld [smem:$0x3FAD]  }
0x30: {  	s3 =	sld [smem:$0x3FB0]  }
0x31: {  	[smem:$0x3FB9] =	sst s10  }
0x32: {  	s10 =	sld [smem:$0x3FB7];
	_ =	sdelay $0x3  }
0x33: {  	p0 =	seq.s32 s10, $0x1;
	s10 =	sld [smem:$0x3FB9];
	_ =	sdelay $0x3  }
0x34: {  	[smem:$0x3FB9] =	sst s10  }
0x35: {  	s10 =	sld [smem:$0x3FB8];
	_ =	sdelay $0x3  }
0x36: {  	p1 =	seq.s32 s10, $0x1;
	s10 =	sld [smem:$0x3FB9];
	_ =	sdelay $0x3  }
0x37: {  	[smem:$0x3FB9] =	sst s10  }
0x38: {  	s10 =	sld [smem:$0x3FBA]  }
0x39: {  	_ = 	snop;
	(pc) =	sbr.ind lr, $3  }
0x3a: {  	_ = 	snop  }
0x3b: {  	_ = 	snop  }
0x3c: {  	p2 =	seq.s32 s10, $0x1;
	s10 =	sld [smem:$0x3FB9]  }
0x3d: {  	_ =	shalt  }
0x3e: {  	_ =	shalt  }
0x3f: {  	_ =	shalt  }
0x40: {  	_ =	shalt  }
0x41: {  	_ =	shalt  }
0x42: {  	_ =	shalt  }
0x43: {  	_ =	shalt  }
0x44: {  	_ =	shalt  }
0x45: {  	_ =	shalt  }
0x46: {  	_ =	shalt  }
0x47: {  	_ =	shalt  }
0x48: {  	_ =	shalt  }
0x49: {  	_ =	shalt  }
0x4a: {  	_ =	shalt  }
0x4b: {  	_ =	shalt  }
0x4c: {  	_ =	shalt  }
0x4d: {  	_ =	shalt  }
0x4e: {  	_ =	shalt  }
0x4f: {  	_ =	shalt  }
0x50: {  	_ =	shalt  }
0x51: {  	_ =	shalt  }
0x52: {  	_ =	shalt  }
0x53: {  	_ =	shalt  }
0x54: {  	_ =	shalt  }
0x55: {  	_ =	shalt  }
0x56: {  	_ =	shalt  }
0x57: {  	_ =	shalt  }
0x58: {  	_ =	shalt  }
0x59: {  	_ =	shalt  }
0x5a: {  	_ =	shalt  }
0x5b: {  	_ =	shalt  }
0x5c: {  	_ =	shalt  }
0x5d: {  	_ =	shalt  }
0x5e: {  	_ =	shalt  }
0x5f: {  	_ =	shalt  }
0x60: {  	_ =	shalt  }
0x61: {  	_ =	shalt  }
0x62: {  	_ =	shalt  }
0x63: {  	_ =	shalt  }
0x64: {  	_ =	shalt  }
0x65: {  	_ =	shalt  }
0x66: {  	_ =	shalt  }
0x67: {  	_ =	shalt  }
0x68: {  	_ =	shalt  }
0x69: {  	_ =	shalt  }
0x6a: {  	_ =	shalt  }
0x6b: {  	_ =	shalt  }
0x6c: {  	_ =	shalt  }
0x6d: {  	_ =	shalt  }
0x6e: {  	_ =	shalt  }
0x6f: {  	_ =	shalt  }
0x70: {  	_ =	shalt  }
0x71: {  	_ =	shalt  }
0x72: {  	_ =	shalt  }
0x73: {  	_ =	shalt  }
0x74: {  	_ =	shalt  }
0x75: {  	_ =	shalt  }
0x76: {  	_ =	shalt  }
0x77: {  	_ =	shalt  }
0x78: {  	_ =	shalt  }
0x79: {  	_ =	shalt  }
0x7a: {  	_ =	shalt  }
0x7b: {  	_ =	shalt  }
0x7c: {  	_ =	shalt  }
0x7d: {  	_ =	shalt  }
0x7e: {  	_ =	shalt  }
0x7f: {  	_ =	shalt  }
0x80: {  	_ =	shalt  }
0x81: {  	_ =	shalt  }
0x82: {  	_ =	shalt  }
0x83: {  	_ =	shalt  }
0x84: {  	_ =	shalt  }
0x85: {  	_ =	shalt  }
0x86: {  	_ =	shalt  }
0x87: {  	_ =	shalt  }
.Lfunc_end0:
.L_simem_size_0:
called_computation_lowered:
.L_overlay_start_0:
0x88: {  	s2 =	sld [smem:$0x3FD9]  }
0x89: {  	s3 =	sld [smem:$0x3FFE];
	_ =	sdelay $0x1  }
0x8a: {  	s1 =	srdreg.scid  }
0x8b: {  	s0 =	sand.u32 $0x1, s1  }
0x8c: {  	s17 =	sshll.u32 s0, $0xA;
	s2 =	sadd.s32 s3, s2  }
0x8d: {  	s2 =	sadd.s32 s2, s17  }
0x8e: {  	[smem:$0x3FC5] =	sst s2  }
0x8f: {  	_ = 	snop  }
0x90: {  	s2 =	sld [smem:$0x3FC9]  }
0x91: {  	s18 =	sld [smem:$0x3FC8]  }
0x92: {  	s4 =	sld [smem:$0x3FD0];
	(tm) =	ssettm $0x1  }
0x93: {  	s5 =	sld [smem:$0x3FFB];
	_ =	sdelay $0x3  }
0x94: {  	_ =	strace s5  }
0x95: {  	s5 =	sld [smem:$0x3FFC];
	_ =	sdelay $0x3  }
0x96: {  	_ =	strace s5  }
0x97: {  	s5 =	sld [smem:$0x3FFD];
	_ =	sdelay $0x3  }
0x98: {  	_ =	strace s5  }
0x99: {  	_ =	strace $0x8FFFFFFF  }
0x9a: {  	s19 =	sld [smem:$0x3FDB];
	_ =	sdelay $0x1  }
0x9b: {  	s6 =	simm.s32 $_scs_section_size  }
0x9c: {  	s7 =	simm.s32 $_size__tile_overlayer_lowered;
	s8 =	simm.s32 $_tile_overlayer_lowered  }
0x9d: {  	s22 =	simm.s32 $0x1BFF;
	s21 =	sshll.u32 s8, $0x1;
	s5 =	sadd.s32 s6, s19  }
0x9e: {  	s9 =	simm.s32 $0x0;
	s20 =	sshll.u32 s7, $0x1;
	s7 =	sadd.s32 s21, s5  }
0x9f: {  	[timem:s9], [sflag:s22] =	dma.local [hbm:s7], s20  }
0xa0: {  	_ =	swait.ge [sflag:s22], s20  }
0xa1: {  	s6 =	ssub.s32 $0x0, s20;
	[sflag:s22] =	ssyncset.done $0x0  }
0xa2: {  	[sflag:s22] =	ssyncadd.s32 s6;
	_ =	sdelay $0x1  }
0xa3: {  	s23 =	simm.s32 $0x1B8B  }
0xa4: {  	_ =	swait.ge [sflag:s23], $0x1  }
0xa5: {  	[sflag:s23] =	ssyncset.done $0x0  }
0xa6: {  	s25 =	simm.s32 $0x1B8E;
	s24 =	sld [smem:$0x3FFE];
	[sflag:s23] =	ssyncadd.s32 $0xFFFFFFFF  }
0xa7: {  	s26 =	simm.s32 $execute0_lowered;
	[smem:$0x3FD2] =	sst s25  }
0xa8: {  	s7 =	sshll.u32 s26, $0x1;
	_ =	strace $0x80000046;
	[dreg:$0x1] =	wrdreg $0xFFFFFFFF  }
0xa9: {  	s28 =	simm.s32 $_size_execute0_lowered;
	s5 =	sadd.s32 s5, s7;
	[dreg:$0x0] =	wrdreg $0x0  }
0xaa: {  	s7 =	sshll.u32 s28, $0x1;
	[dreg:$0x2] =	wrdreg s5  }
0xab: {  	[dreg:$0x3] =	wrdreg s7  }
0xac: {  	[dreg:$0x4] =	wrdreg $0xC0  }
0xad: {  	_ =	task [dreg:s9], $0x5FFFF  }
0xae: {  	[dreg:$0x1] =	wrdreg $0xFFFFFFFF  }
0xaf: {  	[dreg:$0x0] =	wrdreg $0x60  }
0xb0: {  	[dreg:$0x2] =	wrdreg s2  }
0xb1: {  	[dreg:$0x3] =	wrdreg s18  }
0xb2: {  	[dreg:$0x4] =	wrdreg s24  }
0xb3: {  	[dreg:$0x5] =	wrdreg s4  }
0xb4: {  	[dreg:$0x6] =	wrdreg $0x38000  }
0xb5: {  	[dreg:$0x7] =	wrdreg $0x44000  }
0xb6: {  	[dreg:$0x8] =	wrdreg $0x45000  }
0xb7: {  	[dreg:$0x9] =	wrdreg $0x9  }
0xb8: {  	_ =	task.clear_ibuf [dreg:s9], $0xAFFFF;
	_ =	strace $0x90000046  }
0xb9: {  	s29 =	simm.s32 $0x9;
	_ =	strace $0x80000048  }
0xba: {  	_ =	swait.ge [sflag:s29], $0x1  }
0xbb: {  	[sflag:s29] =	ssyncadd.s32 $0xFFFFFFFF  }
0xbc: {  	_ =	strace $0x90000048  }
0xbd: {  	_ =	sfence  }
0xbe: {  	s30 =	sld [smem:$0x0];
	_ =	sdelay $0x2  }
0xbf: {  	s31 =	sshll.u32 s1, $0xD;
	s1 =	sshrl.u32 s1, $0x2  }
0xc0: {  	s3 =	sand.u32 $0x4000, s31;
	s1 =	sadd.s32 s1, s30  }
0xc1: {  	s0 =	sor.u32 s3, s0;
	s1 =	sshll.u32 s1, $0x11  }
0xc2: {  	s0 =	sor.u32 s1, s0  }
0xc3: {  	s0 =	sadd.s32 $0x8F2B, s0  }
0xc4: {  	[sflag:s0] =	ssyncadd.remote.s32 $0x1  }
0xc5: {  	_ =	sfence.sel $0xFFFF  }
0xc6: {  	[dreg:$0x0] =	wrdreg $0xFFFFFFFF;
	(pc) =	sbr.abs _section_cstart, $3  }
0xc7: {  	[dreg:$0x1] =	wrdreg $0xFFFFFFFF  }
0xc8: {  	_ =	task.clear_ibuf [dreg:s9], $0x2FFFF;
	_ =	strace $0x9FFFFFFF  }
0xc9: {  	(tm) =	ssettm $0x7FFFFFFF  }
tec
execute0_lowered:
.L_overlay_start_1:
0x0: {  	(tag) =	ssettag $0x1  }
0x1: {  	s0 =	rddreg [dreg:$0x0]  }
0x2: {  	s1 =	rddreg [dreg:$0x1]  }
0x3: {  	s2 =	rddreg [dreg:$0x2]  }
0x4: {  	s3 =	rddreg [dreg:$0x4]  }
0x5: {  	s15 =	rddreg [dreg:$0x5]  }
0x6: {  	s11 =	rddreg [dreg:$0x6];
	s5 =	simm.s32 $0x0;
	s12 =	stileid.u32  }
0x7: {  	[smem:$0x7FF] =	sst s5;
	s6 =	sshll.u32 s12, $0x7;
	s8 =	smul.u32 $0x300, s12  }
0x8: {  	s10 =	smul.u32 $0x3000, s12;
	_ =	strace $0x80000047;
	s0 =	sadd.s32 s0, s6  }
0x9: {  	s2 =	sadd.s32 s6, s2;
	s1 =	sadd.s32 s1, s6;
	[dreg:$0x9] =	wrdreg s0  }
0xa: {  	s20 =	sshrl.u32 s6, $0x2;
	s2 =	sadd.s32 $0x400, s2;
	[dreg:$0xa] =	wrdreg s1  }
0xb: {  	s30 =	sshrl.u32 s10, $0x2;
	s21 =	sadd.s32 s20, s11;
	[dreg:$0x8] =	wrdreg s2  }
0xc: {  	s29 =	sshrl.u32 s8, $0x2;
	s0 =	sadd.s32 s30, s3;
	[dreg:$0x18] =	wrdreg s21  }
0xd: {  	s8 =	sadd.s32 s29, s3;
	s29 =	sadd.s32 $0x100, s15;
	[dreg:$0xb] =	wrdreg s0  }
0xe: {  	s30 =	sadd.s32 $0x200, s15;
	[dreg:$0x1d] =	wrdreg s29  }
0xf: {  	s4 =	srdreg.scid;
	s31 =	sadd.s32 $0xC00, s8;
	[dreg:$0x1e] =	wrdreg s30  }
0x10: {  	s4 =	sand.u32 $0x1, s4;
	s1 =	sadd.s32 $0x1800, s8;
	[dreg:$0xc] =	wrdreg s31  }
0x11: {  	s7 =	ssub.s32 $0x2, s4;
	s2 =	sadd.s32 $0x2400, s8;
	[dreg:$0xd] =	wrdreg s1  }
0x12: {  	s9 =	sshrl.u32 s7, $0x1;
	s3 =	sadd.s32 $0x3000, s8;
	[dreg:$0xe] =	wrdreg s2  }
0x13: {  	s7 =	ssub.s32 s7, s9;
	s9 =	sadd.s32 $0x3C00, s8;
	[dreg:$0xf] =	wrdreg s3  }
0x14: {  	s10 =	sadd.s32 $0x4800, s8;
	[dreg:$0x10] =	wrdreg s9  }
0x15: {  	s19 =	sshll.u32 s12, $0x8;
	s13 =	sadd.s32 $0x5400, s8;
	[dreg:$0x11] =	wrdreg s10  }
0x16: {  	p0 =	sne.s32 s4, $0x0;
	s14 =	sadd.s32 $0x6000, s8;
	[dreg:$0x12] =	wrdreg s13  }
0x17: {  	s24 =	sor.u32 s12, s4;
	s16 =	sadd.s32 $0x6C00, s8;
	[dreg:$0x13] =	wrdreg s14  }
0x18: {  	s6 =	sadd.s32 $0x700, s15;
	s17 =	sadd.s32 $0x7800, s8;
	[dreg:$0x14] =	wrdreg s16  }
0x19: {  	s12 =	sadd.s32 $0xC00, s15;
	s18 =	sadd.s32 $0x8400, s8;
	[dreg:$0x15] =	wrdreg s17  }
0x1a: {  	s11 =	sadd.s32 $0xB00, s15;
	s0 =	sadd.s32 s19, s15;
	[dreg:$0x16] =	wrdreg s18  }
0x1b: {  	s20 =	simm.s32 $0x2;
	s22 =	sadd.s32 $0x9000, s8;
	[dreg:$0x17] =	wrdreg s0  }
0x1c: {  	s21 =	simm.s32 $0x2500;
	s23 =	sadd.s32 $0x9C00, s8;
	[dreg:$0x19] =	wrdreg s22  }
0x1d: {  	s25 =	smax.u32 s7, $0x1;
	s26 =	sadd.s32 $0xA800, s8;
	[dreg:$0x1a] =	wrdreg s23  }
0x1e: {  	s28 =	sadd.s32 $0xB400, s8;
	s7 =	sadd.s32 $0x800, s15;
	[dreg:$0x1b] =	wrdreg s26  }
0x1f: {  	s19 =	simm.s32 $0xC00;
	[dreg:$0x1c] =	wrdreg s28;
	s31 =	sadd.s32 $0x300, s15  }
.Ltmp0:
0x20: {  	v0 =	vimm.f32 $0.0e+00;
	v1 =	vlaneseq.u32;
	vm4 =	vcmask $0x1714;
	s1 =	sadd.s32 $0x400, s15;
	s3 =	sadd.s32 $0x500, s15;
	(pc) =	sbr.rel .LBB2_1-.Ltmp0, $4  }
0x21: {  	vm5 =	vcmask $0x1B18;
	vm6 =	vcmask $0x1F1C;
	vm7 =	vcmask $0x2320;
	s2 =	sadd.s32 $0x600, s15;
	s9 =	sadd.s32 $0x900, s15;
	s10 =	sadd.s32 $0xA00, s15  }
0x22: {  	vm8 =	vcmask $0x2724;
	vm9 =	vcmask $0x2B28;
	vm10 =	vcmask $0x2F2C;
	s13 =	sadd.s32 $0xD00, s15;
	s14 =	sadd.s32 $0xE00, s15;
	s15 =	sadd.s32 $0xF00, s15  }
0x23: {  	vm11 =	vcmask $0x3330;
	vm12 =	vcmask $0x3734;
	vm13 =	vcmask $0x3B38;
	s16 =	simm.s32 $0x400;
	s17 =	simm.s32 $0x800;
	s18 =	simm.s32 $0x1  }
0x24: {  	vm14 =	vcmask $0x3F3C;
	v2 =	vimm.s32 $0xFFFFFF81;
	v1 =	vmul.u32 $0x40, v1;
	s22 =	simm.s32 $0x3500;
	s23 =	simm.s32 $0x0;
	[dreg:$0x1f] =	wrdreg s31  }
.LBB2_11:
0x25: {  	s23 =	sadd.s32 $0x1, s23  }
0x26: {  	p1 =	sne.s32 s23, s25  }
.Ltmp1:
0x27: {  	_ = 	snop;
	(pc) =	sbr.rel @!p1 .LBB2_12-.Ltmp1, $1  }
0x28: {  	_ =	sdelay $0x3  }
.LBB2_1:
.Ltmp2:
0x29: {  	(pc) =	sbr.rel @p0 .LBB2_13-.Ltmp2, $1  }
0x2a: {  	_ =	sdelay $0x3  }
0x2b: {  	s0 =	simm.s32 $0x0;
	s4 =	rddreg [dreg:$0x8]  }
0x2c: {  	[tilespmem:s0], [sflag:$0x1] =	stream.linear.gather [hbm4b:s4+s0], $0x400, $0x38;
	[tilespmem:$0x4520] =	vst v63  }
0x2d: {  	s30 =	rddreg [dreg:$0x9]  }
0x2e: {  	[tilespmem:s16], [sflag:$0x1] =	stream.linear.gather [hbm4b:s30+s0], $0x400, $0x38;
	[tilespmem:$0x4520] =	vst v63  }
0x2f: {  	s31 =	rddreg [dreg:$0xa]  }
0x30: {  	[tilespmem:s17], [sflag:$0x1] =	stream.linear.gather [hbm4b:s31+s0], $0x400, $0x38;
	[tilespmem:$0x4520] =	vst v63  }
0x31: {  	s26 =	simm.s32 $0x0;
	s0 =	simm.s32 $0x40  }
.LBB2_3:
0x32: {  	p1 =	sne.s32 s0, $0x2FC0;
	[tilespmem:s26+$0xC00] =	vst v0;
	s26 =	smov.u32 s0;
	s0 =	sadd.s32 $0x40, s0  }
.Ltmp3:
0x33: {  	(pc) =	sbr.rel @p1 .LBB2_3-.Ltmp3, $2  }
0x34: {  	_ =	sdelay $0x2  }
0x35: {  	s26 =	sshra.s32 s26, $0x2  }
0x36: {  	[tilespmem:s26+$0xC00] =	vst v0  }
0x37: {  	_ =	swait.ge [sflag:s18], $0x400  }
0x38: {  	[sflag:s18] =	ssyncset.done $0x0  }
0x39: {  	[sflag:s18] =	ssyncadd.s32 $0xFFFFFC00  }
0x3a: {  	s0 =	simm.s32 $0x0;
	_ =	swait.ge [sflag:s18], $0x400  }
0x3b: {  	v35 =	vor.u32 s0, v1;
	[sflag:s18] =	ssyncset.done $0x0  }
0x3c: {  	[sflag:s18] =	ssyncadd.s32 $0xFFFFFC00  }
0x3d: {  	_ =	swait.ge [sflag:s18], $0x400  }
0x3e: {  	[sflag:s18] =	ssyncset.done $0x0  }
0x3f: {  	[sflag:s18] =	ssyncadd.s32 $0xFFFFFC00  }
0x40: {  	v36 =	vimm.f32 $-1.000000000e+00;
	v34 =	vld.idx.msk [tilespmem:v35+s5+$0x0], $0xffff  }
0x41: {  	v37 =	vmax.f32 v36, $0.0e+00;
	v38 =	vld.idx.msk [tilespmem:v35+s16+$0x0], $0xffff  }
0x42: {  	v37 =	vtrunc.f32 v37;
	v35 =	vld.idx.msk [tilespmem:v35+s17+$0x0], $0xffff  }
0x43: {  	v37 =	vcvt.f32.s32 v37  }
0x44: {  	vm2 =	vge.f32 v36, $0.0e+00  }
0x45: {  	v39 =	vshll.u32 v37, $0x1;
	vm0 =	vlt.f32 v34, v36;
	vm1 =	vgt.f32 v34, v36  }
0x46: {  	v39 =	vand.u32 $0xFFFFFF80, v39;
	v57 =	vmul.f32 $1.442695020e+00, v38;
	vm0 =	vmor vm1, vm0  }
0x47: {  	v58 =	vadd.s32 v37, v39;
	v35 =	vmul.f32 $1.442695020e+00, v35;
	vm1 =	vmand vm2, vm0  }
0x48: {  	v37 =	vand.u32 $0x7F, v37;
	v39 =	vand.u32 $0xFFFFFF80, v58;
	(erf) = vpow2.f32 v57  }
0x49: {  	v60 =	vadd.s32 $0x40, v58;
	v59 =	vor.u32 v37, v39;
	(erf) = vpow2.f32 v35  }
0x4a: {  	s31 =	simm.s32 $0x1;
	v39 =	vadd.s32 $0x80, v59;
	v61 =	vmax.f32 v34, $0.0e+00  }
0x4b: {  	v43 =	vor.u32 s31, v1;
	v35 =	vtrunc.f32 v61  }
0x4c: {  	v36 =	vimm.f32 $0.0e+00;
	v40 =	vcvt.f32.s32 v35  }
0x4d: {  	[tilespmem:v58+s19+$0x0] =	vst.idx.add.f32.msk vm1, v36  }
0x4e: {  	v35 =	vshll.u32 v40, $0x1;
	[tilespmem:v60+s19+$0x0] =	vst.idx.add.f32.msk vm1, v36  }
0x4f: {  	v62 =	vadd.f32 $1.000000000e+00, v36;
	v35 =	vand.u32 $0xFFFFFF80, v35;
	[tilespmem:v39+s19+$0x0] =	vst.idx.add.f32.msk vm1, v36  }
0x50: {  	v35 =	vadd.s32 v40, v35;
	v39 =	vld.idx.msk [tilespmem:v43+s5+$0x0], $0xffff  }
0x51: {  	v38 =	vsel vm0, $0x3F800000, v62;
	v40 =	vand.u32 $0x7F, v40;
	v63 =	vand.u32 $0xFFFFFF80, v35;
	v41 =	vld.idx.msk [tilespmem:v43+s16+$0x0], $0xffff;
	v42 =	vpop (erf)  }
0x52: {  	s0 =	simm.s32 $0x2;
	v37 =	vmov v38;
	v40 =	vor.u32 v40, v63;
	v43 =	vld.idx.msk [tilespmem:v43+s17+$0x0], $0xffff;
	v45 =	vadd.f32 v42, v36;
	v44 =	vpop (erf)  }
.LBB2_5:
0x53: {  	p1 =	seq.s32 s0, $0x3F;
	v36 =	vadd.f32 v44, v36;
	s26 =	smov.u32 s0;
	s0 =	sadd.s32 $0x1, s0  }
0x54: {  	v45 =	vsel vm0, v42, v45  }
0x55: {  	vm1 =	vge.f32 v34, $0.0e+00;
	v38 =	vadd.f32 $1.000000000e+00, v38;
	v36 =	vsel vm0, v44, v36  }
0x56: {  	v42 =	vmax.f32 v39, $0.0e+00;
	vm0 =	vlt.f32 v39, v34;
	vm2 =	vgt.f32 v39, v34;
	v34 =	vmovc v39  }
0x57: {  	v39 =	vtrunc.f32 v42;
	v41 =	vmul.f32 $1.442695020e+00, v41;
	vm0 =	vmor vm2, vm0  }
0x58: {  	v42 =	vmul.f32 $1.442695020e+00, v43;
	vm1 =	vmand vm1, vm0;
	v38 =	vsel vm0, $0x3F800000, v38  }
0x59: {  	v39 =	vcvt.f32.s32 v39;
	(erf) = vpow2.f32 v41  }
0x5a: {  	v41 =	vadd.s32 $0x40, v35;
	(erf) = vpow2.f32 v42  }
0x5b: {  	v43 =	vadd.s32 $0x80, v40;
	v42 =	vshll.u32 v39, $0x1  }
0x5c: {  	v44 =	vor.u32 s26, v1;
	v40 =	vand.u32 $0xFFFFFF80, v42  }
0x5d: {  	v40 =	vadd.s32 v39, v40  }
0x5e: {  	v39 =	vand.u32 $0x7F, v39;
	v42 =	vand.u32 $0xFFFFFF80, v40;
	[tilespmem:v35+s19+$0x0] =	vst.idx.add.f32.msk vm1, v37;
	v37 =	vmovc v38;
	v35 =	vmov v40  }
.Ltmp4:
0x5f: {  	v40 =	vor.u32 v39, v42;
	[tilespmem:v41+s19+$0x0] =	vst.idx.add.f32.msk vm1, v36;
	(pc) =	sbr.rel @!p1 .LBB2_5-.Ltmp4, $4  }
0x60: {  	[tilespmem:v43+s19+$0x0] =	vst.idx.add.f32.msk vm1, v45  }
0x61: {  	v39 =	vld.idx.msk [tilespmem:v44+s5+$0x0], $0xffff  }
0x62: {  	v41 =	vld.idx.msk [tilespmem:v44+s16+$0x0], $0xffff;
	v42 =	vpop (erf)  }
0x63: {  	v43 =	vld.idx.msk [tilespmem:v44+s17+$0x0], $0xffff;
	v45 =	vadd.f32 v42, v45;
	v44 =	vpop (erf)  }
0x64: {  	_ =	sdelay $0x2  }
0x65: {  	v41 =	vmul.f32 $1.442695020e+00, v41  }
0x66: {  	v43 =	vmul.f32 $1.442695020e+00, v43  }
0x67: {  	(erf) = vpow2.f32 v41  }
0x68: {  	(erf) = vpow2.f32 v43;
	_ =	sdelay $0x4  }
0x69: {  	vm1 =	vlt.f32 v39, v34;
	vm2 =	vgt.f32 v39, v34  }
0x6a: {  	vm1 =	vmor vm2, vm1;
	vm2 =	vge.f32 v34, $0.0e+00  }
0x6b: {  	v36 =	vadd.f32 v44, v36;
	vm2 =	vmand vm2, vm1  }
0x6c: {  	v41 =	vpop (erf)  }
0x6d: {  	v36 =	vsel vm0, v44, v36;
	v43 =	vpop (erf)  }
0x6e: {  	v44 =	vadd.f32 v43, v36;
	_ =	sdelay $0x1  }
0x6f: {  	v33 =	vsel vm1, v43, v44;
	v44 =	vtrunc.f32 v39  }
0x70: {  	[tilespmem:v35+s19+$0x0] =	vst.idx.add.f32.msk vm2, v37;
	v37 =	vcvt.f32.s32 v44  }
0x71: {  	v38 =	vadd.f32 $1.000000000e+00, v38  }
0x72: {  	v42 =	vsel vm0, v42, v45;
	v45 =	vshll.u32 v37, $0x1  }
0x73: {  	v28 =	vadd.s32 $0x40, v35;
	v30 =	vsel vm1, $0x3F800000, v38;
	v38 =	vand.u32 $0xFFFFFF80, v45  }
0x74: {  	v40 =	vadd.s32 $0x80, v40;
	v38 =	vadd.s32 v37, v38  }
0x75: {  	v37 =	vand.u32 $0x7F, v37;
	v46 =	vand.u32 $0xFFFFFF80, v38  }
0x76: {  	v47 =	vadd.s32 $0x40, v38;
	v37 =	vor.u32 v37, v46  }
0x77: {  	vm0 =	vcmask $0x704;
	v37 =	vadd.s32 $0x80, v37  }
0x78: {  	[tilespmem:v28+s19+$0x0] =	vst.idx.add.f32.msk vm2, v36  }
0x79: {  	[tilespmem:v40+s19+$0x0] =	vst.idx.add.f32.msk vm2, v42;
	v29 =	vadd.f32 v41, v42  }
0x7a: {  	[tilespmem:v38+s19+$0x0] =	vst.idx.add.f32.msk $0x1, v30  }
0x7b: {  	v31 =	vsel vm1, v41, v29;
	[tilespmem:v47+s19+$0x0] =	vst.idx.add.f32.msk $0x1, v33  }
0x7c: {  	[tilespmem:v37+s19+$0x0] =	vst.idx.add.f32.msk $0x1, v31  }
0x7d: {  	[tilespmem:v38+s19+$0x0] =	vst.idx.add.f32.msk vm0, v30  }
0x7e: {  	[tilespmem:v47+s19+$0x0] =	vst.idx.add.f32.msk vm0, v33  }
0x7f: {  	[tilespmem:v37+s19+$0x0] =	vst.idx.add.f32.msk vm0, v31;
	vm0 =	vcmask $0xB08;
	_ =	sdelay $0x5  }
0x80: {  	[tilespmem:v38+s19+$0x0] =	vst.idx.add.f32.msk vm0, v30  }
0x81: {  	[tilespmem:v47+s19+$0x0] =	vst.idx.add.f32.msk vm0, v33  }
0x82: {  	[tilespmem:v37+s19+$0x0] =	vst.idx.add.f32.msk vm0, v31;
	vm0 =	vcmask $0xF0C;
	_ =	sdelay $0x5  }
0x83: {  	[tilespmem:v38+s19+$0x0] =	vst.idx.add.f32.msk vm0, v30  }
0x84: {  	[tilespmem:v47+s19+$0x0] =	vst.idx.add.f32.msk vm0, v33  }
0x85: {  	[tilespmem:v37+s19+$0x0] =	vst.idx.add.f32.msk vm0, v31;
	vm0 =	vcmask $0x1310;
	_ =	sdelay $0x5  }
0x86: {  	[tilespmem:v38+s19+$0x0] =	vst.idx.add.f32.msk vm0, v30  }
0x87: {  	[tilespmem:v47+s19+$0x0] =	vst.idx.add.f32.msk vm0, v33  }
0x88: {  	[tilespmem:v37+s19+$0x0] =	vst.idx.add.f32.msk vm0, v31  }
0x89: {  	[tilespmem:v38+s19+$0x0] =	vst.idx.add.f32.msk vm4, v30  }
0x8a: {  	[tilespmem:v47+s19+$0x0] =	vst.idx.add.f32.msk vm4, v33  }
0x8b: {  	[tilespmem:v37+s19+$0x0] =	vst.idx.add.f32.msk vm4, v31  }
0x8c: {  	[tilespmem:v38+s19+$0x0] =	vst.idx.add.f32.msk vm5, v30  }
0x8d: {  	[tilespmem:v47+s19+$0x0] =	vst.idx.add.f32.msk vm5, v33  }
0x8e: {  	[tilespmem:v37+s19+$0x0] =	vst.idx.add.f32.msk vm5, v31  }
0x8f: {  	[tilespmem:v38+s19+$0x0] =	vst.idx.add.f32.msk vm6, v30  }
0x90: {  	[tilespmem:v47+s19+$0x0] =	vst.idx.add.f32.msk vm6, v33  }
0x91: {  	[tilespmem:v37+s19+$0x0] =	vst.idx.add.f32.msk vm6, v31  }
0x92: {  	[tilespmem:v38+s19+$0x0] =	vst.idx.add.f32.msk vm7, v30  }
0x93: {  	[tilespmem:v47+s19+$0x0] =	vst.idx.add.f32.msk vm7, v33  }
0x94: {  	[tilespmem:v37+s19+$0x0] =	vst.idx.add.f32.msk vm7, v31  }
0x95: {  	[tilespmem:v38+s19+$0x0] =	vst.idx.add.f32.msk vm8, v30  }
0x96: {  	[tilespmem:v47+s19+$0x0] =	vst.idx.add.f32.msk vm8, v33  }
0x97: {  	[tilespmem:v37+s19+$0x0] =	vst.idx.add.f32.msk vm8, v31  }
0x98: {  	[tilespmem:v38+s19+$0x0] =	vst.idx.add.f32.msk vm9, v30  }
0x99: {  	[tilespmem:v47+s19+$0x0] =	vst.idx.add.f32.msk vm9, v33  }
0x9a: {  	[tilespmem:v37+s19+$0x0] =	vst.idx.add.f32.msk vm9, v31  }
0x9b: {  	[tilespmem:v38+s19+$0x0] =	vst.idx.add.f32.msk vm10, v30  }
0x9c: {  	[tilespmem:v47+s19+$0x0] =	vst.idx.add.f32.msk vm10, v33  }
0x9d: {  	[tilespmem:v37+s19+$0x0] =	vst.idx.add.f32.msk vm10, v31  }
0x9e: {  	[tilespmem:v38+s19+$0x0] =	vst.idx.add.f32.msk vm11, v30  }
0x9f: {  	[tilespmem:v47+s19+$0x0] =	vst.idx.add.f32.msk vm11, v33  }
0xa0: {  	[tilespmem:v37+s19+$0x0] =	vst.idx.add.f32.msk vm11, v31  }
0xa1: {  	[tilespmem:v38+s19+$0x0] =	vst.idx.add.f32.msk vm12, v30  }
0xa2: {  	[tilespmem:v47+s19+$0x0] =	vst.idx.add.f32.msk vm12, v33  }
0xa3: {  	[tilespmem:v37+s19+$0x0] =	vst.idx.add.f32.msk vm12, v31  }
0xa4: {  	[tilespmem:v38+s19+$0x0] =	vst.idx.add.f32.msk vm13, v30  }
0xa5: {  	[tilespmem:v47+s19+$0x0] =	vst.idx.add.f32.msk vm13, v33  }
0xa6: {  	[tilespmem:v37+s19+$0x0] =	vst.idx.add.f32.msk vm13, v31  }
0xa7: {  	[tilespmem:v38+s19+$0x0] =	vst.idx.add.f32.msk vm14, v30  }
0xa8: {  	[tilespmem:v47+s19+$0x0] =	vst.idx.add.f32.msk vm14, v33  }
0xa9: {  	s0 =	rddreg [dreg:$0xb];
	[tilespmem:v37+s19+$0x0] =	vst.idx.add.f32.msk vm14, v31  }
0xaa: {  	[spmem:s0] =	stream.linear.scatter [tilespmem:s19], [sflag:$0x2], $0xC00, $0x38;
	[tilespmem:$0x4520] =	vst v63  }
0xab: {  	_ =	swait.ge [sflag:s20], $0xC00  }
0xac: {  	[sflag:s20] =	ssyncset.done $0x0  }
0xad: {  	[sflag:s20] =	ssyncadd.s32 $0xFFFFF400  }
0xae: {  	s4 =	simm.s32 $0x1800;
	[bflag:$0x0] =	sbarrier.arrive $0xFFFF  }
0xaf: {  	[tilespmem:s4], [sflag:$0x2] =	stream.linear.gather [spmem:s8], $0xC0, $0x38;
	[tilespmem:$0x4520] =	vst v63  }
0xb0: {  	_ =	swait.ge [sflag:s20], $0xC0  }
0xb1: {  	[sflag:s20] =	ssyncset.done $0x0  }
0xb2: {  	s4 =	simm.s32 $0x18C0;
	s26 =	rddreg [dreg:$0xc];
	[sflag:s20] =	ssyncadd.s32 $0xFFFFFF40  }
0xb3: {  	[tilespmem:s4], [sflag:$0x2] =	stream.linear.gather [spmem:s26], $0xC0, $0x38;
	[tilespmem:$0x4520] =	vst v63  }
0xb4: {  	_ =	swait.ge [sflag:s20], $0xC0  }
0xb5: {  	[sflag:s20] =	ssyncset.done $0x0  }
0xb6: {  	s26 =	simm.s32 $0x1980;
	s4 =	rddreg [dreg:$0xd];
	[sflag:s20] =	ssyncadd.s32 $0xFFFFFF40  }
0xb7: {  	[tilespmem:s26], [sflag:$0x2] =	stream.linear.gather [spmem:s4], $0xC0, $0x38;
	[tilespmem:$0x4520] =	vst v63  }
0xb8: {  	_ =	swait.ge [sflag:s20], $0xC0  }
0xb9: {  	[sflag:s20] =	ssyncset.done $0x0  }
0xba: {  	s26 =	simm.s32 $0x1A40;
	s4 =	rddreg [dreg:$0xe];
	[sflag:s20] =	ssyncadd.s32 $0xFFFFFF40  }
0xbb: {  	[tilespmem:s26], [sflag:$0x2] =	stream.linear.gather [spmem:s4], $0xC0, $0x38;
	[tilespmem:$0x4520] =	vst v63  }
0xbc: {  	_ =	swait.ge [sflag:s20], $0xC0  }
0xbd: {  	[sflag:s20] =	ssyncset.done $0x0  }
0xbe: {  	s26 =	simm.s32 $0x1B00;
	s4 =	rddreg [dreg:$0xf];
	[sflag:s20] =	ssyncadd.s32 $0xFFFFFF40  }
0xbf: {  	[tilespmem:s26], [sflag:$0x2] =	stream.linear.gather [spmem:s4], $0xC0, $0x38;
	[tilespmem:$0x4520] =	vst v63  }
0xc0: {  	_ =	swait.ge [sflag:s20], $0xC0  }
0xc1: {  	[sflag:s20] =	ssyncset.done $0x0  }
0xc2: {  	s26 =	simm.s32 $0x1BC0;
	s4 =	rddreg [dreg:$0x10];
	[sflag:s20] =	ssyncadd.s32 $0xFFFFFF40  }
0xc3: {  	[tilespmem:s26], [sflag:$0x2] =	stream.linear.gather [spmem:s4], $0xC0, $0x38;
	[tilespmem:$0x4520] =	vst v63  }
0xc4: {  	_ =	swait.ge [sflag:s20], $0xC0  }
0xc5: {  	[sflag:s20] =	ssyncset.done $0x0  }
0xc6: {  	s26 =	simm.s32 $0x1C80;
	s4 =	rddreg [dreg:$0x11];
	[sflag:s20] =	ssyncadd.s32 $0xFFFFFF40  }
0xc7: {  	[tilespmem:s26], [sflag:$0x2] =	stream.linear.gather [spmem:s4], $0xC0, $0x38;
	[tilespmem:$0x4520] =	vst v63  }
0xc8: {  	_ =	swait.ge [sflag:s20], $0xC0  }
0xc9: {  	[sflag:s20] =	ssyncset.done $0x0  }
0xca: {  	s26 =	simm.s32 $0x1D40;
	s4 =	rddreg [dreg:$0x12];
	[sflag:s20] =	ssyncadd.s32 $0xFFFFFF40  }
0xcb: {  	[tilespmem:s26], [sflag:$0x2] =	stream.linear.gather [spmem:s4], $0xC0, $0x38;
	[tilespmem:$0x4520] =	vst v63  }
0xcc: {  	_ =	swait.ge [sflag:s20], $0xC0  }
0xcd: {  	[sflag:s20] =	ssyncset.done $0x0  }
0xce: {  	s26 =	simm.s32 $0x1E00;
	s4 =	rddreg [dreg:$0x13];
	[sflag:s20] =	ssyncadd.s32 $0xFFFFFF40  }
0xcf: {  	[tilespmem:s26], [sflag:$0x2] =	stream.linear.gather [spmem:s4], $0xC0, $0x38;
	[tilespmem:$0x4520] =	vst v63  }
0xd0: {  	_ =	swait.ge [sflag:s20], $0xC0  }
0xd1: {  	[sflag:s20] =	ssyncset.done $0x0  }
0xd2: {  	s26 =	simm.s32 $0x1EC0;
	s4 =	rddreg [dreg:$0x14];
	[sflag:s20] =	ssyncadd.s32 $0xFFFFFF40  }
0xd3: {  	[tilespmem:s26], [sflag:$0x2] =	stream.linear.gather [spmem:s4], $0xC0, $0x38;
	[tilespmem:$0x4520] =	vst v63  }
0xd4: {  	_ =	swait.ge [sflag:s20], $0xC0  }
0xd5: {  	[sflag:s20] =	ssyncset.done $0x0  }
0xd6: {  	s26 =	simm.s32 $0x1F80;
	s4 =	rddreg [dreg:$0x15];
	[sflag:s20] =	ssyncadd.s32 $0xFFFFFF40  }
0xd7: {  	[tilespmem:s26], [sflag:$0x2] =	stream.linear.gather [spmem:s4], $0xC0, $0x38;
	[tilespmem:$0x4520] =	vst v63  }
0xd8: {  	_ =	swait.ge [sflag:s20], $0xC0  }
0xd9: {  	[sflag:s20] =	ssyncset.done $0x0  }
0xda: {  	s26 =	simm.s32 $0x2040;
	s4 =	rddreg [dreg:$0x16];
	[sflag:s20] =	ssyncadd.s32 $0xFFFFFF40  }
0xdb: {  	[tilespmem:s26], [sflag:$0x2] =	stream.linear.gather [spmem:s4], $0xC0, $0x38;
	[tilespmem:$0x4520] =	vst v63  }
0xdc: {  	_ =	swait.ge [sflag:s20], $0xC0  }
0xdd: {  	[sflag:s20] =	ssyncset.done $0x0  }
0xde: {  	s26 =	simm.s32 $0x2100;
	s4 =	rddreg [dreg:$0x19];
	[sflag:s20] =	ssyncadd.s32 $0xFFFFFF40  }
0xdf: {  	[tilespmem:s26], [sflag:$0x2] =	stream.linear.gather [spmem:s4], $0xC0, $0x38;
	[tilespmem:$0x4520] =	vst v63  }
0xe0: {  	_ =	swait.ge [sflag:s20], $0xC0  }
0xe1: {  	[sflag:s20] =	ssyncset.done $0x0  }
0xe2: {  	s26 =	simm.s32 $0x21C0;
	s4 =	rddreg [dreg:$0x1a];
	[sflag:s20] =	ssyncadd.s32 $0xFFFFFF40  }
0xe3: {  	[tilespmem:s26], [sflag:$0x2] =	stream.linear.gather [spmem:s4], $0xC0, $0x38;
	[tilespmem:$0x4520] =	vst v63  }
0xe4: {  	_ =	swait.ge [sflag:s20], $0xC0  }
0xe5: {  	[sflag:s20] =	ssyncset.done $0x0  }
0xe6: {  	s26 =	simm.s32 $0x2280;
	s4 =	rddreg [dreg:$0x1b];
	[sflag:s20] =	ssyncadd.s32 $0xFFFFFF40  }
0xe7: {  	[tilespmem:s26], [sflag:$0x2] =	stream.linear.gather [spmem:s4], $0xC0, $0x38;
	[tilespmem:$0x4520] =	vst v63  }
0xe8: {  	_ =	swait.ge [sflag:s20], $0xC0  }
0xe9: {  	[sflag:s20] =	ssyncset.done $0x0  }
0xea: {  	s26 =	simm.s32 $0x2340;
	s4 =	rddreg [dreg:$0x1c];
	[sflag:s20] =	ssyncadd.s32 $0xFFFFFF40  }
0xeb: {  	[tilespmem:s26], [sflag:$0x2] =	stream.linear.gather [spmem:s4], $0xC0, $0x38;
	[tilespmem:$0x4520] =	vst v63  }
0xec: {  	_ =	swait.ge [sflag:s20], $0xC0  }
0xed: {  	[sflag:s20] =	ssyncset.done $0x0  }
0xee: {  	[sflag:s20] =	ssyncadd.s32 $0xFFFFFF40  }
0xef: {  	v3 =	vld [tilespmem:$0x2180];
	_ =	sdelay $0x4  }
0xf0: {  	[tilespmem:$0x1FE10] =	vst v3;
	v3 =	vld [tilespmem:$0x21C0];
	_ =	sdelay $0x4  }
0xf1: {  	[tilespmem:$0x1FE20] =	vst v3;
	v3 =	vld [tilespmem:$0x2200];
	_ =	sdelay $0x4  }
0xf2: {  	[tilespmem:$0x1FE30] =	vst v3;
	v3 =	vld [tilespmem:$0x2240];
	_ =	sdelay $0x4  }
0xf3: {  	[tilespmem:$0x1FE40] =	vst v3;
	v3 =	vld [tilespmem:$0x2280];
	_ =	sdelay $0x4  }
0xf4: {  	[tilespmem:$0x1FE50] =	vst v3;
	v3 =	vld [tilespmem:$0x22C0];
	_ =	sdelay $0x4  }
0xf5: {  	[tilespmem:$0x1FE70] =	vst v3;
	v3 =	vld [tilespmem:$0x2300];
	_ =	sdelay $0x4  }
0xf6: {  	[tilespmem:$0x1FEB0] =	vst v3;
	v3 =	vld [tilespmem:$0x2340];
	_ =	sdelay $0x2  }
0xf7: {  	v36 =	vld [tilespmem:$0x1800]  }
0xf8: {  	v37 =	vld [tilespmem:$0x1840]  }
0xf9: {  	[tilespmem:$0x1FEF0] =	vst v3;
	v3 =	vld [tilespmem:$0x2380]  }
0xfa: {  	v38 =	vld [tilespmem:$0x1880]  }
0xfb: {  	v40 =	vld [tilespmem:$0x18C0]  }
0xfc: {  	v63 =	vld [tilespmem:$0x1900]  }
0xfd: {  	v5 =	vld [tilespmem:$0x1940]  }
0xfe: {  	[tilespmem:$0x1FF30] =	vst v3;
	v3 =	vld [tilespmem:$0x23C0]  }
0xff: {  	v6 =	vld [tilespmem:$0x1980]  }
0x100: {  	v7 =	vld [tilespmem:$0x19C0]  }
0x101: {  	v8 =	vld [tilespmem:$0x1A00]  }
0x102: {  	v9 =	vld [tilespmem:$0x1A40]  }
0x103: {  	[tilespmem:$0x1FF70] =	vst v3;
	v3 =	vld [tilespmem:$0x1D50]  }
0x104: {  	v10 =	vld [tilespmem:$0x1A80]  }
0x105: {  	v11 =	vld [tilespmem:$0x1AC0]  }
0x106: {  	v12 =	vld [tilespmem:$0x1B00]  }
0x107: {  	v13 =	vld [tilespmem:$0x1B40]  }
0x108: {  	[tilespmem:$0x1FE60] =	vst v3;
	v3 =	vld [tilespmem:$0x1D90]  }
0x109: {  	v14 =	vld [tilespmem:$0x1B80]  }
0x10a: {  	v15 =	vld [tilespmem:$0x1BC0]  }
0x10b: {  	v16 =	vld [tilespmem:$0x1C00]  }
0x10c: {  	v17 =	vld [tilespmem:$0x1C40]  }
0x10d: {  	[tilespmem:$0x1FE80] =	vst v3;
	v3 =	vld [tilespmem:$0x1DD0]  }
0x10e: {  	v20 =	vld [tilespmem:$0x1C80]  }
0x10f: {  	v19 =	vld [tilespmem:$0x1CC0]  }
0x110: {  	v22 =	vld [tilespmem:$0x1D00]  }
0x111: {  	v25 =	vld [tilespmem:$0x1D40]  }
0x112: {  	[tilespmem:$0x1FE90] =	vst v3;
	v3 =	vld [tilespmem:$0x1E10]  }
0x113: {  	v24 =	vld [tilespmem:$0x1D80]  }
0x114: {  	v27 =	vld [tilespmem:$0x1DC0]  }
0x115: {  	v29 =	vld [tilespmem:$0x1E00]  }
0x116: {  	v30 =	vld [tilespmem:$0x1E40]  }
0x117: {  	[tilespmem:$0x1FEA0] =	vst v3;
	v3 =	vld [tilespmem:$0x1E50]  }
0x118: {  	v32 =	vld [tilespmem:$0x1E80]  }
0x119: {  	v35 =	vld [tilespmem:$0x1EC0]  }
0x11a: {  	v34 =	vld [tilespmem:$0x1F00]  }
0x11b: {  	v39 =	vld [tilespmem:$0x1F40]  }
0x11c: {  	[tilespmem:$0x1FEC0] =	vst v3;
	v3 =	vld [tilespmem:$0x1E90]  }
0x11d: {  	v44 =	vld [tilespmem:$0x1F80]  }
0x11e: {  	v45 =	vld [tilespmem:$0x1FC0]  }
0x11f: {  	v46 =	vld [tilespmem:$0x2000]  }
0x120: {  	v48 =	vld [tilespmem:$0x2040]  }
0x121: {  	[tilespmem:$0x1FED0] =	vst v3;
	v3 =	vld [tilespmem:$0x1ED0]  }
0x122: {  	v49 =	vld [tilespmem:$0x2080]  }
0x123: {  	v51 =	vld [tilespmem:$0x20C0]  }
0x124: {  	v53 =	vld [tilespmem:$0x2100]  }
0x125: {  	v60 =	vld [tilespmem:$0x2140]  }
0x126: {  	[tilespmem:$0x1FEE0] =	vst v3;
	v3 =	vld [tilespmem:$0x1F10]  }
0x127: {  	v18 =	vld [tilespmem:$0x1810]  }
0x128: {  	v23 =	vld [tilespmem:$0x1850]  }
0x129: {  	v26 =	vld [tilespmem:$0x1890]  }
0x12a: {  	v21 =	vld [tilespmem:$0x18D0]  }
0x12b: {  	[tilespmem:$0x1FF00] =	vst v3;
	v3 =	vld [tilespmem:$0x1F50]  }
0x12c: {  	v28 =	vld [tilespmem:$0x1910]  }
0x12d: {  	v33 =	vld [tilespmem:$0x1950]  }
0x12e: {  	v31 =	vld [tilespmem:$0x1990]  }
0x12f: {  	v41 =	vld [tilespmem:$0x19D0]  }
0x130: {  	[tilespmem:$0x1FF10] =	vst v3;
	v3 =	vld [tilespmem:$0x1F90]  }
0x131: {  	v42 =	vld [tilespmem:$0x1A10]  }
0x132: {  	v43 =	vld [tilespmem:$0x1A50]  }
0x133: {  	v47 =	vld [tilespmem:$0x1A90]  }
0x134: {  	v52 =	vld [tilespmem:$0x1AD0]  }
0x135: {  	[tilespmem:$0x1FF20] =	vst v3;
	v3 =	vld [tilespmem:$0x1FD0]  }
0x136: {  	v50 =	vld [tilespmem:$0x1B10]  }
0x137: {  	v54 =	vld [tilespmem:$0x1B50]  }
0x138: {  	v55 =	vld [tilespmem:$0x1B90]  }
0x139: {  	v56 =	vld [tilespmem:$0x1BD0]  }
0x13a: {  	[tilespmem:$0x1FF40] =	vst v3;
	v3 =	vld [tilespmem:$0x2010]  }
0x13b: {  	v57 =	vld [tilespmem:$0x1C10]  }
0x13c: {  	v58 =	vld [tilespmem:$0x1C50]  }
0x13d: {  	v59 =	vld [tilespmem:$0x1C90]  }
0x13e: {  	v61 =	vld [tilespmem:$0x1CD0]  }
0x13f: {  	[tilespmem:$0x1FF50] =	vst v3;
	v3 =	vld [tilespmem:$0x2050]  }
0x140: {  	v62 =	vld [tilespmem:$0x1D10];
	v4 =	vadd.f32 $0.0e+00, v37  }
0x141: {  	v37 =	vld [tilespmem:$0x2290];
	v38 =	vadd.f32 $0.0e+00, v38  }
0x142: {  	v4 =	vadd.f32 v63, v4;
	v63 =	vld [tilespmem:$0x2350]  }
0x143: {  	v23 =	vadd.f32 $0.0e+00, v23;
	v5 =	vadd.f32 v5, v38;
	v38 =	vld [tilespmem:$0x2390]  }
0x144: {  	v18 =	vadd.f32 $0.0e+00, v18;
	[tilespmem:$0x1FF60] =	vst v3;
	v3 =	vld [tilespmem:$0x2090]  }
0x145: {  	v23 =	vadd.f32 v28, v23;
	v28 =	vld [tilespmem:$0x1D20]  }
0x146: {  	v18 =	vadd.f32 v21, v18;
	v4 =	vadd.f32 v7, v4;
	v7 =	vld [tilespmem:$0x1820]  }
0x147: {  	v5 =	vadd.f32 v8, v5;
	v8 =	vld [tilespmem:$0x1860]  }
0x148: {  	v18 =	vadd.f32 v31, v18;
	v31 =	vld [tilespmem:$0x1D60]  }
0x149: {  	[tilespmem:$0x1FF80] =	vst v3;
	v3 =	vld [tilespmem:$0x20D0]  }
0x14a: {  	v23 =	vadd.f32 v41, v23;
	v41 =	vld [tilespmem:$0x1E20]  }
0x14b: {  	v4 =	vadd.f32 v10, v4;
	v10 =	vld [tilespmem:$0x18E0]  }
0x14c: {  	v5 =	vadd.f32 v11, v5;
	v11 =	vld [tilespmem:$0x1920]  }
0x14d: {  	v4 =	vadd.f32 v13, v4;
	v13 =	vld [tilespmem:$0x19A0]  }
0x14e: {  	v18 =	vadd.f32 v43, v18;
	[tilespmem:$0x1FF90] =	vst v3;
	v3 =	vld [tilespmem:$0x2110]  }
0x14f: {  	v5 =	vadd.f32 v14, v5;
	v14 =	vld [tilespmem:$0x19E0]  }
0x150: {  	v18 =	vadd.f32 v50, v18;
	v50 =	vld [tilespmem:$0x1F20]  }
0x151: {  	v4 =	vadd.f32 v16, v4;
	v16 =	vld [tilespmem:$0x1A60]  }
0x152: {  	v8 =	vadd.f32 $0.0e+00, v8;
	v5 =	vadd.f32 v17, v5;
	v17 =	vld [tilespmem:$0x1AA0]  }
0x153: {  	[tilespmem:$0x1FFA0] =	vst v3;
	v3 =	vld [tilespmem:$0x2150]  }
0x154: {  	v8 =	vadd.f32 v11, v8;
	v11 =	vld [tilespmem:$0x1830]  }
0x155: {  	v7 =	vadd.f32 $0.0e+00, v7;
	v4 =	vadd.f32 v19, v4;
	v19 =	vld [tilespmem:$0x1AE0]  }
0x156: {  	v5 =	vadd.f32 v22, v5;
	v22 =	vld [tilespmem:$0x1B60]  }
0x157: {  	v7 =	vadd.f32 v10, v7;
	v8 =	vadd.f32 v14, v8;
	v14 =	vld [tilespmem:$0x18B0]  }
0x158: {  	[tilespmem:$0x1FFB0] =	vst v3;
	v3 =	vld [tilespmem:$0x2190]  }
0x159: {  	v7 =	vadd.f32 v13, v7;
	v4 =	vadd.f32 v24, v4;
	v24 =	vld [tilespmem:$0x1BA0]  }
0x15a: {  	v5 =	vadd.f32 v27, v5;
	v27 =	vld [tilespmem:$0x1C20]  }
0x15b: {  	v7 =	vadd.f32 v16, v7;
	v16 =	vld [tilespmem:$0x1930];
	v4 =	vadd.f32 v30, v4  }
0x15c: {  	v8 =	vadd.f32 v17, v8;
	v17 =	vld [tilespmem:$0x1970]  }
0x15d: {  	v5 =	vadd.f32 v32, v5;
	v4 =	vadd.f32 v34, v4;
	[tilespmem:$0x1FFC0] =	vst v3;
	v3 =	vld [tilespmem:$0x21D0]  }
0x15e: {  	v23 =	vadd.f32 v47, v23;
	v30 =	vld [tilespmem:$0x1CA0]  }
0x15f: {  	v32 =	vld [tilespmem:$0x1DA0];
	v5 =	vadd.f32 v39, v5;
	v4 =	vadd.f32 v45, v4  }
0x160: {  	v23 =	vadd.f32 v54, v23;
	v54 =	vld [tilespmem:$0x1FE50]  }
0x161: {  	v5 =	vadd.f32 v46, v5;
	v4 =	vadd.f32 v49, v4;
	v49 =	vld [tilespmem:$0x1FE10]  }
0x162: {  	[tilespmem:$0x1FFD0] =	vst v3;
	v3 =	vld [tilespmem:$0x2210]  }
0x163: {  	v5 =	vadd.f32 v51, v5;
	v51 =	vld [tilespmem:$0x1FE20]  }
0x164: {  	v18 =	vadd.f32 v56, v18;
	v56 =	vld [tilespmem:$0x1FE70]  }
0x165: {  	v23 =	vadd.f32 v57, v23;
	v57 =	vld [tilespmem:$0x1FE80]  }
0x166: {  	v4 =	vadd.f32 v60, v4;
	v60 =	vld [tilespmem:$0x1FEB0]  }
0x167: {  	[tilespmem:$0x1FFE0] =	vst v3;
	v3 =	vld [tilespmem:$0x2250]  }
0x168: {  	v23 =	vadd.f32 v61, v23;
	v43 =	vld [tilespmem:$0x1FEF0]  }
0x169: {  	v5 =	vadd.f32 v49, v5;
	v49 =	vld [tilespmem:$0x1FF30]  }
0x16a: {  	v23 =	vadd.f32 v57, v23;
	v57 =	vld [tilespmem:$0x20E0]  }
0x16b: {  	v18 =	vadd.f32 v59, v18;
	v59 =	vld [tilespmem:$0x1FEA0]  }
0x16c: {  	v61 =	vld [tilespmem:$0x1FEC0];
	[tilespmem:$0x1FFF0] =	vst v3;
	v3 =	vadd.f32 $0.0e+00, v36  }
0x16d: {  	v39 =	vld [tilespmem:$0x1FEE0]  }
0x16e: {  	v45 =	vld [tilespmem:$0x1FF00];
	v3 =	vadd.f32 v40, v3  }
0x16f: {  	v46 =	vld [tilespmem:$0x1FF10]  }
0x170: {  	v47 =	vld [tilespmem:$0x1FF20];
	v6 =	vadd.f32 v6, v3  }
0x171: {  	v23 =	vadd.f32 v61, v23;
	v61 =	vld [tilespmem:$0x1FF60]  }
0x172: {  	v6 =	vadd.f32 v9, v6;
	v9 =	vld [tilespmem:$0x18A0]  }
0x173: {  	v13 =	vld [tilespmem:$0x1FFE0]  }
0x174: {  	v6 =	vadd.f32 v12, v6;
	v12 =	vld [tilespmem:$0x1960]  }
0x175: {  	v36 =	vld [tilespmem:$0x22D0]  }
0x176: {  	v6 =	vadd.f32 v15, v6;
	v15 =	vld [tilespmem:$0x1A20]  }
0x177: {  	v40 =	vld [tilespmem:$0x2310];
	v9 =	vadd.f32 $0.0e+00, v9  }
0x178: {  	v6 =	vadd.f32 v20, v6;
	v20 =	vld [tilespmem:$0x1B20]  }
0x179: {  	v3 =	vld [tilespmem:$0x23D0];
	v9 =	vadd.f32 v12, v9  }
0x17a: {  	v6 =	vadd.f32 v25, v6;
	v25 =	vld [tilespmem:$0x1BE0]  }
0x17b: {  	v9 =	vadd.f32 v15, v9;
	v15 =	vld [tilespmem:$0x18F0]  }
0x17c: {  	v6 =	vadd.f32 v29, v6;
	v29 =	vld [tilespmem:$0x1C60]  }
0x17d: {  	v9 =	vadd.f32 v19, v9;
	v7 =	vadd.f32 v20, v7;
	v19 =	vld [tilespmem:$0x19F0]  }
0x17e: {  	v20 =	vld [tilespmem:$0x1CF0];
	v6 =	vadd.f32 v35, v6  }
0x17f: {  	v9 =	vadd.f32 v24, v9;
	v7 =	vadd.f32 v25, v7;
	v25 =	vld [tilespmem:$0x1B30]  }
0x180: {  	v6 =	vadd.f32 v44, v6;
	v44 =	vld [tilespmem:$0x1EA0]  }
0x181: {  	v9 =	vadd.f32 v29, v9;
	v7 =	vadd.f32 v30, v7;
	v30 =	vld [tilespmem:$0x1DB0]  }
0x182: {  	v6 =	vadd.f32 v48, v6;
	v48 =	vadd.f32 $0.0e+00, v26;
	v26 =	vld [tilespmem:$0x1CE0]  }
0x183: {  	v9 =	vadd.f32 v28, v9;
	v28 =	vld [tilespmem:$0x1CB0]  }
0x184: {  	v7 =	vadd.f32 v31, v7;
	v31 =	vld [tilespmem:$0x1DF0]  }
0x185: {  	v21 =	vadd.f32 v33, v48;
	v33 =	vld [tilespmem:$0x1DE0]  }
0x186: {  	v48 =	vld [tilespmem:$0x1EE0]  }
0x187: {  	v6 =	vadd.f32 v53, v6;
	v53 =	vld [tilespmem:$0x1FE40]  }
0x188: {  	v8 =	vadd.f32 v22, v8;
	v7 =	vadd.f32 v41, v7;
	v41 =	vld [tilespmem:$0x1BB0]  }
0x189: {  	v21 =	vadd.f32 v42, v21;
	v42 =	vld [tilespmem:$0x1E60]  }
0x18a: {  	v8 =	vadd.f32 v27, v8;
	v6 =	vadd.f32 v51, v6;
	v51 =	vld [tilespmem:$0x1F60]  }
0x18b: {  	v21 =	vadd.f32 v52, v21;
	v52 =	vld [tilespmem:$0x1FE30]  }
0x18c: {  	v8 =	vadd.f32 v26, v8;
	v6 =	vadd.f32 v54, v6;
	v54 =	vld [tilespmem:$0x2020]  }
0x18d: {  	v5 =	vadd.f32 v53, v5;
	v53 =	vld [tilespmem:$0x1FE0]  }
0x18e: {  	v8 =	vadd.f32 v32, v8;
	v32 =	vld [tilespmem:$0x1AF0]  }
0x18f: {  	v21 =	vadd.f32 v55, v21;
	v55 =	vld [tilespmem:$0x1FE60]  }
0x190: {  	v34 =	vadd.f32 v43, v6;
	v6 =	vadd.f32 v45, v23;
	v23 =	vld [tilespmem:$0x2120]  }
0x191: {  	v43 =	vld [tilespmem:$0x1FF90]  }
0x192: {  	v45 =	vld [tilespmem:$0x1FFA0]  }
0x193: {  	v9 =	vadd.f32 v33, v9;
	v5 =	vadd.f32 v60, v5;
	v60 =	vld [tilespmem:$0x1FF50]  }
0x194: {  	v8 =	vadd.f32 v42, v8;
	v42 =	vld [tilespmem:$0x1BF0]  }
0x195: {  	v9 =	vadd.f32 v44, v9;
	v44 =	vld [tilespmem:$0x1EB0]  }
0x196: {  	v21 =	vadd.f32 v58, v21;
	v58 =	vld [tilespmem:$0x1FE90]  }
0x197: {  	v4 =	vadd.f32 v52, v4;
	v52 =	vld [tilespmem:$0x1FA0]  }
0x198: {  	v8 =	vadd.f32 v50, v8;
	v50 =	vld [tilespmem:$0x1EF0]  }
0x199: {  	v9 =	vadd.f32 v51, v9;
	v51 =	vld [tilespmem:$0x1F70]  }
0x19a: {  	v21 =	vadd.f32 v62, v21;
	v62 =	vld [tilespmem:$0x1FED0]  }
0x19b: {  	v18 =	vadd.f32 v55, v18;
	v55 =	vld [tilespmem:$0x2060]  }
0x19c: {  	v4 =	vadd.f32 v56, v4;
	v56 =	vld [tilespmem:$0x20A0]  }
0x19d: {  	v8 =	vadd.f32 v53, v8;
	v53 =	vld [tilespmem:$0x1C70]  }
0x19e: {  	v21 =	vadd.f32 v58, v21;
	v58 =	vld [tilespmem:$0x2160]  }
0x19f: {  	v18 =	vadd.f32 v59, v18;
	v59 =	vld [tilespmem:$0x1FF40]  }
0x1a0: {  	v9 =	vadd.f32 v54, v9;
	v4 =	vadd.f32 v49, v4;
	v49 =	vld [tilespmem:$0x22A0]  }
0x1a1: {  	v21 =	vadd.f32 v62, v21;
	v62 =	vld [tilespmem:$0x1FF70]  }
0x1a2: {  	v7 =	vadd.f32 v48, v7;
	v9 =	vadd.f32 v57, v9;
	v57 =	vld [tilespmem:$0x1D30]  }
0x1a3: {  	v14 =	vadd.f32 $0.0e+00, v14;
	v18 =	vadd.f32 v39, v18;
	v39 =	vld [tilespmem:$0x1FF80]  }
0x1a4: {  	v7 =	vadd.f32 v52, v7;
	v21 =	vadd.f32 v46, v21;
	v46 =	vld [tilespmem:$0x1FFB0]  }
0x1a5: {  	v14 =	vadd.f32 v17, v14;
	v18 =	vadd.f32 v47, v18;
	v47 =	vld [tilespmem:$0x1FFC0]  }
0x1a6: {  	v7 =	vadd.f32 v55, v7;
	v35 =	vadd.f32 v62, v5;
	v62 =	vld [tilespmem:$0x1FFD0]  }
0x1a7: {  	v6 =	vadd.f32 v59, v6;
	v59 =	vld [tilespmem:$0x21A0];
	v18 =	vadd.f32 v61, v18  }
0x1a8: {  	v8 =	vadd.f32 v56, v8;
	v21 =	vadd.f32 v60, v21;
	v60 =	vld [tilespmem:$0x21E0]  }
0x1a9: {  	v56 =	vadd.f32 $0.0e+00, v11;
	v61 =	vld [tilespmem:$0x2260];
	v18 =	vadd.f32 v45, v18  }
0x1aa: {  	v55 =	vadd.f32 v23, v7;
	v5 =	vadd.f32 v39, v6;
	v6 =	vld [tilespmem:$0x2220]  }
0x1ab: {  	v21 =	vadd.f32 v43, v21;
	v10 =	vadd.f32 v62, v18;
	v18 =	vld [tilespmem:$0x1FFF0]  }
0x1ac: {  	v8 =	vadd.f32 v58, v8;
	v5 =	vadd.f32 v46, v5;
	v62 =	vld [tilespmem:$0x1A30]  }
0x1ad: {  	v7 =	vadd.f32 v15, v56;
	v58 =	vld [tilespmem:$0x1FF0];
	v21 =	vadd.f32 v47, v21  }
0x1ae: {  	v39 =	vld [tilespmem:$0x23A0];
	v9 =	vadd.f32 v59, v9;
	v5 =	vadd.f32 v13, v5  }
0x1af: {  	(erf) = vrcp.f32 v4;
	v13 =	vld [tilespmem:$0x1870];
	v4 =	vadd.f32 v60, v55;
	v6 =	vadd.f32 v6, v8  }
0x1b0: {  	v45 =	vld [tilespmem:$0x2320];
	v9 =	vadd.f32 v61, v9;
	v12 =	vadd.f32 v18, v21  }
0x1b1: {  	v43 =	vld [tilespmem:$0x2360];
	v10 =	vadd.f32 v37, v10;
	v14 =	vadd.f32 v62, v14  }
0x1b2: {  	v5 =	vadd.f32 v36, v5;
	v18 =	vld [tilespmem:$0x19B0];
	v12 =	vadd.f32 v40, v12  }
0x1b3: {  	v46 =	vld [tilespmem:$0x23E0];
	v33 =	vand.u32 $0x7FFFFF, v35;
	v37 =	vadd.f32 v63, v10;
	v14 =	vadd.f32 v32, v14  }
0x1b4: {  	v10 =	vld [tilespmem:$0x1A70];
	v13 =	vadd.f32 $0.0e+00, v13;
	v36 =	vadd.f32 v3, v12;
	v3 =	vor.u32 $0x3F800000, v33  }
0x1b5: {  	v4 =	vadd.f32 v49, v4;
	v21 =	vld [tilespmem:$0x1AB0];
	v14 =	vadd.f32 v41, v14;
	v24 =	vmul.f32 $5.000000000e-01, v3  }
0x1b6: {  	v47 =	vld [tilespmem:$0x22E0];
	v26 =	vadd.f32 v45, v9;
	v13 =	vadd.f32 v16, v13;
	vm15 =	vge.f32 v3, $1.414213540e+00  }
0x1b7: {  	v40 =	vld [tilespmem:$0x1B70];
	v7 =	vadd.f32 v18, v7;
	v14 =	vadd.f32 v53, v14;
	v3 =	vsel vm15, v24, v3  }
0x1b8: {  	v59 =	vld [tilespmem:$0x21B0];
	v13 =	vadd.f32 v19, v13;
	v3 =	vadd.f32 $-1.000000000e+00, v3  }
0x1b9: {  	v24 =	vld [tilespmem:$0x1C30];
	v7 =	vadd.f32 v10, v7;
	v11 =	vadd.f32 v57, v14  }
0x1ba: {  	v55 =	vld [tilespmem:$0x1FB0];
	v62 =	vmax.f32 v34, $1.000000000e+00;
	v13 =	vadd.f32 v21, v13;
	v54 =	vadd.f32 $2.000000000e+00, v3  }
0x1bb: {  	v63 =	vld [tilespmem:$0x1D70];
	(erf) = vrcp.f32 v62;
	v7 =	vadd.f32 v25, v7;
	v11 =	vadd.f32 v31, v11  }
0x1bc: {  	v5 =	vadd.f32 v38, v5;
	v12 =	vadd.f32 v40, v13;
	(erf) = vrcp.f32 v54;
	v54 =	vld [tilespmem:$0x2030]  }
0x1bd: {  	v32 =	vld [tilespmem:$0x1E30];
	v7 =	vadd.f32 v42, v7;
	v10 =	vadd.f32 v44, v11  }
0x1be: {  	v6 =	vadd.f32 v47, v6;
	v57 =	vld [tilespmem:$0x20F0];
	v12 =	vadd.f32 v24, v12  }
0x1bf: {  	v33 =	vld [tilespmem:$0x1E70];
	v48 =	vand.u32 $0x7FFFFF, v36;
	v7 =	vadd.f32 v28, v7;
	v8 =	vadd.f32 v51, v10  }
0x1c0: {  	v61 =	vld [tilespmem:$0x2070];
	v4 =	vadd.f32 v43, v4;
	v19 =	vor.u32 $0x3F800000, v48;
	v12 =	vadd.f32 v20, v12  }
0x1c1: {  	v53 =	vld [tilespmem:$0x1F30];
	v52 =	vmul.f32 $5.000000000e-01, v19;
	v7 =	vadd.f32 v63, v7;
	v8 =	vadd.f32 v54, v8  }
0x1c2: {  	v6 =	vadd.f32 v39, v6;
	v62 =	vld [tilespmem:$0x2270];
	vm0 =	vge.f32 v19, $1.414213540e+00;
	v12 =	vadd.f32 v30, v12  }
0x1c3: {  	v25 =	vld [tilespmem:$0x20B0];
	v19 =	vsel vm0, v52, v19;
	v7 =	vadd.f32 v32, v7;
	v8 =	vadd.f32 v57, v8  }
0x1c4: {  	v19 =	vadd.f32 $-1.000000000e+00, v19;
	v28 =	vld [tilespmem:$0x2330];
	v27 =	vadd.f32 v33, v12  }
0x1c5: {  	v31 =	vld [tilespmem:$0x23F0];
	v7 =	vadd.f32 v50, v7;
	v8 =	vadd.f32 v59, v8  }
0x1c6: {  	(erf) = vrcp.f32 v5;
	v5 =	vadd.f32 v46, v26;
	v30 =	vld [tilespmem:$0x2130];
	v9 =	vadd.f32 v53, v27  }
0x1c7: {  	v29 =	vmax.f32 v37, $1.000000000e+00;
	v32 =	vld [tilespmem:$0x2170];
	v7 =	vadd.f32 v55, v7;
	v8 =	vadd.f32 v62, v8  }
0x1c8: {  	v41 =	vld [tilespmem:$0x21F0];
	v60 =	vadd.f32 $2.000000000e+00, v19;
	(erf) = vrcp.f32 v29;
	v9 =	vadd.f32 v58, v9  }
0x1c9: {  	v42 =	vld [tilespmem:$0x2230];
	v33 =	vand.u32 $0x7FFFFF, v5;
	v7 =	vadd.f32 v61, v7;
	v8 =	vadd.f32 v28, v8  }
0x1ca: {  	v38 =	vpop (erf);
	v44 =	vld [tilespmem:$0x22B0];
	v15 =	vor.u32 $0x3F800000, v33;
	v50 =	vmax.f32 v4, $1.000000000e+00;
	v9 =	vadd.f32 v25, v9  }
0x1cb: {  	v45 =	vld [tilespmem:$0x22F0];
	v40 =	vpop (erf);
	v43 =	vmul.f32 $5.000000000e-01, v15;
	v7 =	vadd.f32 v30, v7;
	v8 =	vadd.f32 v31, v8  }
0x1cc: {  	v47 =	vld [tilespmem:$0x2370];
	vm2 =	vge.f32 v15, $1.414213540e+00;
	v56 =	vpop (erf);
	(erf) = vrcp.f32 v60;
	v9 =	vadd.f32 v32, v9  }
0x1cd: {  	v48 =	vld [tilespmem:$0x23B0];
	(erf) = vrcp.f32 v6;
	v7 =	vadd.f32 v41, v7;
	v49 =	vand.u32 $0x7FFFFF, v8  }
0x1ce: {  	v46 =	vsel vm2, v43, v15;
	v9 =	vadd.f32 v42, v9;
	v12 =	vor.u32 $0x3F800000, v49  }
0x1cf: {  	v6 =	vadd.f32 $-1.000000000e+00, v46;
	v7 =	vadd.f32 v44, v7;
	v52 =	vmul.f32 $5.000000000e-01, v12  }
0x1d0: {  	v3 =	vmul.f32 v56, v3;
	v9 =	vadd.f32 v45, v9;
	vm1 =	vge.f32 v12, $1.414213540e+00  }
0x1d1: {  	v51 =	vadd.f32 $2.000000000e+00, v6;
	v7 =	vadd.f32 v47, v7;
	v53 =	vsel vm1, v52, v12  }
0x1d2: {  	(erf) = vrcp.f32 v50;
	v9 =	vadd.f32 v48, v9;
	v54 =	vadd.f32 $-1.000000000e+00, v53  }
0x1d3: {  	v21 =	vmul.f32 v3, v3;
	(erf) = vrcp.f32 v51  }
0x1d4: {  	v58 =	vpop (erf);
	v56 =	vmax.f32 v7, $1.000000000e+00;
	(erf) = vrcp.f32 v9;
	v57 =	vadd.f32 $2.000000000e+00, v54  }
0x1d5: {  	v60 =	vpop (erf);
	(erf) = vrcp.f32 v56  }
0x1d6: {  	v63 =	vmul.f32 $2.222219850e-01, v21;
	v61 =	vpop (erf);
	(erf) = vrcp.f32 v57  }
0x1d7: {  	vm3 =	vge.f32 v34, $2.000000000e+00;
	v12 =	vmul.f32 v61, v19  }
0x1d8: {  	v16 =	vsel vm3, $0x3F800000, v0;
	vm3 =	vge.f32 v37, $2.000000000e+00;
	v55 =	vadd.f32 $2.857142980e-01, v63  }
0x1d9: {  	v5 =	vshra.s32 v5, $0x17;
	v33 =	vsel vm15, $0xFFFFFF82, v2;
	v63 =	vmul.f32 v12, v12  }
0x1da: {  	v43 =	vsel vm3, $0x3F800000, v0;
	v50 =	vmul.f32 $8.999999760e-01, v38;
	v59 =	vmul.f32 v55, v21;
	v14 =	vpop (erf)  }
0x1db: {  	v46 =	vsel vm0, $0xFFFFFF82, v2;
	v13 =	vmul.f32 $8.999999760e-01, v58;
	v15 =	vpop (erf);
	v31 =	vmul.f32 $2.222219850e-01, v63  }
0x1dc: {  	vm0 =	vge.f32 v4, $2.000000000e+00;
	v11 =	vmul.f32 $1.000000010e-01, v60;
	v9 =	vadd.f32 $4.000000060e-01, v59;
	v62 =	vpop (erf)  }
0x1dd: {  	v32 =	vshra.s32 v35, $0x17;
	v6 =	vmul.f32 v62, v6;
	v18 =	vadd.f32 $2.857142980e-01, v31;
	v35 =	vpop (erf)  }
0x1de: {  	[tilespmem:$0x24C0] =	vst v16;
	v16 =	vadd.f32 v43, v16;
	v51 =	vmul.f32 $1.000000010e-01, v40;
	v9 =	vmul.f32 v9, v21;
	v39 =	vpop (erf)  }
0x1df: {  	v44 =	vadd.f32 v3, v3;
	v34 =	vmul.f32 v6, v6;
	v18 =	vmul.f32 v18, v63;
	v42 =	vpop (erf)  }
0x1e0: {  	v48 =	vsel vm2, $0xFFFFFF82, v2;
	v9 =	vadd.f32 $6.666666860e-01, v9;
	v10 =	vmul.f32 v42, v54  }
0x1e1: {  	v19 =	vadd.s32 v32, v33;
	v41 =	vmul.f32 $2.222219850e-01, v34;
	v18 =	vadd.f32 $4.000000060e-01, v18  }
0x1e2: {  	v52 =	vshra.s32 v36, $0x17;
	v9 =	vmul.f32 v9, v21;
	v47 =	vmul.f32 v10, v10  }
0x1e3: {  	v19 =	vcvt.s32.f32 v19;
	v45 =	vadd.f32 $2.857142980e-01, v41;
	v18 =	vmul.f32 v18, v63  }
0x1e4: {  	v5 =	vadd.s32 v5, v48;
	v3 =	vmul.f32 v9, v3;
	v49 =	vmul.f32 $2.222219850e-01, v47  }
0x1e5: {  	v5 =	vcvt.s32.f32 v5;
	v9 =	vmul.f32 v45, v34;
	v18 =	vadd.f32 $6.666666860e-01, v18  }
0x1e6: {  	v19 =	vmul.f32 $6.931471820e-01, v19;
	v3 =	vadd.f32 v3, v44;
	v27 =	vadd.f32 $2.857142980e-01, v49  }
0x1e7: {  	v21 =	vadd.s32 v52, v46;
	v9 =	vadd.f32 $4.000000060e-01, v9;
	v17 =	vmul.f32 v18, v63  }
0x1e8: {  	[tilespmem:$0x24D0] =	vst v43;
	v21 =	vcvt.s32.f32 v21;
	v3 =	vadd.f32 v3, v19;
	v53 =	vmul.f32 v27, v47  }
0x1e9: {  	[tilespmem:$0x2400] =	vst v50;
	v54 =	vadd.f32 v12, v12;
	v9 =	vmul.f32 v9, v34;
	v12 =	vmul.f32 v17, v12  }
0x1ea: {  	[tilespmem:$0x2410] =	vst v13;
	v59 =	vsel vm1, $0xFFFFFF82, v2;
	v62 =	vshra.s32 v8, $0x17;
	v55 =	vadd.f32 $4.000000060e-01, v53  }
0x1eb: {  	v56 =	vmul.f32 $6.931471820e-01, v21;
	[tilespmem:$0x2480] =	vst v3;
	v9 =	vadd.f32 $6.666666860e-01, v9;
	v3 =	vadd.f32 v12, v54  }
0x1ec: {  	[tilespmem:$0x2450] =	vst v11;
	v60 =	vmul.f32 $6.931471820e-01, v5;
	v13 =	vadd.s32 v62, v59;
	v57 =	vmul.f32 v55, v47  }
0x1ed: {  	[tilespmem:$0x2440] =	vst v51;
	v58 =	vadd.f32 v6, v6;
	v9 =	vmul.f32 v9, v34;
	v3 =	vadd.f32 v3, v56  }
0x1ee: {  	v19 =	vmul.f32 $1.000000010e-01, v39;
	v18 =	vmul.f32 $8.999999760e-01, v35;
	v12 =	vadd.f32 $6.666666860e-01, v57  }
0x1ef: {  	v17 =	vsel vm0, $0x3F800000, v0;
	v6 =	vmul.f32 v9, v6;
	[tilespmem:$0x2490] =	vst v3;
	v3 =	vmul.f32 $8.999999760e-01, v14  }
0x1f0: {  	[tilespmem:$0x2470] =	vst v19;
	vm0 =	vge.f32 v7, $2.000000000e+00;
	v8 =	vadd.f32 v17, v16;
	v63 =	vmul.f32 v12, v47  }
0x1f1: {  	v20 =	vsel vm0, $0x3F800000, v0;
	v61 =	vadd.f32 v6, v58;
	[tilespmem:$0x2420] =	vst v3;
	v3 =	vcvt.s32.f32 v13  }
0x1f2: {  	[tilespmem:$0x2430] =	vst v18;
	v14 =	vadd.f32 v10, v10;
	v12 =	vmul.f32 $1.000000010e-01, v15;
	v15 =	vmul.f32 v63, v10  }
0x1f3: {  	[tilespmem:$0x24E0] =	vst v17;
	v21 =	vadd.f32 v20, v8  }
0x1f4: {  	[tilespmem:$0x24F0] =	vst v20;
	v4 =	vadd.f32 v61, v60;
	v3 =	vmul.f32 $6.931471820e-01, v3;
	v5 =	vadd.f32 v15, v14  }
0x1f5: {  	[tilespmem:$0x3510] =	vst v21  }
0x1f6: {  	[tilespmem:$0x24A0] =	vst v4;
	v3 =	vadd.f32 v5, v3  }
0x1f7: {  	[tilespmem:$0x2460] =	vst v12  }
0x1f8: {  	s26 =	simm.s32 $0x2400;
	s4 =	rddreg [dreg:$0x17];
	[tilespmem:$0x24B0] =	vst v3  }
0x1f9: {  	[spmem:s4] =	stream.linear.scatter [tilespmem:s26], [sflag:$0x2], $0x100, $0x38;
	[tilespmem:$0x4520] =	vst v63  }
0x1fa: {  	_ =	swait.ge [sflag:s20], $0x100  }
0x1fb: {  	[sflag:s20] =	ssyncset.done $0x0  }
0x1fc: {  	[sflag:s20] =	ssyncadd.s32 $0xFFFFFF00  }
0x1fd: {  	[bflag:$0x0] =	sbarrier.arrive $0xFFFF  }
0x1fe: {  	v3 =	vld [tilespmem:$0x0];
	_ =	sdelay $0x4  }
0x1ff: {  	(v2sf) =	vpush v3, $0x0;
	v3 =	vld [tilespmem:$0x3F0];
	_ =	sdelay $0x4  }
0x200: {  	(v2sf) =	vpush v3, $0xF;
	_ =	sdelay $0xa  }
0x201: {  	s26 =	spop (v2sf)  }
0x202: {  	s0 =	scvt.f32.s32 s26;
	_ =	sdelay $0x1  }
0x203: {  	s26 =	sshra.s32 s0, $0x1F  }
0x204: {  	s28 =	sand.u32 $0x3F, s0;
	p1 =	slt.s32 s0, $0x1;
	s29 =	spop (v2sf)  }
0x205: {  	s26 =	sshrl.u32 s26, $0x1A;
	p2 =	sne.s32 s28, $0x0;
	s4 =	scvt.f32.s32 s29  }
0x206: {  	s28 =	simm.s32 $0x1;
	s26 =	sadd.s32 s26, s0;
	p1 =	por !p1, !p2  }
0x207: {  	s26 =	sshra.s32 s26, $0x6;
	p1 =	por !p1, !p1;
	s29 =	sand.u32 $0x3F, s4  }
0x208: {  	s30 =	sshra.s32 s4, $0x1F;
	p5 =	slt.s32 s4, $0x1;
	p3 =	sne.s32 s29, $0x0  }
0x209: {  	s28 =	simm.s32 @!p1 $0x0;
	s29 =	sshrl.u32 s30, $0x1A;
	p6 =	por !p5, !p3  }
0x20a: {  	s0 =	sadd.s32 s29, s4;
	s29 =	simm.s32 $0x1;
	p1 =	por !p6, !p6  }
0x20b: {  	s26 =	ssub.s32 s26, s28;
	s0 =	sshra.s32 s0, $0x6;
	s29 =	simm.s32 @!p1 $0x0  }
0x20c: {  	p1 =	sgt.s32 s26, $0x0;
	s0 =	ssub.s32 s0, s29  }
0x20d: {  	p2 =	slt.s32 @!p1 s0, $0x0  }
0x20e: {  	p1 =	por p2, p1  }
0x20f: {  	s28 =	sshll.u32 @!p1 s26, $0xA  }
0x210: {  	s28 =	ssub.s32 @!p1 $0x0, s28  }
0x211: {  	s28 =	sshra.s32 @!p1 s28, $0x2  }
0x212: {  	s4 =	rddreg [dreg:$0x5];
	p2 =	sgt.s32 s26, $0x1;
	s28 =	sadd.s32 @!p1 $0x2500, s28  }
0x213: {  	[tilespmem:s28], [sflag:$0x2] =	stream.linear.gather @!p1 [spmem:s4], $0x100, $0x38;
	[tilespmem:$0x4520] =	vst v63  }
0x214: {  	p3 =	slt.s32 @!p2 s0, $0x1;
	s28 =	simm.s32 @!p1 $0x2  }
0x215: {  	p2 =	por p3, p2;
	_ =	swait.ge @!p1 [sflag:s28], $0x100  }
0x216: {  	s29 =	sshll.u32 @!p2 s26, $0x8;
	[sflag:s28] =	ssyncset.done @!p1 $0x0;
	s4 =	rddreg [dreg:$0x1d]  }
0x217: {  	[sflag:s28] =	ssyncadd.s32 @!p1 $0xFFFFFF00;
	s28 =	ssub.s32 @!p2 $0x2600, s29;
	p1 =	sgt.s32 s26, $0x2  }
0x218: {  	[tilespmem:s28], [sflag:$0x2] =	stream.linear.gather @!p2 [spmem:s4], $0x100, $0x38;
	[tilespmem:$0x4520] =	vst v63  }
0x219: {  	s28 =	simm.s32 @!p2 $0x2;
	p3 =	slt.s32 @!p1 s0, $0x2  }
0x21a: {  	_ =	swait.ge @!p2 [sflag:s28], $0x100;
	p1 =	por p3, p1  }
0x21b: {  	[sflag:s28] =	ssyncset.done @!p2 $0x0;
	s29 =	sshll.u32 @!p1 s26, $0x8;
	s4 =	rddreg [dreg:$0x1e]  }
0x21c: {  	[sflag:s28] =	ssyncadd.s32 @!p2 $0xFFFFFF00;
	s28 =	ssub.s32 @!p1 $0x2700, s29;
	p2 =	sgt.s32 s26, $0x3  }
0x21d: {  	[tilespmem:s28], [sflag:$0x2] =	stream.linear.gather @!p1 [spmem:s4], $0x100, $0x38;
	[tilespmem:$0x4520] =	vst v63  }
0x21e: {  	s28 =	simm.s32 @!p1 $0x2;
	p3 =	slt.s32 @!p2 s0, $0x3  }
0x21f: {  	_ =	swait.ge @!p1 [sflag:s28], $0x100;
	p2 =	por p3, p2  }
0x220: {  	[sflag:s28] =	ssyncset.done @!p1 $0x0;
	s29 =	sshll.u32 @!p2 s26, $0x8;
	s4 =	rddreg [dreg:$0x1f]  }
0x221: {  	[sflag:s28] =	ssyncadd.s32 @!p1 $0xFFFFFF00;
	s28 =	ssub.s32 @!p2 $0x2800, s29;
	p1 =	sgt.s32 s26, $0x4  }
0x222: {  	[tilespmem:s28], [sflag:$0x2] =	stream.linear.gather @!p2 [spmem:s4], $0x100, $0x38;
	[tilespmem:$0x4520] =	vst v63  }
0x223: {  	s28 =	simm.s32 @!p2 $0x2;
	p3 =	slt.s32 @!p1 s0, $0x4  }
0x224: {  	_ =	swait.ge @!p2 [sflag:s28], $0x100;
	p1 =	por p3, p1  }
0x225: {  	[sflag:s28] =	ssyncset.done @!p2 $0x0;
	s29 =	sshll.u32 @!p1 s26, $0x8  }
0x226: {  	[sflag:s28] =	ssyncadd.s32 @!p2 $0xFFFFFF00;
	s28 =	ssub.s32 @!p1 $0x2900, s29;
	p2 =	sgt.s32 s26, $0x5  }
0x227: {  	[tilespmem:s28], [sflag:$0x2] =	stream.linear.gather @!p1 [spmem:s1], $0x100, $0x38;
	[tilespmem:$0x4520] =	vst v63  }
0x228: {  	s28 =	simm.s32 @!p1 $0x2;
	p3 =	slt.s32 @!p2 s0, $0x5  }
0x229: {  	_ =	swait.ge @!p1 [sflag:s28], $0x100;
	p2 =	por p3, p2  }
0x22a: {  	[sflag:s28] =	ssyncset.done @!p1 $0x0;
	s29 =	sshll.u32 @!p2 s26, $0x8  }
0x22b: {  	[sflag:s28] =	ssyncadd.s32 @!p1 $0xFFFFFF00;
	s28 =	ssub.s32 @!p2 $0x2A00, s29;
	p1 =	sgt.s32 s26, $0x6  }
0x22c: {  	[tilespmem:s28], [sflag:$0x2] =	stream.linear.gather @!p2 [spmem:s3], $0x100, $0x38;
	[tilespmem:$0x4520] =	vst v63  }
0x22d: {  	s28 =	simm.s32 @!p2 $0x2;
	p3 =	slt.s32 @!p1 s0, $0x6  }
0x22e: {  	_ =	swait.ge @!p2 [sflag:s28], $0x100;
	p1 =	por p3, p1  }
0x22f: {  	[sflag:s28] =	ssyncset.done @!p2 $0x0;
	s29 =	sshll.u32 @!p1 s26, $0x8  }
0x230: {  	[sflag:s28] =	ssyncadd.s32 @!p2 $0xFFFFFF00;
	s28 =	ssub.s32 @!p1 $0x2B00, s29;
	p2 =	sgt.s32 s26, $0x7  }
0x231: {  	[tilespmem:s28], [sflag:$0x2] =	stream.linear.gather @!p1 [spmem:s2], $0x100, $0x38;
	[tilespmem:$0x4520] =	vst v63  }
0x232: {  	s28 =	simm.s32 @!p1 $0x2;
	p3 =	slt.s32 @!p2 s0, $0x7  }
0x233: {  	_ =	swait.ge @!p1 [sflag:s28], $0x100;
	p2 =	por p3, p2  }
0x234: {  	[sflag:s28] =	ssyncset.done @!p1 $0x0;
	s29 =	sshll.u32 @!p2 s26, $0x8  }
0x235: {  	[sflag:s28] =	ssyncadd.s32 @!p1 $0xFFFFFF00;
	s28 =	ssub.s32 @!p2 $0x2C00, s29;
	p1 =	sgt.s32 s26, $0x8  }
0x236: {  	[tilespmem:s28], [sflag:$0x2] =	stream.linear.gather @!p2 [spmem:s6], $0x100, $0x38;
	[tilespmem:$0x4520] =	vst v63  }
0x237: {  	s28 =	simm.s32 @!p2 $0x2;
	p3 =	slt.s32 @!p1 s0, $0x8  }
0x238: {  	_ =	swait.ge @!p2 [sflag:s28], $0x100;
	p1 =	por p3, p1  }
0x239: {  	[sflag:s28] =	ssyncset.done @!p2 $0x0;
	s29 =	sshll.u32 @!p1 s26, $0x8  }
0x23a: {  	[sflag:s28] =	ssyncadd.s32 @!p2 $0xFFFFFF00;
	s28 =	ssub.s32 @!p1 $0x2D00, s29;
	p2 =	sgt.s32 s26, $0x9  }
0x23b: {  	[tilespmem:s28], [sflag:$0x2] =	stream.linear.gather @!p1 [spmem:s7], $0x100, $0x38;
	[tilespmem:$0x4520] =	vst v63  }
0x23c: {  	s28 =	simm.s32 @!p1 $0x2;
	p3 =	slt.s32 @!p2 s0, $0x9  }
0x23d: {  	_ =	swait.ge @!p1 [sflag:s28], $0x100;
	p2 =	por p3, p2  }
0x23e: {  	[sflag:s28] =	ssyncset.done @!p1 $0x0;
	s29 =	sshll.u32 @!p2 s26, $0x8  }
0x23f: {  	[sflag:s28] =	ssyncadd.s32 @!p1 $0xFFFFFF00;
	s28 =	ssub.s32 @!p2 $0x2E00, s29;
	p1 =	sgt.s32 s26, $0xA  }
0x240: {  	[tilespmem:s28], [sflag:$0x2] =	stream.linear.gather @!p2 [spmem:s9], $0x100, $0x38;
	[tilespmem:$0x4520] =	vst v63  }
0x241: {  	s28 =	simm.s32 @!p2 $0x2;
	p3 =	slt.s32 @!p1 s0, $0xA  }
0x242: {  	_ =	swait.ge @!p2 [sflag:s28], $0x100;
	p1 =	por p3, p1  }
0x243: {  	[sflag:s28] =	ssyncset.done @!p2 $0x0;
	s29 =	sshll.u32 @!p1 s26, $0x8  }
0x244: {  	[sflag:s28] =	ssyncadd.s32 @!p2 $0xFFFFFF00;
	s28 =	ssub.s32 @!p1 $0x2F00, s29;
	p2 =	sgt.s32 s26, $0xB  }
0x245: {  	[tilespmem:s28], [sflag:$0x2] =	stream.linear.gather @!p1 [spmem:s10], $0x100, $0x38;
	[tilespmem:$0x4520] =	vst v63  }
0x246: {  	s28 =	simm.s32 @!p1 $0x2;
	p3 =	slt.s32 @!p2 s0, $0xB  }
0x247: {  	_ =	swait.ge @!p1 [sflag:s28], $0x100;
	p2 =	por p3, p2  }
0x248: {  	[sflag:s28] =	ssyncset.done @!p1 $0x0;
	s29 =	sshll.u32 @!p2 s26, $0x8  }
0x249: {  	[sflag:s28] =	ssyncadd.s32 @!p1 $0xFFFFFF00;
	s28 =	ssub.s32 @!p2 $0x3000, s29;
	p1 =	sgt.s32 s26, $0xC  }
0x24a: {  	[tilespmem:s28], [sflag:$0x2] =	stream.linear.gather @!p2 [spmem:s11], $0x100, $0x38;
	[tilespmem:$0x4520] =	vst v63  }
0x24b: {  	s28 =	simm.s32 @!p2 $0x2;
	p3 =	slt.s32 @!p1 s0, $0xC  }
0x24c: {  	_ =	swait.ge @!p2 [sflag:s28], $0x100;
	p1 =	por p3, p1  }
0x24d: {  	[sflag:s28] =	ssyncset.done @!p2 $0x0;
	s29 =	sshll.u32 @!p1 s26, $0x8  }
0x24e: {  	[sflag:s28] =	ssyncadd.s32 @!p2 $0xFFFFFF00;
	s28 =	ssub.s32 @!p1 $0x3100, s29;
	p2 =	sgt.s32 s26, $0xD  }
0x24f: {  	[tilespmem:s28], [sflag:$0x2] =	stream.linear.gather @!p1 [spmem:s12], $0x100, $0x38;
	[tilespmem:$0x4520] =	vst v63  }
0x250: {  	s28 =	simm.s32 @!p1 $0x2;
	p3 =	slt.s32 @!p2 s0, $0xD  }
0x251: {  	_ =	swait.ge @!p1 [sflag:s28], $0x100;
	p2 =	por p3, p2  }
0x252: {  	[sflag:s28] =	ssyncset.done @!p1 $0x0;
	s29 =	sshll.u32 @!p2 s26, $0x8  }
0x253: {  	[sflag:s28] =	ssyncadd.s32 @!p1 $0xFFFFFF00;
	s28 =	ssub.s32 @!p2 $0x3200, s29;
	p1 =	sgt.s32 s26, $0xE  }
0x254: {  	[tilespmem:s28], [sflag:$0x2] =	stream.linear.gather @!p2 [spmem:s13], $0x100, $0x38;
	[tilespmem:$0x4520] =	vst v63  }
0x255: {  	s28 =	simm.s32 @!p2 $0x2;
	p3 =	slt.s32 @!p1 s0, $0xE  }
0x256: {  	_ =	swait.ge @!p2 [sflag:s28], $0x100;
	p1 =	por p3, p1  }
0x257: {  	[sflag:s28] =	ssyncset.done @!p2 $0x0;
	s29 =	sshll.u32 @!p1 s26, $0x8  }
0x258: {  	[sflag:s28] =	ssyncadd.s32 @!p2 $0xFFFFFF00;
	s28 =	ssub.s32 @!p1 $0x3300, s29  }
0x259: {  	[tilespmem:s28], [sflag:$0x2] =	stream.linear.gather @!p1 [spmem:s14], $0x100, $0x38;
	[tilespmem:$0x4520] =	vst v63  }
0x25a: {  	p2 =	sgt.s32 s26, $0xF;
	s28 =	simm.s32 @!p1 $0x2  }
0x25b: {  	p3 =	slt.s32 @!p2 s0, $0xF;
	_ =	swait.ge @!p1 [sflag:s28], $0x100  }
0x25c: {  	s26 =	sshll.u32 s26, $0x8;
	p2 =	por p3, p2;
	[sflag:s28] =	ssyncset.done @!p1 $0x0  }
0x25d: {  	s0 =	ssub.s32 @!p2 $0x3400, s26;
	[sflag:s28] =	ssyncadd.s32 @!p1 $0xFFFFFF00  }
0x25e: {  	[tilespmem:s0], [sflag:$0x2] =	stream.linear.gather @!p2 [spmem:s15], $0x100, $0x38;
	[tilespmem:$0x4520] =	vst v63  }
0x25f: {  	s0 =	simm.s32 @!p2 $0x2  }
0x260: {  	_ =	swait.ge @!p2 [sflag:s0], $0x100  }
0x261: {  	[sflag:s0] =	ssyncset.done @!p2 $0x0  }
0x262: {  	s4 =	simm.s32 $0x0;
	[sflag:s0] =	ssyncadd.s32 @!p2 $0xFFFFFF00  }
0x263: {  	v3 =	vld [tilespmem:s4+$0x0];
	_ =	sdelay $0x4  }
0x264: {  	v3 =	vtrunc.f32 v3  }
0x265: {  	v3 =	vcvt.f32.s32 v3;
	_ =	sdelay $0x1  }
0x266: {  	v22 =	vld [tilespmem:s4+$0x800];
	v23 =	vshrl.u32 v3, $0x6  }
0x267: {  	v5 =	vmul.u32 $0xC0, v23;
	_ =	sdelay $0x1  }
0x268: {  	v45 =	vmov s26;
	v3 =	vadd.s32 v3, v5  }
0x269: {  	v5 =	vsub.s32 v3, v45  }
0x26a: {  	s30 =	simm.s32 $0x10;
	v4 =	vmul.f32 $1.442695020e+00, v22;
	v3 =	vand.u32 $0x7F, v3;
	v24 =	vand.u32 $0xFFFFFF80, v5  }
0x26b: {  	v48 =	vor.u32 v3, v24;
	v3 =	vld [tilespmem:s30+$0x0]  }
0x26c: {  	(erf) = vpow2.f32 v4;
	_ =	sdelay $0x1  }
0x26d: {  	v25 =	vadd.s32 $0x40, v5;
	_ =	sdelay $0x1  }
0x26e: {  	v3 =	vtrunc.f32 v3  }
0x26f: {  	v6 =	vld.idx.msk [tilespmem:v48+s21+$0x0], $0xffff;
	v3 =	vcvt.f32.s32 v3;
	_ =	sdelay $0x1  }
0x270: {  	v4 =	vld.idx.msk [tilespmem:v25+s21+$0x0], $0xffff;
	v28 =	vshrl.u32 v3, $0x6  }
0x271: {  	s28 =	simm.s32 $0x20;
	v26 =	vld [tilespmem:s30+$0x800];
	v9 =	vmul.u32 $0xC0, v28  }
0x272: {  	v29 =	vld [tilespmem:s28+$0x0];
	v27 =	vpop (erf)  }
0x273: {  	v6 =	vmul.f32 v27, v6;
	v3 =	vadd.s32 v3, v9  }
0x274: {  	v31 =	vsub.s32 v3, v45  }
0x275: {  	v38 =	vadd.f32 v4, v6;
	v3 =	vand.u32 $0x7F, v3;
	v36 =	vand.u32 $0xFFFFFF80, v31  }
0x276: {  	v30 =	vmul.f32 $1.442695020e+00, v26;
	v44 =	vor.u32 v3, v36;
	v3 =	vld [tilespmem:s28+$0x800]  }
0x277: {  	v40 =	vtrunc.f32 v29;
	v37 =	vand.u32 $0x7FFFFF, v38  }
0x278: {  	v7 =	vcvt.f32.s32 v40;
	(erf) = vpow2.f32 v30;
	v39 =	vor.u32 $0x3F800000, v37  }
0x279: {  	v41 =	vmul.f32 $5.000000000e-01, v39  }
0x27a: {  	v46 =	vshrl.u32 v7, $0x6;
	v42 =	vadd.s32 $0x40, v31;
	vm0 =	vge.f32 v39, $1.414213540e+00  }
0x27b: {  	v8 =	vmul.u32 $0xC0, v46;
	v4 =	vsel vm0, v41, v39;
	v3 =	vmul.f32 $1.442695020e+00, v3  }
0x27c: {  	v4 =	vadd.f32 $-1.000000000e+00, v4  }
0x27d: {  	s26 =	simm.s32 $0x30;
	v47 =	vld.idx.msk [tilespmem:v44+s21+$0x0], $0xffff;
	(erf) = vpow2.f32 v3;
	v3 =	vadd.s32 v7, v8  }
0x27e: {  	v43 =	vld [tilespmem:s26+$0x0];
	v49 =	vadd.f32 $2.000000000e+00, v4;
	v7 =	vsub.s32 v3, v45  }
0x27f: {  	v9 =	vld.idx.msk [tilespmem:v42+s21+$0x0], $0xffff;
	v3 =	vand.u32 $0x7F, v3;
	v52 =	vand.u32 $0xFFFFFF80, v7  }
0x280: {  	(erf) = vrcp.f32 v49;
	v39 =	vor.u32 v3, v52;
	v3 =	vld [tilespmem:s26+$0x800]  }
0x281: {  	v51 =	vpop (erf)  }
0x282: {  	v10 =	vmul.f32 v51, v47  }
0x283: {  	v50 =	vtrunc.f32 v43  }
0x284: {  	v8 =	vcvt.f32.s32 v50;
	v34 =	vadd.f32 v9, v10  }
0x285: {  	v3 =	vmul.f32 $1.442695020e+00, v3  }
0x286: {  	s29 =	simm.s32 $0x40;
	v46 =	vimm.f32 $0.0e+00;
	v53 =	vshrl.u32 v8, $0x6;
	v56 =	vand.u32 $0x7FFFFF, v34  }
0x287: {  	v62 =	vld [tilespmem:s29+$0x0];
	v5 =	vadd.s32 $0xC0, v5;
	v55 =	vmul.u32 $0xC0, v53;
	v11 =	vor.u32 $0x3F800000, v56  }
0x288: {  	v23 =	vld [tilespmem:s29+$0x800];
	v57 =	vsel vm0, $0xFFFFFF82, v2;
	v54 =	vadd.s32 $0x40, v7;
	v60 =	vpop (erf);
	v63 =	vmul.f32 $5.000000000e-01, v11  }
0x289: {  	v8 =	vadd.s32 v8, v55;
	vm0 =	vge.f32 v11, $1.414213540e+00;
	(erf) = vpow2.f32 v3;
	v3 =	vpop (erf)  }
0x28a: {  	v59 =	vsub.s32 v8, v45;
	v19 =	vsel vm0, v63, v11;
	v3 =	vmul.f32 v3, v4  }
0x28b: {  	v8 =	vand.u32 $0x7F, v8;
	v61 =	vand.u32 $0xFFFFFF80, v59;
	v4 =	vadd.f32 $-1.000000000e+00, v19  }
0x28c: {  	v24 =	vtrunc.f32 v62;
	v42 =	vor.u32 v8, v61;
	v22 =	vmul.f32 v3, v3  }
0x28d: {  	v12 =	vmul.f32 $1.442695020e+00, v23;
	v27 =	vcvt.f32.s32 v24;
	v58 =	vld.idx.msk [tilespmem:v39+s21+$0x0], $0xffff;
	v25 =	vadd.f32 $2.000000000e+00, v4  }
0x28e: {  	v62 =	vadd.s32 $0x80, v48;
	v20 =	vadd.s32 $0x40, v59;
	v28 =	vmul.f32 $2.222219850e-01, v22  }
0x28f: {  	v40 =	vadd.s32 $0xC0, v31;
	v31 =	vshrl.u32 v27, $0x6;
	v9 =	vld.idx.msk [tilespmem:v54+s21+$0x0], $0xffff;
	(erf) = vrcp.f32 v25  }
0x290: {  	v21 =	vshra.s32 v38, $0x17;
	v15 =	vmul.u32 $0xC0, v31;
	v14 =	vadd.f32 $2.857142980e-01, v28  }
0x291: {  	v41 =	vadd.s32 $0xC0, v7;
	v32 =	vshra.s32 v34, $0x17;
	v8 =	vadd.s32 v21, v57;
	v26 =	vld.idx.msk [tilespmem:v42+s21+$0x0], $0xffff  }
0x292: {  	v36 =	vsel vm0, $0xFFFFFF82, v2;
	v10 =	vmul.f32 v60, v58;
	v14 =	vmul.f32 v14, v22  }
0x293: {  	v37 =	vadd.s32 $0xC0, v59;
	v29 =	vcvt.s32.f32 v8;
	v13 =	vadd.s32 v32, v36;
	v6 =	vld.idx.msk [tilespmem:v20+s21+$0x0], $0xffff  }
0x294: {  	v35 =	vadd.f32 v9, v10;
	v10 =	vadd.s32 v27, v15;
	v14 =	vadd.f32 $4.000000060e-01, v14  }
0x295: {  	s31 =	simm.s32 $0x50;
	v7 =	vmul.f32 $6.931471820e-01, v29;
	v43 =	vsub.s32 v10, v45;
	v52 =	vand.u32 $0x7F, v10;
	v33 =	vpop (erf)  }
0x296: {  	v58 =	vld [tilespmem:s31+$0x0];
	v47 =	vand.u32 $0xFFFFFF80, v43;
	v9 =	vmul.f32 v33, v26;
	v53 =	vmul.f32 v14, v22  }
0x297: {  	v49 =	vcvt.s32.f32 v13;
	v47 =	vor.u32 v52, v47;
	(erf) = vpow2.f32 v12  }
0x298: {  	v30 =	vand.u32 $0x7FFFFF, v35;
	v36 =	vadd.f32 v6, v9;
	v60 =	vpop (erf);
	v6 =	vadd.f32 $6.666666860e-01, v53  }
0x299: {  	v57 =	vadd.s32 $0x40, v43;
	v8 =	vor.u32 $0x3F800000, v30;
	v52 =	vmul.f32 v60, v4  }
0x29a: {  	v20 =	vadd.f32 v3, v3;
	v59 =	vmul.f32 $5.000000000e-01, v8;
	v6 =	vmul.f32 v6, v22  }
0x29b: {  	v61 =	vld [tilespmem:s31+$0x800];
	vm0 =	vge.f32 v8, $1.414213540e+00;
	v51 =	vmul.f32 v52, v52;
	v22 =	vtrunc.f32 v58  }
0x29c: {  	v8 =	vsel vm0, v59, v8;
	v63 =	vld.idx.msk [tilespmem:v47+s21+$0x0], $0xffff;
	v3 =	vmul.f32 v6, v3;
	v6 =	vcvt.f32.s32 v22  }
0x29d: {  	v43 =	vadd.s32 $0xC0, v43;
	v23 =	vshra.s32 v35, $0x17;
	v53 =	vadd.f32 $-1.000000000e+00, v8  }
0x29e: {  	v26 =	vsel vm0, $0xFFFFFF82, v2;
	v9 =	vld.idx.msk [tilespmem:v57+s21+$0x0], $0xffff;
	v25 =	vmul.f32 $2.222219850e-01, v51;
	v28 =	vshrl.u32 v6, $0x6  }
0x29f: {  	v21 =	vld [tilespmem:s4+$0x400];
	v31 =	vadd.s32 v23, v26;
	v24 =	vadd.f32 $2.000000000e+00, v53;
	v30 =	vmul.u32 $0xC0, v28  }
0x2a0: {  	v14 =	vmul.f32 $1.442695020e+00, v61;
	v27 =	vpop (erf);
	v3 =	vadd.f32 v3, v20;
	v29 =	vadd.f32 $2.857142980e-01, v25  }
0x2a1: {  	v4 =	vld.idx.msk [tilespmem:v62+s21+$0x0], $0xffff;
	v11 =	vmul.f32 v27, v63;
	(erf) = vrcp.f32 v24;
	v6 =	vadd.s32 v6, v30  }
0x2a2: {  	v3 =	vadd.f32 v3, v7;
	v32 =	vmul.f32 v29, v51;
	v57 =	vsub.s32 v6, v45  }
0x2a3: {  	v48 =	vadd.f32 v9, v11;
	(erf) = vpow2.f32 v14;
	v54 =	vand.u32 $0xFFFFFF80, v57  }
0x2a4: {  	v55 =	vcvt.s32.f32 v31;
	v3 =	vsub.f32 v3, v21;
	v33 =	vadd.f32 $4.000000060e-01, v32  }
0x2a5: {  	v56 =	vand.u32 $0x7FFFFF, v36;
	v58 =	vld.idx.msk [tilespmem:v5+s21+$0x0], $0xffff;
	v59 =	vand.u32 $0x7FFFFF, v48;
	v6 =	vand.u32 $0x7F, v6  }
0x2a6: {  	s0 =	simm.s32 $0x180;
	v60 =	vadd.f32 v3, v4;
	v50 =	vor.u32 v6, v54;
	v61 =	vmul.f32 v33, v51;
	v54 =	vmovc v52  }
.LBB2_7:
0x2a7: {  	v3 =	vmov v52  }
0x2a8: {  	s4 =	sshra.s32 s0, $0x2;
	p1 =	sne.s32 s0, $0xFC0;
	s0 =	sadd.s32 $0x40, s0;
	v4 =	vadd.s32 $0x40, v57;
	v5 =	vadd.s32 $0xC0, v57;
	v6 =	vmul.f32 v60, v38;
	v38 =	vmovc v34;
	v34 =	vmovc v35  }
0x2a9: {  	v8 =	vor.u32 $0x3F800000, v56;
	v10 =	vmul.f32 $6.931471820e-01, v49;
	v35 =	vmovc v36;
	v36 =	vmovc v48;
	v9 =	vadd.f32 $6.666666860e-01, v61;
	v7 =	vld [tilespmem:s4+$0x0]  }
0x2aa: {  	v14 =	vadd.s32 $0x80, v44;
	v12 =	vmul.f32 $5.000000000e-01, v8;
	v6 =	vmul.f32 v6, v58;
	v11 =	vld [tilespmem:s4+$0x800];
	v13 =	vpop (erf)  }
0x2ab: {  	v49 =	vmovc v55;
	v44 =	vmovc v39;
	vm0 =	vge.f32 v8, $1.414213540e+00;
	v9 =	vmul.f32 v9, v51;
	v52 =	vmul.f32 v13, v53  }
0x2ac: {  	v3 =	vadd.f32 v3, v54;
	v8 =	vsel vm0, v12, v8;
	v46 =	vadd.f32 v6, v46;
	v13 =	vld.idx.msk [tilespmem:v50+s21+$0x0], $0xffff;
	v15 =	vpop (erf)  }
0x2ad: {  	v39 =	vmovc v42;
	v53 =	vadd.f32 $-1.000000000e+00, v8;
	v8 =	vmul.f32 v9, v54;
	v51 =	vmul.f32 v52, v52;
	v6 =	vld [tilespmem:s30+$0x400];
	v54 =	vmovc v52;
	s30 =	smov.u32 s28;
	s28 =	smov.u32 s26;
	s26 =	smov.u32 s29  }
0x2ae: {  	v42 =	vmovc v47;
	v47 =	vmovc v50;
	v12 =	vsel vm0, $0xFFFFFF82, v2;
	v9 =	vshra.s32 v35, $0x17;
	s29 =	smov.u32 s31;
	s31 =	smov.u32 s4;
	v7 =	vtrunc.f32 v7;
	v4 =	vld.idx.msk [tilespmem:v4+s21+$0x0], $0xffff  }
0x2af: {  	v56 =	vmovc v59;
	v16 =	vadd.f32 $2.000000000e+00, v53;
	v7 =	vcvt.f32.s32 v7;
	v17 =	vmul.f32 $2.222219850e-01, v51;
	v14 =	vld.idx.msk [tilespmem:v14+s21+$0x0], $0xffff  }
0x2b0: {  	v9 =	vadd.s32 v9, v12;
	v3 =	vadd.f32 v8, v3;
	v11 =	vmul.f32 $1.442695020e+00, v11  }
0x2b1: {  	v8 =	vshrl.u32 v7, $0x6;
	(erf) = vrcp.f32 v16;
	v12 =	vadd.f32 $2.857142980e-01, v17  }
0x2b2: {  	v3 =	vadd.f32 v3, v10;
	v13 =	vmul.f32 v15, v13;
	v8 =	vmul.u32 $0xC0, v8  }
.Ltmp5:
0x2b3: {  	(erf) = vpow2.f32 v11;
	v10 =	vmul.f32 v12, v51;
	v58 =	vld.idx.msk [tilespmem:v40+s21+$0x0], $0xffff;
	v40 =	vmovc v41;
	v41 =	vmovc v37;
	v37 =	vmov v43;
	(pc) =	sbr.rel @p1 .LBB2_7-.Ltmp5, $4  }
0x2b4: {  	v3 =	vsub.f32 v3, v6;
	v48 =	vadd.f32 v4, v13;
	v43 =	vmovc v5;
	v7 =	vadd.s32 v7, v8  }
0x2b5: {  	v55 =	vcvt.s32.f32 v9;
	v57 =	vsub.s32 v7, v45;
	v4 =	vadd.f32 $4.000000060e-01, v10  }
0x2b6: {  	v60 =	vadd.f32 v3, v14;
	v6 =	vand.u32 $0x7F, v7;
	v5 =	vand.u32 $0xFFFFFF80, v57  }
0x2b7: {  	v59 =	vand.u32 $0x7FFFFF, v48;
	v50 =	vor.u32 v6, v5;
	v61 =	vmul.f32 v4, v51  }
0x2b8: {  	_ = 	snop  }
0x2b9: {  	v3 =	vadd.s32 $0x40, v57;
	_ =	sdelay $0x2  }
0x2ba: {  	v4 =	vld.idx.msk [tilespmem:v50+s21+$0x0], $0xffff;
	_ =	sdelay $0x1  }
0x2bb: {  	v3 =	vld.idx.msk [tilespmem:v3+s21+$0x0], $0xffff  }
0x2bc: {  	v5 =	vpop (erf)  }
0x2bd: {  	v6 =	vpop (erf)  }
0x2be: {  	v4 =	vmul.f32 v6, v4  }
0x2bf: {  	v7 =	vor.u32 $0x3F800000, v56  }
0x2c0: {  	v15 =	vor.u32 $0x3F800000, v59;
	v14 =	vmul.f32 $5.000000000e-01, v7;
	v45 =	vadd.f32 v3, v4  }
0x2c1: {  	vm2 =	vge.f32 v7, $1.414213540e+00;
	v17 =	vmul.f32 $5.000000000e-01, v15  }
0x2c2: {  	vm1 =	vge.f32 v15, $1.414213540e+00;
	v3 =	vsel vm2, v14, v7;
	v16 =	vand.u32 $0x7FFFFF, v45  }
0x2c3: {  	v4 =	vsel vm1, v17, v15;
	v3 =	vadd.f32 $-1.000000000e+00, v3;
	v6 =	vor.u32 $0x3F800000, v16  }
0x2c4: {  	v4 =	vadd.f32 $-1.000000000e+00, v4;
	v18 =	vmul.f32 $5.000000000e-01, v6  }
0x2c5: {  	v8 =	vadd.f32 $2.000000000e+00, v3;
	vm0 =	vge.f32 v6, $1.414213540e+00  }
0x2c6: {  	v5 =	vmul.f32 v5, v53;
	v19 =	vadd.f32 $2.000000000e+00, v4;
	v6 =	vsel vm0, v18, v6  }
0x2c7: {  	(erf) = vrcp.f32 v8;
	v6 =	vadd.f32 $-1.000000000e+00, v6  }
0x2c8: {  	v9 =	vmul.f32 v5, v5;
	(erf) = vrcp.f32 v19  }
0x2c9: {  	v21 =	vadd.f32 $2.000000000e+00, v6  }
0x2ca: {  	v20 =	vmul.f32 $2.222219850e-01, v9  }
0x2cb: {  	(erf) = vrcp.f32 v21  }
0x2cc: {  	v8 =	vadd.f32 $2.857142980e-01, v20  }
0x2cd: {  	v10 =	vadd.s32 $0x80, v44  }
0x2ce: {  	v12 =	vmul.f32 v60, v38;
	v13 =	vadd.f32 v52, v54;
	v8 =	vmul.f32 v8, v9  }
0x2cf: {  	v27 =	vshra.s32 v36, $0x17;
	v33 =	vadd.s32 $0xC0, v57;
	v22 =	vadd.f32 $6.666666860e-01, v61  }
0x2d0: {  	v38 =	vshra.s32 v48, $0x17;
	v12 =	vmul.f32 v12, v58;
	v8 =	vadd.f32 $4.000000060e-01, v8;
	v11 =	vpop (erf)  }
0x2d1: {  	v44 =	vadd.s32 $0x80, v42;
	v7 =	vmul.f32 v22, v51;
	v3 =	vmul.f32 v11, v3;
	v16 =	vpop (erf)  }
0x2d2: {  	v23 =	vsel vm2, $0xFFFFFF82, v2;
	v8 =	vmul.f32 v8, v9;
	v4 =	vmul.f32 v16, v4  }
0x2d3: {  	v12 =	vadd.f32 v12, v46;
	v14 =	vmul.f32 $6.931471820e-01, v49;
	v24 =	vmul.f32 v3, v3  }
0x2d4: {  	v7 =	vmul.f32 v7, v54;
	v8 =	vadd.f32 $6.666666860e-01, v8;
	v18 =	vmul.f32 v4, v4;
	v26 =	vpop (erf)  }
0x2d5: {  	v17 =	vsel vm1, $0xFFFFFF82, v2;
	v25 =	vmul.f32 $2.222219850e-01, v24;
	v6 =	vmul.f32 v26, v6  }
0x2d6: {  	v17 =	vadd.s32 v38, v17;
	v8 =	vmul.f32 v8, v9;
	v28 =	vmul.f32 $2.222219850e-01, v18  }
0x2d7: {  	v15 =	vld [tilespmem:s30+$0x400];
	v7 =	vadd.f32 v7, v13;
	v9 =	vadd.f32 $2.857142980e-01, v25;
	v29 =	vmul.f32 v6, v6  }
0x2d8: {  	v8 =	vmul.f32 v8, v5;
	v5 =	vadd.f32 v5, v5;
	v31 =	vadd.f32 $2.857142980e-01, v28  }
0x2d9: {  	v10 =	vld.idx.msk [tilespmem:v10+s21+$0x0], $0xffff;
	v51 =	vshra.s32 v45, $0x17;
	v9 =	vmul.f32 v9, v24;
	v32 =	vmul.f32 $2.222219850e-01, v29  }
0x2da: {  	v7 =	vadd.f32 v7, v14;
	v5 =	vadd.f32 v8, v5;
	v8 =	vmul.f32 v31, v18  }
0x2db: {  	v20 =	vadd.s32 $0x80, v39;
	v9 =	vadd.f32 $4.000000060e-01, v9;
	v14 =	vadd.f32 $2.857142980e-01, v32  }
0x2dc: {  	v39 =	vcvt.s32.f32 v17;
	v7 =	vsub.f32 v7, v15;
	v8 =	vadd.f32 $4.000000060e-01, v8  }
0x2dd: {  	v54 =	vadd.s32 $0x80, v50;
	v9 =	vmul.f32 v9, v24;
	v14 =	vmul.f32 v14, v29  }
0x2de: {  	v19 =	vmul.f32 $6.931471820e-01, v55;
	v7 =	vadd.f32 v7, v10;
	v8 =	vmul.f32 v8, v18  }
0x2df: {  	v10 =	vmul.f32 $6.931471820e-01, v39;
	v9 =	vadd.f32 $6.666666860e-01, v9;
	v14 =	vadd.f32 $4.000000060e-01, v14  }
0x2e0: {  	v30 =	vld [tilespmem:s28+$0x400];
	v21 =	vadd.s32 $0x80, v47;
	v11 =	vadd.s32 v27, v23;
	v8 =	vadd.f32 $6.666666860e-01, v8  }
0x2e1: {  	v52 =	vld.idx.msk [tilespmem:v41+s21+$0x0], $0xffff;
	v23 =	vsel vm0, $0xFFFFFF82, v2;
	v9 =	vmul.f32 v9, v24;
	v14 =	vmul.f32 v14, v29  }
0x2e2: {  	v46 =	vld.idx.msk [tilespmem:v40+s21+$0x0], $0xffff;
	v11 =	vcvt.s32.f32 v11;
	v49 =	vadd.f32 v3, v3;
	v8 =	vmul.f32 v8, v18  }
0x2e3: {  	v20 =	vld.idx.msk [tilespmem:v20+s21+$0x0], $0xffff;
	v5 =	vadd.f32 v5, v19;
	v3 =	vmul.f32 v9, v3;
	v14 =	vadd.f32 $6.666666860e-01, v14  }
0x2e4: {  	v22 =	vld [tilespmem:s26+$0x400];
	v11 =	vmul.f32 $6.931471820e-01, v11;
	v53 =	vadd.f32 v4, v4;
	v4 =	vmul.f32 v8, v4  }
0x2e5: {  	v55 =	vld [tilespmem:s29+$0x400];
	v5 =	vsub.f32 v5, v30;
	v3 =	vadd.f32 v3, v49;
	v14 =	vmul.f32 v14, v29  }
0x2e6: {  	v17 =	vld.idx.msk [tilespmem:v44+s21+$0x0], $0xffff;
	v57 =	vadd.f32 v6, v6;
	v9 =	vadd.s32 v51, v23;
	v4 =	vadd.f32 v4, v53  }
0x2e7: {  	v58 =	vld [tilespmem:s31+$0x400];
	v9 =	vcvt.s32.f32 v9;
	v3 =	vadd.f32 v3, v11;
	v6 =	vmul.f32 v14, v6  }
0x2e8: {  	v7 =	vmul.f32 v7, v34;
	v56 =	vld.idx.msk [tilespmem:v21+s21+$0x0], $0xffff;
	v5 =	vadd.f32 v5, v20;
	v4 =	vadd.f32 v4, v10  }
0x2e9: {  	v59 =	vld.idx.msk [tilespmem:v37+s21+$0x0], $0xffff;
	v9 =	vmul.f32 $6.931471820e-01, v9;
	v3 =	vsub.f32 v3, v22;
	v6 =	vadd.f32 v6, v57  }
0x2ea: {  	v7 =	vmul.f32 v7, v46;
	v5 =	vmul.f32 v5, v35;
	v8 =	vld.idx.msk [tilespmem:v54+s21+$0x0], $0xffff;
	v4 =	vsub.f32 v4, v55  }
0x2eb: {  	v3 =	vadd.f32 v3, v17;
	v6 =	vadd.f32 v6, v9  }
0x2ec: {  	v60 =	vld.idx.msk [tilespmem:v43+s21+$0x0], $0xffff;
	v7 =	vadd.f32 v7, v12;
	v5 =	vmul.f32 v5, v52  }
0x2ed: {  	v4 =	vadd.f32 v4, v56;
	v3 =	vmul.f32 v3, v36;
	v6 =	vsub.f32 v6, v58  }
0x2ee: {  	v61 =	vld.idx.msk [tilespmem:v33+s21+$0x0], $0xffff;
	v5 =	vadd.f32 v5, v7  }
0x2ef: {  	v4 =	vmul.f32 v4, v48;
	v3 =	vmul.f32 v3, v59;
	v6 =	vadd.f32 v6, v8;
	_ =	sdelay $0x1  }
0x2f0: {  	v4 =	vmul.f32 v4, v60;
	v3 =	vadd.f32 v3, v5;
	v62 =	vmul.f32 v6, v45;
	_ =	sdelay $0x1  }
0x2f1: {  	v3 =	vadd.f32 v4, v3;
	v63 =	vmul.f32 v62, v61;
	_ =	sdelay $0x1  }
0x2f2: {  	v3 =	vadd.f32 v63, v3;
	_ =	sdelay $0x1  }
.Ltmp6:
0x2f3: {  	s0 =	rddreg [dreg:$0x18];
	[tilespmem:$0x3500] =	vst v3;
	(pc) =	sbr.rel .LBB2_9-.Ltmp6, $4  }
0x2f4: {  	[spmem:s0] =	stream.linear.scatter [tilespmem:s22], [sflag:$0x2], $0x20, $0x38;
	[tilespmem:$0x4520] =	vst v63  }
0x2f5: {  	_ =	swait.ge [sflag:s20], $0x20  }
0x2f6: {  	[sflag:s20] =	ssyncset.done $0x0  }
0x2f7: {  	[sflag:s20] =	ssyncadd.s32 $0xFFFFFFE0  }
.LBB2_13:
0x2f8: {  	[bflag:$0x0] =	sbarrier.arrive $0xFFFF  }
0x2f9: {  	[bflag:$0x0] =	sbarrier.arrive $0xFFFF  }
.LBB2_9:
0x2fa: {  	p1 =	sne.s32 s24, $0x0  }
.Ltmp7:
0x2fb: {  	_ = 	snop;
	(pc) =	sbr.rel @p1 .LBB2_11-.Ltmp7, $2  }
0x2fc: {  	_ =	sdelay $0x1  }
0x2fd: {  	[bflag:$0x0] =	sbarrier.arrive $0xFFFF;
	_ =	sdelay $0x1  }
0x2fe: {  	s0 =	rddreg [dreg:$0x6];
	s4 =	simm.s32 $0x3580  }
0x2ff: {  	[tilespmem:s4], [sflag:$0x2] =	stream.linear.gather [spmem:s0], $0x200, $0x38;
	[tilespmem:$0x4520] =	vst v63  }
0x300: {  	_ =	swait.ge [sflag:s20], $0x200  }
0x301: {  	[sflag:s20] =	ssyncset.done $0x0  }
0x302: {  	[sflag:s20] =	ssyncadd.s32 $0xFFFFFE00  }
0x303: {  	v3 =	vld [tilespmem:$0x3580];
	_ =	sdelay $0x1  }
0x304: {  	v5 =	vld [tilespmem:$0x35A0]  }
0x305: {  	v4 =	vld [tilespmem:$0x3590]  }
0x306: {  	v7 =	vld [tilespmem:$0x35C0]  }
0x307: {  	v6 =	vld [tilespmem:$0x35B0];
	v3 =	vadd.f32 $0.0e+00, v3  }
0x308: {  	v9 =	vld [tilespmem:$0x35E0]  }
0x309: {  	v8 =	vld [tilespmem:$0x35D0];
	v3 =	vadd.f32 v5, v3  }
0x30a: {  	v60 =	vld [tilespmem:$0x3600]  }
0x30b: {  	v59 =	vld [tilespmem:$0x35F0];
	v4 =	vadd.f32 $0.0e+00, v4;
	v3 =	vadd.f32 v7, v3  }
0x30c: {  	v62 =	vld [tilespmem:$0x3620]  }
0x30d: {  	v61 =	vld [tilespmem:$0x3610];
	v4 =	vadd.f32 v6, v4;
	v3 =	vadd.f32 v9, v3  }
0x30e: {  	v12 =	vld [tilespmem:$0x3640]  }
0x30f: {  	v63 =	vld [tilespmem:$0x3630];
	v4 =	vadd.f32 v8, v4;
	v3 =	vadd.f32 v60, v3  }
0x310: {  	v14 =	vld [tilespmem:$0x3660]  }
0x311: {  	v13 =	vld [tilespmem:$0x3650];
	v4 =	vadd.f32 v59, v4;
	v3 =	vadd.f32 v62, v3  }
0x312: {  	v16 =	vld [tilespmem:$0x3680]  }
0x313: {  	v15 =	vld [tilespmem:$0x3670];
	v4 =	vadd.f32 v61, v4;
	v3 =	vadd.f32 v12, v3  }
0x314: {  	v18 =	vld [tilespmem:$0x36A0]  }
0x315: {  	v17 =	vld [tilespmem:$0x3690];
	v4 =	vadd.f32 v63, v4;
	v3 =	vadd.f32 v14, v3  }
0x316: {  	v20 =	vld [tilespmem:$0x36C0]  }
0x317: {  	v19 =	vld [tilespmem:$0x36B0];
	v4 =	vadd.f32 v13, v4;
	v3 =	vadd.f32 v16, v3  }
0x318: {  	v22 =	vld [tilespmem:$0x36E0]  }
0x319: {  	v21 =	vld [tilespmem:$0x36D0];
	v4 =	vadd.f32 v15, v4;
	v3 =	vadd.f32 v18, v3  }
0x31a: {  	v24 =	vld [tilespmem:$0x3700]  }
0x31b: {  	v23 =	vld [tilespmem:$0x36F0];
	v4 =	vadd.f32 v17, v4;
	v3 =	vadd.f32 v20, v3  }
0x31c: {  	v26 =	vld [tilespmem:$0x3720]  }
0x31d: {  	v25 =	vld [tilespmem:$0x3710];
	v4 =	vadd.f32 v19, v4;
	v3 =	vadd.f32 v22, v3  }
0x31e: {  	v28 =	vld [tilespmem:$0x3740]  }
0x31f: {  	v27 =	vld [tilespmem:$0x3730];
	v4 =	vadd.f32 v21, v4;
	v3 =	vadd.f32 v24, v3  }
0x320: {  	v30 =	vld [tilespmem:$0x3760]  }
0x321: {  	v4 =	vadd.f32 v23, v4;
	v3 =	vadd.f32 v26, v3  }
0x322: {  	v29 =	vld [tilespmem:$0x3750]  }
0x323: {  	v4 =	vadd.f32 v25, v4;
	v3 =	vadd.f32 v28, v3  }
0x324: {  	v31 =	vld [tilespmem:$0x3770]  }
0x325: {  	v4 =	vadd.f32 v27, v4;
	v3 =	vadd.f32 v30, v3;
	_ =	sdelay $0x1  }
0x326: {  	v4 =	vadd.f32 v29, v4;
	[tilespmem:$0x3500] =	vst v3;
	v3 =	vimm.s32 $0x10;
	_ =	sdelay $0x1  }
0x327: {  	v32 =	vimm.s32 $0x11;
	v4 =	vadd.f32 v31, v4;
	_ =	sdelay $0x1  }
0x328: {  	v33 =	vimm.s32 $0x12;
	[tilespmem:$0x3510] =	vst v4  }
0x329: {  	v3 =	vld.idx.msk [tilespmem:v3+s22+$0x0], $0xffff  }
0x32a: {  	v34 =	vimm.s32 $0x13  }
0x32b: {  	v4 =	vld.idx.msk [tilespmem:v32+s22+$0x0], $0xffff  }
0x32c: {  	v35 =	vimm.s32 $0x14  }
0x32d: {  	v5 =	vld.idx.msk [tilespmem:v33+s22+$0x0], $0xffff  }
0x32e: {  	v36 =	vimm.s32 $0x15;
	v3 =	vadd.f32 $0.0e+00, v3  }
0x32f: {  	v6 =	vld.idx.msk [tilespmem:v34+s22+$0x0], $0xffff  }
0x330: {  	v38 =	vimm.s32 $0x16;
	v3 =	vadd.f32 v4, v3  }
0x331: {  	v39 =	vimm.s32 $0x1;
	v4 =	vld.idx.msk [tilespmem:v35+s22+$0x0], $0xffff  }
0x332: {  	v40 =	vimm.s32 $0x17;
	v3 =	vadd.f32 v5, v3  }
0x333: {  	v41 =	vimm.s32 $0x2;
	v5 =	vld.idx.msk [tilespmem:v36+s22+$0x0], $0xffff  }
0x334: {  	v43 =	vimm.s32 $0x18;
	v37 =	vld.msk [tilespmem:s22+$0x0], $0xffff;
	v3 =	vadd.f32 v6, v3  }
0x335: {  	v44 =	vimm.s32 $0x3;
	v6 =	vld.idx.msk [tilespmem:v38+s22+$0x0], $0xffff  }
0x336: {  	v45 =	vimm.s32 $0x19;
	v8 =	vld.idx.msk [tilespmem:v39+s22+$0x0], $0xffff;
	v3 =	vadd.f32 v4, v3  }
0x337: {  	v46 =	vimm.s32 $0x4;
	v4 =	vld.idx.msk [tilespmem:v40+s22+$0x0], $0xffff  }
0x338: {  	v47 =	vimm.s32 $0x1A;
	v9 =	vld.idx.msk [tilespmem:v41+s22+$0x0], $0xffff;
	v3 =	vadd.f32 v5, v3  }
0x339: {  	v48 =	vimm.s32 $0x5;
	v7 =	vld.idx.msk [tilespmem:v43+s22+$0x0], $0xffff;
	v42 =	vadd.f32 $0.0e+00, v37  }
0x33a: {  	v49 =	vimm.s32 $0x1B;
	v3 =	vadd.f32 v6, v3;
	v6 =	vld.idx.msk [tilespmem:v44+s22+$0x0], $0xffff  }
0x33b: {  	v50 =	vimm.s32 $0x6;
	v5 =	vadd.f32 v8, v42;
	v8 =	vld.idx.msk [tilespmem:v45+s22+$0x0], $0xffff  }
0x33c: {  	v51 =	vimm.s32 $0x1C;
	v3 =	vadd.f32 v4, v3;
	v4 =	vld.idx.msk [tilespmem:v46+s22+$0x0], $0xffff  }
0x33d: {  	v52 =	vimm.s32 $0x7;
	v5 =	vadd.f32 v9, v5;
	v9 =	vld.idx.msk [tilespmem:v47+s22+$0x0], $0xffff  }
0x33e: {  	v53 =	vimm.s32 $0x1D;
	v3 =	vadd.f32 v7, v3;
	v7 =	vld.idx.msk [tilespmem:v48+s22+$0x0], $0xffff  }
0x33f: {  	v5 =	vadd.f32 v6, v5;
	v6 =	vld.idx.msk [tilespmem:v49+s22+$0x0], $0xffff  }
0x340: {  	v55 =	vimm.s32 $0x1E;
	v3 =	vadd.f32 v8, v3;
	v8 =	vld.idx.msk [tilespmem:v50+s22+$0x0], $0xffff  }
0x341: {  	v4 =	vadd.f32 v4, v5;
	v5 =	vld.idx.msk [tilespmem:v51+s22+$0x0], $0xffff  }
0x342: {  	v57 =	vimm.s32 $0x1F;
	v3 =	vadd.f32 v9, v3;
	v9 =	vld.idx.msk [tilespmem:v52+s22+$0x0], $0xffff  }
0x343: {  	v54 =	vimm.s32 $0x8;
	v4 =	vadd.f32 v7, v4;
	v7 =	vld.idx.msk [tilespmem:v53+s22+$0x0], $0xffff  }
0x344: {  	v3 =	vadd.f32 v6, v3  }
0x345: {  	v56 =	vimm.s32 $0x9;
	v4 =	vadd.f32 v8, v4;
	v8 =	vld.idx.msk [tilespmem:v55+s22+$0x0], $0xffff  }
0x346: {  	v3 =	vadd.f32 v5, v3  }
0x347: {  	v58 =	vimm.s32 $0xA;
	v4 =	vadd.f32 v9, v4;
	v9 =	vld.idx.msk [tilespmem:v57+s22+$0x0], $0xffff  }
0x348: {  	v6 =	vld.idx.msk [tilespmem:v54+s22+$0x0], $0xffff;
	v3 =	vadd.f32 v7, v3  }
0x349: {  	v59 =	vimm.s32 $0xB  }
0x34a: {  	v5 =	vld.idx.msk [tilespmem:v56+s22+$0x0], $0xffff;
	v3 =	vadd.f32 v8, v3  }
0x34b: {  	v60 =	vimm.s32 $0xC  }
0x34c: {  	v7 =	vld.idx.msk [tilespmem:v58+s22+$0x0], $0xffff;
	v3 =	vadd.f32 v9, v3  }
0x34d: {  	v61 =	vimm.s32 $0xD;
	v4 =	vadd.f32 v6, v4  }
0x34e: {  	v6 =	vld.idx.msk [tilespmem:v59+s22+$0x0], $0xffff;
	v3 =	vmax.f32 v3, $1.000000000e+00  }
0x34f: {  	v4 =	vadd.f32 v5, v4;
	(erf) = vrcp.f32 v3;
	v3 =	vimm.s32 $0xE  }
0x350: {  	v5 =	vld.idx.msk [tilespmem:v60+s22+$0x0], $0xffff  }
0x351: {  	v62 =	vimm.s32 $0xF;
	v4 =	vadd.f32 v7, v4  }
0x352: {  	v7 =	vld.idx.msk [tilespmem:v61+s22+$0x0], $0xffff  }
0x353: {  	v4 =	vadd.f32 v6, v4  }
0x354: {  	v3 =	vld.idx.msk [tilespmem:v3+s22+$0x0], $0xffff  }
0x355: {  	v4 =	vadd.f32 v5, v4  }
0x356: {  	v5 =	vld.idx.msk [tilespmem:v62+s22+$0x0], $0xffff  }
0x357: {  	v4 =	vadd.f32 v7, v4;
	_ =	sdelay $0x1  }
0x358: {  	v3 =	vadd.f32 v3, v4;
	_ =	sdelay $0x1  }
0x359: {  	v3 =	vadd.f32 v5, v3  }
0x35a: {  	v63 =	vpop (erf)  }
0x35b: {  	v3 =	vmul.f32 v63, v3;
	_ =	sdelay $0x1  }
.Ltmp8:
0x35c: {  	s31 =	simm.s32 $0x3780;
	s30 =	rddreg [dreg:$0x3];
	[tilespmem:$0x3780] =	vst v3;
	(pc) =	sbr.rel .LBB2_11-.Ltmp8, $4  }
0x35d: {  	[hbm4b:s30+s5] =	stream.linear.scatter [tilespmem:s31], [sflag:$0x2], $0x80, $0x38;
	[tilespmem:$0x4520] =	vst v63  }
0x35e: {  	_ =	swait.ge [sflag:s20], $0x80  }
0x35f: {  	[sflag:s20] =	ssyncset.done $0x0  }
0x360: {  	[sflag:s20] =	ssyncadd.s32 $0xFFFFFF80  }
.LBB2_12:
0x361: {  	_ =	sfence.sel $0x180000  }
0x362: {  	[bflag:$0x0] =	sbarrier.arrive $0xFFFF  }
0x363: {  	_ =	strace $0x90000047  }
0x364: {  	s0 =	stileid.u32;
	[bflag:$0x2] =	sbarrier.arrive $0xFFFF  }
0x365: {  	p0 =	sne.s32 s0, $0x0;
	s0 =	rddreg [dreg:$0x7]  }
0x366: {  	s0 =	sadd.s32 @!p0 $0x100000, s0  }
0x367: {  	[sflag:s0] =	ssyncadd.tile.s32 @!p0 $0x1;
	_ =	shalt  }
.Lfunc_end2:
_tile_overlayer_lowered:
.L_overlay_start_2:
0x368: {  	(tag) =	ssettag $0x2  }
0x369: {  	s0 =	rddreg [dreg:$0x0];
	s2 =	stileid.u32  }
0x36a: {  	s1 =	rddreg [dreg:$0x1];
	p0 =	sne.s32 s2, $0x0  }
0x36b: {  	s3 =	rddreg [dreg:$0x2];
	[bflag:$0x3] =	sbarrier.arrive $0xFFFF;
	s2 =	simm.s32 @!p0 $0x1C02  }
0x36c: {  	[timem:s3], [sflag:s2] =	dma.local @!p0 [hbm:s0], s1  }
0x36d: {  	s0 =	simm.s32 @!p0 $0x2  }
0x36e: {  	_ =	swait.ge @!p0 [sflag:s0], s1  }
0x36f: {  	s1 =	ssub.s32 @!p0 $0x0, s1;
	[sflag:s0] =	ssyncset.done @!p0 $0x0  }
0x370: {  	[sflag:s0] =	ssyncadd.s32 @!p0 s1  }
0x371: {  	[bflag:$0x3] =	sbarrier.arrive $0xFFFF  }
0x372: {  	_ =	shalt  }

</sc_bundles>
